<compile_context>
chip_gen: v7x
topology: tpu7x:2x2x1
jax: 0.10.2.dev20260603
libtpu: 0.0.44.dev20260713+nightly
codegen_flags: <defaults>
</compile_context>

<pallas_src>
import jax
import jax.numpy as jnp
from jax import lax
from jax.experimental import pallas as pl
from jax.experimental.pallas import tpu as pltpu
from jax.experimental.pallas import tpu_sc as plsc

TIME = 288
WK = 7
F = 64
B, T, N, C = 32, 12, 2048, 3
NT = N * T
NC, NS = 2, 16
L = 16
IR = NT // 128
NBLK = 1024
M = NBLK * T
MR = M // 128


def _sc_idx_body(x_hbm, d2_hbm, w2_hbm, d2l, w2l, xba, xbb,
                 sem_xa, sem_xb, sem_d, sem_w):
    b = lax.axis_index("s") * NC + lax.axis_index("c")
    ii = lax.iota(jnp.int32, L)

    xbufs = (xba, xbb)
    xsems = (sem_xa, sem_xb)
    pltpu.async_copy(x_hbm.at[b, 0], xba, sem_xa)
    for t in range(T):
        xbuf, sem = xbufs[t % 2], xsems[t % 2]
        pltpu.make_async_copy(x_hbm.at[b, t], xbuf, sem).wait()
        if t + 1 < T:
            pltpu.async_copy(x_hbm.at[b, t + 1], xbufs[(t + 1) % 2],
                             xsems[(t + 1) % 2])

        @plsc.parallel_loop(0, N // (4 * L), unroll=2)
        def _idx_body(nv, t=t, xbuf=xbuf):
            for k in range(4):
                ns = (nv * 4 + k) * L + ii
                ns3 = ns * 3
                a1 = plsc.load_gather(xbuf, [ns3 + 1])
                a2 = plsc.load_gather(xbuf, [ns3 + 2])
                di = (a1 * jnp.float32(TIME)).astype(jnp.int32)
                wi = a2.astype(jnp.int32)
                pos = ns * T + t
                row, col = pos >> 7, pos & 127
                plsc.store_scatter(d2l, [row, col], di.astype(jnp.float32))
                plsc.store_scatter(w2l, [row, col], wi.astype(jnp.float32))

    pltpu.async_copy(d2l, d2_hbm.at[b], sem_d)
    pltpu.async_copy(w2l, w2_hbm.at[b], sem_w)
    pltpu.make_async_copy(d2l, d2_hbm.at[b], sem_d).wait()
    pltpu.make_async_copy(w2l, w2_hbm.at[b], sem_w).wait()


@jax.jit
def _sc_idx_call(x2):
    mesh = plsc.VectorSubcoreMesh(core_axis_name="c", subcore_axis_name="s")
    return pl.kernel(
        _sc_idx_body,
        out_type=(jax.ShapeDtypeStruct((B, IR, 128), jnp.float32),
                  jax.ShapeDtypeStruct((B, IR, 128), jnp.float32)),
        mesh=mesh,
        compiler_params=pltpu.CompilerParams(needs_layout_passes=False),
        scratch_types=[
            pltpu.VMEM((IR, 128), jnp.float32),
            pltpu.VMEM((IR, 128), jnp.float32),
            pltpu.VMEM((N * C,), jnp.float32),
            pltpu.VMEM((N * C,), jnp.float32),
        ] + [pltpu.SemaphoreType.DMA] * 4,
    )(x2)


def _tc_body(d2_ref, w2_ref, dayt_ref, weekt_ref, o_ref):
    dm = d2_ref[0].reshape(M)[None, :].astype(jnp.int32)
    wm = w2_ref[0].reshape(M)[None, :].astype(jnp.int32)
    iod = lax.broadcasted_iota(jnp.int32, (TIME, M), 0)
    iow = lax.broadcasted_iota(jnp.int32, (8, M), 0)
    ohd = (iod == dm).astype(jnp.bfloat16)
    ohw = (iow == wm).astype(jnp.bfloat16)
    acc = jnp.dot(dayt_ref[...], ohd, preferred_element_type=jnp.float32)
    acc = acc + jnp.dot(weekt_ref[...], ohw,
                        preferred_element_type=jnp.float32)
    o_ref[0] = acc.reshape(F, MR, 128)


@jax.jit
def _tc_call(d2, w2, dayt, weekt):
    return pl.pallas_call(
        _tc_body,
        grid=(B, N // NBLK),
        in_specs=[
            pl.BlockSpec((1, MR, 128), lambda b, n: (b, n, 0)),
            pl.BlockSpec((1, MR, 128), lambda b, n: (b, n, 0)),
            pl.BlockSpec((F, TIME), lambda b, n: (0, 0)),
            pl.BlockSpec((F, 8), lambda b, n: (0, 0)),
        ],
        out_specs=pl.BlockSpec((1, F, MR, 128), lambda b, n: (b, 0, n, 0)),
        out_shape=jax.ShapeDtypeStruct((B, F, IR, 128), jnp.float32),
    )(d2, w2, dayt, weekt)


def kernel(x, time_day, time_week):
    x2 = x.reshape(B, T, N * C)
    dayt = time_day.T.astype(jnp.bfloat16)
    weekt = jnp.zeros((F, 8), jnp.bfloat16).at[:, :7].set(
        time_week.T.astype(jnp.bfloat16))
    d2, w2 = _sc_idx_call(x2)
    out = _tc_call(d2, w2, dayt, weekt)
    return out.reshape(B, F, N, T)

# --- scband reference (transcript-rebuilt; emitter-appended) ---
"""Pipeline reference for scband-temporal-embedding-12206297055750 (READ-ONLY COPY).

The authoritative reference and input builder live on the scoring server;
editing this copy changes nothing except your own understanding.
"""

import jax, jax.numpy as jnp
import numpy as np

TIME = 288
FEATURES = 64
B, T, N, C = 32, 12, 2048, 3


def setup_inputs(seed: int = 0) -> dict:
    key = jax.random.key(seed)
    k1, k2, k3 = jax.random.split(key, 3)
    # x[..., 1] in [0, 1): time-of-day fraction -> day index = floor(frac * TIME) in [0, TIME)
    # x[..., 2] in [0, 1): cast to int32 gives day-of-week index 0 (valid, in [0, 7))
    x = jax.random.uniform(k1, (B, T, N, C), dtype=jnp.float32)
    glorot = jax.nn.initializers.glorot_uniform()
    time_day = glorot(k2, (TIME, FEATURES)).astype(jnp.float32)
    time_week = glorot(k3, (7, FEATURES)).astype(jnp.float32)
    return {"x": x, "time_day": time_day, "time_week": time_week}


def reference(x, time_day, time_week):
    # x: [B, T, N, C]
    day_emb = x[..., 1]                                   # [B, T, N]
    day_indices = jnp.asarray(day_emb * TIME, dtype=jnp.int32)
    td = jnp.take(time_day, day_indices, axis=0)          # [B, T, N, F] gather
    td = jnp.transpose(td, (0, 2, 1, 3))                  # [B, N, T, F] (torch .transpose(1,2))
    week_emb = x[..., 2]
    week_indices = jnp.asarray(week_emb, dtype=jnp.int32)
    tw = jnp.take(time_week, week_indices, axis=0)        # [B, T, N, F] gather
    tw = jnp.transpose(tw, (0, 2, 1, 3))                  # [B, N, T, F]
    tem_emb = td + tw                                     # [B, N, T, F]
    tem_emb = jnp.transpose(tem_emb, (0, 3, 1, 2))        # [B, F, N, T]
    return tem_emb

if __name__ == "__main__":
    import jax
    _d = setup_inputs()
    print(jax.jit(kernel)(*tuple(_d.values())))

</pallas_src>

<mosaic_0001>
#map = affine_map<(d0, d1) -> (0, 0, 0)>
module attributes {stable_mosaic.version = 14 : i64} {
  func.func @_sc_idx_body(%arg0: i32, %arg1: i32, %arg2: memref<32x12x6144xf32, #tpu.memory_space<hbm>>, %arg3: memref<32x192x128xf32, #tpu.memory_space<hbm>>, %arg4: memref<32x192x128xf32, #tpu.memory_space<hbm>>, %arg5: memref<192x128xf32, #tpu.memory_space<vmem>>, %arg6: memref<192x128xf32, #tpu.memory_space<vmem>>, %arg7: memref<6144xf32, #tpu.memory_space<vmem>>, %arg8: memref<6144xf32, #tpu.memory_space<vmem>>, %arg9: memref<!tpu.dma_semaphore, #tpu.memory_space<semaphore_mem>>, %arg10: memref<!tpu.dma_semaphore, #tpu.memory_space<semaphore_mem>>, %arg11: memref<!tpu.dma_semaphore, #tpu.memory_space<semaphore_mem>>, %arg12: memref<!tpu.dma_semaphore, #tpu.memory_space<semaphore_mem>>) attributes {dimension_semantics = [#tpu.dimension_semantics<core_parallel>, #tpu.dimension_semantics<subcore_parallel>], iteration_bounds = array<i64: 2, 16>, scalar_prefetch = 0 : i64, scratch_operands = 8 : i64, tpu.core_type = #tpu.core_type<sc_vector_subcore>, window_params = [{transform_indices = #map}, {transform_indices = #map}, {transform_indices = #map}]} {
    %mul3A = arith.constant 2 : i32
    %mul3A_0 = arith.muli %arg1, %mul3A : i32
    %add3A = arith.addi %mul3A_0, %arg0 : i32
    %iota3A = tpu.iota {dimensions = array<i32: 0>} : vector<16xi32>
    %dma_start3A = arith.constant 0 : i32
    %dma_start3A_1 = arith.constant 0 : i32
    %dma_start3A_2 = tpu.memref_slice %arg2[%add3A, %dma_start3A, %dma_start3A_1] : memref<32x12x6144xf32, #tpu.memory_space<hbm>> -> memref<1x1x6144xf32, #tpu.memory_space<hbm>>
    %dma_start3A_3 = tpu.memref_squeeze %dma_start3A_2 : memref<1x1x6144xf32, #tpu.memory_space<hbm>> -> memref<6144xf32, #tpu.memory_space<hbm>>
    %dma_start3A_4 = arith.constant 0 : i32
    %dma_start3A_5 = tpu.memref_slice %arg2[%add3A, %dma_start3A, %dma_start3A_4] : memref<32x12x6144xf32, #tpu.memory_space<hbm>> -> memref<1x1x6144xf32, #tpu.memory_space<hbm>>
    %dma_start3A_6 = tpu.memref_squeeze %dma_start3A_5 : memref<1x1x6144xf32, #tpu.memory_space<hbm>> -> memref<6144xf32, #tpu.memory_space<hbm>>
    tpu.enqueue_dma source(%dma_start3A_6 : memref<6144xf32, #tpu.memory_space<hbm>>) target(%arg7 : memref<6144xf32, #tpu.memory_space<vmem>>) target_semaphore(%arg9 : memref<!tpu.dma_semaphore, #tpu.memory_space<semaphore_mem>>)
    %dma_wait3A = arith.constant 0 : i32
    %dma_wait3A_7 = arith.constant 0 : i32
    %dma_wait3A_8 = tpu.memref_slice %arg2[%add3A, %dma_wait3A, %dma_wait3A_7] : memref<32x12x6144xf32, #tpu.memory_space<hbm>> -> memref<1x1x6144xf32, #tpu.memory_space<hbm>>
    %dma_wait3A_9 = tpu.memref_squeeze %dma_wait3A_8 : memref<1x1x6144xf32, #tpu.memory_space<hbm>> -> memref<6144xf32, #tpu.memory_space<hbm>>
    %dma_wait3A_10 = arith.constant 0 : i32
    %dma_wait3A_11 = tpu.memref_slice %arg2[%add3A, %dma_wait3A, %dma_wait3A_10] : memref<32x12x6144xf32, #tpu.memory_space<hbm>> -> memref<1x1x6144xf32, #tpu.memory_space<hbm>>
    %dma_wait3A_12 = tpu.memref_squeeze %dma_wait3A_11 : memref<1x1x6144xf32, #tpu.memory_space<hbm>> -> memref<6144xf32, #tpu.memory_space<hbm>>
    tpu.wait_dma2 semaphore(%arg9 : memref<!tpu.dma_semaphore, #tpu.memory_space<semaphore_mem>>) src(%dma_wait3A_12 : memref<6144xf32, #tpu.memory_space<hbm>>) dst(%arg7 : memref<6144xf32, #tpu.memory_space<vmem>>)
    %dma_start3A_13 = arith.constant 1 : i32
    %dma_start3A_14 = arith.constant 0 : i32
    %dma_start3A_15 = tpu.memref_slice %arg2[%add3A, %dma_start3A_13, %dma_start3A_14] : memref<32x12x6144xf32, #tpu.memory_space<hbm>> -> memref<1x1x6144xf32, #tpu.memory_space<hbm>>
    %dma_start3A_16 = tpu.memref_squeeze %dma_start3A_15 : memref<1x1x6144xf32, #tpu.memory_space<hbm>> -> memref<6144xf32, #tpu.memory_space<hbm>>
    %dma_start3A_17 = arith.constant 0 : i32
    %dma_start3A_18 = tpu.memref_slice %arg2[%add3A, %dma_start3A_13, %dma_start3A_17] : memref<32x12x6144xf32, #tpu.memory_space<hbm>> -> memref<1x1x6144xf32, #tpu.memory_space<hbm>>
    %dma_start3A_19 = tpu.memref_squeeze %dma_start3A_18 : memref<1x1x6144xf32, #tpu.memory_space<hbm>> -> memref<6144xf32, #tpu.memory_space<hbm>>
    tpu.enqueue_dma source(%dma_start3A_19 : memref<6144xf32, #tpu.memory_space<hbm>>) target(%arg8 : memref<6144xf32, #tpu.memory_space<vmem>>) target_semaphore(%arg10 : memref<!tpu.dma_semaphore, #tpu.memory_space<semaphore_mem>>)
    %parallel_loop3A = arith.constant 0 : i32
    %parallel_loop3A_20 = arith.constant 32 : i32
    %parallel_loop3A_21 = arith.constant 1 : i32
    scf.for %parallel_loop3A_234 = %parallel_loop3A to %parallel_loop3A_20 step %parallel_loop3A_21  : i32 {
      %parallel_loop3A_235 = arith.constant 4 : i32
      %parallel_loop3A_236 = arith.muli %parallel_loop3A_234, %parallel_loop3A_235 : i32
      %parallel_loop3A_237 = arith.constant 0 : i32
      %parallel_loop3A_238 = arith.addi %parallel_loop3A_236, %parallel_loop3A_237 : i32
      %parallel_loop3A_239 = arith.constant 16 : i32
      %parallel_loop3A_240 = arith.muli %parallel_loop3A_238, %parallel_loop3A_239 : i32
      %parallel_loop3A_241 = vector.broadcast %parallel_loop3A_240 : i32 to vector<16xi32>
      %parallel_loop3A_242 = arith.addi %parallel_loop3A_241, %iota3A : vector<16xi32>
      %parallel_loop3A_243 = arith.constant 3 : i32
      %parallel_loop3A_244 = vector.broadcast %parallel_loop3A_243 : i32 to vector<16xi32>
      %parallel_loop3A_245 = arith.muli %parallel_loop3A_242, %parallel_loop3A_244 : vector<16xi32>
      %parallel_loop3A_246 = arith.constant 1 : i32
      %parallel_loop3A_247 = vector.broadcast %parallel_loop3A_246 : i32 to vector<16xi32>
      %parallel_loop3A_248 = arith.addi %parallel_loop3A_245, %parallel_loop3A_247 : vector<16xi32>
      %parallel_loop3A_249 = tpu.vector_load_idx %arg7[%parallel_loop3A_248] : memref<6144xf32, #tpu.memory_space<vmem>>[vector<16xi32>], vector<16xf32>,
      %parallel_loop3A_250 = arith.constant 2 : i32
      %parallel_loop3A_251 = vector.broadcast %parallel_loop3A_250 : i32 to vector<16xi32>
      %parallel_loop3A_252 = arith.addi %parallel_loop3A_245, %parallel_loop3A_251 : vector<16xi32>
      %parallel_loop3A_253 = tpu.vector_load_idx %arg7[%parallel_loop3A_252] : memref<6144xf32, #tpu.memory_space<vmem>>[vector<16xi32>], vector<16xf32>,
      %parallel_loop3A_254 = arith.constant 2.880000e+02 : f32
      %parallel_loop3A_255 = vector.broadcast %parallel_loop3A_254 : f32 to vector<16xf32>
      %parallel_loop3A_256 = arith.mulf %parallel_loop3A_249, %parallel_loop3A_255 : vector<16xf32>
      %parallel_loop3A_257 = arith.fptosi %parallel_loop3A_256 : vector<16xf32> to vector<16xi32>
      %parallel_loop3A_258 = arith.fptosi %parallel_loop3A_253 : vector<16xf32> to vector<16xi32>
      %parallel_loop3A_259 = arith.constant 12 : i32
      %parallel_loop3A_260 = vector.broadcast %parallel_loop3A_259 : i32 to vector<16xi32>
      %parallel_loop3A_261 = arith.muli %parallel_loop3A_242, %parallel_loop3A_260 : vector<16xi32>
      %parallel_loop3A_262 = arith.constant 0 : i32
      %parallel_loop3A_263 = vector.broadcast %parallel_loop3A_262 : i32 to vector<16xi32>
      %parallel_loop3A_264 = arith.addi %parallel_loop3A_261, %parallel_loop3A_263 : vector<16xi32>
      %parallel_loop3A_265 = arith.constant 7 : i32
      %parallel_loop3A_266 = vector.broadcast %parallel_loop3A_265 : i32 to vector<16xi32>
      %parallel_loop3A_267 = arith.shrsi %parallel_loop3A_264, %parallel_loop3A_266 : vector<16xi32>
      %parallel_loop3A_268 = arith.constant 127 : i32
      %parallel_loop3A_269 = vector.broadcast %parallel_loop3A_268 : i32 to vector<16xi32>
      %parallel_loop3A_270 = arith.andi %parallel_loop3A_264, %parallel_loop3A_269 : vector<16xi32>
      %parallel_loop3A_271 = arith.sitofp %parallel_loop3A_257 : vector<16xi32> to vector<16xf32>
      tpu.vector_store_idx %arg5[%parallel_loop3A_267, %parallel_loop3A_270], %parallel_loop3A_271 : memref<192x128xf32, #tpu.memory_space<vmem>>[vector<16xi32>, vector<16xi32>], vector<16xf32>,
      %parallel_loop3A_272 = arith.sitofp %parallel_loop3A_258 : vector<16xi32> to vector<16xf32>
      tpu.vector_store_idx %arg6[%parallel_loop3A_267, %parallel_loop3A_270], %parallel_loop3A_272 : memref<192x128xf32, #tpu.memory_space<vmem>>[vector<16xi32>, vector<16xi32>], vector<16xf32>,
      %parallel_loop3A_273 = arith.constant 4 : i32
      %parallel_loop3A_274 = arith.muli %parallel_loop3A_234, %parallel_loop3A_273 : i32
      %parallel_loop3A_275 = arith.constant 1 : i32
      %parallel_loop3A_276 = arith.addi %parallel_loop3A_274, %parallel_loop3A_275 : i32
      %parallel_loop3A_277 = arith.constant 16 : i32
      %parallel_loop3A_278 = arith.muli %parallel_loop3A_276, %parallel_loop3A_277 : i32
      %parallel_loop3A_279 = vector.broadcast %parallel_loop3A_278 : i32 to vector<16xi32>
      %parallel_loop3A_280 = arith.addi %parallel_loop3A_279, %iota3A : vector<16xi32>
      %parallel_loop3A_281 = arith.constant 3 : i32
      %parallel_loop3A_282 = vector.broadcast %parallel_loop3A_281 : i32 to vector<16xi32>
      %parallel_loop3A_283 = arith.muli %parallel_loop3A_280, %parallel_loop3A_282 : vector<16xi32>
      %parallel_loop3A_284 = arith.constant 1 : i32
      %parallel_loop3A_285 = vector.broadcast %parallel_loop3A_284 : i32 to vector<16xi32>
      %parallel_loop3A_286 = arith.addi %parallel_loop3A_283, %parallel_loop3A_285 : vector<16xi32>
      %parallel_loop3A_287 = tpu.vector_load_idx %arg7[%parallel_loop3A_286] : memref<6144xf32, #tpu.memory_space<vmem>>[vector<16xi32>], vector<16xf32>,
      %parallel_loop3A_288 = arith.constant 2 : i32
      %parallel_loop3A_289 = vector.broadcast %parallel_loop3A_288 : i32 to vector<16xi32>
      %parallel_loop3A_290 = arith.addi %parallel_loop3A_283, %parallel_loop3A_289 : vector<16xi32>
      %parallel_loop3A_291 = tpu.vector_load_idx %arg7[%parallel_loop3A_290] : memref<6144xf32, #tpu.memory_space<vmem>>[vector<16xi32>], vector<16xf32>,
      %parallel_loop3A_292 = arith.constant 2.880000e+02 : f32
      %parallel_loop3A_293 = vector.broadcast %parallel_loop3A_292 : f32 to vector<16xf32>
      %parallel_loop3A_294 = arith.mulf %parallel_loop3A_287, %parallel_loop3A_293 : vector<16xf32>
      %parallel_loop3A_295 = arith.fptosi %parallel_loop3A_294 : vector<16xf32> to vector<16xi32>
      %parallel_loop3A_296 = arith.fptosi %parallel_loop3A_291 : vector<16xf32> to vector<16xi32>
      %parallel_loop3A_297 = arith.constant 12 : i32
      %parallel_loop3A_298 = vector.broadcast %parallel_loop3A_297 : i32 to vector<16xi32>
      %parallel_loop3A_299 = arith.muli %parallel_loop3A_280, %parallel_loop3A_298 : vector<16xi32>
      %parallel_loop3A_300 = arith.constant 0 : i32
      %parallel_loop3A_301 = vector.broadcast %parallel_loop3A_300 : i32 to vector<16xi32>
      %parallel_loop3A_302 = arith.addi %parallel_loop3A_299, %parallel_loop3A_301 : vector<16xi32>
      %parallel_loop3A_303 = arith.constant 7 : i32
      %parallel_loop3A_304 = vector.broadcast %parallel_loop3A_303 : i32 to vector<16xi32>
      %parallel_loop3A_305 = arith.shrsi %parallel_loop3A_302, %parallel_loop3A_304 : vector<16xi32>
      %parallel_loop3A_306 = arith.constant 127 : i32
      %parallel_loop3A_307 = vector.broadcast %parallel_loop3A_306 : i32 to vector<16xi32>
      %parallel_loop3A_308 = arith.andi %parallel_loop3A_302, %parallel_loop3A_307 : vector<16xi32>
      %parallel_loop3A_309 = arith.sitofp %parallel_loop3A_295 : vector<16xi32> to vector<16xf32>
      tpu.vector_store_idx %arg5[%parallel_loop3A_305, %parallel_loop3A_308], %parallel_loop3A_309 : memref<192x128xf32, #tpu.memory_space<vmem>>[vector<16xi32>, vector<16xi32>], vector<16xf32>,
      %parallel_loop3A_310 = arith.sitofp %parallel_loop3A_296 : vector<16xi32> to vector<16xf32>
      tpu.vector_store_idx %arg6[%parallel_loop3A_305, %parallel_loop3A_308], %parallel_loop3A_310 : memref<192x128xf32, #tpu.memory_space<vmem>>[vector<16xi32>, vector<16xi32>], vector<16xf32>,
      %parallel_loop3A_311 = arith.constant 4 : i32
      %parallel_loop3A_312 = arith.muli %parallel_loop3A_234, %parallel_loop3A_311 : i32
      %parallel_loop3A_313 = arith.constant 2 : i32
      %parallel_loop3A_314 = arith.addi %parallel_loop3A_312, %parallel_loop3A_313 : i32
      %parallel_loop3A_315 = arith.constant 16 : i32
      %parallel_loop3A_316 = arith.muli %parallel_loop3A_314, %parallel_loop3A_315 : i32
      %parallel_loop3A_317 = vector.broadcast %parallel_loop3A_316 : i32 to vector<16xi32>
      %parallel_loop3A_318 = arith.addi %parallel_loop3A_317, %iota3A : vector<16xi32>
      %parallel_loop3A_319 = arith.constant 3 : i32
      %parallel_loop3A_320 = vector.broadcast %parallel_loop3A_319 : i32 to vector<16xi32>
      %parallel_loop3A_321 = arith.muli %parallel_loop3A_318, %parallel_loop3A_320 : vector<16xi32>
      %parallel_loop3A_322 = arith.constant 1 : i32
      %parallel_loop3A_323 = vector.broadcast %parallel_loop3A_322 : i32 to vector<16xi32>
      %parallel_loop3A_324 = arith.addi %parallel_loop3A_321, %parallel_loop3A_323 : vector<16xi32>
      %parallel_loop3A_325 = tpu.vector_load_idx %arg7[%parallel_loop3A_324] : memref<6144xf32, #tpu.memory_space<vmem>>[vector<16xi32>], vector<16xf32>,
      %parallel_loop3A_326 = arith.constant 2 : i32
      %parallel_loop3A_327 = vector.broadcast %parallel_loop3A_326 : i32 to vector<16xi32>
      %parallel_loop3A_328 = arith.addi %parallel_loop3A_321, %parallel_loop3A_327 : vector<16xi32>
      %parallel_loop3A_329 = tpu.vector_load_idx %arg7[%parallel_loop3A_328] : memref<6144xf32, #tpu.memory_space<vmem>>[vector<16xi32>], vector<16xf32>,
      %parallel_loop3A_330 = arith.constant 2.880000e+02 : f32
      %parallel_loop3A_331 = vector.broadcast %parallel_loop3A_330 : f32 to vector<16xf32>
      %parallel_loop3A_332 = arith.mulf %parallel_loop3A_325, %parallel_loop3A_331 : vector<16xf32>
      %parallel_loop3A_333 = arith.fptosi %parallel_loop3A_332 : vector<16xf32> to vector<16xi32>
      %parallel_loop3A_334 = arith.fptosi %parallel_loop3A_329 : vector<16xf32> to vector<16xi32>
      %parallel_loop3A_335 = arith.constant 12 : i32
      %parallel_loop3A_336 = vector.broadcast %parallel_loop3A_335 : i32 to vector<16xi32>
      %parallel_loop3A_337 = arith.muli %parallel_loop3A_318, %parallel_loop3A_336 : vector<16xi32>
      %parallel_loop3A_338 = arith.constant 0 : i32
      %parallel_loop3A_339 = vector.broadcast %parallel_loop3A_338 : i32 to vector<16xi32>
      %parallel_loop3A_340 = arith.addi %parallel_loop3A_337, %parallel_loop3A_339 : vector<16xi32>
      %parallel_loop3A_341 = arith.constant 7 : i32
      %parallel_loop3A_342 = vector.broadcast %parallel_loop3A_341 : i32 to vector<16xi32>
      %parallel_loop3A_343 = arith.shrsi %parallel_loop3A_340, %parallel_loop3A_342 : vector<16xi32>
      %parallel_loop3A_344 = arith.constant 127 : i32
      %parallel_loop3A_345 = vector.broadcast %parallel_loop3A_344 : i32 to vector<16xi32>
      %parallel_loop3A_346 = arith.andi %parallel_loop3A_340, %parallel_loop3A_345 : vector<16xi32>
      %parallel_loop3A_347 = arith.sitofp %parallel_loop3A_333 : vector<16xi32> to vector<16xf32>
      tpu.vector_store_idx %arg5[%parallel_loop3A_343, %parallel_loop3A_346], %parallel_loop3A_347 : memref<192x128xf32, #tpu.memory_space<vmem>>[vector<16xi32>, vector<16xi32>], vector<16xf32>,
      %parallel_loop3A_348 = arith.sitofp %parallel_loop3A_334 : vector<16xi32> to vector<16xf32>
      tpu.vector_store_idx %arg6[%parallel_loop3A_343, %parallel_loop3A_346], %parallel_loop3A_348 : memref<192x128xf32, #tpu.memory_space<vmem>>[vector<16xi32>, vector<16xi32>], vector<16xf32>,
      %parallel_loop3A_349 = arith.constant 4 : i32
      %parallel_loop3A_350 = arith.muli %parallel_loop3A_234, %parallel_loop3A_349 : i32
      %parallel_loop3A_351 = arith.constant 3 : i32
      %parallel_loop3A_352 = arith.addi %parallel_loop3A_350, %parallel_loop3A_351 : i32
      %parallel_loop3A_353 = arith.constant 16 : i32
      %parallel_loop3A_354 = arith.muli %parallel_loop3A_352, %parallel_loop3A_353 : i32
      %parallel_loop3A_355 = vector.broadcast %parallel_loop3A_354 : i32 to vector<16xi32>
      %parallel_loop3A_356 = arith.addi %parallel_loop3A_355, %iota3A : vector<16xi32>
      %parallel_loop3A_357 = arith.constant 3 : i32
      %parallel_loop3A_358 = vector.broadcast %parallel_loop3A_357 : i32 to vector<16xi32>
      %parallel_loop3A_359 = arith.muli %parallel_loop3A_356, %parallel_loop3A_358 : vector<16xi32>
      %parallel_loop3A_360 = arith.constant 1 : i32
      %parallel_loop3A_361 = vector.broadcast %parallel_loop3A_360 : i32 to vector<16xi32>
      %parallel_loop3A_362 = arith.addi %parallel_loop3A_359, %parallel_loop3A_361 : vector<16xi32>
      %parallel_loop3A_363 = tpu.vector_load_idx %arg7[%parallel_loop3A_362] : memref<6144xf32, #tpu.memory_space<vmem>>[vector<16xi32>], vector<16xf32>,
      %parallel_loop3A_364 = arith.constant 2 : i32
      %parallel_loop3A_365 = vector.broadcast %parallel_loop3A_364 : i32 to vector<16xi32>
      %parallel_loop3A_366 = arith.addi %parallel_loop3A_359, %parallel_loop3A_365 : vector<16xi32>
      %parallel_loop3A_367 = tpu.vector_load_idx %arg7[%parallel_loop3A_366] : memref<6144xf32, #tpu.memory_space<vmem>>[vector<16xi32>], vector<16xf32>,
      %parallel_loop3A_368 = arith.constant 2.880000e+02 : f32
      %parallel_loop3A_369 = vector.broadcast %parallel_loop3A_368 : f32 to vector<16xf32>
      %parallel_loop3A_370 = arith.mulf %parallel_loop3A_363, %parallel_loop3A_369 : vector<16xf32>
      %parallel_loop3A_371 = arith.fptosi %parallel_loop3A_370 : vector<16xf32> to vector<16xi32>
      %parallel_loop3A_372 = arith.fptosi %parallel_loop3A_367 : vector<16xf32> to vector<16xi32>
      %parallel_loop3A_373 = arith.constant 12 : i32
      %parallel_loop3A_374 = vector.broadcast %parallel_loop3A_373 : i32 to vector<16xi32>
      %parallel_loop3A_375 = arith.muli %parallel_loop3A_356, %parallel_loop3A_374 : vector<16xi32>
      %parallel_loop3A_376 = arith.constant 0 : i32
      %parallel_loop3A_377 = vector.broadcast %parallel_loop3A_376 : i32 to vector<16xi32>
      %parallel_loop3A_378 = arith.addi %parallel_loop3A_375, %parallel_loop3A_377 : vector<16xi32>
      %parallel_loop3A_379 = arith.constant 7 : i32
      %parallel_loop3A_380 = vector.broadcast %parallel_loop3A_379 : i32 to vector<16xi32>
      %parallel_loop3A_381 = arith.shrsi %parallel_loop3A_378, %parallel_loop3A_380 : vector<16xi32>
      %parallel_loop3A_382 = arith.constant 127 : i32
      %parallel_loop3A_383 = vector.broadcast %parallel_loop3A_382 : i32 to vector<16xi32>
      %parallel_loop3A_384 = arith.andi %parallel_loop3A_378, %parallel_loop3A_383 : vector<16xi32>
      %parallel_loop3A_385 = arith.sitofp %parallel_loop3A_371 : vector<16xi32> to vector<16xf32>
      tpu.vector_store_idx %arg5[%parallel_loop3A_381, %parallel_loop3A_384], %parallel_loop3A_385 : memref<192x128xf32, #tpu.memory_space<vmem>>[vector<16xi32>, vector<16xi32>], vector<16xf32>,
      %parallel_loop3A_386 = arith.sitofp %parallel_loop3A_372 : vector<16xi32> to vector<16xf32>
      tpu.vector_store_idx %arg6[%parallel_loop3A_381, %parallel_loop3A_384], %parallel_loop3A_386 : memref<192x128xf32, #tpu.memory_space<vmem>>[vector<16xi32>, vector<16xi32>], vector<16xf32>,
    } {sc.loop_unroll_factor = 2 : i64, sc.parallel_access}
    %dma_wait3A_22 = arith.constant 1 : i32
    %dma_wait3A_23 = arith.constant 0 : i32
    %dma_wait3A_24 = tpu.memref_slice %arg2[%add3A, %dma_wait3A_22, %dma_wait3A_23] : memref<32x12x6144xf32, #tpu.memory_space<hbm>> -> memref<1x1x6144xf32, #tpu.memory_space<hbm>>
    %dma_wait3A_25 = tpu.memref_squeeze %dma_wait3A_24 : memref<1x1x6144xf32, #tpu.memory_space<hbm>> -> memref<6144xf32, #tpu.memory_space<hbm>>
    %dma_wait3A_26 = arith.constant 0 : i32
    %dma_wait3A_27 = tpu.memref_slice %arg2[%add3A, %dma_wait3A_22, %dma_wait3A_26] : memref<32x12x6144xf32, #tpu.memory_space<hbm>> -> memref<1x1x6144xf32, #tpu.memory_space<hbm>>
    %dma_wait3A_28 = tpu.memref_squeeze %dma_wait3A_27 : memref<1x1x6144xf32, #tpu.memory_space<hbm>> -> memref<6144xf32, #tpu.memory_space<hbm>>
    tpu.wait_dma2 semaphore(%arg10 : memref<!tpu.dma_semaphore, #tpu.memory_space<semaphore_mem>>) src(%dma_wait3A_28 : memref<6144xf32, #tpu.memory_space<hbm>>) dst(%arg8 : memref<6144xf32, #tpu.memory_space<vmem>>)
    %dma_start3A_29 = arith.constant 2 : i32
    %dma_start3A_30 = arith.constant 0 : i32
    %dma_start3A_31 = tpu.memref_slice %arg2[%add3A, %dma_start3A_29, %dma_start3A_30] : memref<32x12x6144xf32, #tpu.memory_space<hbm>> -> memref<1x1x6144xf32, #tpu.memory_space<hbm>>
    %dma_start3A_32 = tpu.memref_squeeze %dma_start3A_31 : memref<1x1x6144xf32, #tpu.memory_space<hbm>> -> memref<6144xf32, #tpu.memory_space<hbm>>
    %dma_start3A_33 = arith.constant 0 : i32
    %dma_start3A_34 = tpu.memref_slice %arg2[%add3A, %dma_start3A_29, %dma_start3A_33] : memref<32x12x6144xf32, #tpu.memory_space<hbm>> -> memref<1x1x6144xf32, #tpu.memory_space<hbm>>
    %dma_start3A_35 = tpu.memref_squeeze %dma_start3A_34 : memref<1x1x6144xf32, #tpu.memory_space<hbm>> -> memref<6144xf32, #tpu.memory_space<hbm>>
    tpu.enqueue_dma source(%dma_start3A_35 : memref<6144xf32, #tpu.memory_space<hbm>>) target(%arg7 : memref<6144xf32, #tpu.memory_space<vmem>>) target_semaphore(%arg9 : memref<!tpu.dma_semaphore, #tpu.memory_space<semaphore_mem>>)
    %parallel_loop3A_36 = arith.constant 0 : i32
    %parallel_loop3A_37 = arith.constant 32 : i32
    %parallel_loop3A_38 = arith.constant 1 : i32
    scf.for %parallel_loop3A_234 = %parallel_loop3A_36 to %parallel_loop3A_37 step %parallel_loop3A_38  : i32 {
      %parallel_loop3A_235 = arith.constant 4 : i32
      %parallel_loop3A_236 = arith.muli %parallel_loop3A_234, %parallel_loop3A_235 : i32
      %parallel_loop3A_237 = arith.constant 0 : i32
      %parallel_loop3A_238 = arith.addi %parallel_loop3A_236, %parallel_loop3A_237 : i32
      %parallel_loop3A_239 = arith.constant 16 : i32
      %parallel_loop3A_240 = arith.muli %parallel_loop3A_238, %parallel_loop3A_239 : i32
      %parallel_loop3A_241 = vector.broadcast %parallel_loop3A_240 : i32 to vector<16xi32>
      %parallel_loop3A_242 = arith.addi %parallel_loop3A_241, %iota3A : vector<16xi32>
      %parallel_loop3A_243 = arith.constant 3 : i32
      %parallel_loop3A_244 = vector.broadcast %parallel_loop3A_243 : i32 to vector<16xi32>
      %parallel_loop3A_245 = arith.muli %parallel_loop3A_242, %parallel_loop3A_244 : vector<16xi32>
      %parallel_loop3A_246 = arith.constant 1 : i32
      %parallel_loop3A_247 = vector.broadcast %parallel_loop3A_246 : i32 to vector<16xi32>
      %parallel_loop3A_248 = arith.addi %parallel_loop3A_245, %parallel_loop3A_247 : vector<16xi32>
      %parallel_loop3A_249 = tpu.vector_load_idx %arg8[%parallel_loop3A_248] : memref<6144xf32, #tpu.memory_space<vmem>>[vector<16xi32>], vector<16xf32>,
      %parallel_loop3A_250 = arith.constant 2 : i32
      %parallel_loop3A_251 = vector.broadcast %parallel_loop3A_250 : i32 to vector<16xi32>
      %parallel_loop3A_252 = arith.addi %parallel_loop3A_245, %parallel_loop3A_251 : vector<16xi32>
      %parallel_loop3A_253 = tpu.vector_load_idx %arg8[%parallel_loop3A_252] : memref<6144xf32, #tpu.memory_space<vmem>>[vector<16xi32>], vector<16xf32>,
      %parallel_loop3A_254 = arith.constant 2.880000e+02 : f32
      %parallel_loop3A_255 = vector.broadcast %parallel_loop3A_254 : f32 to vector<16xf32>
      %parallel_loop3A_256 = arith.mulf %parallel_loop3A_249, %parallel_loop3A_255 : vector<16xf32>
      %parallel_loop3A_257 = arith.fptosi %parallel_loop3A_256 : vector<16xf32> to vector<16xi32>
      %parallel_loop3A_258 = arith.fptosi %parallel_loop3A_253 : vector<16xf32> to vector<16xi32>
      %parallel_loop3A_259 = arith.constant 12 : i32
      %parallel_loop3A_260 = vector.broadcast %parallel_loop3A_259 : i32 to vector<16xi32>
      %parallel_loop3A_261 = arith.muli %parallel_loop3A_242, %parallel_loop3A_260 : vector<16xi32>
      %parallel_loop3A_262 = arith.constant 1 : i32
      %parallel_loop3A_263 = vector.broadcast %parallel_loop3A_262 : i32 to vector<16xi32>
      %parallel_loop3A_264 = arith.addi %parallel_loop3A_261, %parallel_loop3A_263 : vector<16xi32>
      %parallel_loop3A_265 = arith.constant 7 : i32
      %parallel_loop3A_266 = vector.broadcast %parallel_loop3A_265 : i32 to vector<16xi32>
      %parallel_loop3A_267 = arith.shrsi %parallel_loop3A_264, %parallel_loop3A_266 : vector<16xi32>
      %parallel_loop3A_268 = arith.constant 127 : i32
      %parallel_loop3A_269 = vector.broadcast %parallel_loop3A_268 : i32 to vector<16xi32>
      %parallel_loop3A_270 = arith.andi %parallel_loop3A_264, %parallel_loop3A_269 : vector<16xi32>
      %parallel_loop3A_271 = arith.sitofp %parallel_loop3A_257 : vector<16xi32> to vector<16xf32>
      tpu.vector_store_idx %arg5[%parallel_loop3A_267, %parallel_loop3A_270], %parallel_loop3A_271 : memref<192x128xf32, #tpu.memory_space<vmem>>[vector<16xi32>, vector<16xi32>], vector<16xf32>,
      %parallel_loop3A_272 = arith.sitofp %parallel_loop3A_258 : vector<16xi32> to vector<16xf32>
      tpu.vector_store_idx %arg6[%parallel_loop3A_267, %parallel_loop3A_270], %parallel_loop3A_272 : memref<192x128xf32, #tpu.memory_space<vmem>>[vector<16xi32>, vector<16xi32>], vector<16xf32>,
      %parallel_loop3A_273 = arith.constant 4 : i32
      %parallel_loop3A_274 = arith.muli %parallel_loop3A_234, %parallel_loop3A_273 : i32
      %parallel_loop3A_275 = arith.constant 1 : i32
      %parallel_loop3A_276 = arith.addi %parallel_loop3A_274, %parallel_loop3A_275 : i32
      %parallel_loop3A_277 = arith.constant 16 : i32
      %parallel_loop3A_278 = arith.muli %parallel_loop3A_276, %parallel_loop3A_277 : i32
      %parallel_loop3A_279 = vector.broadcast %parallel_loop3A_278 : i32 to vector<16xi32>
      %parallel_loop3A_280 = arith.addi %parallel_loop3A_279, %iota3A : vector<16xi32>
      %parallel_loop3A_281 = arith.constant 3 : i32
      %parallel_loop3A_282 = vector.broadcast %parallel_loop3A_281 : i32 to vector<16xi32>
      %parallel_loop3A_283 = arith.muli %parallel_loop3A_280, %parallel_loop3A_282 : vector<16xi32>
      %parallel_loop3A_284 = arith.constant 1 : i32
      %parallel_loop3A_285 = vector.broadcast %parallel_loop3A_284 : i32 to vector<16xi32>
      %parallel_loop3A_286 = arith.addi %parallel_loop3A_283, %parallel_loop3A_285 : vector<16xi32>
      %parallel_loop3A_287 = tpu.vector_load_idx %arg8[%parallel_loop3A_286] : memref<6144xf32, #tpu.memory_space<vmem>>[vector<16xi32>], vector<16xf32>,
      %parallel_loop3A_288 = arith.constant 2 : i32
      %parallel_loop3A_289 = vector.broadcast %parallel_loop3A_288 : i32 to vector<16xi32>
      %parallel_loop3A_290 = arith.addi %parallel_loop3A_283, %parallel_loop3A_289 : vector<16xi32>
      %parallel_loop3A_291 = tpu.vector_load_idx %arg8[%parallel_loop3A_290] : memref<6144xf32, #tpu.memory_space<vmem>>[vector<16xi32>], vector<16xf32>,
      %parallel_loop3A_292 = arith.constant 2.880000e+02 : f32
      %parallel_loop3A_293 = vector.broadcast %parallel_loop3A_292 : f32 to vector<16xf32>
      %parallel_loop3A_294 = arith.mulf %parallel_loop3A_287, %parallel_loop3A_293 : vector<16xf32>
      %parallel_loop3A_295 = arith.fptosi %parallel_loop3A_294 : vector<16xf32> to vector<16xi32>
      %parallel_loop3A_296 = arith.fptosi %parallel_loop3A_291 : vector<16xf32> to vector<16xi32>
      %parallel_loop3A_297 = arith.constant 12 : i32
      %parallel_loop3A_298 = vector.broadcast %parallel_loop3A_297 : i32 to vector<16xi32>
      %parallel_loop3A_299 = arith.muli %parallel_loop3A_280, %parallel_loop3A_298 : vector<16xi32>
      %parallel_loop3A_300 = arith.constant 1 : i32
      %parallel_loop3A_301 = vector.broadcast %parallel_loop3A_300 : i32 to vector<16xi32>
      %parallel_loop3A_302 = arith.addi %parallel_loop3A_299, %parallel_loop3A_301 : vector<16xi32>
      %parallel_loop3A_303 = arith.constant 7 : i32
      %parallel_loop3A_304 = vector.broadcast %parallel_loop3A_303 : i32 to vector<16xi32>
      %parallel_loop3A_305 = arith.shrsi %parallel_loop3A_302, %parallel_loop3A_304 : vector<16xi32>
      %parallel_loop3A_306 = arith.constant 127 : i32
      %parallel_loop3A_307 = vector.broadcast %parallel_loop3A_306 : i32 to vector<16xi32>
      %parallel_loop3A_308 = arith.andi %parallel_loop3A_302, %parallel_loop3A_307 : vector<16xi32>
      %parallel_loop3A_309 = arith.sitofp %parallel_loop3A_295 : vector<16xi32> to vector<16xf32>
      tpu.vector_store_idx %arg5[%parallel_loop3A_305, %parallel_loop3A_308], %parallel_loop3A_309 : memref<192x128xf32, #tpu.memory_space<vmem>>[vector<16xi32>, vector<16xi32>], vector<16xf32>,
      %parallel_loop3A_310 = arith.sitofp %parallel_loop3A_296 : vector<16xi32> to vector<16xf32>
      tpu.vector_store_idx %arg6[%parallel_loop3A_305, %parallel_loop3A_308], %parallel_loop3A_310 : memref<192x128xf32, #tpu.memory_space<vmem>>[vector<16xi32>, vector<16xi32>], vector<16xf32>,
      %parallel_loop3A_311 = arith.constant 4 : i32
      %parallel_loop3A_312 = arith.muli %parallel_loop3A_234, %parallel_loop3A_311 : i32
      %parallel_loop3A_313 = arith.constant 2 : i32
      %parallel_loop3A_314 = arith.addi %parallel_loop3A_312, %parallel_loop3A_313 : i32
      %parallel_loop3A_315 = arith.constant 16 : i32
      %parallel_loop3A_316 = arith.muli %parallel_loop3A_314, %parallel_loop3A_315 : i32
      %parallel_loop3A_317 = vector.broadcast %parallel_loop3A_316 : i32 to vector<16xi32>
      %parallel_loop3A_318 = arith.addi %parallel_loop3A_317, %iota3A : vector<16xi32>
      %parallel_loop3A_319 = arith.constant 3 : i32
      %parallel_loop3A_320 = vector.broadcast %parallel_loop3A_319 : i32 to vector<16xi32>
      %parallel_loop3A_321 = arith.muli %parallel_loop3A_318, %parallel_loop3A_320 : vector<16xi32>
      %parallel_loop3A_322 = arith.constant 1 : i32
      %parallel_loop3A_323 = vector.broadcast %parallel_loop3A_322 : i32 to vector<16xi32>
      %parallel_loop3A_324 = arith.addi %parallel_loop3A_321, %parallel_loop3A_323 : vector<16xi32>
      %parallel_loop3A_325 = tpu.vector_load_idx %arg8[%parallel_loop3A_324] : memref<6144xf32, #tpu.memory_space<vmem>>[vector<16xi32>], vector<16xf32>,
      %parallel_loop3A_326 = arith.constant 2 : i32
      %parallel_loop3A_327 = vector.broadcast %parallel_loop3A_326 : i32 to vector<16xi32>
      %parallel_loop3A_328 = arith.addi %parallel_loop3A_321, %parallel_loop3A_327 : vector<16xi32>
      %parallel_loop3A_329 = tpu.vector_load_idx %arg8[%parallel_loop3A_328] : memref<6144xf32, #tpu.memory_space<vmem>>[vector<16xi32>], vector<16xf32>,
      %parallel_loop3A_330 = arith.constant 2.880000e+02 : f32
      %parallel_loop3A_331 = vector.broadcast %parallel_loop3A_330 : f32 to vector<16xf32>
      %parallel_loop3A_332 = arith.mulf %parallel_loop3A_325, %parallel_loop3A_331 : vector<16xf32>
      %parallel_loop3A_333 = arith.fptosi %parallel_loop3A_332 : vector<16xf32> to vector<16xi32>
      %parallel_loop3A_334 = arith.fptosi %parallel_loop3A_329 : vector<16xf32> to vector<16xi32>
      %parallel_loop3A_335 = arith.constant 12 : i32
      %parallel_loop3A_336 = vector.broadcast %parallel_loop3A_335 : i32 to vector<16xi32>
      %parallel_loop3A_337 = arith.muli %parallel_loop3A_318, %parallel_loop3A_336 : vector<16xi32>
      %parallel_loop3A_338 = arith.constant 1 : i32
      %parallel_loop3A_339 = vector.broadcast %parallel_loop3A_338 : i32 to vector<16xi32>
      %parallel_loop3A_340 = arith.addi %parallel_loop3A_337, %parallel_loop3A_339 : vector<16xi32>
      %parallel_loop3A_341 = arith.constant 7 : i32
      %parallel_loop3A_342 = vector.broadcast %parallel_loop3A_341 : i32 to vector<16xi32>
      %parallel_loop3A_343 = arith.shrsi %parallel_loop3A_340, %parallel_loop3A_342 : vector<16xi32>
      %parallel_loop3A_344 = arith.constant 127 : i32
      %parallel_loop3A_345 = vector.broadcast %parallel_loop3A_344 : i32 to vector<16xi32>
      %parallel_loop3A_346 = arith.andi %parallel_loop3A_340, %parallel_loop3A_345 : vector<16xi32>
      %parallel_loop3A_347 = arith.sitofp %parallel_loop3A_333 : vector<16xi32> to vector<16xf32>
      tpu.vector_store_idx %arg5[%parallel_loop3A_343, %parallel_loop3A_346], %parallel_loop3A_347 : memref<192x128xf32, #tpu.memory_space<vmem>>[vector<16xi32>, vector<16xi32>], vector<16xf32>,
      %parallel_loop3A_348 = arith.sitofp %parallel_loop3A_334 : vector<16xi32> to vector<16xf32>
      tpu.vector_store_idx %arg6[%parallel_loop3A_343, %parallel_loop3A_346], %parallel_loop3A_348 : memref<192x128xf32, #tpu.memory_space<vmem>>[vector<16xi32>, vector<16xi32>], vector<16xf32>,
      %parallel_loop3A_349 = arith.constant 4 : i32
      %parallel_loop3A_350 = arith.muli %parallel_loop3A_234, %parallel_loop3A_349 : i32
      %parallel_loop3A_351 = arith.constant 3 : i32
      %parallel_loop3A_352 = arith.addi %parallel_loop3A_350, %parallel_loop3A_351 : i32
      %parallel_loop3A_353 = arith.constant 16 : i32
      %parallel_loop3A_354 = arith.muli %parallel_loop3A_352, %parallel_loop3A_353 : i32
      %parallel_loop3A_355 = vector.broadcast %parallel_loop3A_354 : i32 to vector<16xi32>
      %parallel_loop3A_356 = arith.addi %parallel_loop3A_355, %iota3A : vector<16xi32>
      %parallel_loop3A_357 = arith.constant 3 : i32
      %parallel_loop3A_358 = vector.broadcast %parallel_loop3A_357 : i32 to vector<16xi32>
      %parallel_loop3A_359 = arith.muli %parallel_loop3A_356, %parallel_loop3A_358 : vector<16xi32>
      %parallel_loop3A_360 = arith.constant 1 : i32
      %parallel_loop3A_361 = vector.broadcast %parallel_loop3A_360 : i32 to vector<16xi32>
      %parallel_loop3A_362 = arith.addi %parallel_loop3A_359, %parallel_loop3A_361 : vector<16xi32>
      %parallel_loop3A_363 = tpu.vector_load_idx %arg8[%parallel_loop3A_362] : memref<6144xf32, #tpu.memory_space<vmem>>[vector<16xi32>], vector<16xf32>,
      %parallel_loop3A_364 = arith.constant 2 : i32
      %parallel_loop3A_365 = vector.broadcast %parallel_loop3A_364 : i32 to vector<16xi32>
      %parallel_loop3A_366 = arith.addi %parallel_loop3A_359, %parallel_loop3A_365 : vector<16xi32>
      %parallel_loop3A_367 = tpu.vector_load_idx %arg8[%parallel_loop3A_366] : memref<6144xf32, #tpu.memory_space<vmem>>[vector<16xi32>], vector<16xf32>,
      %parallel_loop3A_368 = arith.constant 2.880000e+02 : f32
      %parallel_loop3A_369 = vector.broadcast %parallel_loop3A_368 : f32 to vector<16xf32>
      %parallel_loop3A_370 = arith.mulf %parallel_loop3A_363, %parallel_loop3A_369 : vector<16xf32>
      %parallel_loop3A_371 = arith.fptosi %parallel_loop3A_370 : vector<16xf32> to vector<16xi32>
      %parallel_loop3A_372 = arith.fptosi %parallel_loop3A_367 : vector<16xf32> to vector<16xi32>
      %parallel_loop3A_373 = arith.constant 12 : i32
      %parallel_loop3A_374 = vector.broadcast %parallel_loop3A_373 : i32 to vector<16xi32>
      %parallel_loop3A_375 = arith.muli %parallel_loop3A_356, %parallel_loop3A_374 : vector<16xi32>
      %parallel_loop3A_376 = arith.constant 1 : i32
      %parallel_loop3A_377 = vector.broadcast %parallel_loop3A_376 : i32 to vector<16xi32>
      %parallel_loop3A_378 = arith.addi %parallel_loop3A_375, %parallel_loop3A_377 : vector<16xi32>
      %parallel_loop3A_379 = arith.constant 7 : i32
      %parallel_loop3A_380 = vector.broadcast %parallel_loop3A_379 : i32 to vector<16xi32>
      %parallel_loop3A_381 = arith.shrsi %parallel_loop3A_378, %parallel_loop3A_380 : vector<16xi32>
      %parallel_loop3A_382 = arith.constant 127 : i32
      %parallel_loop3A_383 = vector.broadcast %parallel_loop3A_382 : i32 to vector<16xi32>
      %parallel_loop3A_384 = arith.andi %parallel_loop3A_378, %parallel_loop3A_383 : vector<16xi32>
      %parallel_loop3A_385 = arith.sitofp %parallel_loop3A_371 : vector<16xi32> to vector<16xf32>
      tpu.vector_store_idx %arg5[%parallel_loop3A_381, %parallel_loop3A_384], %parallel_loop3A_385 : memref<192x128xf32, #tpu.memory_space<vmem>>[vector<16xi32>, vector<16xi32>], vector<16xf32>,
      %parallel_loop3A_386 = arith.sitofp %parallel_loop3A_372 : vector<16xi32> to vector<16xf32>
      tpu.vector_store_idx %arg6[%parallel_loop3A_381, %parallel_loop3A_384], %parallel_loop3A_386 : memref<192x128xf32, #tpu.memory_space<vmem>>[vector<16xi32>, vector<16xi32>], vector<16xf32>,
    } {sc.loop_unroll_factor = 2 : i64, sc.parallel_access}
    %dma_wait3A_39 = arith.constant 2 : i32
    %dma_wait3A_40 = arith.constant 0 : i32
    %dma_wait3A_41 = tpu.memref_slice %arg2[%add3A, %dma_wait3A_39, %dma_wait3A_40] : memref<32x12x6144xf32, #tpu.memory_space<hbm>> -> memref<1x1x6144xf32, #tpu.memory_space<hbm>>
    %dma_wait3A_42 = tpu.memref_squeeze %dma_wait3A_41 : memref<1x1x6144xf32, #tpu.memory_space<hbm>> -> memref<6144xf32, #tpu.memory_space<hbm>>
    %dma_wait3A_43 = arith.constant 0 : i32
    %dma_wait3A_44 = tpu.memref_slice %arg2[%add3A, %dma_wait3A_39, %dma_wait3A_43] : memref<32x12x6144xf32, #tpu.memory_space<hbm>> -> memref<1x1x6144xf32, #tpu.memory_space<hbm>>
    %dma_wait3A_45 = tpu.memref_squeeze %dma_wait3A_44 : memref<1x1x6144xf32, #tpu.memory_space<hbm>> -> memref<6144xf32, #tpu.memory_space<hbm>>
    tpu.wait_dma2 semaphore(%arg9 : memref<!tpu.dma_semaphore, #tpu.memory_space<semaphore_mem>>) src(%dma_wait3A_45 : memref<6144xf32, #tpu.memory_space<hbm>>) dst(%arg7 : memref<6144xf32, #tpu.memory_space<vmem>>)
    %dma_start3A_46 = arith.constant 3 : i32
    %dma_start3A_47 = arith.constant 0 : i32
    %dma_start3A_48 = tpu.memref_slice %arg2[%add3A, %dma_start3A_46, %dma_start3A_47] : memref<32x12x6144xf32, #tpu.memory_space<hbm>> -> memref<1x1x6144xf32, #tpu.memory_space<hbm>>
    %dma_start3A_49 = tpu.memref_squeeze %dma_start3A_48 : memref<1x1x6144xf32, #tpu.memory_space<hbm>> -> memref<6144xf32, #tpu.memory_space<hbm>>
    %dma_start3A_50 = arith.constant 0 : i32
    %dma_start3A_51 = tpu.memref_slice %arg2[%add3A, %dma_start3A_46, %dma_start3A_50] : memref<32x12x6144xf32, #tpu.memory_space<hbm>> -> memref<1x1x6144xf32, #tpu.memory_space<hbm>>
    %dma_start3A_52 = tpu.memref_squeeze %dma_start3A_51 : memref<1x1x6144xf32, #tpu.memory_space<hbm>> -> memref<6144xf32, #tpu.memory_space<hbm>>
    tpu.enqueue_dma source(%dma_start3A_52 : memref<6144xf32, #tpu.memory_space<hbm>>) target(%arg8 : memref<6144xf32, #tpu.memory_space<vmem>>) target_semaphore(%arg10 : memref<!tpu.dma_semaphore, #tpu.memory_space<semaphore_mem>>)
    %parallel_loop3A_53 = arith.constant 0 : i32
    %parallel_loop3A_54 = arith.constant 32 : i32
    %parallel_loop3A_55 = arith.constant 1 : i32
    scf.for %parallel_loop3A_234 = %parallel_loop3A_53 to %parallel_loop3A_54 step %parallel_loop3A_55  : i32 {
      %parallel_loop3A_235 = arith.constant 4 : i32
      %parallel_loop3A_236 = arith.muli %parallel_loop3A_234, %parallel_loop3A_235 : i32
      %parallel_loop3A_237 = arith.constant 0 : i32
      %parallel_loop3A_238 = arith.addi %parallel_loop3A_236, %parallel_loop3A_237 : i32
      %parallel_loop3A_239 = arith.constant 16 : i32
      %parallel_loop3A_240 = arith.muli %parallel_loop3A_238, %parallel_loop3A_239 : i32
      %parallel_loop3A_241 = vector.broadcast %parallel_loop3A_240 : i32 to vector<16xi32>
      %parallel_loop3A_242 = arith.addi %parallel_loop3A_241, %iota3A : vector<16xi32>
      %parallel_loop3A_243 = arith.constant 3 : i32
      %parallel_loop3A_244 = vector.broadcast %parallel_loop3A_243 : i32 to vector<16xi32>
      %parallel_loop3A_245 = arith.muli %parallel_loop3A_242, %parallel_loop3A_244 : vector<16xi32>
      %parallel_loop3A_246 = arith.constant 1 : i32
      %parallel_loop3A_247 = vector.broadcast %parallel_loop3A_246 : i32 to vector<16xi32>
      %parallel_loop3A_248 = arith.addi %parallel_loop3A_245, %parallel_loop3A_247 : vector<16xi32>
      %parallel_loop3A_249 = tpu.vector_load_idx %arg7[%parallel_loop3A_248] : memref<6144xf32, #tpu.memory_space<vmem>>[vector<16xi32>], vector<16xf32>,
      %parallel_loop3A_250 = arith.constant 2 : i32
      %parallel_loop3A_251 = vector.broadcast %parallel_loop3A_250 : i32 to vector<16xi32>
      %parallel_loop3A_252 = arith.addi %parallel_loop3A_245, %parallel_loop3A_251 : vector<16xi32>
      %parallel_loop3A_253 = tpu.vector_load_idx %arg7[%parallel_loop3A_252] : memref<6144xf32, #tpu.memory_space<vmem>>[vector<16xi32>], vector<16xf32>,
      %parallel_loop3A_254 = arith.constant 2.880000e+02 : f32
      %parallel_loop3A_255 = vector.broadcast %parallel_loop3A_254 : f32 to vector<16xf32>
      %parallel_loop3A_256 = arith.mulf %parallel_loop3A_249, %parallel_loop3A_255 : vector<16xf32>
      %parallel_loop3A_257 = arith.fptosi %parallel_loop3A_256 : vector<16xf32> to vector<16xi32>
      %parallel_loop3A_258 = arith.fptosi %parallel_loop3A_253 : vector<16xf32> to vector<16xi32>
      %parallel_loop3A_259 = arith.constant 12 : i32
      %parallel_loop3A_260 = vector.broadcast %parallel_loop3A_259 : i32 to vector<16xi32>
      %parallel_loop3A_261 = arith.muli %parallel_loop3A_242, %parallel_loop3A_260 : vector<16xi32>
      %parallel_loop3A_262 = arith.constant 2 : i32
      %parallel_loop3A_263 = vector.broadcast %parallel_loop3A_262 : i32 to vector<16xi32>
      %parallel_loop3A_264 = arith.addi %parallel_loop3A_261, %parallel_loop3A_263 : vector<16xi32>
      %parallel_loop3A_265 = arith.constant 7 : i32
      %parallel_loop3A_266 = vector.broadcast %parallel_loop3A_265 : i32 to vector<16xi32>
      %parallel_loop3A_267 = arith.shrsi %parallel_loop3A_264, %parallel_loop3A_266 : vector<16xi32>
      %parallel_loop3A_268 = arith.constant 127 : i32
      %parallel_loop3A_269 = vector.broadcast %parallel_loop3A_268 : i32 to vector<16xi32>
      %parallel_loop3A_270 = arith.andi %parallel_loop3A_264, %parallel_loop3A_269 : vector<16xi32>
      %parallel_loop3A_271 = arith.sitofp %parallel_loop3A_257 : vector<16xi32> to vector<16xf32>
      tpu.vector_store_idx %arg5[%parallel_loop3A_267, %parallel_loop3A_270], %parallel_loop3A_271 : memref<192x128xf32, #tpu.memory_space<vmem>>[vector<16xi32>, vector<16xi32>], vector<16xf32>,
      %parallel_loop3A_272 = arith.sitofp %parallel_loop3A_258 : vector<16xi32> to vector<16xf32>
      tpu.vector_store_idx %arg6[%parallel_loop3A_267, %parallel_loop3A_270], %parallel_loop3A_272 : memref<192x128xf32, #tpu.memory_space<vmem>>[vector<16xi32>, vector<16xi32>], vector<16xf32>,
      %parallel_loop3A_273 = arith.constant 4 : i32
      %parallel_loop3A_274 = arith.muli %parallel_loop3A_234, %parallel_loop3A_273 : i32
      %parallel_loop3A_275 = arith.constant 1 : i32
      %parallel_loop3A_276 = arith.addi %parallel_loop3A_274, %parallel_loop3A_275 : i32
      %parallel_loop3A_277 = arith.constant 16 : i32
      %parallel_loop3A_278 = arith.muli %parallel_loop3A_276, %parallel_loop3A_277 : i32
      %parallel_loop3A_279 = vector.broadcast %parallel_loop3A_278 : i32 to vector<16xi32>
      %parallel_loop3A_280 = arith.addi %parallel_loop3A_279, %iota3A : vector<16xi32>
      %parallel_loop3A_281 = arith.constant 3 : i32
      %parallel_loop3A_282 = vector.broadcast %parallel_loop3A_281 : i32 to vector<16xi32>
      %parallel_loop3A_283 = arith.muli %parallel_loop3A_280, %parallel_loop3A_282 : vector<16xi32>
      %parallel_loop3A_284 = arith.constant 1 : i32
      %parallel_loop3A_285 = vector.broadcast %parallel_loop3A_284 : i32 to vector<16xi32>
      %parallel_loop3A_286 = arith.addi %parallel_loop3A_283, %parallel_loop3A_285 : vector<16xi32>
      %parallel_loop3A_287 = tpu.vector_load_idx %arg7[%parallel_loop3A_286] : memref<6144xf32, #tpu.memory_space<vmem>>[vector<16xi32>], vector<16xf32>,
      %parallel_loop3A_288 = arith.constant 2 : i32
      %parallel_loop3A_289 = vector.broadcast %parallel_loop3A_288 : i32 to vector<16xi32>
      %parallel_loop3A_290 = arith.addi %parallel_loop3A_283, %parallel_loop3A_289 : vector<16xi32>
      %parallel_loop3A_291 = tpu.vector_load_idx %arg7[%parallel_loop3A_290] : memref<6144xf32, #tpu.memory_space<vmem>>[vector<16xi32>], vector<16xf32>,
      %parallel_loop3A_292 = arith.constant 2.880000e+02 : f32
      %parallel_loop3A_293 = vector.broadcast %parallel_loop3A_292 : f32 to vector<16xf32>
      %parallel_loop3A_294 = arith.mulf %parallel_loop3A_287, %parallel_loop3A_293 : vector<16xf32>
      %parallel_loop3A_295 = arith.fptosi %parallel_loop3A_294 : vector<16xf32> to vector<16xi32>
      %parallel_loop3A_296 = arith.fptosi %parallel_loop3A_291 : vector<16xf32> to vector<16xi32>
      %parallel_loop3A_297 = arith.constant 12 : i32
      %parallel_loop3A_298 = vector.broadcast %parallel_loop3A_297 : i32 to vector<16xi32>
      %parallel_loop3A_299 = arith.muli %parallel_loop3A_280, %parallel_loop3A_298 : vector<16xi32>
      %parallel_loop3A_300 = arith.constant 2 : i32
      %parallel_loop3A_301 = vector.broadcast %parallel_loop3A_300 : i32 to vector<16xi32>
      %parallel_loop3A_302 = arith.addi %parallel_loop3A_299, %parallel_loop3A_301 : vector<16xi32>
      %parallel_loop3A_303 = arith.constant 7 : i32
      %parallel_loop3A_304 = vector.broadcast %parallel_loop3A_303 : i32 to vector<16xi32>
      %parallel_loop3A_305 = arith.shrsi %parallel_loop3A_302, %parallel_loop3A_304 : vector<16xi32>
      %parallel_loop3A_306 = arith.constant 127 : i32
      %parallel_loop3A_307 = vector.broadcast %parallel_loop3A_306 : i32 to vector<16xi32>
      %parallel_loop3A_308 = arith.andi %parallel_loop3A_302, %parallel_loop3A_307 : vector<16xi32>
      %parallel_loop3A_309 = arith.sitofp %parallel_loop3A_295 : vector<16xi32> to vector<16xf32>
      tpu.vector_store_idx %arg5[%parallel_loop3A_305, %parallel_loop3A_308], %parallel_loop3A_309 : memref<192x128xf32, #tpu.memory_space<vmem>>[vector<16xi32>, vector<16xi32>], vector<16xf32>,
      %parallel_loop3A_310 = arith.sitofp %parallel_loop3A_296 : vector<16xi32> to vector<16xf32>
      tpu.vector_store_idx %arg6[%parallel_loop3A_305, %parallel_loop3A_308], %parallel_loop3A_310 : memref<192x128xf32, #tpu.memory_space<vmem>>[vector<16xi32>, vector<16xi32>], vector<16xf32>,
      %parallel_loop3A_311 = arith.constant 4 : i32
      %parallel_loop3A_312 = arith.muli %parallel_loop3A_234, %parallel_loop3A_311 : i32
      %parallel_loop3A_313 = arith.constant 2 : i32
      %parallel_loop3A_314 = arith.addi %parallel_loop3A_312, %parallel_loop3A_313 : i32
      %parallel_loop3A_315 = arith.constant 16 : i32
      %parallel_loop3A_316 = arith.muli %parallel_loop3A_314, %parallel_loop3A_315 : i32
      %parallel_loop3A_317 = vector.broadcast %parallel_loop3A_316 : i32 to vector<16xi32>
      %parallel_loop3A_318 = arith.addi %parallel_loop3A_317, %iota3A : vector<16xi32>
      %parallel_loop3A_319 = arith.constant 3 : i32
      %parallel_loop3A_320 = vector.broadcast %parallel_loop3A_319 : i32 to vector<16xi32>
      %parallel_loop3A_321 = arith.muli %parallel_loop3A_318, %parallel_loop3A_320 : vector<16xi32>
      %parallel_loop3A_322 = arith.constant 1 : i32
      %parallel_loop3A_323 = vector.broadcast %parallel_loop3A_322 : i32 to vector<16xi32>
      %parallel_loop3A_324 = arith.addi %parallel_loop3A_321, %parallel_loop3A_323 : vector<16xi32>
      %parallel_loop3A_325 = tpu.vector_load_idx %arg7[%parallel_loop3A_324] : memref<6144xf32, #tpu.memory_space<vmem>>[vector<16xi32>], vector<16xf32>,
      %parallel_loop3A_326 = arith.constant 2 : i32
      %parallel_loop3A_327 = vector.broadcast %parallel_loop3A_326 : i32 to vector<16xi32>
      %parallel_loop3A_328 = arith.addi %parallel_loop3A_321, %parallel_loop3A_327 : vector<16xi32>
      %parallel_loop3A_329 = tpu.vector_load_idx %arg7[%parallel_loop3A_328] : memref<6144xf32, #tpu.memory_space<vmem>>[vector<16xi32>], vector<16xf32>,
      %parallel_loop3A_330 = arith.constant 2.880000e+02 : f32
      %parallel_loop3A_331 = vector.broadcast %parallel_loop3A_330 : f32 to vector<16xf32>
      %parallel_loop3A_332 = arith.mulf %parallel_loop3A_325, %parallel_loop3A_331 : vector<16xf32>
      %parallel_loop3A_333 = arith.fptosi %parallel_loop3A_332 : vector<16xf32> to vector<16xi32>
      %parallel_loop3A_334 = arith.fptosi %parallel_loop3A_329 : vector<16xf32> to vector<16xi32>
      %parallel_loop3A_335 = arith.constant 12 : i32
      %parallel_loop3A_336 = vector.broadcast %parallel_loop3A_335 : i32 to vector<16xi32>
      %parallel_loop3A_337 = arith.muli %parallel_loop3A_318, %parallel_loop3A_336 : vector<16xi32>
      %parallel_loop3A_338 = arith.constant 2 : i32
      %parallel_loop3A_339 = vector.broadcast %parallel_loop3A_338 : i32 to vector<16xi32>
      %parallel_loop3A_340 = arith.addi %parallel_loop3A_337, %parallel_loop3A_339 : vector<16xi32>
      %parallel_loop3A_341 = arith.constant 7 : i32
      %parallel_loop3A_342 = vector.broadcast %parallel_loop3A_341 : i32 to vector<16xi32>
      %parallel_loop3A_343 = arith.shrsi %parallel_loop3A_340, %parallel_loop3A_342 : vector<16xi32>
      %parallel_loop3A_344 = arith.constant 127 : i32
      %parallel_loop3A_345 = vector.broadcast %parallel_loop3A_344 : i32 to vector<16xi32>
      %parallel_loop3A_346 = arith.andi %parallel_loop3A_340, %parallel_loop3A_345 : vector<16xi32>
      %parallel_loop3A_347 = arith.sitofp %parallel_loop3A_333 : vector<16xi32> to vector<16xf32>
      tpu.vector_store_idx %arg5[%parallel_loop3A_343, %parallel_loop3A_346], %parallel_loop3A_347 : memref<192x128xf32, #tpu.memory_space<vmem>>[vector<16xi32>, vector<16xi32>], vector<16xf32>,
      %parallel_loop3A_348 = arith.sitofp %parallel_loop3A_334 : vector<16xi32> to vector<16xf32>
      tpu.vector_store_idx %arg6[%parallel_loop3A_343, %parallel_loop3A_346], %parallel_loop3A_348 : memref<192x128xf32, #tpu.memory_space<vmem>>[vector<16xi32>, vector<16xi32>], vector<16xf32>,
      %parallel_loop3A_349 = arith.constant 4 : i32
      %parallel_loop3A_350 = arith.muli %parallel_loop3A_234, %parallel_loop3A_349 : i32
      %parallel_loop3A_351 = arith.constant 3 : i32
      %parallel_loop3A_352 = arith.addi %parallel_loop3A_350, %parallel_loop3A_351 : i32
      %parallel_loop3A_353 = arith.constant 16 : i32
      %parallel_loop3A_354 = arith.muli %parallel_loop3A_352, %parallel_loop3A_353 : i32
      %parallel_loop3A_355 = vector.broadcast %parallel_loop3A_354 : i32 to vector<16xi32>
      %parallel_loop3A_356 = arith.addi %parallel_loop3A_355, %iota3A : vector<16xi32>
      %parallel_loop3A_357 = arith.constant 3 : i32
      %parallel_loop3A_358 = vector.broadcast %parallel_loop3A_357 : i32 to vector<16xi32>
      %parallel_loop3A_359 = arith.muli %parallel_loop3A_356, %parallel_loop3A_358 : vector<16xi32>
      %parallel_loop3A_360 = arith.constant 1 : i32
      %parallel_loop3A_361 = vector.broadcast %parallel_loop3A_360 : i32 to vector<16xi32>
      %parallel_loop3A_362 = arith.addi %parallel_loop3A_359, %parallel_loop3A_361 : vector<16xi32>
      %parallel_loop3A_363 = tpu.vector_load_idx %arg7[%parallel_loop3A_362] : memref<6144xf32, #tpu.memory_space<vmem>>[vector<16xi32>], vector<16xf32>,
      %parallel_loop3A_364 = arith.constant 2 : i32
      %parallel_loop3A_365 = vector.broadcast %parallel_loop3A_364 : i32 to vector<16xi32>
      %parallel_loop3A_366 = arith.addi %parallel_loop3A_359, %parallel_loop3A_365 : vector<16xi32>
      %parallel_loop3A_367 = tpu.vector_load_idx %arg7[%parallel_loop3A_366] : memref<6144xf32, #tpu.memory_space<vmem>>[vector<16xi32>], vector<16xf32>,
      %parallel_loop3A_368 = arith.constant 2.880000e+02 : f32
      %parallel_loop3A_369 = vector.broadcast %parallel_loop3A_368 : f32 to vector<16xf32>
      %parallel_loop3A_370 = arith.mulf %parallel_loop3A_363, %parallel_loop3A_369 : vector<16xf32>
      %parallel_loop3A_371 = arith.fptosi %parallel_loop3A_370 : vector<16xf32> to vector<16xi32>
      %parallel_loop3A_372 = arith.fptosi %parallel_loop3A_367 : vector<16xf32> to vector<16xi32>
      %parallel_loop3A_373 = arith.constant 12 : i32
      %parallel_loop3A_374 = vector.broadcast %parallel_loop3A_373 : i32 to vector<16xi32>
      %parallel_loop3A_375 = arith.muli %parallel_loop3A_356, %parallel_loop3A_374 : vector<16xi32>
      %parallel_loop3A_376 = arith.constant 2 : i32
      %parallel_loop3A_377 = vector.broadcast %parallel_loop3A_376 : i32 to vector<16xi32>
      %parallel_loop3A_378 = arith.addi %parallel_loop3A_375, %parallel_loop3A_377 : vector<16xi32>
      %parallel_loop3A_379 = arith.constant 7 : i32
      %parallel_loop3A_380 = vector.broadcast %parallel_loop3A_379 : i32 to vector<16xi32>
      %parallel_loop3A_381 = arith.shrsi %parallel_loop3A_378, %parallel_loop3A_380 : vector<16xi32>
      %parallel_loop3A_382 = arith.constant 127 : i32
      %parallel_loop3A_383 = vector.broadcast %parallel_loop3A_382 : i32 to vector<16xi32>
      %parallel_loop3A_384 = arith.andi %parallel_loop3A_378, %parallel_loop3A_383 : vector<16xi32>
      %parallel_loop3A_385 = arith.sitofp %parallel_loop3A_371 : vector<16xi32> to vector<16xf32>
      tpu.vector_store_idx %arg5[%parallel_loop3A_381, %parallel_loop3A_384], %parallel_loop3A_385 : memref<192x128xf32, #tpu.memory_space<vmem>>[vector<16xi32>, vector<16xi32>], vector<16xf32>,
      %parallel_loop3A_386 = arith.sitofp %parallel_loop3A_372 : vector<16xi32> to vector<16xf32>
      tpu.vector_store_idx %arg6[%parallel_loop3A_381, %parallel_loop3A_384], %parallel_loop3A_386 : memref<192x128xf32, #tpu.memory_space<vmem>>[vector<16xi32>, vector<16xi32>], vector<16xf32>,
    } {sc.loop_unroll_factor = 2 : i64, sc.parallel_access}
    %dma_wait3A_56 = arith.constant 3 : i32
    %dma_wait3A_57 = arith.constant 0 : i32
    %dma_wait3A_58 = tpu.memref_slice %arg2[%add3A, %dma_wait3A_56, %dma_wait3A_57] : memref<32x12x6144xf32, #tpu.memory_space<hbm>> -> memref<1x1x6144xf32, #tpu.memory_space<hbm>>
    %dma_wait3A_59 = tpu.memref_squeeze %dma_wait3A_58 : memref<1x1x6144xf32, #tpu.memory_space<hbm>> -> memref<6144xf32, #tpu.memory_space<hbm>>
    %dma_wait3A_60 = arith.constant 0 : i32
    %dma_wait3A_61 = tpu.memref_slice %arg2[%add3A, %dma_wait3A_56, %dma_wait3A_60] : memref<32x12x6144xf32, #tpu.memory_space<hbm>> -> memref<1x1x6144xf32, #tpu.memory_space<hbm>>
    %dma_wait3A_62 = tpu.memref_squeeze %dma_wait3A_61 : memref<1x1x6144xf32, #tpu.memory_space<hbm>> -> memref<6144xf32, #tpu.memory_space<hbm>>
    tpu.wait_dma2 semaphore(%arg10 : memref<!tpu.dma_semaphore, #tpu.memory_space<semaphore_mem>>) src(%dma_wait3A_62 : memref<6144xf32, #tpu.memory_space<hbm>>) dst(%arg8 : memref<6144xf32, #tpu.memory_space<vmem>>)
    %dma_start3A_63 = arith.constant 4 : i32
    %dma_start3A_64 = arith.constant 0 : i32
    %dma_start3A_65 = tpu.memref_slice %arg2[%add3A, %dma_start3A_63, %dma_start3A_64] : memref<32x12x6144xf32, #tpu.memory_space<hbm>> -> memref<1x1x6144xf32, #tpu.memory_space<hbm>>
    %dma_start3A_66 = tpu.memref_squeeze %dma_start3A_65 : memref<1x1x6144xf32, #tpu.memory_space<hbm>> -> memref<6144xf32, #tpu.memory_space<hbm>>
    %dma_start3A_67 = arith.constant 0 : i32
    %dma_start3A_68 = tpu.memref_slice %arg2[%add3A, %dma_start3A_63, %dma_start3A_67] : memref<32x12x6144xf32, #tpu.memory_space<hbm>> -> memref<1x1x6144xf32, #tpu.memory_space<hbm>>
    %dma_start3A_69 = tpu.memref_squeeze %dma_start3A_68 : memref<1x1x6144xf32, #tpu.memory_space<hbm>> -> memref<6144xf32, #tpu.memory_space<hbm>>
    tpu.enqueue_dma source(%dma_start3A_69 : memref<6144xf32, #tpu.memory_space<hbm>>) target(%arg7 : memref<6144xf32, #tpu.memory_space<vmem>>) target_semaphore(%arg9 : memref<!tpu.dma_semaphore, #tpu.memory_space<semaphore_mem>>)
    %parallel_loop3A_70 = arith.constant 0 : i32
    %parallel_loop3A_71 = arith.constant 32 : i32
    %parallel_loop3A_72 = arith.constant 1 : i32
    scf.for %parallel_loop3A_234 = %parallel_loop3A_70 to %parallel_loop3A_71 step %parallel_loop3A_72  : i32 {
      %parallel_loop3A_235 = arith.constant 4 : i32
      %parallel_loop3A_236 = arith.muli %parallel_loop3A_234, %parallel_loop3A_235 : i32
      %parallel_loop3A_237 = arith.constant 0 : i32
      %parallel_loop3A_238 = arith.addi %parallel_loop3A_236, %parallel_loop3A_237 : i32
      %parallel_loop3A_239 = arith.constant 16 : i32
      %parallel_loop3A_240 = arith.muli %parallel_loop3A_238, %parallel_loop3A_239 : i32
      %parallel_loop3A_241 = vector.broadcast %parallel_loop3A_240 : i32 to vector<16xi32>
      %parallel_loop3A_242 = arith.addi %parallel_loop3A_241, %iota3A : vector<16xi32>
      %parallel_loop3A_243 = arith.constant 3 : i32
      %parallel_loop3A_244 = vector.broadcast %parallel_loop3A_243 : i32 to vector<16xi32>
      %parallel_loop3A_245 = arith.muli %parallel_loop3A_242, %parallel_loop3A_244 : vector<16xi32>
      %parallel_loop3A_246 = arith.constant 1 : i32
      %parallel_loop3A_247 = vector.broadcast %parallel_loop3A_246 : i32 to vector<16xi32>
      %parallel_loop3A_248 = arith.addi %parallel_loop3A_245, %parallel_loop3A_247 : vector<16xi32>
      %parallel_loop3A_249 = tpu.vector_load_idx %arg8[%parallel_loop3A_248] : memref<6144xf32, #tpu.memory_space<vmem>>[vector<16xi32>], vector<16xf32>,
      %parallel_loop3A_250 = arith.constant 2 : i32
      %parallel_loop3A_251 = vector.broadcast %parallel_loop3A_250 : i32 to vector<16xi32>
      %parallel_loop3A_252 = arith.addi %parallel_loop3A_245, %parallel_loop3A_251 : vector<16xi32>
      %parallel_loop3A_253 = tpu.vector_load_idx %arg8[%parallel_loop3A_252] : memref<6144xf32, #tpu.memory_space<vmem>>[vector<16xi32>], vector<16xf32>,
      %parallel_loop3A_254 = arith.constant 2.880000e+02 : f32
      %parallel_loop3A_255 = vector.broadcast %parallel_loop3A_254 : f32 to vector<16xf32>
      %parallel_loop3A_256 = arith.mulf %parallel_loop3A_249, %parallel_loop3A_255 : vector<16xf32>
      %parallel_loop3A_257 = arith.fptosi %parallel_loop3A_256 : vector<16xf32> to vector<16xi32>
      %parallel_loop3A_258 = arith.fptosi %parallel_loop3A_253 : vector<16xf32> to vector<16xi32>
      %parallel_loop3A_259 = arith.constant 12 : i32
      %parallel_loop3A_260 = vector.broadcast %parallel_loop3A_259 : i32 to vector<16xi32>
      %parallel_loop3A_261 = arith.muli %parallel_loop3A_242, %parallel_loop3A_260 : vector<16xi32>
      %parallel_loop3A_262 = arith.constant 3 : i32
      %parallel_loop3A_263 = vector.broadcast %parallel_loop3A_262 : i32 to vector<16xi32>
      %parallel_loop3A_264 = arith.addi %parallel_loop3A_261, %parallel_loop3A_263 : vector<16xi32>
      %parallel_loop3A_265 = arith.constant 7 : i32
      %parallel_loop3A_266 = vector.broadcast %parallel_loop3A_265 : i32 to vector<16xi32>
      %parallel_loop3A_267 = arith.shrsi %parallel_loop3A_264, %parallel_loop3A_266 : vector<16xi32>
      %parallel_loop3A_268 = arith.constant 127 : i32
      %parallel_loop3A_269 = vector.broadcast %parallel_loop3A_268 : i32 to vector<16xi32>
      %parallel_loop3A_270 = arith.andi %parallel_loop3A_264, %parallel_loop3A_269 : vector<16xi32>
      %parallel_loop3A_271 = arith.sitofp %parallel_loop3A_257 : vector<16xi32> to vector<16xf32>
      tpu.vector_store_idx %arg5[%parallel_loop3A_267, %parallel_loop3A_270], %parallel_loop3A_271 : memref<192x128xf32, #tpu.memory_space<vmem>>[vector<16xi32>, vector<16xi32>], vector<16xf32>,
      %parallel_loop3A_272 = arith.sitofp %parallel_loop3A_258 : vector<16xi32> to vector<16xf32>
      tpu.vector_store_idx %arg6[%parallel_loop3A_267, %parallel_loop3A_270], %parallel_loop3A_272 : memref<192x128xf32, #tpu.memory_space<vmem>>[vector<16xi32>, vector<16xi32>], vector<16xf32>,
      %parallel_loop3A_273 = arith.constant 4 : i32
      %parallel_loop3A_274 = arith.muli %parallel_loop3A_234, %parallel_loop3A_273 : i32
      %parallel_loop3A_275 = arith.constant 1 : i32
      %parallel_loop3A_276 = arith.addi %parallel_loop3A_274, %parallel_loop3A_275 : i32
      %parallel_loop3A_277 = arith.constant 16 : i32
      %parallel_loop3A_278 = arith.muli %parallel_loop3A_276, %parallel_loop3A_277 : i32
      %parallel_loop3A_279 = vector.broadcast %parallel_loop3A_278 : i32 to vector<16xi32>
      %parallel_loop3A_280 = arith.addi %parallel_loop3A_279, %iota3A : vector<16xi32>
      %parallel_loop3A_281 = arith.constant 3 : i32
      %parallel_loop3A_282 = vector.broadcast %parallel_loop3A_281 : i32 to vector<16xi32>
      %parallel_loop3A_283 = arith.muli %parallel_loop3A_280, %parallel_loop3A_282 : vector<16xi32>
      %parallel_loop3A_284 = arith.constant 1 : i32
      %parallel_loop3A_285 = vector.broadcast %parallel_loop3A_284 : i32 to vector<16xi32>
      %parallel_loop3A_286 = arith.addi %parallel_loop3A_283, %parallel_loop3A_285 : vector<16xi32>
      %parallel_loop3A_287 = tpu.vector_load_idx %arg8[%parallel_loop3A_286] : memref<6144xf32, #tpu.memory_space<vmem>>[vector<16xi32>], vector<16xf32>,
      %parallel_loop3A_288 = arith.constant 2 : i32
      %parallel_loop3A_289 = vector.broadcast %parallel_loop3A_288 : i32 to vector<16xi32>
      %parallel_loop3A_290 = arith.addi %parallel_loop3A_283, %parallel_loop3A_289 : vector<16xi32>
      %parallel_loop3A_291 = tpu.vector_load_idx %arg8[%parallel_loop3A_290] : memref<6144xf32, #tpu.memory_space<vmem>>[vector<16xi32>], vector<16xf32>,
      %parallel_loop3A_292 = arith.constant 2.880000e+02 : f32
      %parallel_loop3A_293 = vector.broadcast %parallel_loop3A_292 : f32 to vector<16xf32>
      %parallel_loop3A_294 = arith.mulf %parallel_loop3A_287, %parallel_loop3A_293 : vector<16xf32>
      %parallel_loop3A_295 = arith.fptosi %parallel_loop3A_294 : vector<16xf32> to vector<16xi32>
      %parallel_loop3A_296 = arith.fptosi %parallel_loop3A_291 : vector<16xf32> to vector<16xi32>
      %parallel_loop3A_297 = arith.constant 12 : i32
      %parallel_loop3A_298 = vector.broadcast %parallel_loop3A_297 : i32 to vector<16xi32>
      %parallel_loop3A_299 = arith.muli %parallel_loop3A_280, %parallel_loop3A_298 : vector<16xi32>
      %parallel_loop3A_300 = arith.constant 3 : i32
      %parallel_loop3A_301 = vector.broadcast %parallel_loop3A_300 : i32 to vector<16xi32>
      %parallel_loop3A_302 = arith.addi %parallel_loop3A_299, %parallel_loop3A_301 : vector<16xi32>
      %parallel_loop3A_303 = arith.constant 7 : i32
      %parallel_loop3A_304 = vector.broadcast %parallel_loop3A_303 : i32 to vector<16xi32>
      %parallel_loop3A_305 = arith.shrsi %parallel_loop3A_302, %parallel_loop3A_304 : vector<16xi32>
      %parallel_loop3A_306 = arith.constant 127 : i32
      %parallel_loop3A_307 = vector.broadcast %parallel_loop3A_306 : i32 to vector<16xi32>
      %parallel_loop3A_308 = arith.andi %parallel_loop3A_302, %parallel_loop3A_307 : vector<16xi32>
      %parallel_loop3A_309 = arith.sitofp %parallel_loop3A_295 : vector<16xi32> to vector<16xf32>
      tpu.vector_store_idx %arg5[%parallel_loop3A_305, %parallel_loop3A_308], %parallel_loop3A_309 : memref<192x128xf32, #tpu.memory_space<vmem>>[vector<16xi32>, vector<16xi32>], vector<16xf32>,
      %parallel_loop3A_310 = arith.sitofp %parallel_loop3A_296 : vector<16xi32> to vector<16xf32>
      tpu.vector_store_idx %arg6[%parallel_loop3A_305, %parallel_loop3A_308], %parallel_loop3A_310 : memref<192x128xf32, #tpu.memory_space<vmem>>[vector<16xi32>, vector<16xi32>], vector<16xf32>,
      %parallel_loop3A_311 = arith.constant 4 : i32
      %parallel_loop3A_312 = arith.muli %parallel_loop3A_234, %parallel_loop3A_311 : i32
      %parallel_loop3A_313 = arith.constant 2 : i32
      %parallel_loop3A_314 = arith.addi %parallel_loop3A_312, %parallel_loop3A_313 : i32
      %parallel_loop3A_315 = arith.constant 16 : i32
      %parallel_loop3A_316 = arith.muli %parallel_loop3A_314, %parallel_loop3A_315 : i32
      %parallel_loop3A_317 = vector.broadcast %parallel_loop3A_316 : i32 to vector<16xi32>
      %parallel_loop3A_318 = arith.addi %parallel_loop3A_317, %iota3A : vector<16xi32>
      %parallel_loop3A_319 = arith.constant 3 : i32
      %parallel_loop3A_320 = vector.broadcast %parallel_loop3A_319 : i32 to vector<16xi32>
      %parallel_loop3A_321 = arith.muli %parallel_loop3A_318, %parallel_loop3A_320 : vector<16xi32>
      %parallel_loop3A_322 = arith.constant 1 : i32
      %parallel_loop3A_323 = vector.broadcast %parallel_loop3A_322 : i32 to vector<16xi32>
      %parallel_loop3A_324 = arith.addi %parallel_loop3A_321, %parallel_loop3A_323 : vector<16xi32>
      %parallel_loop3A_325 = tpu.vector_load_idx %arg8[%parallel_loop3A_324] : memref<6144xf32, #tpu.memory_space<vmem>>[vector<16xi32>], vector<16xf32>,
      %parallel_loop3A_326 = arith.constant 2 : i32
      %parallel_loop3A_327 = vector.broadcast %parallel_loop3A_326 : i32 to vector<16xi32>
      %parallel_loop3A_328 = arith.addi %parallel_loop3A_321, %parallel_loop3A_327 : vector<16xi32>
      %parallel_loop3A_329 = tpu.vector_load_idx %arg8[%parallel_loop3A_328] : memref<6144xf32, #tpu.memory_space<vmem>>[vector<16xi32>], vector<16xf32>,
      %parallel_loop3A_330 = arith.constant 2.880000e+02 : f32
      %parallel_loop3A_331 = vector.broadcast %parallel_loop3A_330 : f32 to vector<16xf32>
      %parallel_loop3A_332 = arith.mulf %parallel_loop3A_325, %parallel_loop3A_331 : vector<16xf32>
      %parallel_loop3A_333 = arith.fptosi %parallel_loop3A_332 : vector<16xf32> to vector<16xi32>
      %parallel_loop3A_334 = arith.fptosi %parallel_loop3A_329 : vector<16xf32> to vector<16xi32>
      %parallel_loop3A_335 = arith.constant 12 : i32
      %parallel_loop3A_336 = vector.broadcast %parallel_loop3A_335 : i32 to vector<16xi32>
      %parallel_loop3A_337 = arith.muli %parallel_loop3A_318, %parallel_loop3A_336 : vector<16xi32>
      %parallel_loop3A_338 = arith.constant 3 : i32
      %parallel_loop3A_339 = vector.broadcast %parallel_loop3A_338 : i32 to vector<16xi32>
      %parallel_loop3A_340 = arith.addi %parallel_loop3A_337, %parallel_loop3A_339 : vector<16xi32>
      %parallel_loop3A_341 = arith.constant 7 : i32
      %parallel_loop3A_342 = vector.broadcast %parallel_loop3A_341 : i32 to vector<16xi32>
      %parallel_loop3A_343 = arith.shrsi %parallel_loop3A_340, %parallel_loop3A_342 : vector<16xi32>
      %parallel_loop3A_344 = arith.constant 127 : i32
      %parallel_loop3A_345 = vector.broadcast %parallel_loop3A_344 : i32 to vector<16xi32>
      %parallel_loop3A_346 = arith.andi %parallel_loop3A_340, %parallel_loop3A_345 : vector<16xi32>
      %parallel_loop3A_347 = arith.sitofp %parallel_loop3A_333 : vector<16xi32> to vector<16xf32>
      tpu.vector_store_idx %arg5[%parallel_loop3A_343, %parallel_loop3A_346], %parallel_loop3A_347 : memref<192x128xf32, #tpu.memory_space<vmem>>[vector<16xi32>, vector<16xi32>], vector<16xf32>,
      %parallel_loop3A_348 = arith.sitofp %parallel_loop3A_334 : vector<16xi32> to vector<16xf32>
      tpu.vector_store_idx %arg6[%parallel_loop3A_343, %parallel_loop3A_346], %parallel_loop3A_348 : memref<192x128xf32, #tpu.memory_space<vmem>>[vector<16xi32>, vector<16xi32>], vector<16xf32>,
      %parallel_loop3A_349 = arith.constant 4 : i32
      %parallel_loop3A_350 = arith.muli %parallel_loop3A_234, %parallel_loop3A_349 : i32
      %parallel_loop3A_351 = arith.constant 3 : i32
      %parallel_loop3A_352 = arith.addi %parallel_loop3A_350, %parallel_loop3A_351 : i32
      %parallel_loop3A_353 = arith.constant 16 : i32
      %parallel_loop3A_354 = arith.muli %parallel_loop3A_352, %parallel_loop3A_353 : i32
      %parallel_loop3A_355 = vector.broadcast %parallel_loop3A_354 : i32 to vector<16xi32>
      %parallel_loop3A_356 = arith.addi %parallel_loop3A_355, %iota3A : vector<16xi32>
      %parallel_loop3A_357 = arith.constant 3 : i32
      %parallel_loop3A_358 = vector.broadcast %parallel_loop3A_357 : i32 to vector<16xi32>
      %parallel_loop3A_359 = arith.muli %parallel_loop3A_356, %parallel_loop3A_358 : vector<16xi32>
      %parallel_loop3A_360 = arith.constant 1 : i32
      %parallel_loop3A_361 = vector.broadcast %parallel_loop3A_360 : i32 to vector<16xi32>
      %parallel_loop3A_362 = arith.addi %parallel_loop3A_359, %parallel_loop3A_361 : vector<16xi32>
      %parallel_loop3A_363 = tpu.vector_load_idx %arg8[%parallel_loop3A_362] : memref<6144xf32, #tpu.memory_space<vmem>>[vector<16xi32>], vector<16xf32>,
      %parallel_loop3A_364 = arith.constant 2 : i32
      %parallel_loop3A_365 = vector.broadcast %parallel_loop3A_364 : i32 to vector<16xi32>
      %parallel_loop3A_366 = arith.addi %parallel_loop3A_359, %parallel_loop3A_365 : vector<16xi32>
      %parallel_loop3A_367 = tpu.vector_load_idx %arg8[%parallel_loop3A_366] : memref<6144xf32, #tpu.memory_space<vmem>>[vector<16xi32>], vector<16xf32>,
      %parallel_loop3A_368 = arith.constant 2.880000e+02 : f32
      %parallel_loop3A_369 = vector.broadcast %parallel_loop3A_368 : f32 to vector<16xf32>
      %parallel_loop3A_370 = arith.mulf %parallel_loop3A_363, %parallel_loop3A_369 : vector<16xf32>
      %parallel_loop3A_371 = arith.fptosi %parallel_loop3A_370 : vector<16xf32> to vector<16xi32>
      %parallel_loop3A_372 = arith.fptosi %parallel_loop3A_367 : vector<16xf32> to vector<16xi32>
      %parallel_loop3A_373 = arith.constant 12 : i32
      %parallel_loop3A_374 = vector.broadcast %parallel_loop3A_373 : i32 to vector<16xi32>
      %parallel_loop3A_375 = arith.muli %parallel_loop3A_356, %parallel_loop3A_374 : vector<16xi32>
      %parallel_loop3A_376 = arith.constant 3 : i32
      %parallel_loop3A_377 = vector.broadcast %parallel_loop3A_376 : i32 to vector<16xi32>
      %parallel_loop3A_378 = arith.addi %parallel_loop3A_375, %parallel_loop3A_377 : vector<16xi32>
      %parallel_loop3A_379 = arith.constant 7 : i32
      %parallel_loop3A_380 = vector.broadcast %parallel_loop3A_379 : i32 to vector<16xi32>
      %parallel_loop3A_381 = arith.shrsi %parallel_loop3A_378, %parallel_loop3A_380 : vector<16xi32>
      %parallel_loop3A_382 = arith.constant 127 : i32
      %parallel_loop3A_383 = vector.broadcast %parallel_loop3A_382 : i32 to vector<16xi32>
      %parallel_loop3A_384 = arith.andi %parallel_loop3A_378, %parallel_loop3A_383 : vector<16xi32>
      %parallel_loop3A_385 = arith.sitofp %parallel_loop3A_371 : vector<16xi32> to vector<16xf32>
      tpu.vector_store_idx %arg5[%parallel_loop3A_381, %parallel_loop3A_384], %parallel_loop3A_385 : memref<192x128xf32, #tpu.memory_space<vmem>>[vector<16xi32>, vector<16xi32>], vector<16xf32>,
      %parallel_loop3A_386 = arith.sitofp %parallel_loop3A_372 : vector<16xi32> to vector<16xf32>
      tpu.vector_store_idx %arg6[%parallel_loop3A_381, %parallel_loop3A_384], %parallel_loop3A_386 : memref<192x128xf32, #tpu.memory_space<vmem>>[vector<16xi32>, vector<16xi32>], vector<16xf32>,
    } {sc.loop_unroll_factor = 2 : i64, sc.parallel_access}
    %dma_wait3A_73 = arith.constant 4 : i32
    %dma_wait3A_74 = arith.constant 0 : i32
    %dma_wait3A_75 = tpu.memref_slice %arg2[%add3A, %dma_wait3A_73, %dma_wait3A_74] : memref<32x12x6144xf32, #tpu.memory_space<hbm>> -> memref<1x1x6144xf32, #tpu.memory_space<hbm>>
    %dma_wait3A_76 = tpu.memref_squeeze %dma_wait3A_75 : memref<1x1x6144xf32, #tpu.memory_space<hbm>> -> memref<6144xf32, #tpu.memory_space<hbm>>
    %dma_wait3A_77 = arith.constant 0 : i32
    %dma_wait3A_78 = tpu.memref_slice %arg2[%add3A, %dma_wait3A_73, %dma_wait3A_77] : memref<32x12x6144xf32, #tpu.memory_space<hbm>> -> memref<1x1x6144xf32, #tpu.memory_space<hbm>>
    %dma_wait3A_79 = tpu.memref_squeeze %dma_wait3A_78 : memref<1x1x6144xf32, #tpu.memory_space<hbm>> -> memref<6144xf32, #tpu.memory_space<hbm>>
    tpu.wait_dma2 semaphore(%arg9 : memref<!tpu.dma_semaphore, #tpu.memory_space<semaphore_mem>>) src(%dma_wait3A_79 : memref<6144xf32, #tpu.memory_space<hbm>>) dst(%arg7 : memref<6144xf32, #tpu.memory_space<vmem>>)
    %dma_start3A_80 = arith.constant 5 : i32
    %dma_start3A_81 = arith.constant 0 : i32
    %dma_start3A_82 = tpu.memref_slice %arg2[%add3A, %dma_start3A_80, %dma_start3A_81] : memref<32x12x6144xf32, #tpu.memory_space<hbm>> -> memref<1x1x6144xf32, #tpu.memory_space<hbm>>
    %dma_start3A_83 = tpu.memref_squeeze %dma_start3A_82 : memref<1x1x6144xf32, #tpu.memory_space<hbm>> -> memref<6144xf32, #tpu.memory_space<hbm>>
    %dma_start3A_84 = arith.constant 0 : i32
    %dma_start3A_85 = tpu.memref_slice %arg2[%add3A, %dma_start3A_80, %dma_start3A_84] : memref<32x12x6144xf32, #tpu.memory_space<hbm>> -> memref<1x1x6144xf32, #tpu.memory_space<hbm>>
    %dma_start3A_86 = tpu.memref_squeeze %dma_start3A_85 : memref<1x1x6144xf32, #tpu.memory_space<hbm>> -> memref<6144xf32, #tpu.memory_space<hbm>>
    tpu.enqueue_dma source(%dma_start3A_86 : memref<6144xf32, #tpu.memory_space<hbm>>) target(%arg8 : memref<6144xf32, #tpu.memory_space<vmem>>) target_semaphore(%arg10 : memref<!tpu.dma_semaphore, #tpu.memory_space<semaphore_mem>>)
    %parallel_loop3A_87 = arith.constant 0 : i32
    %parallel_loop3A_88 = arith.constant 32 : i32
    %parallel_loop3A_89 = arith.constant 1 : i32
    scf.for %parallel_loop3A_234 = %parallel_loop3A_87 to %parallel_loop3A_88 step %parallel_loop3A_89  : i32 {
      %parallel_loop3A_235 = arith.constant 4 : i32
      %parallel_loop3A_236 = arith.muli %parallel_loop3A_234, %parallel_loop3A_235 : i32
      %parallel_loop3A_237 = arith.constant 0 : i32
      %parallel_loop3A_238 = arith.addi %parallel_loop3A_236, %parallel_loop3A_237 : i32
      %parallel_loop3A_239 = arith.constant 16 : i32
      %parallel_loop3A_240 = arith.muli %parallel_loop3A_238, %parallel_loop3A_239 : i32
      %parallel_loop3A_241 = vector.broadcast %parallel_loop3A_240 : i32 to vector<16xi32>
      %parallel_loop3A_242 = arith.addi %parallel_loop3A_241, %iota3A : vector<16xi32>
      %parallel_loop3A_243 = arith.constant 3 : i32
      %parallel_loop3A_244 = vector.broadcast %parallel_loop3A_243 : i32 to vector<16xi32>
      %parallel_loop3A_245 = arith.muli %parallel_loop3A_242, %parallel_loop3A_244 : vector<16xi32>
      %parallel_loop3A_246 = arith.constant 1 : i32
      %parallel_loop3A_247 = vector.broadcast %parallel_loop3A_246 : i32 to vector<16xi32>
      %parallel_loop3A_248 = arith.addi %parallel_loop3A_245, %parallel_loop3A_247 : vector<16xi32>
      %parallel_loop3A_249 = tpu.vector_load_idx %arg7[%parallel_loop3A_248] : memref<6144xf32, #tpu.memory_space<vmem>>[vector<16xi32>], vector<16xf32>,
      %parallel_loop3A_250 = arith.constant 2 : i32
      %parallel_loop3A_251 = vector.broadcast %parallel_loop3A_250 : i32 to vector<16xi32>
      %parallel_loop3A_252 = arith.addi %parallel_loop3A_245, %parallel_loop3A_251 : vector<16xi32>
      %parallel_loop3A_253 = tpu.vector_load_idx %arg7[%parallel_loop3A_252] : memref<6144xf32, #tpu.memory_space<vmem>>[vector<16xi32>], vector<16xf32>,
      %parallel_loop3A_254 = arith.constant 2.880000e+02 : f32
      %parallel_loop3A_255 = vector.broadcast %parallel_loop3A_254 : f32 to vector<16xf32>
      %parallel_loop3A_256 = arith.mulf %parallel_loop3A_249, %parallel_loop3A_255 : vector<16xf32>
      %parallel_loop3A_257 = arith.fptosi %parallel_loop3A_256 : vector<16xf32> to vector<16xi32>
      %parallel_loop3A_258 = arith.fptosi %parallel_loop3A_253 : vector<16xf32> to vector<16xi32>
      %parallel_loop3A_259 = arith.constant 12 : i32
      %parallel_loop3A_260 = vector.broadcast %parallel_loop3A_259 : i32 to vector<16xi32>
      %parallel_loop3A_261 = arith.muli %parallel_loop3A_242, %parallel_loop3A_260 : vector<16xi32>
      %parallel_loop3A_262 = arith.constant 4 : i32
      %parallel_loop3A_263 = vector.broadcast %parallel_loop3A_262 : i32 to vector<16xi32>
      %parallel_loop3A_264 = arith.addi %parallel_loop3A_261, %parallel_loop3A_263 : vector<16xi32>
      %parallel_loop3A_265 = arith.constant 7 : i32
      %parallel_loop3A_266 = vector.broadcast %parallel_loop3A_265 : i32 to vector<16xi32>
      %parallel_loop3A_267 = arith.shrsi %parallel_loop3A_264, %parallel_loop3A_266 : vector<16xi32>
      %parallel_loop3A_268 = arith.constant 127 : i32
      %parallel_loop3A_269 = vector.broadcast %parallel_loop3A_268 : i32 to vector<16xi32>
      %parallel_loop3A_270 = arith.andi %parallel_loop3A_264, %parallel_loop3A_269 : vector<16xi32>
      %parallel_loop3A_271 = arith.sitofp %parallel_loop3A_257 : vector<16xi32> to vector<16xf32>
      tpu.vector_store_idx %arg5[%parallel_loop3A_267, %parallel_loop3A_270], %parallel_loop3A_271 : memref<192x128xf32, #tpu.memory_space<vmem>>[vector<16xi32>, vector<16xi32>], vector<16xf32>,
      %parallel_loop3A_272 = arith.sitofp %parallel_loop3A_258 : vector<16xi32> to vector<16xf32>
      tpu.vector_store_idx %arg6[%parallel_loop3A_267, %parallel_loop3A_270], %parallel_loop3A_272 : memref<192x128xf32, #tpu.memory_space<vmem>>[vector<16xi32>, vector<16xi32>], vector<16xf32>,
      %parallel_loop3A_273 = arith.constant 4 : i32
      %parallel_loop3A_274 = arith.muli %parallel_loop3A_234, %parallel_loop3A_273 : i32
      %parallel_loop3A_275 = arith.constant 1 : i32
      %parallel_loop3A_276 = arith.addi %parallel_loop3A_274, %parallel_loop3A_275 : i32
      %parallel_loop3A_277 = arith.constant 16 : i32
      %parallel_loop3A_278 = arith.muli %parallel_loop3A_276, %parallel_loop3A_277 : i32
      %parallel_loop3A_279 = vector.broadcast %parallel_loop3A_278 : i32 to vector<16xi32>
      %parallel_loop3A_280 = arith.addi %parallel_loop3A_279, %iota3A : vector<16xi32>
      %parallel_loop3A_281 = arith.constant 3 : i32
      %parallel_loop3A_282 = vector.broadcast %parallel_loop3A_281 : i32 to vector<16xi32>
      %parallel_loop3A_283 = arith.muli %parallel_loop3A_280, %parallel_loop3A_282 : vector<16xi32>
      %parallel_loop3A_284 = arith.constant 1 : i32
      %parallel_loop3A_285 = vector.broadcast %parallel_loop3A_284 : i32 to vector<16xi32>
      %parallel_loop3A_286 = arith.addi %parallel_loop3A_283, %parallel_loop3A_285 : vector<16xi32>
      %parallel_loop3A_287 = tpu.vector_load_idx %arg7[%parallel_loop3A_286] : memref<6144xf32, #tpu.memory_space<vmem>>[vector<16xi32>], vector<16xf32>,
      %parallel_loop3A_288 = arith.constant 2 : i32
      %parallel_loop3A_289 = vector.broadcast %parallel_loop3A_288 : i32 to vector<16xi32>
      %parallel_loop3A_290 = arith.addi %parallel_loop3A_283, %parallel_loop3A_289 : vector<16xi32>
      %parallel_loop3A_291 = tpu.vector_load_idx %arg7[%parallel_loop3A_290] : memref<6144xf32, #tpu.memory_space<vmem>>[vector<16xi32>], vector<16xf32>,
      %parallel_loop3A_292 = arith.constant 2.880000e+02 : f32
      %parallel_loop3A_293 = vector.broadcast %parallel_loop3A_292 : f32 to vector<16xf32>
      %parallel_loop3A_294 = arith.mulf %parallel_loop3A_287, %parallel_loop3A_293 : vector<16xf32>
      %parallel_loop3A_295 = arith.fptosi %parallel_loop3A_294 : vector<16xf32> to vector<16xi32>
      %parallel_loop3A_296 = arith.fptosi %parallel_loop3A_291 : vector<16xf32> to vector<16xi32>
      %parallel_loop3A_297 = arith.constant 12 : i32
      %parallel_loop3A_298 = vector.broadcast %parallel_loop3A_297 : i32 to vector<16xi32>
      %parallel_loop3A_299 = arith.muli %parallel_loop3A_280, %parallel_loop3A_298 : vector<16xi32>
      %parallel_loop3A_300 = arith.constant 4 : i32
      %parallel_loop3A_301 = vector.broadcast %parallel_loop3A_300 : i32 to vector<16xi32>
      %parallel_loop3A_302 = arith.addi %parallel_loop3A_299, %parallel_loop3A_301 : vector<16xi32>
      %parallel_loop3A_303 = arith.constant 7 : i32
      %parallel_loop3A_304 = vector.broadcast %parallel_loop3A_303 : i32 to vector<16xi32>
      %parallel_loop3A_305 = arith.shrsi %parallel_loop3A_302, %parallel_loop3A_304 : vector<16xi32>
      %parallel_loop3A_306 = arith.constant 127 : i32
      %parallel_loop3A_307 = vector.broadcast %parallel_loop3A_306 : i32 to vector<16xi32>
      %parallel_loop3A_308 = arith.andi %parallel_loop3A_302, %parallel_loop3A_307 : vector<16xi32>
      %parallel_loop3A_309 = arith.sitofp %parallel_loop3A_295 : vector<16xi32> to vector<16xf32>
      tpu.vector_store_idx %arg5[%parallel_loop3A_305, %parallel_loop3A_308], %parallel_loop3A_309 : memref<192x128xf32, #tpu.memory_space<vmem>>[vector<16xi32>, vector<16xi32>], vector<16xf32>,
      %parallel_loop3A_310 = arith.sitofp %parallel_loop3A_296 : vector<16xi32> to vector<16xf32>
      tpu.vector_store_idx %arg6[%parallel_loop3A_305, %parallel_loop3A_308], %parallel_loop3A_310 : memref<192x128xf32, #tpu.memory_space<vmem>>[vector<16xi32>, vector<16xi32>], vector<16xf32>,
      %parallel_loop3A_311 = arith.constant 4 : i32
      %parallel_loop3A_312 = arith.muli %parallel_loop3A_234, %parallel_loop3A_311 : i32
      %parallel_loop3A_313 = arith.constant 2 : i32
      %parallel_loop3A_314 = arith.addi %parallel_loop3A_312, %parallel_loop3A_313 : i32
      %parallel_loop3A_315 = arith.constant 16 : i32
      %parallel_loop3A_316 = arith.muli %parallel_loop3A_314, %parallel_loop3A_315 : i32
      %parallel_loop3A_317 = vector.broadcast %parallel_loop3A_316 : i32 to vector<16xi32>
      %parallel_loop3A_318 = arith.addi %parallel_loop3A_317, %iota3A : vector<16xi32>
      %parallel_loop3A_319 = arith.constant 3 : i32
      %parallel_loop3A_320 = vector.broadcast %parallel_loop3A_319 : i32 to vector<16xi32>
      %parallel_loop3A_321 = arith.muli %parallel_loop3A_318, %parallel_loop3A_320 : vector<16xi32>
      %parallel_loop3A_322 = arith.constant 1 : i32
      %parallel_loop3A_323 = vector.broadcast %parallel_loop3A_322 : i32 to vector<16xi32>
      %parallel_loop3A_324 = arith.addi %parallel_loop3A_321, %parallel_loop3A_323 : vector<16xi32>
      %parallel_loop3A_325 = tpu.vector_load_idx %arg7[%parallel_loop3A_324] : memref<6144xf32, #tpu.memory_space<vmem>>[vector<16xi32>], vector<16xf32>,
      %parallel_loop3A_326 = arith.constant 2 : i32
      %parallel_loop3A_327 = vector.broadcast %parallel_loop3A_326 : i32 to vector<16xi32>
      %parallel_loop3A_328 = arith.addi %parallel_loop3A_321, %parallel_loop3A_327 : vector<16xi32>
      %parallel_loop3A_329 = tpu.vector_load_idx %arg7[%parallel_loop3A_328] : memref<6144xf32, #tpu.memory_space<vmem>>[vector<16xi32>], vector<16xf32>,
      %parallel_loop3A_330 = arith.constant 2.880000e+02 : f32
      %parallel_loop3A_331 = vector.broadcast %parallel_loop3A_330 : f32 to vector<16xf32>
      %parallel_loop3A_332 = arith.mulf %parallel_loop3A_325, %parallel_loop3A_331 : vector<16xf32>
      %parallel_loop3A_333 = arith.fptosi %parallel_loop3A_332 : vector<16xf32> to vector<16xi32>
      %parallel_loop3A_334 = arith.fptosi %parallel_loop3A_329 : vector<16xf32> to vector<16xi32>
      %parallel_loop3A_335 = arith.constant 12 : i32
      %parallel_loop3A_336 = vector.broadcast %parallel_loop3A_335 : i32 to vector<16xi32>
      %parallel_loop3A_337 = arith.muli %parallel_loop3A_318, %parallel_loop3A_336 : vector<16xi32>
      %parallel_loop3A_338 = arith.constant 4 : i32
      %parallel_loop3A_339 = vector.broadcast %parallel_loop3A_338 : i32 to vector<16xi32>
      %parallel_loop3A_340 = arith.addi %parallel_loop3A_337, %parallel_loop3A_339 : vector<16xi32>
      %parallel_loop3A_341 = arith.constant 7 : i32
      %parallel_loop3A_342 = vector.broadcast %parallel_loop3A_341 : i32 to vector<16xi32>
      %parallel_loop3A_343 = arith.shrsi %parallel_loop3A_340, %parallel_loop3A_342 : vector<16xi32>
      %parallel_loop3A_344 = arith.constant 127 : i32
      %parallel_loop3A_345 = vector.broadcast %parallel_loop3A_344 : i32 to vector<16xi32>
      %parallel_loop3A_346 = arith.andi %parallel_loop3A_340, %parallel_loop3A_345 : vector<16xi32>
      %parallel_loop3A_347 = arith.sitofp %parallel_loop3A_333 : vector<16xi32> to vector<16xf32>
      tpu.vector_store_idx %arg5[%parallel_loop3A_343, %parallel_loop3A_346], %parallel_loop3A_347 : memref<192x128xf32, #tpu.memory_space<vmem>>[vector<16xi32>, vector<16xi32>], vector<16xf32>,
      %parallel_loop3A_348 = arith.sitofp %parallel_loop3A_334 : vector<16xi32> to vector<16xf32>
      tpu.vector_store_idx %arg6[%parallel_loop3A_343, %parallel_loop3A_346], %parallel_loop3A_348 : memref<192x128xf32, #tpu.memory_space<vmem>>[vector<16xi32>, vector<16xi32>], vector<16xf32>,
      %parallel_loop3A_349 = arith.constant 4 : i32
      %parallel_loop3A_350 = arith.muli %parallel_loop3A_234, %parallel_loop3A_349 : i32
      %parallel_loop3A_351 = arith.constant 3 : i32
      %parallel_loop3A_352 = arith.addi %parallel_loop3A_350, %parallel_loop3A_351 : i32
      %parallel_loop3A_353 = arith.constant 16 : i32
      %parallel_loop3A_354 = arith.muli %parallel_loop3A_352, %parallel_loop3A_353 : i32
      %parallel_loop3A_355 = vector.broadcast %parallel_loop3A_354 : i32 to vector<16xi32>
      %parallel_loop3A_356 = arith.addi %parallel_loop3A_355, %iota3A : vector<16xi32>
      %parallel_loop3A_357 = arith.constant 3 : i32
      %parallel_loop3A_358 = vector.broadcast %parallel_loop3A_357 : i32 to vector<16xi32>
      %parallel_loop3A_359 = arith.muli %parallel_loop3A_356, %parallel_loop3A_358 : vector<16xi32>
      %parallel_loop3A_360 = arith.constant 1 : i32
      %parallel_loop3A_361 = vector.broadcast %parallel_loop3A_360 : i32 to vector<16xi32>
      %parallel_loop3A_362 = arith.addi %parallel_loop3A_359, %parallel_loop3A_361 : vector<16xi32>
      %parallel_loop3A_363 = tpu.vector_load_idx %arg7[%parallel_loop3A_362] : memref<6144xf32, #tpu.memory_space<vmem>>[vector<16xi32>], vector<16xf32>,
      %parallel_loop3A_364 = arith.constant 2 : i32
      %parallel_loop3A_365 = vector.broadcast %parallel_loop3A_364 : i32 to vector<16xi32>
      %parallel_loop3A_366 = arith.addi %parallel_loop3A_359, %parallel_loop3A_365 : vector<16xi32>
      %parallel_loop3A_367 = tpu.vector_load_idx %arg7[%parallel_loop3A_366] : memref<6144xf32, #tpu.memory_space<vmem>>[vector<16xi32>], vector<16xf32>,
      %parallel_loop3A_368 = arith.constant 2.880000e+02 : f32
      %parallel_loop3A_369 = vector.broadcast %parallel_loop3A_368 : f32 to vector<16xf32>
      %parallel_loop3A_370 = arith.mulf %parallel_loop3A_363, %parallel_loop3A_369 : vector<16xf32>
      %parallel_loop3A_371 = arith.fptosi %parallel_loop3A_370 : vector<16xf32> to vector<16xi32>
      %parallel_loop3A_372 = arith.fptosi %parallel_loop3A_367 : vector<16xf32> to vector<16xi32>
      %parallel_loop3A_373 = arith.constant 12 : i32
      %parallel_loop3A_374 = vector.broadcast %parallel_loop3A_373 : i32 to vector<16xi32>
      %parallel_loop3A_375 = arith.muli %parallel_loop3A_356, %parallel_loop3A_374 : vector<16xi32>
      %parallel_loop3A_376 = arith.constant 4 : i32
      %parallel_loop3A_377 = vector.broadcast %parallel_loop3A_376 : i32 to vector<16xi32>
      %parallel_loop3A_378 = arith.addi %parallel_loop3A_375, %parallel_loop3A_377 : vector<16xi32>
      %parallel_loop3A_379 = arith.constant 7 : i32
      %parallel_loop3A_380 = vector.broadcast %parallel_loop3A_379 : i32 to vector<16xi32>
      %parallel_loop3A_381 = arith.shrsi %parallel_loop3A_378, %parallel_loop3A_380 : vector<16xi32>
      %parallel_loop3A_382 = arith.constant 127 : i32
      %parallel_loop3A_383 = vector.broadcast %parallel_loop3A_382 : i32 to vector<16xi32>
      %parallel_loop3A_384 = arith.andi %parallel_loop3A_378, %parallel_loop3A_383 : vector<16xi32>
      %parallel_loop3A_385 = arith.sitofp %parallel_loop3A_371 : vector<16xi32> to vector<16xf32>
      tpu.vector_store_idx %arg5[%parallel_loop3A_381, %parallel_loop3A_384], %parallel_loop3A_385 : memref<192x128xf32, #tpu.memory_space<vmem>>[vector<16xi32>, vector<16xi32>], vector<16xf32>,
      %parallel_loop3A_386 = arith.sitofp %parallel_loop3A_372 : vector<16xi32> to vector<16xf32>
      tpu.vector_store_idx %arg6[%parallel_loop3A_381, %parallel_loop3A_384], %parallel_loop3A_386 : memref<192x128xf32, #tpu.memory_space<vmem>>[vector<16xi32>, vector<16xi32>], vector<16xf32>,
    } {sc.loop_unroll_factor = 2 : i64, sc.parallel_access}
    %dma_wait3A_90 = arith.constant 5 : i32
    %dma_wait3A_91 = arith.constant 0 : i32
    %dma_wait3A_92 = tpu.memref_slice %arg2[%add3A, %dma_wait3A_90, %dma_wait3A_91] : memref<32x12x6144xf32, #tpu.memory_space<hbm>> -> memref<1x1x6144xf32, #tpu.memory_space<hbm>>
    %dma_wait3A_93 = tpu.memref_squeeze %dma_wait3A_92 : memref<1x1x6144xf32, #tpu.memory_space<hbm>> -> memref<6144xf32, #tpu.memory_space<hbm>>
    %dma_wait3A_94 = arith.constant 0 : i32
    %dma_wait3A_95 = tpu.memref_slice %arg2[%add3A, %dma_wait3A_90, %dma_wait3A_94] : memref<32x12x6144xf32, #tpu.memory_space<hbm>> -> memref<1x1x6144xf32, #tpu.memory_space<hbm>>
    %dma_wait3A_96 = tpu.memref_squeeze %dma_wait3A_95 : memref<1x1x6144xf32, #tpu.memory_space<hbm>> -> memref<6144xf32, #tpu.memory_space<hbm>>
    tpu.wait_dma2 semaphore(%arg10 : memref<!tpu.dma_semaphore, #tpu.memory_space<semaphore_mem>>) src(%dma_wait3A_96 : memref<6144xf32, #tpu.memory_space<hbm>>) dst(%arg8 : memref<6144xf32, #tpu.memory_space<vmem>>)
    %dma_start3A_97 = arith.constant 6 : i32
    %dma_start3A_98 = arith.constant 0 : i32
    %dma_start3A_99 = tpu.memref_slice %arg2[%add3A, %dma_start3A_97, %dma_start3A_98] : memref<32x12x6144xf32, #tpu.memory_space<hbm>> -> memref<1x1x6144xf32, #tpu.memory_space<hbm>>
    %dma_start3A_100 = tpu.memref_squeeze %dma_start3A_99 : memref<1x1x6144xf32, #tpu.memory_space<hbm>> -> memref<6144xf32, #tpu.memory_space<hbm>>
    %dma_start3A_101 = arith.constant 0 : i32
    %dma_start3A_102 = tpu.memref_slice %arg2[%add3A, %dma_start3A_97, %dma_start3A_101] : memref<32x12x6144xf32, #tpu.memory_space<hbm>> -> memref<1x1x6144xf32, #tpu.memory_space<hbm>>
    %dma_start3A_103 = tpu.memref_squeeze %dma_start3A_102 : memref<1x1x6144xf32, #tpu.memory_space<hbm>> -> memref<6144xf32, #tpu.memory_space<hbm>>
    tpu.enqueue_dma source(%dma_start3A_103 : memref<6144xf32, #tpu.memory_space<hbm>>) target(%arg7 : memref<6144xf32, #tpu.memory_space<vmem>>) target_semaphore(%arg9 : memref<!tpu.dma_semaphore, #tpu.memory_space<semaphore_mem>>)
    %parallel_loop3A_104 = arith.constant 0 : i32
    %parallel_loop3A_105 = arith.constant 32 : i32
    %parallel_loop3A_106 = arith.constant 1 : i32
    scf.for %parallel_loop3A_234 = %parallel_loop3A_104 to %parallel_loop3A_105 step %parallel_loop3A_106  : i32 {
      %parallel_loop3A_235 = arith.constant 4 : i32
      %parallel_loop3A_236 = arith.muli %parallel_loop3A_234, %parallel_loop3A_235 : i32
      %parallel_loop3A_237 = arith.constant 0 : i32
      %parallel_loop3A_238 = arith.addi %parallel_loop3A_236, %parallel_loop3A_237 : i32
      %parallel_loop3A_239 = arith.constant 16 : i32
      %parallel_loop3A_240 = arith.muli %parallel_loop3A_238, %parallel_loop3A_239 : i32
      %parallel_loop3A_241 = vector.broadcast %parallel_loop3A_240 : i32 to vector<16xi32>
      %parallel_loop3A_242 = arith.addi %parallel_loop3A_241, %iota3A : vector<16xi32>
      %parallel_loop3A_243 = arith.constant 3 : i32
      %parallel_loop3A_244 = vector.broadcast %parallel_loop3A_243 : i32 to vector<16xi32>
      %parallel_loop3A_245 = arith.muli %parallel_loop3A_242, %parallel_loop3A_244 : vector<16xi32>
      %parallel_loop3A_246 = arith.constant 1 : i32
      %parallel_loop3A_247 = vector.broadcast %parallel_loop3A_246 : i32 to vector<16xi32>
      %parallel_loop3A_248 = arith.addi %parallel_loop3A_245, %parallel_loop3A_247 : vector<16xi32>
      %parallel_loop3A_249 = tpu.vector_load_idx %arg8[%parallel_loop3A_248] : memref<6144xf32, #tpu.memory_space<vmem>>[vector<16xi32>], vector<16xf32>,
      %parallel_loop3A_250 = arith.constant 2 : i32
      %parallel_loop3A_251 = vector.broadcast %parallel_loop3A_250 : i32 to vector<16xi32>
      %parallel_loop3A_252 = arith.addi %parallel_loop3A_245, %parallel_loop3A_251 : vector<16xi32>
      %parallel_loop3A_253 = tpu.vector_load_idx %arg8[%parallel_loop3A_252] : memref<6144xf32, #tpu.memory_space<vmem>>[vector<16xi32>], vector<16xf32>,
      %parallel_loop3A_254 = arith.constant 2.880000e+02 : f32
      %parallel_loop3A_255 = vector.broadcast %parallel_loop3A_254 : f32 to vector<16xf32>
      %parallel_loop3A_256 = arith.mulf %parallel_loop3A_249, %parallel_loop3A_255 : vector<16xf32>
      %parallel_loop3A_257 = arith.fptosi %parallel_loop3A_256 : vector<16xf32> to vector<16xi32>
      %parallel_loop3A_258 = arith.fptosi %parallel_loop3A_253 : vector<16xf32> to vector<16xi32>
      %parallel_loop3A_259 = arith.constant 12 : i32
      %parallel_loop3A_260 = vector.broadcast %parallel_loop3A_259 : i32 to vector<16xi32>
      %parallel_loop3A_261 = arith.muli %parallel_loop3A_242, %parallel_loop3A_260 : vector<16xi32>
      %parallel_loop3A_262 = arith.constant 5 : i32
      %parallel_loop3A_263 = vector.broadcast %parallel_loop3A_262 : i32 to vector<16xi32>
      %parallel_loop3A_264 = arith.addi %parallel_loop3A_261, %parallel_loop3A_263 : vector<16xi32>
      %parallel_loop3A_265 = arith.constant 7 : i32
      %parallel_loop3A_266 = vector.broadcast %parallel_loop3A_265 : i32 to vector<16xi32>
      %parallel_loop3A_267 = arith.shrsi %parallel_loop3A_264, %parallel_loop3A_266 : vector<16xi32>
      %parallel_loop3A_268 = arith.constant 127 : i32
      %parallel_loop3A_269 = vector.broadcast %parallel_loop3A_268 : i32 to vector<16xi32>
      %parallel_loop3A_270 = arith.andi %parallel_loop3A_264, %parallel_loop3A_269 : vector<16xi32>
      %parallel_loop3A_271 = arith.sitofp %parallel_loop3A_257 : vector<16xi32> to vector<16xf32>
      tpu.vector_store_idx %arg5[%parallel_loop3A_267, %parallel_loop3A_270], %parallel_loop3A_271 : memref<192x128xf32, #tpu.memory_space<vmem>>[vector<16xi32>, vector<16xi32>], vector<16xf32>,
      %parallel_loop3A_272 = arith.sitofp %parallel_loop3A_258 : vector<16xi32> to vector<16xf32>
      tpu.vector_store_idx %arg6[%parallel_loop3A_267, %parallel_loop3A_270], %parallel_loop3A_272 : memref<192x128xf32, #tpu.memory_space<vmem>>[vector<16xi32>, vector<16xi32>], vector<16xf32>,
      %parallel_loop3A_273 = arith.constant 4 : i32
      %parallel_loop3A_274 = arith.muli %parallel_loop3A_234, %parallel_loop3A_273 : i32
      %parallel_loop3A_275 = arith.constant 1 : i32
      %parallel_loop3A_276 = arith.addi %parallel_loop3A_274, %parallel_loop3A_275 : i32
      %parallel_loop3A_277 = arith.constant 16 : i32
      %parallel_loop3A_278 = arith.muli %parallel_loop3A_276, %parallel_loop3A_277 : i32
      %parallel_loop3A_279 = vector.broadcast %parallel_loop3A_278 : i32 to vector<16xi32>
      %parallel_loop3A_280 = arith.addi %parallel_loop3A_279, %iota3A : vector<16xi32>
      %parallel_loop3A_281 = arith.constant 3 : i32
      %parallel_loop3A_282 = vector.broadcast %parallel_loop3A_281 : i32 to vector<16xi32>
      %parallel_loop3A_283 = arith.muli %parallel_loop3A_280, %parallel_loop3A_282 : vector<16xi32>
      %parallel_loop3A_284 = arith.constant 1 : i32
      %parallel_loop3A_285 = vector.broadcast %parallel_loop3A_284 : i32 to vector<16xi32>
      %parallel_loop3A_286 = arith.addi %parallel_loop3A_283, %parallel_loop3A_285 : vector<16xi32>
      %parallel_loop3A_287 = tpu.vector_load_idx %arg8[%parallel_loop3A_286] : memref<6144xf32, #tpu.memory_space<vmem>>[vector<16xi32>], vector<16xf32>,
      %parallel_loop3A_288 = arith.constant 2 : i32
      %parallel_loop3A_289 = vector.broadcast %parallel_loop3A_288 : i32 to vector<16xi32>
      %parallel_loop3A_290 = arith.addi %parallel_loop3A_283, %parallel_loop3A_289 : vector<16xi32>
      %parallel_loop3A_291 = tpu.vector_load_idx %arg8[%parallel_loop3A_290] : memref<6144xf32, #tpu.memory_space<vmem>>[vector<16xi32>], vector<16xf32>,
      %parallel_loop3A_292 = arith.constant 2.880000e+02 : f32
      %parallel_loop3A_293 = vector.broadcast %parallel_loop3A_292 : f32 to vector<16xf32>
      %parallel_loop3A_294 = arith.mulf %parallel_loop3A_287, %parallel_loop3A_293 : vector<16xf32>
      %parallel_loop3A_295 = arith.fptosi %parallel_loop3A_294 : vector<16xf32> to vector<16xi32>
      %parallel_loop3A_296 = arith.fptosi %parallel_loop3A_291 : vector<16xf32> to vector<16xi32>
      %parallel_loop3A_297 = arith.constant 12 : i32
      %parallel_loop3A_298 = vector.broadcast %parallel_loop3A_297 : i32 to vector<16xi32>
      %parallel_loop3A_299 = arith.muli %parallel_loop3A_280, %parallel_loop3A_298 : vector<16xi32>
      %parallel_loop3A_300 = arith.constant 5 : i32
      %parallel_loop3A_301 = vector.broadcast %parallel_loop3A_300 : i32 to vector<16xi32>
      %parallel_loop3A_302 = arith.addi %parallel_loop3A_299, %parallel_loop3A_301 : vector<16xi32>
      %parallel_loop3A_303 = arith.constant 7 : i32
      %parallel_loop3A_304 = vector.broadcast %parallel_loop3A_303 : i32 to vector<16xi32>
      %parallel_loop3A_305 = arith.shrsi %parallel_loop3A_302, %parallel_loop3A_304 : vector<16xi32>
      %parallel_loop3A_306 = arith.constant 127 : i32
      %parallel_loop3A_307 = vector.broadcast %parallel_loop3A_306 : i32 to vector<16xi32>
      %parallel_loop3A_308 = arith.andi %parallel_loop3A_302, %parallel_loop3A_307 : vector<16xi32>
      %parallel_loop3A_309 = arith.sitofp %parallel_loop3A_295 : vector<16xi32> to vector<16xf32>
      tpu.vector_store_idx %arg5[%parallel_loop3A_305, %parallel_loop3A_308], %parallel_loop3A_309 : memref<192x128xf32, #tpu.memory_space<vmem>>[vector<16xi32>, vector<16xi32>], vector<16xf32>,
      %parallel_loop3A_310 = arith.sitofp %parallel_loop3A_296 : vector<16xi32> to vector<16xf32>
      tpu.vector_store_idx %arg6[%parallel_loop3A_305, %parallel_loop3A_308], %parallel_loop3A_310 : memref<192x128xf32, #tpu.memory_space<vmem>>[vector<16xi32>, vector<16xi32>], vector<16xf32>,
      %parallel_loop3A_311 = arith.constant 4 : i32
      %parallel_loop3A_312 = arith.muli %parallel_loop3A_234, %parallel_loop3A_311 : i32
      %parallel_loop3A_313 = arith.constant 2 : i32
      %parallel_loop3A_314 = arith.addi %parallel_loop3A_312, %parallel_loop3A_313 : i32
      %parallel_loop3A_315 = arith.constant 16 : i32
      %parallel_loop3A_316 = arith.muli %parallel_loop3A_314, %parallel_loop3A_315 : i32
      %parallel_loop3A_317 = vector.broadcast %parallel_loop3A_316 : i32 to vector<16xi32>
      %parallel_loop3A_318 = arith.addi %parallel_loop3A_317, %iota3A : vector<16xi32>
      %parallel_loop3A_319 = arith.constant 3 : i32
      %parallel_loop3A_320 = vector.broadcast %parallel_loop3A_319 : i32 to vector<16xi32>
      %parallel_loop3A_321 = arith.muli %parallel_loop3A_318, %parallel_loop3A_320 : vector<16xi32>
      %parallel_loop3A_322 = arith.constant 1 : i32
      %parallel_loop3A_323 = vector.broadcast %parallel_loop3A_322 : i32 to vector<16xi32>
      %parallel_loop3A_324 = arith.addi %parallel_loop3A_321, %parallel_loop3A_323 : vector<16xi32>
      %parallel_loop3A_325 = tpu.vector_load_idx %arg8[%parallel_loop3A_324] : memref<6144xf32, #tpu.memory_space<vmem>>[vector<16xi32>], vector<16xf32>,
      %parallel_loop3A_326 = arith.constant 2 : i32
      %parallel_loop3A_327 = vector.broadcast %parallel_loop3A_326 : i32 to vector<16xi32>
      %parallel_loop3A_328 = arith.addi %parallel_loop3A_321, %parallel_loop3A_327 : vector<16xi32>
      %parallel_loop3A_329 = tpu.vector_load_idx %arg8[%parallel_loop3A_328] : memref<6144xf32, #tpu.memory_space<vmem>>[vector<16xi32>], vector<16xf32>,
      %parallel_loop3A_330 = arith.constant 2.880000e+02 : f32
      %parallel_loop3A_331 = vector.broadcast %parallel_loop3A_330 : f32 to vector<16xf32>
      %parallel_loop3A_332 = arith.mulf %parallel_loop3A_325, %parallel_loop3A_331 : vector<16xf32>
      %parallel_loop3A_333 = arith.fptosi %parallel_loop3A_332 : vector<16xf32> to vector<16xi32>
      %parallel_loop3A_334 = arith.fptosi %parallel_loop3A_329 : vector<16xf32> to vector<16xi32>
      %parallel_loop3A_335 = arith.constant 12 : i32
      %parallel_loop3A_336 = vector.broadcast %parallel_loop3A_335 : i32 to vector<16xi32>
      %parallel_loop3A_337 = arith.muli %parallel_loop3A_318, %parallel_loop3A_336 : vector<16xi32>
      %parallel_loop3A_338 = arith.constant 5 : i32
      %parallel_loop3A_339 = vector.broadcast %parallel_loop3A_338 : i32 to vector<16xi32>
      %parallel_loop3A_340 = arith.addi %parallel_loop3A_337, %parallel_loop3A_339 : vector<16xi32>
      %parallel_loop3A_341 = arith.constant 7 : i32
      %parallel_loop3A_342 = vector.broadcast %parallel_loop3A_341 : i32 to vector<16xi32>
      %parallel_loop3A_343 = arith.shrsi %parallel_loop3A_340, %parallel_loop3A_342 : vector<16xi32>
      %parallel_loop3A_344 = arith.constant 127 : i32
      %parallel_loop3A_345 = vector.broadcast %parallel_loop3A_344 : i32 to vector<16xi32>
      %parallel_loop3A_346 = arith.andi %parallel_loop3A_340, %parallel_loop3A_345 : vector<16xi32>
      %parallel_loop3A_347 = arith.sitofp %parallel_loop3A_333 : vector<16xi32> to vector<16xf32>
      tpu.vector_store_idx %arg5[%parallel_loop3A_343, %parallel_loop3A_346], %parallel_loop3A_347 : memref<192x128xf32, #tpu.memory_space<vmem>>[vector<16xi32>, vector<16xi32>], vector<16xf32>,
      %parallel_loop3A_348 = arith.sitofp %parallel_loop3A_334 : vector<16xi32> to vector<16xf32>
      tpu.vector_store_idx %arg6[%parallel_loop3A_343, %parallel_loop3A_346], %parallel_loop3A_348 : memref<192x128xf32, #tpu.memory_space<vmem>>[vector<16xi32>, vector<16xi32>], vector<16xf32>,
      %parallel_loop3A_349 = arith.constant 4 : i32
      %parallel_loop3A_350 = arith.muli %parallel_loop3A_234, %parallel_loop3A_349 : i32
      %parallel_loop3A_351 = arith.constant 3 : i32
      %parallel_loop3A_352 = arith.addi %parallel_loop3A_350, %parallel_loop3A_351 : i32
      %parallel_loop3A_353 = arith.constant 16 : i32
      %parallel_loop3A_354 = arith.muli %parallel_loop3A_352, %parallel_loop3A_353 : i32
      %parallel_loop3A_355 = vector.broadcast %parallel_loop3A_354 : i32 to vector<16xi32>
      %parallel_loop3A_356 = arith.addi %parallel_loop3A_355, %iota3A : vector<16xi32>
      %parallel_loop3A_357 = arith.constant 3 : i32
      %parallel_loop3A_358 = vector.broadcast %parallel_loop3A_357 : i32 to vector<16xi32>
      %parallel_loop3A_359 = arith.muli %parallel_loop3A_356, %parallel_loop3A_358 : vector<16xi32>
      %parallel_loop3A_360 = arith.constant 1 : i32
      %parallel_loop3A_361 = vector.broadcast %parallel_loop3A_360 : i32 to vector<16xi32>
      %parallel_loop3A_362 = arith.addi %parallel_loop3A_359, %parallel_loop3A_361 : vector<16xi32>
      %parallel_loop3A_363 = tpu.vector_load_idx %arg8[%parallel_loop3A_362] : memref<6144xf32, #tpu.memory_space<vmem>>[vector<16xi32>], vector<16xf32>,
      %parallel_loop3A_364 = arith.constant 2 : i32
      %parallel_loop3A_365 = vector.broadcast %parallel_loop3A_364 : i32 to vector<16xi32>
      %parallel_loop3A_366 = arith.addi %parallel_loop3A_359, %parallel_loop3A_365 : vector<16xi32>
      %parallel_loop3A_367 = tpu.vector_load_idx %arg8[%parallel_loop3A_366] : memref<6144xf32, #tpu.memory_space<vmem>>[vector<16xi32>], vector<16xf32>,
      %parallel_loop3A_368 = arith.constant 2.880000e+02 : f32
      %parallel_loop3A_369 = vector.broadcast %parallel_loop3A_368 : f32 to vector<16xf32>
      %parallel_loop3A_370 = arith.mulf %parallel_loop3A_363, %parallel_loop3A_369 : vector<16xf32>
      %parallel_loop3A_371 = arith.fptosi %parallel_loop3A_370 : vector<16xf32> to vector<16xi32>
      %parallel_loop3A_372 = arith.fptosi %parallel_loop3A_367 : vector<16xf32> to vector<16xi32>
      %parallel_loop3A_373 = arith.constant 12 : i32
      %parallel_loop3A_374 = vector.broadcast %parallel_loop3A_373 : i32 to vector<16xi32>
      %parallel_loop3A_375 = arith.muli %parallel_loop3A_356, %parallel_loop3A_374 : vector<16xi32>
      %parallel_loop3A_376 = arith.constant 5 : i32
      %parallel_loop3A_377 = vector.broadcast %parallel_loop3A_376 : i32 to vector<16xi32>
      %parallel_loop3A_378 = arith.addi %parallel_loop3A_375, %parallel_loop3A_377 : vector<16xi32>
      %parallel_loop3A_379 = arith.constant 7 : i32
      %parallel_loop3A_380 = vector.broadcast %parallel_loop3A_379 : i32 to vector<16xi32>
      %parallel_loop3A_381 = arith.shrsi %parallel_loop3A_378, %parallel_loop3A_380 : vector<16xi32>
      %parallel_loop3A_382 = arith.constant 127 : i32
      %parallel_loop3A_383 = vector.broadcast %parallel_loop3A_382 : i32 to vector<16xi32>
      %parallel_loop3A_384 = arith.andi %parallel_loop3A_378, %parallel_loop3A_383 : vector<16xi32>
      %parallel_loop3A_385 = arith.sitofp %parallel_loop3A_371 : vector<16xi32> to vector<16xf32>
      tpu.vector_store_idx %arg5[%parallel_loop3A_381, %parallel_loop3A_384], %parallel_loop3A_385 : memref<192x128xf32, #tpu.memory_space<vmem>>[vector<16xi32>, vector<16xi32>], vector<16xf32>,
      %parallel_loop3A_386 = arith.sitofp %parallel_loop3A_372 : vector<16xi32> to vector<16xf32>
      tpu.vector_store_idx %arg6[%parallel_loop3A_381, %parallel_loop3A_384], %parallel_loop3A_386 : memref<192x128xf32, #tpu.memory_space<vmem>>[vector<16xi32>, vector<16xi32>], vector<16xf32>,
    } {sc.loop_unroll_factor = 2 : i64, sc.parallel_access}
    %dma_wait3A_107 = arith.constant 6 : i32
    %dma_wait3A_108 = arith.constant 0 : i32
    %dma_wait3A_109 = tpu.memref_slice %arg2[%add3A, %dma_wait3A_107, %dma_wait3A_108] : memref<32x12x6144xf32, #tpu.memory_space<hbm>> -> memref<1x1x6144xf32, #tpu.memory_space<hbm>>
    %dma_wait3A_110 = tpu.memref_squeeze %dma_wait3A_109 : memref<1x1x6144xf32, #tpu.memory_space<hbm>> -> memref<6144xf32, #tpu.memory_space<hbm>>
    %dma_wait3A_111 = arith.constant 0 : i32
    %dma_wait3A_112 = tpu.memref_slice %arg2[%add3A, %dma_wait3A_107, %dma_wait3A_111] : memref<32x12x6144xf32, #tpu.memory_space<hbm>> -> memref<1x1x6144xf32, #tpu.memory_space<hbm>>
    %dma_wait3A_113 = tpu.memref_squeeze %dma_wait3A_112 : memref<1x1x6144xf32, #tpu.memory_space<hbm>> -> memref<6144xf32, #tpu.memory_space<hbm>>
    tpu.wait_dma2 semaphore(%arg9 : memref<!tpu.dma_semaphore, #tpu.memory_space<semaphore_mem>>) src(%dma_wait3A_113 : memref<6144xf32, #tpu.memory_space<hbm>>) dst(%arg7 : memref<6144xf32, #tpu.memory_space<vmem>>)
    %dma_start3A_114 = arith.constant 7 : i32
    %dma_start3A_115 = arith.constant 0 : i32
    %dma_start3A_116 = tpu.memref_slice %arg2[%add3A, %dma_start3A_114, %dma_start3A_115] : memref<32x12x6144xf32, #tpu.memory_space<hbm>> -> memref<1x1x6144xf32, #tpu.memory_space<hbm>>
    %dma_start3A_117 = tpu.memref_squeeze %dma_start3A_116 : memref<1x1x6144xf32, #tpu.memory_space<hbm>> -> memref<6144xf32, #tpu.memory_space<hbm>>
    %dma_start3A_118 = arith.constant 0 : i32
    %dma_start3A_119 = tpu.memref_slice %arg2[%add3A, %dma_start3A_114, %dma_start3A_118] : memref<32x12x6144xf32, #tpu.memory_space<hbm>> -> memref<1x1x6144xf32, #tpu.memory_space<hbm>>
    %dma_start3A_120 = tpu.memref_squeeze %dma_start3A_119 : memref<1x1x6144xf32, #tpu.memory_space<hbm>> -> memref<6144xf32, #tpu.memory_space<hbm>>
    tpu.enqueue_dma source(%dma_start3A_120 : memref<6144xf32, #tpu.memory_space<hbm>>) target(%arg8 : memref<6144xf32, #tpu.memory_space<vmem>>) target_semaphore(%arg10 : memref<!tpu.dma_semaphore, #tpu.memory_space<semaphore_mem>>)
    %parallel_loop3A_121 = arith.constant 0 : i32
    %parallel_loop3A_122 = arith.constant 32 : i32
    %parallel_loop3A_123 = arith.constant 1 : i32
    scf.for %parallel_loop3A_234 = %parallel_loop3A_121 to %parallel_loop3A_122 step %parallel_loop3A_123  : i32 {
      %parallel_loop3A_235 = arith.constant 4 : i32
      %parallel_loop3A_236 = arith.muli %parallel_loop3A_234, %parallel_loop3A_235 : i32
      %parallel_loop3A_237 = arith.constant 0 : i32
      %parallel_loop3A_238 = arith.addi %parallel_loop3A_236, %parallel_loop3A_237 : i32
      %parallel_loop3A_239 = arith.constant 16 : i32
      %parallel_loop3A_240 = arith.muli %parallel_loop3A_238, %parallel_loop3A_239 : i32
      %parallel_loop3A_241 = vector.broadcast %parallel_loop3A_240 : i32 to vector<16xi32>
      %parallel_loop3A_242 = arith.addi %parallel_loop3A_241, %iota3A : vector<16xi32>
      %parallel_loop3A_243 = arith.constant 3 : i32
      %parallel_loop3A_244 = vector.broadcast %parallel_loop3A_243 : i32 to vector<16xi32>
      %parallel_loop3A_245 = arith.muli %parallel_loop3A_242, %parallel_loop3A_244 : vector<16xi32>
      %parallel_loop3A_246 = arith.constant 1 : i32
      %parallel_loop3A_247 = vector.broadcast %parallel_loop3A_246 : i32 to vector<16xi32>
      %parallel_loop3A_248 = arith.addi %parallel_loop3A_245, %parallel_loop3A_247 : vector<16xi32>
      %parallel_loop3A_249 = tpu.vector_load_idx %arg7[%parallel_loop3A_248] : memref<6144xf32, #tpu.memory_space<vmem>>[vector<16xi32>], vector<16xf32>,
      %parallel_loop3A_250 = arith.constant 2 : i32
      %parallel_loop3A_251 = vector.broadcast %parallel_loop3A_250 : i32 to vector<16xi32>
      %parallel_loop3A_252 = arith.addi %parallel_loop3A_245, %parallel_loop3A_251 : vector<16xi32>
      %parallel_loop3A_253 = tpu.vector_load_idx %arg7[%parallel_loop3A_252] : memref<6144xf32, #tpu.memory_space<vmem>>[vector<16xi32>], vector<16xf32>,
      %parallel_loop3A_254 = arith.constant 2.880000e+02 : f32
      %parallel_loop3A_255 = vector.broadcast %parallel_loop3A_254 : f32 to vector<16xf32>
      %parallel_loop3A_256 = arith.mulf %parallel_loop3A_249, %parallel_loop3A_255 : vector<16xf32>
      %parallel_loop3A_257 = arith.fptosi %parallel_loop3A_256 : vector<16xf32> to vector<16xi32>
      %parallel_loop3A_258 = arith.fptosi %parallel_loop3A_253 : vector<16xf32> to vector<16xi32>
      %parallel_loop3A_259 = arith.constant 12 : i32
      %parallel_loop3A_260 = vector.broadcast %parallel_loop3A_259 : i32 to vector<16xi32>
      %parallel_loop3A_261 = arith.muli %parallel_loop3A_242, %parallel_loop3A_260 : vector<16xi32>
      %parallel_loop3A_262 = arith.constant 6 : i32
      %parallel_loop3A_263 = vector.broadcast %parallel_loop3A_262 : i32 to vector<16xi32>
      %parallel_loop3A_264 = arith.addi %parallel_loop3A_261, %parallel_loop3A_263 : vector<16xi32>
      %parallel_loop3A_265 = arith.constant 7 : i32
      %parallel_loop3A_266 = vector.broadcast %parallel_loop3A_265 : i32 to vector<16xi32>
      %parallel_loop3A_267 = arith.shrsi %parallel_loop3A_264, %parallel_loop3A_266 : vector<16xi32>
      %parallel_loop3A_268 = arith.constant 127 : i32
      %parallel_loop3A_269 = vector.broadcast %parallel_loop3A_268 : i32 to vector<16xi32>
      %parallel_loop3A_270 = arith.andi %parallel_loop3A_264, %parallel_loop3A_269 : vector<16xi32>
      %parallel_loop3A_271 = arith.sitofp %parallel_loop3A_257 : vector<16xi32> to vector<16xf32>
      tpu.vector_store_idx %arg5[%parallel_loop3A_267, %parallel_loop3A_270], %parallel_loop3A_271 : memref<192x128xf32, #tpu.memory_space<vmem>>[vector<16xi32>, vector<16xi32>], vector<16xf32>,
      %parallel_loop3A_272 = arith.sitofp %parallel_loop3A_258 : vector<16xi32> to vector<16xf32>
      tpu.vector_store_idx %arg6[%parallel_loop3A_267, %parallel_loop3A_270], %parallel_loop3A_272 : memref<192x128xf32, #tpu.memory_space<vmem>>[vector<16xi32>, vector<16xi32>], vector<16xf32>,
      %parallel_loop3A_273 = arith.constant 4 : i32
      %parallel_loop3A_274 = arith.muli %parallel_loop3A_234, %parallel_loop3A_273 : i32
      %parallel_loop3A_275 = arith.constant 1 : i32
      %parallel_loop3A_276 = arith.addi %parallel_loop3A_274, %parallel_loop3A_275 : i32
      %parallel_loop3A_277 = arith.constant 16 : i32
      %parallel_loop3A_278 = arith.muli %parallel_loop3A_276, %parallel_loop3A_277 : i32
      %parallel_loop3A_279 = vector.broadcast %parallel_loop3A_278 : i32 to vector<16xi32>
      %parallel_loop3A_280 = arith.addi %parallel_loop3A_279, %iota3A : vector<16xi32>
      %parallel_loop3A_281 = arith.constant 3 : i32
      %parallel_loop3A_282 = vector.broadcast %parallel_loop3A_281 : i32 to vector<16xi32>
      %parallel_loop3A_283 = arith.muli %parallel_loop3A_280, %parallel_loop3A_282 : vector<16xi32>
      %parallel_loop3A_284 = arith.constant 1 : i32
      %parallel_loop3A_285 = vector.broadcast %parallel_loop3A_284 : i32 to vector<16xi32>
      %parallel_loop3A_286 = arith.addi %parallel_loop3A_283, %parallel_loop3A_285 : vector<16xi32>
      %parallel_loop3A_287 = tpu.vector_load_idx %arg7[%parallel_loop3A_286] : memref<6144xf32, #tpu.memory_space<vmem>>[vector<16xi32>], vector<16xf32>,
      %parallel_loop3A_288 = arith.constant 2 : i32
      %parallel_loop3A_289 = vector.broadcast %parallel_loop3A_288 : i32 to vector<16xi32>
      %parallel_loop3A_290 = arith.addi %parallel_loop3A_283, %parallel_loop3A_289 : vector<16xi32>
      %parallel_loop3A_291 = tpu.vector_load_idx %arg7[%parallel_loop3A_290] : memref<6144xf32, #tpu.memory_space<vmem>>[vector<16xi32>], vector<16xf32>,
      %parallel_loop3A_292 = arith.constant 2.880000e+02 : f32
      %parallel_loop3A_293 = vector.broadcast %parallel_loop3A_292 : f32 to vector<16xf32>
      %parallel_loop3A_294 = arith.mulf %parallel_loop3A_287, %parallel_loop3A_293 : vector<16xf32>
      %parallel_loop3A_295 = arith.fptosi %parallel_loop3A_294 : vector<16xf32> to vector<16xi32>
      %parallel_loop3A_296 = arith.fptosi %parallel_loop3A_291 : vector<16xf32> to vector<16xi32>
      %parallel_loop3A_297 = arith.constant 12 : i32
      %parallel_loop3A_298 = vector.broadcast %parallel_loop3A_297 : i32 to vector<16xi32>
      %parallel_loop3A_299 = arith.muli %parallel_loop3A_280, %parallel_loop3A_298 : vector<16xi32>
      %parallel_loop3A_300 = arith.constant 6 : i32
      %parallel_loop3A_301 = vector.broadcast %parallel_loop3A_300 : i32 to vector<16xi32>
      %parallel_loop3A_302 = arith.addi %parallel_loop3A_299, %parallel_loop3A_301 : vector<16xi32>
      %parallel_loop3A_303 = arith.constant 7 : i32
      %parallel_loop3A_304 = vector.broadcast %parallel_loop3A_303 : i32 to vector<16xi32>
      %parallel_loop3A_305 = arith.shrsi %parallel_loop3A_302, %parallel_loop3A_304 : vector<16xi32>
      %parallel_loop3A_306 = arith.constant 127 : i32
      %parallel_loop3A_307 = vector.broadcast %parallel_loop3A_306 : i32 to vector<16xi32>
      %parallel_loop3A_308 = arith.andi %parallel_loop3A_302, %parallel_loop3A_307 : vector<16xi32>
      %parallel_loop3A_309 = arith.sitofp %parallel_loop3A_295 : vector<16xi32> to vector<16xf32>
      tpu.vector_store_idx %arg5[%parallel_loop3A_305, %parallel_loop3A_308], %parallel_loop3A_309 : memref<192x128xf32, #tpu.memory_space<vmem>>[vector<16xi32>, vector<16xi32>], vector<16xf32>,
      %parallel_loop3A_310 = arith.sitofp %parallel_loop3A_296 : vector<16xi32> to vector<16xf32>
      tpu.vector_store_idx %arg6[%parallel_loop3A_305, %parallel_loop3A_308], %parallel_loop3A_310 : memref<192x128xf32, #tpu.memory_space<vmem>>[vector<16xi32>, vector<16xi32>], vector<16xf32>,
      %parallel_loop3A_311 = arith.constant 4 : i32
      %parallel_loop3A_312 = arith.muli %parallel_loop3A_234, %parallel_loop3A_311 : i32
      %parallel_loop3A_313 = arith.constant 2 : i32
      %parallel_loop3A_314 = arith.addi %parallel_loop3A_312, %parallel_loop3A_313 : i32
      %parallel_loop3A_315 = arith.constant 16 : i32
      %parallel_loop3A_316 = arith.muli %parallel_loop3A_314, %parallel_loop3A_315 : i32
      %parallel_loop3A_317 = vector.broadcast %parallel_loop3A_316 : i32 to vector<16xi32>
      %parallel_loop3A_318 = arith.addi %parallel_loop3A_317, %iota3A : vector<16xi32>
      %parallel_loop3A_319 = arith.constant 3 : i32
      %parallel_loop3A_320 = vector.broadcast %parallel_loop3A_319 : i32 to vector<16xi32>
      %parallel_loop3A_321 = arith.muli %parallel_loop3A_318, %parallel_loop3A_320 : vector<16xi32>
      %parallel_loop3A_322 = arith.constant 1 : i32
      %parallel_loop3A_323 = vector.broadcast %parallel_loop3A_322 : i32 to vector<16xi32>
      %parallel_loop3A_324 = arith.addi %parallel_loop3A_321, %parallel_loop3A_323 : vector<16xi32>
      %parallel_loop3A_325 = tpu.vector_load_idx %arg7[%parallel_loop3A_324] : memref<6144xf32, #tpu.memory_space<vmem>>[vector<16xi32>], vector<16xf32>,
      %parallel_loop3A_326 = arith.constant 2 : i32
      %parallel_loop3A_327 = vector.broadcast %parallel_loop3A_326 : i32 to vector<16xi32>
      %parallel_loop3A_328 = arith.addi %parallel_loop3A_321, %parallel_loop3A_327 : vector<16xi32>
      %parallel_loop3A_329 = tpu.vector_load_idx %arg7[%parallel_loop3A_328] : memref<6144xf32, #tpu.memory_space<vmem>>[vector<16xi32>], vector<16xf32>,
      %parallel_loop3A_330 = arith.constant 2.880000e+02 : f32
      %parallel_loop3A_331 = vector.broadcast %parallel_loop3A_330 : f32 to vector<16xf32>
      %parallel_loop3A_332 = arith.mulf %parallel_loop3A_325, %parallel_loop3A_331 : vector<16xf32>
      %parallel_loop3A_333 = arith.fptosi %parallel_loop3A_332 : vector<16xf32> to vector<16xi32>
      %parallel_loop3A_334 = arith.fptosi %parallel_loop3A_329 : vector<16xf32> to vector<16xi32>
      %parallel_loop3A_335 = arith.constant 12 : i32
      %parallel_loop3A_336 = vector.broadcast %parallel_loop3A_335 : i32 to vector<16xi32>
      %parallel_loop3A_337 = arith.muli %parallel_loop3A_318, %parallel_loop3A_336 : vector<16xi32>
      %parallel_loop3A_338 = arith.constant 6 : i32
      %parallel_loop3A_339 = vector.broadcast %parallel_loop3A_338 : i32 to vector<16xi32>
      %parallel_loop3A_340 = arith.addi %parallel_loop3A_337, %parallel_loop3A_339 : vector<16xi32>
      %parallel_loop3A_341 = arith.constant 7 : i32
      %parallel_loop3A_342 = vector.broadcast %parallel_loop3A_341 : i32 to vector<16xi32>
      %parallel_loop3A_343 = arith.shrsi %parallel_loop3A_340, %parallel_loop3A_342 : vector<16xi32>
      %parallel_loop3A_344 = arith.constant 127 : i32
      %parallel_loop3A_345 = vector.broadcast %parallel_loop3A_344 : i32 to vector<16xi32>
      %parallel_loop3A_346 = arith.andi %parallel_loop3A_340, %parallel_loop3A_345 : vector<16xi32>
      %parallel_loop3A_347 = arith.sitofp %parallel_loop3A_333 : vector<16xi32> to vector<16xf32>
      tpu.vector_store_idx %arg5[%parallel_loop3A_343, %parallel_loop3A_346], %parallel_loop3A_347 : memref<192x128xf32, #tpu.memory_space<vmem>>[vector<16xi32>, vector<16xi32>], vector<16xf32>,
      %parallel_loop3A_348 = arith.sitofp %parallel_loop3A_334 : vector<16xi32> to vector<16xf32>
      tpu.vector_store_idx %arg6[%parallel_loop3A_343, %parallel_loop3A_346], %parallel_loop3A_348 : memref<192x128xf32, #tpu.memory_space<vmem>>[vector<16xi32>, vector<16xi32>], vector<16xf32>,
      %parallel_loop3A_349 = arith.constant 4 : i32
      %parallel_loop3A_350 = arith.muli %parallel_loop3A_234, %parallel_loop3A_349 : i32
      %parallel_loop3A_351 = arith.constant 3 : i32
      %parallel_loop3A_352 = arith.addi %parallel_loop3A_350, %parallel_loop3A_351 : i32
      %parallel_loop3A_353 = arith.constant 16 : i32
      %parallel_loop3A_354 = arith.muli %parallel_loop3A_352, %parallel_loop3A_353 : i32
      %parallel_loop3A_355 = vector.broadcast %parallel_loop3A_354 : i32 to vector<16xi32>
      %parallel_loop3A_356 = arith.addi %parallel_loop3A_355, %iota3A : vector<16xi32>
      %parallel_loop3A_357 = arith.constant 3 : i32
      %parallel_loop3A_358 = vector.broadcast %parallel_loop3A_357 : i32 to vector<16xi32>
      %parallel_loop3A_359 = arith.muli %parallel_loop3A_356, %parallel_loop3A_358 : vector<16xi32>
      %parallel_loop3A_360 = arith.constant 1 : i32
      %parallel_loop3A_361 = vector.broadcast %parallel_loop3A_360 : i32 to vector<16xi32>
      %parallel_loop3A_362 = arith.addi %parallel_loop3A_359, %parallel_loop3A_361 : vector<16xi32>
      %parallel_loop3A_363 = tpu.vector_load_idx %arg7[%parallel_loop3A_362] : memref<6144xf32, #tpu.memory_space<vmem>>[vector<16xi32>], vector<16xf32>,
      %parallel_loop3A_364 = arith.constant 2 : i32
      %parallel_loop3A_365 = vector.broadcast %parallel_loop3A_364 : i32 to vector<16xi32>
      %parallel_loop3A_366 = arith.addi %parallel_loop3A_359, %parallel_loop3A_365 : vector<16xi32>
      %parallel_loop3A_367 = tpu.vector_load_idx %arg7[%parallel_loop3A_366] : memref<6144xf32, #tpu.memory_space<vmem>>[vector<16xi32>], vector<16xf32>,
      %parallel_loop3A_368 = arith.constant 2.880000e+02 : f32
      %parallel_loop3A_369 = vector.broadcast %parallel_loop3A_368 : f32 to vector<16xf32>
      %parallel_loop3A_370 = arith.mulf %parallel_loop3A_363, %parallel_loop3A_369 : vector<16xf32>
      %parallel_loop3A_371 = arith.fptosi %parallel_loop3A_370 : vector<16xf32> to vector<16xi32>
      %parallel_loop3A_372 = arith.fptosi %parallel_loop3A_367 : vector<16xf32> to vector<16xi32>
      %parallel_loop3A_373 = arith.constant 12 : i32
      %parallel_loop3A_374 = vector.broadcast %parallel_loop3A_373 : i32 to vector<16xi32>
      %parallel_loop3A_375 = arith.muli %parallel_loop3A_356, %parallel_loop3A_374 : vector<16xi32>
      %parallel_loop3A_376 = arith.constant 6 : i32
      %parallel_loop3A_377 = vector.broadcast %parallel_loop3A_376 : i32 to vector<16xi32>
      %parallel_loop3A_378 = arith.addi %parallel_loop3A_375, %parallel_loop3A_377 : vector<16xi32>
      %parallel_loop3A_379 = arith.constant 7 : i32
      %parallel_loop3A_380 = vector.broadcast %parallel_loop3A_379 : i32 to vector<16xi32>
      %parallel_loop3A_381 = arith.shrsi %parallel_loop3A_378, %parallel_loop3A_380 : vector<16xi32>
      %parallel_loop3A_382 = arith.constant 127 : i32
      %parallel_loop3A_383 = vector.broadcast %parallel_loop3A_382 : i32 to vector<16xi32>
      %parallel_loop3A_384 = arith.andi %parallel_loop3A_378, %parallel_loop3A_383 : vector<16xi32>
      %parallel_loop3A_385 = arith.sitofp %parallel_loop3A_371 : vector<16xi32> to vector<16xf32>
      tpu.vector_store_idx %arg5[%parallel_loop3A_381, %parallel_loop3A_384], %parallel_loop3A_385 : memref<192x128xf32, #tpu.memory_space<vmem>>[vector<16xi32>, vector<16xi32>], vector<16xf32>,
      %parallel_loop3A_386 = arith.sitofp %parallel_loop3A_372 : vector<16xi32> to vector<16xf32>
      tpu.vector_store_idx %arg6[%parallel_loop3A_381, %parallel_loop3A_384], %parallel_loop3A_386 : memref<192x128xf32, #tpu.memory_space<vmem>>[vector<16xi32>, vector<16xi32>], vector<16xf32>,
    } {sc.loop_unroll_factor = 2 : i64, sc.parallel_access}
    %dma_wait3A_124 = arith.constant 7 : i32
    %dma_wait3A_125 = arith.constant 0 : i32
    %dma_wait3A_126 = tpu.memref_slice %arg2[%add3A, %dma_wait3A_124, %dma_wait3A_125] : memref<32x12x6144xf32, #tpu.memory_space<hbm>> -> memref<1x1x6144xf32, #tpu.memory_space<hbm>>
    %dma_wait3A_127 = tpu.memref_squeeze %dma_wait3A_126 : memref<1x1x6144xf32, #tpu.memory_space<hbm>> -> memref<6144xf32, #tpu.memory_space<hbm>>
    %dma_wait3A_128 = arith.constant 0 : i32
    %dma_wait3A_129 = tpu.memref_slice %arg2[%add3A, %dma_wait3A_124, %dma_wait3A_128] : memref<32x12x6144xf32, #tpu.memory_space<hbm>> -> memref<1x1x6144xf32, #tpu.memory_space<hbm>>
    %dma_wait3A_130 = tpu.memref_squeeze %dma_wait3A_129 : memref<1x1x6144xf32, #tpu.memory_space<hbm>> -> memref<6144xf32, #tpu.memory_space<hbm>>
    tpu.wait_dma2 semaphore(%arg10 : memref<!tpu.dma_semaphore, #tpu.memory_space<semaphore_mem>>) src(%dma_wait3A_130 : memref<6144xf32, #tpu.memory_space<hbm>>) dst(%arg8 : memref<6144xf32, #tpu.memory_space<vmem>>)
    %dma_start3A_131 = arith.constant 8 : i32
    %dma_start3A_132 = arith.constant 0 : i32
    %dma_start3A_133 = tpu.memref_slice %arg2[%add3A, %dma_start3A_131, %dma_start3A_132] : memref<32x12x6144xf32, #tpu.memory_space<hbm>> -> memref<1x1x6144xf32, #tpu.memory_space<hbm>>
    %dma_start3A_134 = tpu.memref_squeeze %dma_start3A_133 : memref<1x1x6144xf32, #tpu.memory_space<hbm>> -> memref<6144xf32, #tpu.memory_space<hbm>>
    %dma_start3A_135 = arith.constant 0 : i32
    %dma_start3A_136 = tpu.memref_slice %arg2[%add3A, %dma_start3A_131, %dma_start3A_135] : memref<32x12x6144xf32, #tpu.memory_space<hbm>> -> memref<1x1x6144xf32, #tpu.memory_space<hbm>>
    %dma_start3A_137 = tpu.memref_squeeze %dma_start3A_136 : memref<1x1x6144xf32, #tpu.memory_space<hbm>> -> memref<6144xf32, #tpu.memory_space<hbm>>
    tpu.enqueue_dma source(%dma_start3A_137 : memref<6144xf32, #tpu.memory_space<hbm>>) target(%arg7 : memref<6144xf32, #tpu.memory_space<vmem>>) target_semaphore(%arg9 : memref<!tpu.dma_semaphore, #tpu.memory_space<semaphore_mem>>)
    %parallel_loop3A_138 = arith.constant 0 : i32
    %parallel_loop3A_139 = arith.constant 32 : i32
    %parallel_loop3A_140 = arith.constant 1 : i32
    scf.for %parallel_loop3A_234 = %parallel_loop3A_138 to %parallel_loop3A_139 step %parallel_loop3A_140  : i32 {
      %parallel_loop3A_235 = arith.constant 4 : i32
      %parallel_loop3A_236 = arith.muli %parallel_loop3A_234, %parallel_loop3A_235 : i32
      %parallel_loop3A_237 = arith.constant 0 : i32
      %parallel_loop3A_238 = arith.addi %parallel_loop3A_236, %parallel_loop3A_237 : i32
      %parallel_loop3A_239 = arith.constant 16 : i32
      %parallel_loop3A_240 = arith.muli %parallel_loop3A_238, %parallel_loop3A_239 : i32
      %parallel_loop3A_241 = vector.broadcast %parallel_loop3A_240 : i32 to vector<16xi32>
      %parallel_loop3A_242 = arith.addi %parallel_loop3A_241, %iota3A : vector<16xi32>
      %parallel_loop3A_243 = arith.constant 3 : i32
      %parallel_loop3A_244 = vector.broadcast %parallel_loop3A_243 : i32 to vector<16xi32>
      %parallel_loop3A_245 = arith.muli %parallel_loop3A_242, %parallel_loop3A_244 : vector<16xi32>
      %parallel_loop3A_246 = arith.constant 1 : i32
      %parallel_loop3A_247 = vector.broadcast %parallel_loop3A_246 : i32 to vector<16xi32>
      %parallel_loop3A_248 = arith.addi %parallel_loop3A_245, %parallel_loop3A_247 : vector<16xi32>
      %parallel_loop3A_249 = tpu.vector_load_idx %arg8[%parallel_loop3A_248] : memref<6144xf32, #tpu.memory_space<vmem>>[vector<16xi32>], vector<16xf32>,
      %parallel_loop3A_250 = arith.constant 2 : i32
      %parallel_loop3A_251 = vector.broadcast %parallel_loop3A_250 : i32 to vector<16xi32>
      %parallel_loop3A_252 = arith.addi %parallel_loop3A_245, %parallel_loop3A_251 : vector<16xi32>
      %parallel_loop3A_253 = tpu.vector_load_idx %arg8[%parallel_loop3A_252] : memref<6144xf32, #tpu.memory_space<vmem>>[vector<16xi32>], vector<16xf32>,
      %parallel_loop3A_254 = arith.constant 2.880000e+02 : f32
      %parallel_loop3A_255 = vector.broadcast %parallel_loop3A_254 : f32 to vector<16xf32>
      %parallel_loop3A_256 = arith.mulf %parallel_loop3A_249, %parallel_loop3A_255 : vector<16xf32>
      %parallel_loop3A_257 = arith.fptosi %parallel_loop3A_256 : vector<16xf32> to vector<16xi32>
      %parallel_loop3A_258 = arith.fptosi %parallel_loop3A_253 : vector<16xf32> to vector<16xi32>
      %parallel_loop3A_259 = arith.constant 12 : i32
      %parallel_loop3A_260 = vector.broadcast %parallel_loop3A_259 : i32 to vector<16xi32>
      %parallel_loop3A_261 = arith.muli %parallel_loop3A_242, %parallel_loop3A_260 : vector<16xi32>
      %parallel_loop3A_262 = arith.constant 7 : i32
      %parallel_loop3A_263 = vector.broadcast %parallel_loop3A_262 : i32 to vector<16xi32>
      %parallel_loop3A_264 = arith.addi %parallel_loop3A_261, %parallel_loop3A_263 : vector<16xi32>
      %parallel_loop3A_265 = arith.constant 7 : i32
      %parallel_loop3A_266 = vector.broadcast %parallel_loop3A_265 : i32 to vector<16xi32>
      %parallel_loop3A_267 = arith.shrsi %parallel_loop3A_264, %parallel_loop3A_266 : vector<16xi32>
      %parallel_loop3A_268 = arith.constant 127 : i32
      %parallel_loop3A_269 = vector.broadcast %parallel_loop3A_268 : i32 to vector<16xi32>
      %parallel_loop3A_270 = arith.andi %parallel_loop3A_264, %parallel_loop3A_269 : vector<16xi32>
      %parallel_loop3A_271 = arith.sitofp %parallel_loop3A_257 : vector<16xi32> to vector<16xf32>
      tpu.vector_store_idx %arg5[%parallel_loop3A_267, %parallel_loop3A_270], %parallel_loop3A_271 : memref<192x128xf32, #tpu.memory_space<vmem>>[vector<16xi32>, vector<16xi32>], vector<16xf32>,
      %parallel_loop3A_272 = arith.sitofp %parallel_loop3A_258 : vector<16xi32> to vector<16xf32>
      tpu.vector_store_idx %arg6[%parallel_loop3A_267, %parallel_loop3A_270], %parallel_loop3A_272 : memref<192x128xf32, #tpu.memory_space<vmem>>[vector<16xi32>, vector<16xi32>], vector<16xf32>,
      %parallel_loop3A_273 = arith.constant 4 : i32
      %parallel_loop3A_274 = arith.muli %parallel_loop3A_234, %parallel_loop3A_273 : i32
      %parallel_loop3A_275 = arith.constant 1 : i32
      %parallel_loop3A_276 = arith.addi %parallel_loop3A_274, %parallel_loop3A_275 : i32
      %parallel_loop3A_277 = arith.constant 16 : i32
      %parallel_loop3A_278 = arith.muli %parallel_loop3A_276, %parallel_loop3A_277 : i32
      %parallel_loop3A_279 = vector.broadcast %parallel_loop3A_278 : i32 to vector<16xi32>
      %parallel_loop3A_280 = arith.addi %parallel_loop3A_279, %iota3A : vector<16xi32>
      %parallel_loop3A_281 = arith.constant 3 : i32
      %parallel_loop3A_282 = vector.broadcast %parallel_loop3A_281 : i32 to vector<16xi32>
      %parallel_loop3A_283 = arith.muli %parallel_loop3A_280, %parallel_loop3A_282 : vector<16xi32>
      %parallel_loop3A_284 = arith.constant 1 : i32
      %parallel_loop3A_285 = vector.broadcast %parallel_loop3A_284 : i32 to vector<16xi32>
      %parallel_loop3A_286 = arith.addi %parallel_loop3A_283, %parallel_loop3A_285 : vector<16xi32>
      %parallel_loop3A_287 = tpu.vector_load_idx %arg8[%parallel_loop3A_286] : memref<6144xf32, #tpu.memory_space<vmem>>[vector<16xi32>], vector<16xf32>,
      %parallel_loop3A_288 = arith.constant 2 : i32
      %parallel_loop3A_289 = vector.broadcast %parallel_loop3A_288 : i32 to vector<16xi32>
      %parallel_loop3A_290 = arith.addi %parallel_loop3A_283, %parallel_loop3A_289 : vector<16xi32>
      %parallel_loop3A_291 = tpu.vector_load_idx %arg8[%parallel_loop3A_290] : memref<6144xf32, #tpu.memory_space<vmem>>[vector<16xi32>], vector<16xf32>,
      %parallel_loop3A_292 = arith.constant 2.880000e+02 : f32
      %parallel_loop3A_293 = vector.broadcast %parallel_loop3A_292 : f32 to vector<16xf32>
      %parallel_loop3A_294 = arith.mulf %parallel_loop3A_287, %parallel_loop3A_293 : vector<16xf32>
      %parallel_loop3A_295 = arith.fptosi %parallel_loop3A_294 : vector<16xf32> to vector<16xi32>
      %parallel_loop3A_296 = arith.fptosi %parallel_loop3A_291 : vector<16xf32> to vector<16xi32>
      %parallel_loop3A_297 = arith.constant 12 : i32
      %parallel_loop3A_298 = vector.broadcast %parallel_loop3A_297 : i32 to vector<16xi32>
      %parallel_loop3A_299 = arith.muli %parallel_loop3A_280, %parallel_loop3A_298 : vector<16xi32>
      %parallel_loop3A_300 = arith.constant 7 : i32
      %parallel_loop3A_301 = vector.broadcast %parallel_loop3A_300 : i32 to vector<16xi32>
      %parallel_loop3A_302 = arith.addi %parallel_loop3A_299, %parallel_loop3A_301 : vector<16xi32>
      %parallel_loop3A_303 = arith.constant 7 : i32
      %parallel_loop3A_304 = vector.broadcast %parallel_loop3A_303 : i32 to vector<16xi32>
      %parallel_loop3A_305 = arith.shrsi %parallel_loop3A_302, %parallel_loop3A_304 : vector<16xi32>
      %parallel_loop3A_306 = arith.constant 127 : i32
      %parallel_loop3A_307 = vector.broadcast %parallel_loop3A_306 : i32 to vector<16xi32>
      %parallel_loop3A_308 = arith.andi %parallel_loop3A_302, %parallel_loop3A_307 : vector<16xi32>
      %parallel_loop3A_309 = arith.sitofp %parallel_loop3A_295 : vector<16xi32> to vector<16xf32>
      tpu.vector_store_idx %arg5[%parallel_loop3A_305, %parallel_loop3A_308], %parallel_loop3A_309 : memref<192x128xf32, #tpu.memory_space<vmem>>[vector<16xi32>, vector<16xi32>], vector<16xf32>,
      %parallel_loop3A_310 = arith.sitofp %parallel_loop3A_296 : vector<16xi32> to vector<16xf32>
      tpu.vector_store_idx %arg6[%parallel_loop3A_305, %parallel_loop3A_308], %parallel_loop3A_310 : memref<192x128xf32, #tpu.memory_space<vmem>>[vector<16xi32>, vector<16xi32>], vector<16xf32>,
      %parallel_loop3A_311 = arith.constant 4 : i32
      %parallel_loop3A_312 = arith.muli %parallel_loop3A_234, %parallel_loop3A_311 : i32
      %parallel_loop3A_313 = arith.constant 2 : i32
      %parallel_loop3A_314 = arith.addi %parallel_loop3A_312, %parallel_loop3A_313 : i32
      %parallel_loop3A_315 = arith.constant 16 : i32
      %parallel_loop3A_316 = arith.muli %parallel_loop3A_314, %parallel_loop3A_315 : i32
      %parallel_loop3A_317 = vector.broadcast %parallel_loop3A_316 : i32 to vector<16xi32>
      %parallel_loop3A_318 = arith.addi %parallel_loop3A_317, %iota3A : vector<16xi32>
      %parallel_loop3A_319 = arith.constant 3 : i32
      %parallel_loop3A_320 = vector.broadcast %parallel_loop3A_319 : i32 to vector<16xi32>
      %parallel_loop3A_321 = arith.muli %parallel_loop3A_318, %parallel_loop3A_320 : vector<16xi32>
      %parallel_loop3A_322 = arith.constant 1 : i32
      %parallel_loop3A_323 = vector.broadcast %parallel_loop3A_322 : i32 to vector<16xi32>
      %parallel_loop3A_324 = arith.addi %parallel_loop3A_321, %parallel_loop3A_323 : vector<16xi32>
      %parallel_loop3A_325 = tpu.vector_load_idx %arg8[%parallel_loop3A_324] : memref<6144xf32, #tpu.memory_space<vmem>>[vector<16xi32>], vector<16xf32>,
      %parallel_loop3A_326 = arith.constant 2 : i32
      %parallel_loop3A_327 = vector.broadcast %parallel_loop3A_326 : i32 to vector<16xi32>
      %parallel_loop3A_328 = arith.addi %parallel_loop3A_321, %parallel_loop3A_327 : vector<16xi32>
      %parallel_loop3A_329 = tpu.vector_load_idx %arg8[%parallel_loop3A_328] : memref<6144xf32, #tpu.memory_space<vmem>>[vector<16xi32>], vector<16xf32>,
      %parallel_loop3A_330 = arith.constant 2.880000e+02 : f32
      %parallel_loop3A_331 = vector.broadcast %parallel_loop3A_330 : f32 to vector<16xf32>
      %parallel_loop3A_332 = arith.mulf %parallel_loop3A_325, %parallel_loop3A_331 : vector<16xf32>
      %parallel_loop3A_333 = arith.fptosi %parallel_loop3A_332 : vector<16xf32> to vector<16xi32>
      %parallel_loop3A_334 = arith.fptosi %parallel_loop3A_329 : vector<16xf32> to vector<16xi32>
      %parallel_loop3A_335 = arith.constant 12 : i32
      %parallel_loop3A_336 = vector.broadcast %parallel_loop3A_335 : i32 to vector<16xi32>
      %parallel_loop3A_337 = arith.muli %parallel_loop3A_318, %parallel_loop3A_336 : vector<16xi32>
      %parallel_loop3A_338 = arith.constant 7 : i32
      %parallel_loop3A_339 = vector.broadcast %parallel_loop3A_338 : i32 to vector<16xi32>
      %parallel_loop3A_340 = arith.addi %parallel_loop3A_337, %parallel_loop3A_339 : vector<16xi32>
      %parallel_loop3A_341 = arith.constant 7 : i32
      %parallel_loop3A_342 = vector.broadcast %parallel_loop3A_341 : i32 to vector<16xi32>
      %parallel_loop3A_343 = arith.shrsi %parallel_loop3A_340, %parallel_loop3A_342 : vector<16xi32>
      %parallel_loop3A_344 = arith.constant 127 : i32
      %parallel_loop3A_345 = vector.broadcast %parallel_loop3A_344 : i32 to vector<16xi32>
      %parallel_loop3A_346 = arith.andi %parallel_loop3A_340, %parallel_loop3A_345 : vector<16xi32>
      %parallel_loop3A_347 = arith.sitofp %parallel_loop3A_333 : vector<16xi32> to vector<16xf32>
      tpu.vector_store_idx %arg5[%parallel_loop3A_343, %parallel_loop3A_346], %parallel_loop3A_347 : memref<192x128xf32, #tpu.memory_space<vmem>>[vector<16xi32>, vector<16xi32>], vector<16xf32>,
      %parallel_loop3A_348 = arith.sitofp %parallel_loop3A_334 : vector<16xi32> to vector<16xf32>
      tpu.vector_store_idx %arg6[%parallel_loop3A_343, %parallel_loop3A_346], %parallel_loop3A_348 : memref<192x128xf32, #tpu.memory_space<vmem>>[vector<16xi32>, vector<16xi32>], vector<16xf32>,
      %parallel_loop3A_349 = arith.constant 4 : i32
      %parallel_loop3A_350 = arith.muli %parallel_loop3A_234, %parallel_loop3A_349 : i32
      %parallel_loop3A_351 = arith.constant 3 : i32
      %parallel_loop3A_352 = arith.addi %parallel_loop3A_350, %parallel_loop3A_351 : i32
      %parallel_loop3A_353 = arith.constant 16 : i32
      %parallel_loop3A_354 = arith.muli %parallel_loop3A_352, %parallel_loop3A_353 : i32
      %parallel_loop3A_355 = vector.broadcast %parallel_loop3A_354 : i32 to vector<16xi32>
      %parallel_loop3A_356 = arith.addi %parallel_loop3A_355, %iota3A : vector<16xi32>
      %parallel_loop3A_357 = arith.constant 3 : i32
      %parallel_loop3A_358 = vector.broadcast %parallel_loop3A_357 : i32 to vector<16xi32>
      %parallel_loop3A_359 = arith.muli %parallel_loop3A_356, %parallel_loop3A_358 : vector<16xi32>
      %parallel_loop3A_360 = arith.constant 1 : i32
      %parallel_loop3A_361 = vector.broadcast %parallel_loop3A_360 : i32 to vector<16xi32>
      %parallel_loop3A_362 = arith.addi %parallel_loop3A_359, %parallel_loop3A_361 : vector<16xi32>
      %parallel_loop3A_363 = tpu.vector_load_idx %arg8[%parallel_loop3A_362] : memref<6144xf32, #tpu.memory_space<vmem>>[vector<16xi32>], vector<16xf32>,
      %parallel_loop3A_364 = arith.constant 2 : i32
      %parallel_loop3A_365 = vector.broadcast %parallel_loop3A_364 : i32 to vector<16xi32>
      %parallel_loop3A_366 = arith.addi %parallel_loop3A_359, %parallel_loop3A_365 : vector<16xi32>
      %parallel_loop3A_367 = tpu.vector_load_idx %arg8[%parallel_loop3A_366] : memref<6144xf32, #tpu.memory_space<vmem>>[vector<16xi32>], vector<16xf32>,
      %parallel_loop3A_368 = arith.constant 2.880000e+02 : f32
      %parallel_loop3A_369 = vector.broadcast %parallel_loop3A_368 : f32 to vector<16xf32>
      %parallel_loop3A_370 = arith.mulf %parallel_loop3A_363, %parallel_loop3A_369 : vector<16xf32>
      %parallel_loop3A_371 = arith.fptosi %parallel_loop3A_370 : vector<16xf32> to vector<16xi32>
      %parallel_loop3A_372 = arith.fptosi %parallel_loop3A_367 : vector<16xf32> to vector<16xi32>
      %parallel_loop3A_373 = arith.constant 12 : i32
      %parallel_loop3A_374 = vector.broadcast %parallel_loop3A_373 : i32 to vector<16xi32>
      %parallel_loop3A_375 = arith.muli %parallel_loop3A_356, %parallel_loop3A_374 : vector<16xi32>
      %parallel_loop3A_376 = arith.constant 7 : i32
      %parallel_loop3A_377 = vector.broadcast %parallel_loop3A_376 : i32 to vector<16xi32>
      %parallel_loop3A_378 = arith.addi %parallel_loop3A_375, %parallel_loop3A_377 : vector<16xi32>
      %parallel_loop3A_379 = arith.constant 7 : i32
      %parallel_loop3A_380 = vector.broadcast %parallel_loop3A_379 : i32 to vector<16xi32>
      %parallel_loop3A_381 = arith.shrsi %parallel_loop3A_378, %parallel_loop3A_380 : vector<16xi32>
      %parallel_loop3A_382 = arith.constant 127 : i32
      %parallel_loop3A_383 = vector.broadcast %parallel_loop3A_382 : i32 to vector<16xi32>
      %parallel_loop3A_384 = arith.andi %parallel_loop3A_378, %parallel_loop3A_383 : vector<16xi32>
      %parallel_loop3A_385 = arith.sitofp %parallel_loop3A_371 : vector<16xi32> to vector<16xf32>
      tpu.vector_store_idx %arg5[%parallel_loop3A_381, %parallel_loop3A_384], %parallel_loop3A_385 : memref<192x128xf32, #tpu.memory_space<vmem>>[vector<16xi32>, vector<16xi32>], vector<16xf32>,
      %parallel_loop3A_386 = arith.sitofp %parallel_loop3A_372 : vector<16xi32> to vector<16xf32>
      tpu.vector_store_idx %arg6[%parallel_loop3A_381, %parallel_loop3A_384], %parallel_loop3A_386 : memref<192x128xf32, #tpu.memory_space<vmem>>[vector<16xi32>, vector<16xi32>], vector<16xf32>,
    } {sc.loop_unroll_factor = 2 : i64, sc.parallel_access}
    %dma_wait3A_141 = arith.constant 8 : i32
    %dma_wait3A_142 = arith.constant 0 : i32
    %dma_wait3A_143 = tpu.memref_slice %arg2[%add3A, %dma_wait3A_141, %dma_wait3A_142] : memref<32x12x6144xf32, #tpu.memory_space<hbm>> -> memref<1x1x6144xf32, #tpu.memory_space<hbm>>
    %dma_wait3A_144 = tpu.memref_squeeze %dma_wait3A_143 : memref<1x1x6144xf32, #tpu.memory_space<hbm>> -> memref<6144xf32, #tpu.memory_space<hbm>>
    %dma_wait3A_145 = arith.constant 0 : i32
    %dma_wait3A_146 = tpu.memref_slice %arg2[%add3A, %dma_wait3A_141, %dma_wait3A_145] : memref<32x12x6144xf32, #tpu.memory_space<hbm>> -> memref<1x1x6144xf32, #tpu.memory_space<hbm>>
    %dma_wait3A_147 = tpu.memref_squeeze %dma_wait3A_146 : memref<1x1x6144xf32, #tpu.memory_space<hbm>> -> memref<6144xf32, #tpu.memory_space<hbm>>
    tpu.wait_dma2 semaphore(%arg9 : memref<!tpu.dma_semaphore, #tpu.memory_space<semaphore_mem>>) src(%dma_wait3A_147 : memref<6144xf32, #tpu.memory_space<hbm>>) dst(%arg7 : memref<6144xf32, #tpu.memory_space<vmem>>)
    %dma_start3A_148 = arith.constant 9 : i32
    %dma_start3A_149 = arith.constant 0 : i32
    %dma_start3A_150 = tpu.memref_slice %arg2[%add3A, %dma_start3A_148, %dma_start3A_149] : memref<32x12x6144xf32, #tpu.memory_space<hbm>> -> memref<1x1x6144xf32, #tpu.memory_space<hbm>>
    %dma_start3A_151 = tpu.memref_squeeze %dma_start3A_150 : memref<1x1x6144xf32, #tpu.memory_space<hbm>> -> memref<6144xf32, #tpu.memory_space<hbm>>
    %dma_start3A_152 = arith.constant 0 : i32
    %dma_start3A_153 = tpu.memref_slice %arg2[%add3A, %dma_start3A_148, %dma_start3A_152] : memref<32x12x6144xf32, #tpu.memory_space<hbm>> -> memref<1x1x6144xf32, #tpu.memory_space<hbm>>
    %dma_start3A_154 = tpu.memref_squeeze %dma_start3A_153 : memref<1x1x6144xf32, #tpu.memory_space<hbm>> -> memref<6144xf32, #tpu.memory_space<hbm>>
    tpu.enqueue_dma source(%dma_start3A_154 : memref<6144xf32, #tpu.memory_space<hbm>>) target(%arg8 : memref<6144xf32, #tpu.memory_space<vmem>>) target_semaphore(%arg10 : memref<!tpu.dma_semaphore, #tpu.memory_space<semaphore_mem>>)
    %parallel_loop3A_155 = arith.constant 0 : i32
    %parallel_loop3A_156 = arith.constant 32 : i32
    %parallel_loop3A_157 = arith.constant 1 : i32
    scf.for %parallel_loop3A_234 = %parallel_loop3A_155 to %parallel_loop3A_156 step %parallel_loop3A_157  : i32 {
      %parallel_loop3A_235 = arith.constant 4 : i32
      %parallel_loop3A_236 = arith.muli %parallel_loop3A_234, %parallel_loop3A_235 : i32
      %parallel_loop3A_237 = arith.constant 0 : i32
      %parallel_loop3A_238 = arith.addi %parallel_loop3A_236, %parallel_loop3A_237 : i32
      %parallel_loop3A_239 = arith.constant 16 : i32
      %parallel_loop3A_240 = arith.muli %parallel_loop3A_238, %parallel_loop3A_239 : i32
      %parallel_loop3A_241 = vector.broadcast %parallel_loop3A_240 : i32 to vector<16xi32>
      %parallel_loop3A_242 = arith.addi %parallel_loop3A_241, %iota3A : vector<16xi32>
      %parallel_loop3A_243 = arith.constant 3 : i32
      %parallel_loop3A_244 = vector.broadcast %parallel_loop3A_243 : i32 to vector<16xi32>
      %parallel_loop3A_245 = arith.muli %parallel_loop3A_242, %parallel_loop3A_244 : vector<16xi32>
      %parallel_loop3A_246 = arith.constant 1 : i32
      %parallel_loop3A_247 = vector.broadcast %parallel_loop3A_246 : i32 to vector<16xi32>
      %parallel_loop3A_248 = arith.addi %parallel_loop3A_245, %parallel_loop3A_247 : vector<16xi32>
      %parallel_loop3A_249 = tpu.vector_load_idx %arg7[%parallel_loop3A_248] : memref<6144xf32, #tpu.memory_space<vmem>>[vector<16xi32>], vector<16xf32>,
      %parallel_loop3A_250 = arith.constant 2 : i32
      %parallel_loop3A_251 = vector.broadcast %parallel_loop3A_250 : i32 to vector<16xi32>
      %parallel_loop3A_252 = arith.addi %parallel_loop3A_245, %parallel_loop3A_251 : vector<16xi32>
      %parallel_loop3A_253 = tpu.vector_load_idx %arg7[%parallel_loop3A_252] : memref<6144xf32, #tpu.memory_space<vmem>>[vector<16xi32>], vector<16xf32>,
      %parallel_loop3A_254 = arith.constant 2.880000e+02 : f32
      %parallel_loop3A_255 = vector.broadcast %parallel_loop3A_254 : f32 to vector<16xf32>
      %parallel_loop3A_256 = arith.mulf %parallel_loop3A_249, %parallel_loop3A_255 : vector<16xf32>
      %parallel_loop3A_257 = arith.fptosi %parallel_loop3A_256 : vector<16xf32> to vector<16xi32>
      %parallel_loop3A_258 = arith.fptosi %parallel_loop3A_253 : vector<16xf32> to vector<16xi32>
      %parallel_loop3A_259 = arith.constant 12 : i32
      %parallel_loop3A_260 = vector.broadcast %parallel_loop3A_259 : i32 to vector<16xi32>
      %parallel_loop3A_261 = arith.muli %parallel_loop3A_242, %parallel_loop3A_260 : vector<16xi32>
      %parallel_loop3A_262 = arith.constant 8 : i32
      %parallel_loop3A_263 = vector.broadcast %parallel_loop3A_262 : i32 to vector<16xi32>
      %parallel_loop3A_264 = arith.addi %parallel_loop3A_261, %parallel_loop3A_263 : vector<16xi32>
      %parallel_loop3A_265 = arith.constant 7 : i32
      %parallel_loop3A_266 = vector.broadcast %parallel_loop3A_265 : i32 to vector<16xi32>
      %parallel_loop3A_267 = arith.shrsi %parallel_loop3A_264, %parallel_loop3A_266 : vector<16xi32>
      %parallel_loop3A_268 = arith.constant 127 : i32
      %parallel_loop3A_269 = vector.broadcast %parallel_loop3A_268 : i32 to vector<16xi32>
      %parallel_loop3A_270 = arith.andi %parallel_loop3A_264, %parallel_loop3A_269 : vector<16xi32>
      %parallel_loop3A_271 = arith.sitofp %parallel_loop3A_257 : vector<16xi32> to vector<16xf32>
      tpu.vector_store_idx %arg5[%parallel_loop3A_267, %parallel_loop3A_270], %parallel_loop3A_271 : memref<192x128xf32, #tpu.memory_space<vmem>>[vector<16xi32>, vector<16xi32>], vector<16xf32>,
      %parallel_loop3A_272 = arith.sitofp %parallel_loop3A_258 : vector<16xi32> to vector<16xf32>
      tpu.vector_store_idx %arg6[%parallel_loop3A_267, %parallel_loop3A_270], %parallel_loop3A_272 : memref<192x128xf32, #tpu.memory_space<vmem>>[vector<16xi32>, vector<16xi32>], vector<16xf32>,
      %parallel_loop3A_273 = arith.constant 4 : i32
      %parallel_loop3A_274 = arith.muli %parallel_loop3A_234, %parallel_loop3A_273 : i32
      %parallel_loop3A_275 = arith.constant 1 : i32
      %parallel_loop3A_276 = arith.addi %parallel_loop3A_274, %parallel_loop3A_275 : i32
      %parallel_loop3A_277 = arith.constant 16 : i32
      %parallel_loop3A_278 = arith.muli %parallel_loop3A_276, %parallel_loop3A_277 : i32
      %parallel_loop3A_279 = vector.broadcast %parallel_loop3A_278 : i32 to vector<16xi32>
      %parallel_loop3A_280 = arith.addi %parallel_loop3A_279, %iota3A : vector<16xi32>
      %parallel_loop3A_281 = arith.constant 3 : i32
      %parallel_loop3A_282 = vector.broadcast %parallel_loop3A_281 : i32 to vector<16xi32>
      %parallel_loop3A_283 = arith.muli %parallel_loop3A_280, %parallel_loop3A_282 : vector<16xi32>
      %parallel_loop3A_284 = arith.constant 1 : i32
      %parallel_loop3A_285 = vector.broadcast %parallel_loop3A_284 : i32 to vector<16xi32>
      %parallel_loop3A_286 = arith.addi %parallel_loop3A_283, %parallel_loop3A_285 : vector<16xi32>
      %parallel_loop3A_287 = tpu.vector_load_idx %arg7[%parallel_loop3A_286] : memref<6144xf32, #tpu.memory_space<vmem>>[vector<16xi32>], vector<16xf32>,
      %parallel_loop3A_288 = arith.constant 2 : i32
      %parallel_loop3A_289 = vector.broadcast %parallel_loop3A_288 : i32 to vector<16xi32>
      %parallel_loop3A_290 = arith.addi %parallel_loop3A_283, %parallel_loop3A_289 : vector<16xi32>
      %parallel_loop3A_291 = tpu.vector_load_idx %arg7[%parallel_loop3A_290] : memref<6144xf32, #tpu.memory_space<vmem>>[vector<16xi32>], vector<16xf32>,
      %parallel_loop3A_292 = arith.constant 2.880000e+02 : f32
      %parallel_loop3A_293 = vector.broadcast %parallel_loop3A_292 : f32 to vector<16xf32>
      %parallel_loop3A_294 = arith.mulf %parallel_loop3A_287, %parallel_loop3A_293 : vector<16xf32>
      %parallel_loop3A_295 = arith.fptosi %parallel_loop3A_294 : vector<16xf32> to vector<16xi32>
      %parallel_loop3A_296 = arith.fptosi %parallel_loop3A_291 : vector<16xf32> to vector<16xi32>
      %parallel_loop3A_297 = arith.constant 12 : i32
      %parallel_loop3A_298 = vector.broadcast %parallel_loop3A_297 : i32 to vector<16xi32>
      %parallel_loop3A_299 = arith.muli %parallel_loop3A_280, %parallel_loop3A_298 : vector<16xi32>
      %parallel_loop3A_300 = arith.constant 8 : i32
      %parallel_loop3A_301 = vector.broadcast %parallel_loop3A_300 : i32 to vector<16xi32>
      %parallel_loop3A_302 = arith.addi %parallel_loop3A_299, %parallel_loop3A_301 : vector<16xi32>
      %parallel_loop3A_303 = arith.constant 7 : i32
      %parallel_loop3A_304 = vector.broadcast %parallel_loop3A_303 : i32 to vector<16xi32>
      %parallel_loop3A_305 = arith.shrsi %parallel_loop3A_302, %parallel_loop3A_304 : vector<16xi32>
      %parallel_loop3A_306 = arith.constant 127 : i32
      %parallel_loop3A_307 = vector.broadcast %parallel_loop3A_306 : i32 to vector<16xi32>
      %parallel_loop3A_308 = arith.andi %parallel_loop3A_302, %parallel_loop3A_307 : vector<16xi32>
      %parallel_loop3A_309 = arith.sitofp %parallel_loop3A_295 : vector<16xi32> to vector<16xf32>
      tpu.vector_store_idx %arg5[%parallel_loop3A_305, %parallel_loop3A_308], %parallel_loop3A_309 : memref<192x128xf32, #tpu.memory_space<vmem>>[vector<16xi32>, vector<16xi32>], vector<16xf32>,
      %parallel_loop3A_310 = arith.sitofp %parallel_loop3A_296 : vector<16xi32> to vector<16xf32>
      tpu.vector_store_idx %arg6[%parallel_loop3A_305, %parallel_loop3A_308], %parallel_loop3A_310 : memref<192x128xf32, #tpu.memory_space<vmem>>[vector<16xi32>, vector<16xi32>], vector<16xf32>,
      %parallel_loop3A_311 = arith.constant 4 : i32
      %parallel_loop3A_312 = arith.muli %parallel_loop3A_234, %parallel_loop3A_311 : i32
      %parallel_loop3A_313 = arith.constant 2 : i32
      %parallel_loop3A_314 = arith.addi %parallel_loop3A_312, %parallel_loop3A_313 : i32
      %parallel_loop3A_315 = arith.constant 16 : i32
      %parallel_loop3A_316 = arith.muli %parallel_loop3A_314, %parallel_loop3A_315 : i32
      %parallel_loop3A_317 = vector.broadcast %parallel_loop3A_316 : i32 to vector<16xi32>
      %parallel_loop3A_318 = arith.addi %parallel_loop3A_317, %iota3A : vector<16xi32>
      %parallel_loop3A_319 = arith.constant 3 : i32
      %parallel_loop3A_320 = vector.broadcast %parallel_loop3A_319 : i32 to vector<16xi32>
      %parallel_loop3A_321 = arith.muli %parallel_loop3A_318, %parallel_loop3A_320 : vector<16xi32>
      %parallel_loop3A_322 = arith.constant 1 : i32
      %parallel_loop3A_323 = vector.broadcast %parallel_loop3A_322 : i32 to vector<16xi32>
      %parallel_loop3A_324 = arith.addi %parallel_loop3A_321, %parallel_loop3A_323 : vector<16xi32>
      %parallel_loop3A_325 = tpu.vector_load_idx %arg7[%parallel_loop3A_324] : memref<6144xf32, #tpu.memory_space<vmem>>[vector<16xi32>], vector<16xf32>,
      %parallel_loop3A_326 = arith.constant 2 : i32
      %parallel_loop3A_327 = vector.broadcast %parallel_loop3A_326 : i32 to vector<16xi32>
      %parallel_loop3A_328 = arith.addi %parallel_loop3A_321, %parallel_loop3A_327 : vector<16xi32>
      %parallel_loop3A_329 = tpu.vector_load_idx %arg7[%parallel_loop3A_328] : memref<6144xf32, #tpu.memory_space<vmem>>[vector<16xi32>], vector<16xf32>,
      %parallel_loop3A_330 = arith.constant 2.880000e+02 : f32
      %parallel_loop3A_331 = vector.broadcast %parallel_loop3A_330 : f32 to vector<16xf32>
      %parallel_loop3A_332 = arith.mulf %parallel_loop3A_325, %parallel_loop3A_331 : vector<16xf32>
      %parallel_loop3A_333 = arith.fptosi %parallel_loop3A_332 : vector<16xf32> to vector<16xi32>
      %parallel_loop3A_334 = arith.fptosi %parallel_loop3A_329 : vector<16xf32> to vector<16xi32>
      %parallel_loop3A_335 = arith.constant 12 : i32
      %parallel_loop3A_336 = vector.broadcast %parallel_loop3A_335 : i32 to vector<16xi32>
      %parallel_loop3A_337 = arith.muli %parallel_loop3A_318, %parallel_loop3A_336 : vector<16xi32>
      %parallel_loop3A_338 = arith.constant 8 : i32
      %parallel_loop3A_339 = vector.broadcast %parallel_loop3A_338 : i32 to vector<16xi32>
      %parallel_loop3A_340 = arith.addi %parallel_loop3A_337, %parallel_loop3A_339 : vector<16xi32>
      %parallel_loop3A_341 = arith.constant 7 : i32
      %parallel_loop3A_342 = vector.broadcast %parallel_loop3A_341 : i32 to vector<16xi32>
      %parallel_loop3A_343 = arith.shrsi %parallel_loop3A_340, %parallel_loop3A_342 : vector<16xi32>
      %parallel_loop3A_344 = arith.constant 127 : i32
      %parallel_loop3A_345 = vector.broadcast %parallel_loop3A_344 : i32 to vector<16xi32>
      %parallel_loop3A_346 = arith.andi %parallel_loop3A_340, %parallel_loop3A_345 : vector<16xi32>
      %parallel_loop3A_347 = arith.sitofp %parallel_loop3A_333 : vector<16xi32> to vector<16xf32>
      tpu.vector_store_idx %arg5[%parallel_loop3A_343, %parallel_loop3A_346], %parallel_loop3A_347 : memref<192x128xf32, #tpu.memory_space<vmem>>[vector<16xi32>, vector<16xi32>], vector<16xf32>,
      %parallel_loop3A_348 = arith.sitofp %parallel_loop3A_334 : vector<16xi32> to vector<16xf32>
      tpu.vector_store_idx %arg6[%parallel_loop3A_343, %parallel_loop3A_346], %parallel_loop3A_348 : memref<192x128xf32, #tpu.memory_space<vmem>>[vector<16xi32>, vector<16xi32>], vector<16xf32>,
      %parallel_loop3A_349 = arith.constant 4 : i32
      %parallel_loop3A_350 = arith.muli %parallel_loop3A_234, %parallel_loop3A_349 : i32
      %parallel_loop3A_351 = arith.constant 3 : i32
      %parallel_loop3A_352 = arith.addi %parallel_loop3A_350, %parallel_loop3A_351 : i32
      %parallel_loop3A_353 = arith.constant 16 : i32
      %parallel_loop3A_354 = arith.muli %parallel_loop3A_352, %parallel_loop3A_353 : i32
      %parallel_loop3A_355 = vector.broadcast %parallel_loop3A_354 : i32 to vector<16xi32>
      %parallel_loop3A_356 = arith.addi %parallel_loop3A_355, %iota3A : vector<16xi32>
      %parallel_loop3A_357 = arith.constant 3 : i32
      %parallel_loop3A_358 = vector.broadcast %parallel_loop3A_357 : i32 to vector<16xi32>
      %parallel_loop3A_359 = arith.muli %parallel_loop3A_356, %parallel_loop3A_358 : vector<16xi32>
      %parallel_loop3A_360 = arith.constant 1 : i32
      %parallel_loop3A_361 = vector.broadcast %parallel_loop3A_360 : i32 to vector<16xi32>
      %parallel_loop3A_362 = arith.addi %parallel_loop3A_359, %parallel_loop3A_361 : vector<16xi32>
      %parallel_loop3A_363 = tpu.vector_load_idx %arg7[%parallel_loop3A_362] : memref<6144xf32, #tpu.memory_space<vmem>>[vector<16xi32>], vector<16xf32>,
      %parallel_loop3A_364 = arith.constant 2 : i32
      %parallel_loop3A_365 = vector.broadcast %parallel_loop3A_364 : i32 to vector<16xi32>
      %parallel_loop3A_366 = arith.addi %parallel_loop3A_359, %parallel_loop3A_365 : vector<16xi32>
      %parallel_loop3A_367 = tpu.vector_load_idx %arg7[%parallel_loop3A_366] : memref<6144xf32, #tpu.memory_space<vmem>>[vector<16xi32>], vector<16xf32>,
      %parallel_loop3A_368 = arith.constant 2.880000e+02 : f32
      %parallel_loop3A_369 = vector.broadcast %parallel_loop3A_368 : f32 to vector<16xf32>
      %parallel_loop3A_370 = arith.mulf %parallel_loop3A_363, %parallel_loop3A_369 : vector<16xf32>
      %parallel_loop3A_371 = arith.fptosi %parallel_loop3A_370 : vector<16xf32> to vector<16xi32>
      %parallel_loop3A_372 = arith.fptosi %parallel_loop3A_367 : vector<16xf32> to vector<16xi32>
      %parallel_loop3A_373 = arith.constant 12 : i32
      %parallel_loop3A_374 = vector.broadcast %parallel_loop3A_373 : i32 to vector<16xi32>
      %parallel_loop3A_375 = arith.muli %parallel_loop3A_356, %parallel_loop3A_374 : vector<16xi32>
      %parallel_loop3A_376 = arith.constant 8 : i32
      %parallel_loop3A_377 = vector.broadcast %parallel_loop3A_376 : i32 to vector<16xi32>
      %parallel_loop3A_378 = arith.addi %parallel_loop3A_375, %parallel_loop3A_377 : vector<16xi32>
      %parallel_loop3A_379 = arith.constant 7 : i32
      %parallel_loop3A_380 = vector.broadcast %parallel_loop3A_379 : i32 to vector<16xi32>
      %parallel_loop3A_381 = arith.shrsi %parallel_loop3A_378, %parallel_loop3A_380 : vector<16xi32>
      %parallel_loop3A_382 = arith.constant 127 : i32
      %parallel_loop3A_383 = vector.broadcast %parallel_loop3A_382 : i32 to vector<16xi32>
      %parallel_loop3A_384 = arith.andi %parallel_loop3A_378, %parallel_loop3A_383 : vector<16xi32>
      %parallel_loop3A_385 = arith.sitofp %parallel_loop3A_371 : vector<16xi32> to vector<16xf32>
      tpu.vector_store_idx %arg5[%parallel_loop3A_381, %parallel_loop3A_384], %parallel_loop3A_385 : memref<192x128xf32, #tpu.memory_space<vmem>>[vector<16xi32>, vector<16xi32>], vector<16xf32>,
      %parallel_loop3A_386 = arith.sitofp %parallel_loop3A_372 : vector<16xi32> to vector<16xf32>
      tpu.vector_store_idx %arg6[%parallel_loop3A_381, %parallel_loop3A_384], %parallel_loop3A_386 : memref<192x128xf32, #tpu.memory_space<vmem>>[vector<16xi32>, vector<16xi32>], vector<16xf32>,
    } {sc.loop_unroll_factor = 2 : i64, sc.parallel_access}
    %dma_wait3A_158 = arith.constant 9 : i32
    %dma_wait3A_159 = arith.constant 0 : i32
    %dma_wait3A_160 = tpu.memref_slice %arg2[%add3A, %dma_wait3A_158, %dma_wait3A_159] : memref<32x12x6144xf32, #tpu.memory_space<hbm>> -> memref<1x1x6144xf32, #tpu.memory_space<hbm>>
    %dma_wait3A_161 = tpu.memref_squeeze %dma_wait3A_160 : memref<1x1x6144xf32, #tpu.memory_space<hbm>> -> memref<6144xf32, #tpu.memory_space<hbm>>
    %dma_wait3A_162 = arith.constant 0 : i32
    %dma_wait3A_163 = tpu.memref_slice %arg2[%add3A, %dma_wait3A_158, %dma_wait3A_162] : memref<32x12x6144xf32, #tpu.memory_space<hbm>> -> memref<1x1x6144xf32, #tpu.memory_space<hbm>>
    %dma_wait3A_164 = tpu.memref_squeeze %dma_wait3A_163 : memref<1x1x6144xf32, #tpu.memory_space<hbm>> -> memref<6144xf32, #tpu.memory_space<hbm>>
    tpu.wait_dma2 semaphore(%arg10 : memref<!tpu.dma_semaphore, #tpu.memory_space<semaphore_mem>>) src(%dma_wait3A_164 : memref<6144xf32, #tpu.memory_space<hbm>>) dst(%arg8 : memref<6144xf32, #tpu.memory_space<vmem>>)
    %dma_start3A_165 = arith.constant 10 : i32
    %dma_start3A_166 = arith.constant 0 : i32
    %dma_start3A_167 = tpu.memref_slice %arg2[%add3A, %dma_start3A_165, %dma_start3A_166] : memref<32x12x6144xf32, #tpu.memory_space<hbm>> -> memref<1x1x6144xf32, #tpu.memory_space<hbm>>
    %dma_start3A_168 = tpu.memref_squeeze %dma_start3A_167 : memref<1x1x6144xf32, #tpu.memory_space<hbm>> -> memref<6144xf32, #tpu.memory_space<hbm>>
    %dma_start3A_169 = arith.constant 0 : i32
    %dma_start3A_170 = tpu.memref_slice %arg2[%add3A, %dma_start3A_165, %dma_start3A_169] : memref<32x12x6144xf32, #tpu.memory_space<hbm>> -> memref<1x1x6144xf32, #tpu.memory_space<hbm>>
    %dma_start3A_171 = tpu.memref_squeeze %dma_start3A_170 : memref<1x1x6144xf32, #tpu.memory_space<hbm>> -> memref<6144xf32, #tpu.memory_space<hbm>>
    tpu.enqueue_dma source(%dma_start3A_171 : memref<6144xf32, #tpu.memory_space<hbm>>) target(%arg7 : memref<6144xf32, #tpu.memory_space<vmem>>) target_semaphore(%arg9 : memref<!tpu.dma_semaphore, #tpu.memory_space<semaphore_mem>>)
    %parallel_loop3A_172 = arith.constant 0 : i32
    %parallel_loop3A_173 = arith.constant 32 : i32
    %parallel_loop3A_174 = arith.constant 1 : i32
    scf.for %parallel_loop3A_234 = %parallel_loop3A_172 to %parallel_loop3A_173 step %parallel_loop3A_174  : i32 {
      %parallel_loop3A_235 = arith.constant 4 : i32
      %parallel_loop3A_236 = arith.muli %parallel_loop3A_234, %parallel_loop3A_235 : i32
      %parallel_loop3A_237 = arith.constant 0 : i32
      %parallel_loop3A_238 = arith.addi %parallel_loop3A_236, %parallel_loop3A_237 : i32
      %parallel_loop3A_239 = arith.constant 16 : i32
      %parallel_loop3A_240 = arith.muli %parallel_loop3A_238, %parallel_loop3A_239 : i32
      %parallel_loop3A_241 = vector.broadcast %parallel_loop3A_240 : i32 to vector<16xi32>
      %parallel_loop3A_242 = arith.addi %parallel_loop3A_241, %iota3A : vector<16xi32>
      %parallel_loop3A_243 = arith.constant 3 : i32
      %parallel_loop3A_244 = vector.broadcast %parallel_loop3A_243 : i32 to vector<16xi32>
      %parallel_loop3A_245 = arith.muli %parallel_loop3A_242, %parallel_loop3A_244 : vector<16xi32>
      %parallel_loop3A_246 = arith.constant 1 : i32
      %parallel_loop3A_247 = vector.broadcast %parallel_loop3A_246 : i32 to vector<16xi32>
      %parallel_loop3A_248 = arith.addi %parallel_loop3A_245, %parallel_loop3A_247 : vector<16xi32>
      %parallel_loop3A_249 = tpu.vector_load_idx %arg8[%parallel_loop3A_248] : memref<6144xf32, #tpu.memory_space<vmem>>[vector<16xi32>], vector<16xf32>,
      %parallel_loop3A_250 = arith.constant 2 : i32
      %parallel_loop3A_251 = vector.broadcast %parallel_loop3A_250 : i32 to vector<16xi32>
      %parallel_loop3A_252 = arith.addi %parallel_loop3A_245, %parallel_loop3A_251 : vector<16xi32>
      %parallel_loop3A_253 = tpu.vector_load_idx %arg8[%parallel_loop3A_252] : memref<6144xf32, #tpu.memory_space<vmem>>[vector<16xi32>], vector<16xf32>,
      %parallel_loop3A_254 = arith.constant 2.880000e+02 : f32
      %parallel_loop3A_255 = vector.broadcast %parallel_loop3A_254 : f32 to vector<16xf32>
      %parallel_loop3A_256 = arith.mulf %parallel_loop3A_249, %parallel_loop3A_255 : vector<16xf32>
      %parallel_loop3A_257 = arith.fptosi %parallel_loop3A_256 : vector<16xf32> to vector<16xi32>
      %parallel_loop3A_258 = arith.fptosi %parallel_loop3A_253 : vector<16xf32> to vector<16xi32>
      %parallel_loop3A_259 = arith.constant 12 : i32
      %parallel_loop3A_260 = vector.broadcast %parallel_loop3A_259 : i32 to vector<16xi32>
      %parallel_loop3A_261 = arith.muli %parallel_loop3A_242, %parallel_loop3A_260 : vector<16xi32>
      %parallel_loop3A_262 = arith.constant 9 : i32
      %parallel_loop3A_263 = vector.broadcast %parallel_loop3A_262 : i32 to vector<16xi32>
      %parallel_loop3A_264 = arith.addi %parallel_loop3A_261, %parallel_loop3A_263 : vector<16xi32>
      %parallel_loop3A_265 = arith.constant 7 : i32
      %parallel_loop3A_266 = vector.broadcast %parallel_loop3A_265 : i32 to vector<16xi32>
      %parallel_loop3A_267 = arith.shrsi %parallel_loop3A_264, %parallel_loop3A_266 : vector<16xi32>
      %parallel_loop3A_268 = arith.constant 127 : i32
      %parallel_loop3A_269 = vector.broadcast %parallel_loop3A_268 : i32 to vector<16xi32>
      %parallel_loop3A_270 = arith.andi %parallel_loop3A_264, %parallel_loop3A_269 : vector<16xi32>
      %parallel_loop3A_271 = arith.sitofp %parallel_loop3A_257 : vector<16xi32> to vector<16xf32>
      tpu.vector_store_idx %arg5[%parallel_loop3A_267, %parallel_loop3A_270], %parallel_loop3A_271 : memref<192x128xf32, #tpu.memory_space<vmem>>[vector<16xi32>, vector<16xi32>], vector<16xf32>,
      %parallel_loop3A_272 = arith.sitofp %parallel_loop3A_258 : vector<16xi32> to vector<16xf32>
      tpu.vector_store_idx %arg6[%parallel_loop3A_267, %parallel_loop3A_270], %parallel_loop3A_272 : memref<192x128xf32, #tpu.memory_space<vmem>>[vector<16xi32>, vector<16xi32>], vector<16xf32>,
      %parallel_loop3A_273 = arith.constant 4 : i32
      %parallel_loop3A_274 = arith.muli %parallel_loop3A_234, %parallel_loop3A_273 : i32
      %parallel_loop3A_275 = arith.constant 1 : i32
      %parallel_loop3A_276 = arith.addi %parallel_loop3A_274, %parallel_loop3A_275 : i32
      %parallel_loop3A_277 = arith.constant 16 : i32
      %parallel_loop3A_278 = arith.muli %parallel_loop3A_276, %parallel_loop3A_277 : i32
      %parallel_loop3A_279 = vector.broadcast %parallel_loop3A_278 : i32 to vector<16xi32>
      %parallel_loop3A_280 = arith.addi %parallel_loop3A_279, %iota3A : vector<16xi32>
      %parallel_loop3A_281 = arith.constant 3 : i32
      %parallel_loop3A_282 = vector.broadcast %parallel_loop3A_281 : i32 to vector<16xi32>
      %parallel_loop3A_283 = arith.muli %parallel_loop3A_280, %parallel_loop3A_282 : vector<16xi32>
      %parallel_loop3A_284 = arith.constant 1 : i32
      %parallel_loop3A_285 = vector.broadcast %parallel_loop3A_284 : i32 to vector<16xi32>
      %parallel_loop3A_286 = arith.addi %parallel_loop3A_283, %parallel_loop3A_285 : vector<16xi32>
      %parallel_loop3A_287 = tpu.vector_load_idx %arg8[%parallel_loop3A_286] : memref<6144xf32, #tpu.memory_space<vmem>>[vector<16xi32>], vector<16xf32>,
      %parallel_loop3A_288 = arith.constant 2 : i32
      %parallel_loop3A_289 = vector.broadcast %parallel_loop3A_288 : i32 to vector<16xi32>
      %parallel_loop3A_290 = arith.addi %parallel_loop3A_283, %parallel_loop3A_289 : vector<16xi32>
      %parallel_loop3A_291 = tpu.vector_load_idx %arg8[%parallel_loop3A_290] : memref<6144xf32, #tpu.memory_space<vmem>>[vector<16xi32>], vector<16xf32>,
      %parallel_loop3A_292 = arith.constant 2.880000e+02 : f32
      %parallel_loop3A_293 = vector.broadcast %parallel_loop3A_292 : f32 to vector<16xf32>
      %parallel_loop3A_294 = arith.mulf %parallel_loop3A_287, %parallel_loop3A_293 : vector<16xf32>
      %parallel_loop3A_295 = arith.fptosi %parallel_loop3A_294 : vector<16xf32> to vector<16xi32>
      %parallel_loop3A_296 = arith.fptosi %parallel_loop3A_291 : vector<16xf32> to vector<16xi32>
      %parallel_loop3A_297 = arith.constant 12 : i32
      %parallel_loop3A_298 = vector.broadcast %parallel_loop3A_297 : i32 to vector<16xi32>
      %parallel_loop3A_299 = arith.muli %parallel_loop3A_280, %parallel_loop3A_298 : vector<16xi32>
      %parallel_loop3A_300 = arith.constant 9 : i32
      %parallel_loop3A_301 = vector.broadcast %parallel_loop3A_300 : i32 to vector<16xi32>
      %parallel_loop3A_302 = arith.addi %parallel_loop3A_299, %parallel_loop3A_301 : vector<16xi32>
      %parallel_loop3A_303 = arith.constant 7 : i32
      %parallel_loop3A_304 = vector.broadcast %parallel_loop3A_303 : i32 to vector<16xi32>
      %parallel_loop3A_305 = arith.shrsi %parallel_loop3A_302, %parallel_loop3A_304 : vector<16xi32>
      %parallel_loop3A_306 = arith.constant 127 : i32
      %parallel_loop3A_307 = vector.broadcast %parallel_loop3A_306 : i32 to vector<16xi32>
      %parallel_loop3A_308 = arith.andi %parallel_loop3A_302, %parallel_loop3A_307 : vector<16xi32>
      %parallel_loop3A_309 = arith.sitofp %parallel_loop3A_295 : vector<16xi32> to vector<16xf32>
      tpu.vector_store_idx %arg5[%parallel_loop3A_305, %parallel_loop3A_308], %parallel_loop3A_309 : memref<192x128xf32, #tpu.memory_space<vmem>>[vector<16xi32>, vector<16xi32>], vector<16xf32>,
      %parallel_loop3A_310 = arith.sitofp %parallel_loop3A_296 : vector<16xi32> to vector<16xf32>
      tpu.vector_store_idx %arg6[%parallel_loop3A_305, %parallel_loop3A_308], %parallel_loop3A_310 : memref<192x128xf32, #tpu.memory_space<vmem>>[vector<16xi32>, vector<16xi32>], vector<16xf32>,
      %parallel_loop3A_311 = arith.constant 4 : i32
      %parallel_loop3A_312 = arith.muli %parallel_loop3A_234, %parallel_loop3A_311 : i32
      %parallel_loop3A_313 = arith.constant 2 : i32
      %parallel_loop3A_314 = arith.addi %parallel_loop3A_312, %parallel_loop3A_313 : i32
      %parallel_loop3A_315 = arith.constant 16 : i32
      %parallel_loop3A_316 = arith.muli %parallel_loop3A_314, %parallel_loop3A_315 : i32
      %parallel_loop3A_317 = vector.broadcast %parallel_loop3A_316 : i32 to vector<16xi32>
      %parallel_loop3A_318 = arith.addi %parallel_loop3A_317, %iota3A : vector<16xi32>
      %parallel_loop3A_319 = arith.constant 3 : i32
      %parallel_loop3A_320 = vector.broadcast %parallel_loop3A_319 : i32 to vector<16xi32>
      %parallel_loop3A_321 = arith.muli %parallel_loop3A_318, %parallel_loop3A_320 : vector<16xi32>
      %parallel_loop3A_322 = arith.constant 1 : i32
      %parallel_loop3A_323 = vector.broadcast %parallel_loop3A_322 : i32 to vector<16xi32>
      %parallel_loop3A_324 = arith.addi %parallel_loop3A_321, %parallel_loop3A_323 : vector<16xi32>
      %parallel_loop3A_325 = tpu.vector_load_idx %arg8[%parallel_loop3A_324] : memref<6144xf32, #tpu.memory_space<vmem>>[vector<16xi32>], vector<16xf32>,
      %parallel_loop3A_326 = arith.constant 2 : i32
      %parallel_loop3A_327 = vector.broadcast %parallel_loop3A_326 : i32 to vector<16xi32>
      %parallel_loop3A_328 = arith.addi %parallel_loop3A_321, %parallel_loop3A_327 : vector<16xi32>
      %parallel_loop3A_329 = tpu.vector_load_idx %arg8[%parallel_loop3A_328] : memref<6144xf32, #tpu.memory_space<vmem>>[vector<16xi32>], vector<16xf32>,
      %parallel_loop3A_330 = arith.constant 2.880000e+02 : f32
      %parallel_loop3A_331 = vector.broadcast %parallel_loop3A_330 : f32 to vector<16xf32>
      %parallel_loop3A_332 = arith.mulf %parallel_loop3A_325, %parallel_loop3A_331 : vector<16xf32>
      %parallel_loop3A_333 = arith.fptosi %parallel_loop3A_332 : vector<16xf32> to vector<16xi32>
      %parallel_loop3A_334 = arith.fptosi %parallel_loop3A_329 : vector<16xf32> to vector<16xi32>
      %parallel_loop3A_335 = arith.constant 12 : i32
      %parallel_loop3A_336 = vector.broadcast %parallel_loop3A_335 : i32 to vector<16xi32>
      %parallel_loop3A_337 = arith.muli %parallel_loop3A_318, %parallel_loop3A_336 : vector<16xi32>
      %parallel_loop3A_338 = arith.constant 9 : i32
      %parallel_loop3A_339 = vector.broadcast %parallel_loop3A_338 : i32 to vector<16xi32>
      %parallel_loop3A_340 = arith.addi %parallel_loop3A_337, %parallel_loop3A_339 : vector<16xi32>
      %parallel_loop3A_341 = arith.constant 7 : i32
      %parallel_loop3A_342 = vector.broadcast %parallel_loop3A_341 : i32 to vector<16xi32>
      %parallel_loop3A_343 = arith.shrsi %parallel_loop3A_340, %parallel_loop3A_342 : vector<16xi32>
      %parallel_loop3A_344 = arith.constant 127 : i32
      %parallel_loop3A_345 = vector.broadcast %parallel_loop3A_344 : i32 to vector<16xi32>
      %parallel_loop3A_346 = arith.andi %parallel_loop3A_340, %parallel_loop3A_345 : vector<16xi32>
      %parallel_loop3A_347 = arith.sitofp %parallel_loop3A_333 : vector<16xi32> to vector<16xf32>
      tpu.vector_store_idx %arg5[%parallel_loop3A_343, %parallel_loop3A_346], %parallel_loop3A_347 : memref<192x128xf32, #tpu.memory_space<vmem>>[vector<16xi32>, vector<16xi32>], vector<16xf32>,
      %parallel_loop3A_348 = arith.sitofp %parallel_loop3A_334 : vector<16xi32> to vector<16xf32>
      tpu.vector_store_idx %arg6[%parallel_loop3A_343, %parallel_loop3A_346], %parallel_loop3A_348 : memref<192x128xf32, #tpu.memory_space<vmem>>[vector<16xi32>, vector<16xi32>], vector<16xf32>,
      %parallel_loop3A_349 = arith.constant 4 : i32
      %parallel_loop3A_350 = arith.muli %parallel_loop3A_234, %parallel_loop3A_349 : i32
      %parallel_loop3A_351 = arith.constant 3 : i32
      %parallel_loop3A_352 = arith.addi %parallel_loop3A_350, %parallel_loop3A_351 : i32
      %parallel_loop3A_353 = arith.constant 16 : i32
      %parallel_loop3A_354 = arith.muli %parallel_loop3A_352, %parallel_loop3A_353 : i32
      %parallel_loop3A_355 = vector.broadcast %parallel_loop3A_354 : i32 to vector<16xi32>
      %parallel_loop3A_356 = arith.addi %parallel_loop3A_355, %iota3A : vector<16xi32>
      %parallel_loop3A_357 = arith.constant 3 : i32
      %parallel_loop3A_358 = vector.broadcast %parallel_loop3A_357 : i32 to vector<16xi32>
      %parallel_loop3A_359 = arith.muli %parallel_loop3A_356, %parallel_loop3A_358 : vector<16xi32>
      %parallel_loop3A_360 = arith.constant 1 : i32
      %parallel_loop3A_361 = vector.broadcast %parallel_loop3A_360 : i32 to vector<16xi32>
      %parallel_loop3A_362 = arith.addi %parallel_loop3A_359, %parallel_loop3A_361 : vector<16xi32>
      %parallel_loop3A_363 = tpu.vector_load_idx %arg8[%parallel_loop3A_362] : memref<6144xf32, #tpu.memory_space<vmem>>[vector<16xi32>], vector<16xf32>,
      %parallel_loop3A_364 = arith.constant 2 : i32
      %parallel_loop3A_365 = vector.broadcast %parallel_loop3A_364 : i32 to vector<16xi32>
      %parallel_loop3A_366 = arith.addi %parallel_loop3A_359, %parallel_loop3A_365 : vector<16xi32>
      %parallel_loop3A_367 = tpu.vector_load_idx %arg8[%parallel_loop3A_366] : memref<6144xf32, #tpu.memory_space<vmem>>[vector<16xi32>], vector<16xf32>,
      %parallel_loop3A_368 = arith.constant 2.880000e+02 : f32
      %parallel_loop3A_369 = vector.broadcast %parallel_loop3A_368 : f32 to vector<16xf32>
      %parallel_loop3A_370 = arith.mulf %parallel_loop3A_363, %parallel_loop3A_369 : vector<16xf32>
      %parallel_loop3A_371 = arith.fptosi %parallel_loop3A_370 : vector<16xf32> to vector<16xi32>
      %parallel_loop3A_372 = arith.fptosi %parallel_loop3A_367 : vector<16xf32> to vector<16xi32>
      %parallel_loop3A_373 = arith.constant 12 : i32
      %parallel_loop3A_374 = vector.broadcast %parallel_loop3A_373 : i32 to vector<16xi32>
      %parallel_loop3A_375 = arith.muli %parallel_loop3A_356, %parallel_loop3A_374 : vector<16xi32>
      %parallel_loop3A_376 = arith.constant 9 : i32
      %parallel_loop3A_377 = vector.broadcast %parallel_loop3A_376 : i32 to vector<16xi32>
      %parallel_loop3A_378 = arith.addi %parallel_loop3A_375, %parallel_loop3A_377 : vector<16xi32>
      %parallel_loop3A_379 = arith.constant 7 : i32
      %parallel_loop3A_380 = vector.broadcast %parallel_loop3A_379 : i32 to vector<16xi32>
      %parallel_loop3A_381 = arith.shrsi %parallel_loop3A_378, %parallel_loop3A_380 : vector<16xi32>
      %parallel_loop3A_382 = arith.constant 127 : i32
      %parallel_loop3A_383 = vector.broadcast %parallel_loop3A_382 : i32 to vector<16xi32>
      %parallel_loop3A_384 = arith.andi %parallel_loop3A_378, %parallel_loop3A_383 : vector<16xi32>
      %parallel_loop3A_385 = arith.sitofp %parallel_loop3A_371 : vector<16xi32> to vector<16xf32>
      tpu.vector_store_idx %arg5[%parallel_loop3A_381, %parallel_loop3A_384], %parallel_loop3A_385 : memref<192x128xf32, #tpu.memory_space<vmem>>[vector<16xi32>, vector<16xi32>], vector<16xf32>,
      %parallel_loop3A_386 = arith.sitofp %parallel_loop3A_372 : vector<16xi32> to vector<16xf32>
      tpu.vector_store_idx %arg6[%parallel_loop3A_381, %parallel_loop3A_384], %parallel_loop3A_386 : memref<192x128xf32, #tpu.memory_space<vmem>>[vector<16xi32>, vector<16xi32>], vector<16xf32>,
    } {sc.loop_unroll_factor = 2 : i64, sc.parallel_access}
    %dma_wait3A_175 = arith.constant 10 : i32
    %dma_wait3A_176 = arith.constant 0 : i32
    %dma_wait3A_177 = tpu.memref_slice %arg2[%add3A, %dma_wait3A_175, %dma_wait3A_176] : memref<32x12x6144xf32, #tpu.memory_space<hbm>> -> memref<1x1x6144xf32, #tpu.memory_space<hbm>>
    %dma_wait3A_178 = tpu.memref_squeeze %dma_wait3A_177 : memref<1x1x6144xf32, #tpu.memory_space<hbm>> -> memref<6144xf32, #tpu.memory_space<hbm>>
    %dma_wait3A_179 = arith.constant 0 : i32
    %dma_wait3A_180 = tpu.memref_slice %arg2[%add3A, %dma_wait3A_175, %dma_wait3A_179] : memref<32x12x6144xf32, #tpu.memory_space<hbm>> -> memref<1x1x6144xf32, #tpu.memory_space<hbm>>
    %dma_wait3A_181 = tpu.memref_squeeze %dma_wait3A_180 : memref<1x1x6144xf32, #tpu.memory_space<hbm>> -> memref<6144xf32, #tpu.memory_space<hbm>>
    tpu.wait_dma2 semaphore(%arg9 : memref<!tpu.dma_semaphore, #tpu.memory_space<semaphore_mem>>) src(%dma_wait3A_181 : memref<6144xf32, #tpu.memory_space<hbm>>) dst(%arg7 : memref<6144xf32, #tpu.memory_space<vmem>>)
    %dma_start3A_182 = arith.constant 11 : i32
    %dma_start3A_183 = arith.constant 0 : i32
    %dma_start3A_184 = tpu.memref_slice %arg2[%add3A, %dma_start3A_182, %dma_start3A_183] : memref<32x12x6144xf32, #tpu.memory_space<hbm>> -> memref<1x1x6144xf32, #tpu.memory_space<hbm>>
    %dma_start3A_185 = tpu.memref_squeeze %dma_start3A_184 : memref<1x1x6144xf32, #tpu.memory_space<hbm>> -> memref<6144xf32, #tpu.memory_space<hbm>>
    %dma_start3A_186 = arith.constant 0 : i32
    %dma_start3A_187 = tpu.memref_slice %arg2[%add3A, %dma_start3A_182, %dma_start3A_186] : memref<32x12x6144xf32, #tpu.memory_space<hbm>> -> memref<1x1x6144xf32, #tpu.memory_space<hbm>>
    %dma_start3A_188 = tpu.memref_squeeze %dma_start3A_187 : memref<1x1x6144xf32, #tpu.memory_space<hbm>> -> memref<6144xf32, #tpu.memory_space<hbm>>
    tpu.enqueue_dma source(%dma_start3A_188 : memref<6144xf32, #tpu.memory_space<hbm>>) target(%arg8 : memref<6144xf32, #tpu.memory_space<vmem>>) target_semaphore(%arg10 : memref<!tpu.dma_semaphore, #tpu.memory_space<semaphore_mem>>)
    %parallel_loop3A_189 = arith.constant 0 : i32
    %parallel_loop3A_190 = arith.constant 32 : i32
    %parallel_loop3A_191 = arith.constant 1 : i32
    scf.for %parallel_loop3A_234 = %parallel_loop3A_189 to %parallel_loop3A_190 step %parallel_loop3A_191  : i32 {
      %parallel_loop3A_235 = arith.constant 4 : i32
      %parallel_loop3A_236 = arith.muli %parallel_loop3A_234, %parallel_loop3A_235 : i32
      %parallel_loop3A_237 = arith.constant 0 : i32
      %parallel_loop3A_238 = arith.addi %parallel_loop3A_236, %parallel_loop3A_237 : i32
      %parallel_loop3A_239 = arith.constant 16 : i32
      %parallel_loop3A_240 = arith.muli %parallel_loop3A_238, %parallel_loop3A_239 : i32
      %parallel_loop3A_241 = vector.broadcast %parallel_loop3A_240 : i32 to vector<16xi32>
      %parallel_loop3A_242 = arith.addi %parallel_loop3A_241, %iota3A : vector<16xi32>
      %parallel_loop3A_243 = arith.constant 3 : i32
      %parallel_loop3A_244 = vector.broadcast %parallel_loop3A_243 : i32 to vector<16xi32>
      %parallel_loop3A_245 = arith.muli %parallel_loop3A_242, %parallel_loop3A_244 : vector<16xi32>
      %parallel_loop3A_246 = arith.constant 1 : i32
      %parallel_loop3A_247 = vector.broadcast %parallel_loop3A_246 : i32 to vector<16xi32>
      %parallel_loop3A_248 = arith.addi %parallel_loop3A_245, %parallel_loop3A_247 : vector<16xi32>
      %parallel_loop3A_249 = tpu.vector_load_idx %arg7[%parallel_loop3A_248] : memref<6144xf32, #tpu.memory_space<vmem>>[vector<16xi32>], vector<16xf32>,
      %parallel_loop3A_250 = arith.constant 2 : i32
      %parallel_loop3A_251 = vector.broadcast %parallel_loop3A_250 : i32 to vector<16xi32>
      %parallel_loop3A_252 = arith.addi %parallel_loop3A_245, %parallel_loop3A_251 : vector<16xi32>
      %parallel_loop3A_253 = tpu.vector_load_idx %arg7[%parallel_loop3A_252] : memref<6144xf32, #tpu.memory_space<vmem>>[vector<16xi32>], vector<16xf32>,
      %parallel_loop3A_254 = arith.constant 2.880000e+02 : f32
      %parallel_loop3A_255 = vector.broadcast %parallel_loop3A_254 : f32 to vector<16xf32>
      %parallel_loop3A_256 = arith.mulf %parallel_loop3A_249, %parallel_loop3A_255 : vector<16xf32>
      %parallel_loop3A_257 = arith.fptosi %parallel_loop3A_256 : vector<16xf32> to vector<16xi32>
      %parallel_loop3A_258 = arith.fptosi %parallel_loop3A_253 : vector<16xf32> to vector<16xi32>
      %parallel_loop3A_259 = arith.constant 12 : i32
      %parallel_loop3A_260 = vector.broadcast %parallel_loop3A_259 : i32 to vector<16xi32>
      %parallel_loop3A_261 = arith.muli %parallel_loop3A_242, %parallel_loop3A_260 : vector<16xi32>
      %parallel_loop3A_262 = arith.constant 10 : i32
      %parallel_loop3A_263 = vector.broadcast %parallel_loop3A_262 : i32 to vector<16xi32>
      %parallel_loop3A_264 = arith.addi %parallel_loop3A_261, %parallel_loop3A_263 : vector<16xi32>
      %parallel_loop3A_265 = arith.constant 7 : i32
      %parallel_loop3A_266 = vector.broadcast %parallel_loop3A_265 : i32 to vector<16xi32>
      %parallel_loop3A_267 = arith.shrsi %parallel_loop3A_264, %parallel_loop3A_266 : vector<16xi32>
      %parallel_loop3A_268 = arith.constant 127 : i32
      %parallel_loop3A_269 = vector.broadcast %parallel_loop3A_268 : i32 to vector<16xi32>
      %parallel_loop3A_270 = arith.andi %parallel_loop3A_264, %parallel_loop3A_269 : vector<16xi32>
      %parallel_loop3A_271 = arith.sitofp %parallel_loop3A_257 : vector<16xi32> to vector<16xf32>
      tpu.vector_store_idx %arg5[%parallel_loop3A_267, %parallel_loop3A_270], %parallel_loop3A_271 : memref<192x128xf32, #tpu.memory_space<vmem>>[vector<16xi32>, vector<16xi32>], vector<16xf32>,
      %parallel_loop3A_272 = arith.sitofp %parallel_loop3A_258 : vector<16xi32> to vector<16xf32>
      tpu.vector_store_idx %arg6[%parallel_loop3A_267, %parallel_loop3A_270], %parallel_loop3A_272 : memref<192x128xf32, #tpu.memory_space<vmem>>[vector<16xi32>, vector<16xi32>], vector<16xf32>,
      %parallel_loop3A_273 = arith.constant 4 : i32
      %parallel_loop3A_274 = arith.muli %parallel_loop3A_234, %parallel_loop3A_273 : i32
      %parallel_loop3A_275 = arith.constant 1 : i32
      %parallel_loop3A_276 = arith.addi %parallel_loop3A_274, %parallel_loop3A_275 : i32
      %parallel_loop3A_277 = arith.constant 16 : i32
      %parallel_loop3A_278 = arith.muli %parallel_loop3A_276, %parallel_loop3A_277 : i32
      %parallel_loop3A_279 = vector.broadcast %parallel_loop3A_278 : i32 to vector<16xi32>
      %parallel_loop3A_280 = arith.addi %parallel_loop3A_279, %iota3A : vector<16xi32>
      %parallel_loop3A_281 = arith.constant 3 : i32
      %parallel_loop3A_282 = vector.broadcast %parallel_loop3A_281 : i32 to vector<16xi32>
      %parallel_loop3A_283 = arith.muli %parallel_loop3A_280, %parallel_loop3A_282 : vector<16xi32>
      %parallel_loop3A_284 = arith.constant 1 : i32
      %parallel_loop3A_285 = vector.broadcast %parallel_loop3A_284 : i32 to vector<16xi32>
      %parallel_loop3A_286 = arith.addi %parallel_loop3A_283, %parallel_loop3A_285 : vector<16xi32>
      %parallel_loop3A_287 = tpu.vector_load_idx %arg7[%parallel_loop3A_286] : memref<6144xf32, #tpu.memory_space<vmem>>[vector<16xi32>], vector<16xf32>,
      %parallel_loop3A_288 = arith.constant 2 : i32
      %parallel_loop3A_289 = vector.broadcast %parallel_loop3A_288 : i32 to vector<16xi32>
      %parallel_loop3A_290 = arith.addi %parallel_loop3A_283, %parallel_loop3A_289 : vector<16xi32>
      %parallel_loop3A_291 = tpu.vector_load_idx %arg7[%parallel_loop3A_290] : memref<6144xf32, #tpu.memory_space<vmem>>[vector<16xi32>], vector<16xf32>,
      %parallel_loop3A_292 = arith.constant 2.880000e+02 : f32
      %parallel_loop3A_293 = vector.broadcast %parallel_loop3A_292 : f32 to vector<16xf32>
      %parallel_loop3A_294 = arith.mulf %parallel_loop3A_287, %parallel_loop3A_293 : vector<16xf32>
      %parallel_loop3A_295 = arith.fptosi %parallel_loop3A_294 : vector<16xf32> to vector<16xi32>
      %parallel_loop3A_296 = arith.fptosi %parallel_loop3A_291 : vector<16xf32> to vector<16xi32>
      %parallel_loop3A_297 = arith.constant 12 : i32
      %parallel_loop3A_298 = vector.broadcast %parallel_loop3A_297 : i32 to vector<16xi32>
      %parallel_loop3A_299 = arith.muli %parallel_loop3A_280, %parallel_loop3A_298 : vector<16xi32>
      %parallel_loop3A_300 = arith.constant 10 : i32
      %parallel_loop3A_301 = vector.broadcast %parallel_loop3A_300 : i32 to vector<16xi32>
      %parallel_loop3A_302 = arith.addi %parallel_loop3A_299, %parallel_loop3A_301 : vector<16xi32>
      %parallel_loop3A_303 = arith.constant 7 : i32
      %parallel_loop3A_304 = vector.broadcast %parallel_loop3A_303 : i32 to vector<16xi32>
      %parallel_loop3A_305 = arith.shrsi %parallel_loop3A_302, %parallel_loop3A_304 : vector<16xi32>
      %parallel_loop3A_306 = arith.constant 127 : i32
      %parallel_loop3A_307 = vector.broadcast %parallel_loop3A_306 : i32 to vector<16xi32>
      %parallel_loop3A_308 = arith.andi %parallel_loop3A_302, %parallel_loop3A_307 : vector<16xi32>
      %parallel_loop3A_309 = arith.sitofp %parallel_loop3A_295 : vector<16xi32> to vector<16xf32>
      tpu.vector_store_idx %arg5[%parallel_loop3A_305, %parallel_loop3A_308], %parallel_loop3A_309 : memref<192x128xf32, #tpu.memory_space<vmem>>[vector<16xi32>, vector<16xi32>], vector<16xf32>,
      %parallel_loop3A_310 = arith.sitofp %parallel_loop3A_296 : vector<16xi32> to vector<16xf32>
      tpu.vector_store_idx %arg6[%parallel_loop3A_305, %parallel_loop3A_308], %parallel_loop3A_310 : memref<192x128xf32, #tpu.memory_space<vmem>>[vector<16xi32>, vector<16xi32>], vector<16xf32>,
      %parallel_loop3A_311 = arith.constant 4 : i32
      %parallel_loop3A_312 = arith.muli %parallel_loop3A_234, %parallel_loop3A_311 : i32
      %parallel_loop3A_313 = arith.constant 2 : i32
      %parallel_loop3A_314 = arith.addi %parallel_loop3A_312, %parallel_loop3A_313 : i32
      %parallel_loop3A_315 = arith.constant 16 : i32
      %parallel_loop3A_316 = arith.muli %parallel_loop3A_314, %parallel_loop3A_315 : i32
      %parallel_loop3A_317 = vector.broadcast %parallel_loop3A_316 : i32 to vector<16xi32>
      %parallel_loop3A_318 = arith.addi %parallel_loop3A_317, %iota3A : vector<16xi32>
      %parallel_loop3A_319 = arith.constant 3 : i32
      %parallel_loop3A_320 = vector.broadcast %parallel_loop3A_319 : i32 to vector<16xi32>
      %parallel_loop3A_321 = arith.muli %parallel_loop3A_318, %parallel_loop3A_320 : vector<16xi32>
      %parallel_loop3A_322 = arith.constant 1 : i32
      %parallel_loop3A_323 = vector.broadcast %parallel_loop3A_322 : i32 to vector<16xi32>
      %parallel_loop3A_324 = arith.addi %parallel_loop3A_321, %parallel_loop3A_323 : vector<16xi32>
      %parallel_loop3A_325 = tpu.vector_load_idx %arg7[%parallel_loop3A_324] : memref<6144xf32, #tpu.memory_space<vmem>>[vector<16xi32>], vector<16xf32>,
      %parallel_loop3A_326 = arith.constant 2 : i32
      %parallel_loop3A_327 = vector.broadcast %parallel_loop3A_326 : i32 to vector<16xi32>
      %parallel_loop3A_328 = arith.addi %parallel_loop3A_321, %parallel_loop3A_327 : vector<16xi32>
      %parallel_loop3A_329 = tpu.vector_load_idx %arg7[%parallel_loop3A_328] : memref<6144xf32, #tpu.memory_space<vmem>>[vector<16xi32>], vector<16xf32>,
      %parallel_loop3A_330 = arith.constant 2.880000e+02 : f32
      %parallel_loop3A_331 = vector.broadcast %parallel_loop3A_330 : f32 to vector<16xf32>
      %parallel_loop3A_332 = arith.mulf %parallel_loop3A_325, %parallel_loop3A_331 : vector<16xf32>
      %parallel_loop3A_333 = arith.fptosi %parallel_loop3A_332 : vector<16xf32> to vector<16xi32>
      %parallel_loop3A_334 = arith.fptosi %parallel_loop3A_329 : vector<16xf32> to vector<16xi32>
      %parallel_loop3A_335 = arith.constant 12 : i32
      %parallel_loop3A_336 = vector.broadcast %parallel_loop3A_335 : i32 to vector<16xi32>
      %parallel_loop3A_337 = arith.muli %parallel_loop3A_318, %parallel_loop3A_336 : vector<16xi32>
      %parallel_loop3A_338 = arith.constant 10 : i32
      %parallel_loop3A_339 = vector.broadcast %parallel_loop3A_338 : i32 to vector<16xi32>
      %parallel_loop3A_340 = arith.addi %parallel_loop3A_337, %parallel_loop3A_339 : vector<16xi32>
      %parallel_loop3A_341 = arith.constant 7 : i32
      %parallel_loop3A_342 = vector.broadcast %parallel_loop3A_341 : i32 to vector<16xi32>
      %parallel_loop3A_343 = arith.shrsi %parallel_loop3A_340, %parallel_loop3A_342 : vector<16xi32>
      %parallel_loop3A_344 = arith.constant 127 : i32
      %parallel_loop3A_345 = vector.broadcast %parallel_loop3A_344 : i32 to vector<16xi32>
      %parallel_loop3A_346 = arith.andi %parallel_loop3A_340, %parallel_loop3A_345 : vector<16xi32>
      %parallel_loop3A_347 = arith.sitofp %parallel_loop3A_333 : vector<16xi32> to vector<16xf32>
      tpu.vector_store_idx %arg5[%parallel_loop3A_343, %parallel_loop3A_346], %parallel_loop3A_347 : memref<192x128xf32, #tpu.memory_space<vmem>>[vector<16xi32>, vector<16xi32>], vector<16xf32>,
      %parallel_loop3A_348 = arith.sitofp %parallel_loop3A_334 : vector<16xi32> to vector<16xf32>
      tpu.vector_store_idx %arg6[%parallel_loop3A_343, %parallel_loop3A_346], %parallel_loop3A_348 : memref<192x128xf32, #tpu.memory_space<vmem>>[vector<16xi32>, vector<16xi32>], vector<16xf32>,
      %parallel_loop3A_349 = arith.constant 4 : i32
      %parallel_loop3A_350 = arith.muli %parallel_loop3A_234, %parallel_loop3A_349 : i32
      %parallel_loop3A_351 = arith.constant 3 : i32
      %parallel_loop3A_352 = arith.addi %parallel_loop3A_350, %parallel_loop3A_351 : i32
      %parallel_loop3A_353 = arith.constant 16 : i32
      %parallel_loop3A_354 = arith.muli %parallel_loop3A_352, %parallel_loop3A_353 : i32
      %parallel_loop3A_355 = vector.broadcast %parallel_loop3A_354 : i32 to vector<16xi32>
      %parallel_loop3A_356 = arith.addi %parallel_loop3A_355, %iota3A : vector<16xi32>
      %parallel_loop3A_357 = arith.constant 3 : i32
      %parallel_loop3A_358 = vector.broadcast %parallel_loop3A_357 : i32 to vector<16xi32>
      %parallel_loop3A_359 = arith.muli %parallel_loop3A_356, %parallel_loop3A_358 : vector<16xi32>
      %parallel_loop3A_360 = arith.constant 1 : i32
      %parallel_loop3A_361 = vector.broadcast %parallel_loop3A_360 : i32 to vector<16xi32>
      %parallel_loop3A_362 = arith.addi %parallel_loop3A_359, %parallel_loop3A_361 : vector<16xi32>
      %parallel_loop3A_363 = tpu.vector_load_idx %arg7[%parallel_loop3A_362] : memref<6144xf32, #tpu.memory_space<vmem>>[vector<16xi32>], vector<16xf32>,
      %parallel_loop3A_364 = arith.constant 2 : i32
      %parallel_loop3A_365 = vector.broadcast %parallel_loop3A_364 : i32 to vector<16xi32>
      %parallel_loop3A_366 = arith.addi %parallel_loop3A_359, %parallel_loop3A_365 : vector<16xi32>
      %parallel_loop3A_367 = tpu.vector_load_idx %arg7[%parallel_loop3A_366] : memref<6144xf32, #tpu.memory_space<vmem>>[vector<16xi32>], vector<16xf32>,
      %parallel_loop3A_368 = arith.constant 2.880000e+02 : f32
      %parallel_loop3A_369 = vector.broadcast %parallel_loop3A_368 : f32 to vector<16xf32>
      %parallel_loop3A_370 = arith.mulf %parallel_loop3A_363, %parallel_loop3A_369 : vector<16xf32>
      %parallel_loop3A_371 = arith.fptosi %parallel_loop3A_370 : vector<16xf32> to vector<16xi32>
      %parallel_loop3A_372 = arith.fptosi %parallel_loop3A_367 : vector<16xf32> to vector<16xi32>
      %parallel_loop3A_373 = arith.constant 12 : i32
      %parallel_loop3A_374 = vector.broadcast %parallel_loop3A_373 : i32 to vector<16xi32>
      %parallel_loop3A_375 = arith.muli %parallel_loop3A_356, %parallel_loop3A_374 : vector<16xi32>
      %parallel_loop3A_376 = arith.constant 10 : i32
      %parallel_loop3A_377 = vector.broadcast %parallel_loop3A_376 : i32 to vector<16xi32>
      %parallel_loop3A_378 = arith.addi %parallel_loop3A_375, %parallel_loop3A_377 : vector<16xi32>
      %parallel_loop3A_379 = arith.constant 7 : i32
      %parallel_loop3A_380 = vector.broadcast %parallel_loop3A_379 : i32 to vector<16xi32>
      %parallel_loop3A_381 = arith.shrsi %parallel_loop3A_378, %parallel_loop3A_380 : vector<16xi32>
      %parallel_loop3A_382 = arith.constant 127 : i32
      %parallel_loop3A_383 = vector.broadcast %parallel_loop3A_382 : i32 to vector<16xi32>
      %parallel_loop3A_384 = arith.andi %parallel_loop3A_378, %parallel_loop3A_383 : vector<16xi32>
      %parallel_loop3A_385 = arith.sitofp %parallel_loop3A_371 : vector<16xi32> to vector<16xf32>
      tpu.vector_store_idx %arg5[%parallel_loop3A_381, %parallel_loop3A_384], %parallel_loop3A_385 : memref<192x128xf32, #tpu.memory_space<vmem>>[vector<16xi32>, vector<16xi32>], vector<16xf32>,
      %parallel_loop3A_386 = arith.sitofp %parallel_loop3A_372 : vector<16xi32> to vector<16xf32>
      tpu.vector_store_idx %arg6[%parallel_loop3A_381, %parallel_loop3A_384], %parallel_loop3A_386 : memref<192x128xf32, #tpu.memory_space<vmem>>[vector<16xi32>, vector<16xi32>], vector<16xf32>,
    } {sc.loop_unroll_factor = 2 : i64, sc.parallel_access}
    %dma_wait3A_192 = arith.constant 11 : i32
    %dma_wait3A_193 = arith.constant 0 : i32
    %dma_wait3A_194 = tpu.memref_slice %arg2[%add3A, %dma_wait3A_192, %dma_wait3A_193] : memref<32x12x6144xf32, #tpu.memory_space<hbm>> -> memref<1x1x6144xf32, #tpu.memory_space<hbm>>
    %dma_wait3A_195 = tpu.memref_squeeze %dma_wait3A_194 : memref<1x1x6144xf32, #tpu.memory_space<hbm>> -> memref<6144xf32, #tpu.memory_space<hbm>>
    %dma_wait3A_196 = arith.constant 0 : i32
    %dma_wait3A_197 = tpu.memref_slice %arg2[%add3A, %dma_wait3A_192, %dma_wait3A_196] : memref<32x12x6144xf32, #tpu.memory_space<hbm>> -> memref<1x1x6144xf32, #tpu.memory_space<hbm>>
    %dma_wait3A_198 = tpu.memref_squeeze %dma_wait3A_197 : memref<1x1x6144xf32, #tpu.memory_space<hbm>> -> memref<6144xf32, #tpu.memory_space<hbm>>
    tpu.wait_dma2 semaphore(%arg10 : memref<!tpu.dma_semaphore, #tpu.memory_space<semaphore_mem>>) src(%dma_wait3A_198 : memref<6144xf32, #tpu.memory_space<hbm>>) dst(%arg8 : memref<6144xf32, #tpu.memory_space<vmem>>)
    %parallel_loop3A_199 = arith.constant 0 : i32
    %parallel_loop3A_200 = arith.constant 32 : i32
    %parallel_loop3A_201 = arith.constant 1 : i32
    scf.for %parallel_loop3A_234 = %parallel_loop3A_199 to %parallel_loop3A_200 step %parallel_loop3A_201  : i32 {
      %parallel_loop3A_235 = arith.constant 4 : i32
      %parallel_loop3A_236 = arith.muli %parallel_loop3A_234, %parallel_loop3A_235 : i32
      %parallel_loop3A_237 = arith.constant 0 : i32
      %parallel_loop3A_238 = arith.addi %parallel_loop3A_236, %parallel_loop3A_237 : i32
      %parallel_loop3A_239 = arith.constant 16 : i32
      %parallel_loop3A_240 = arith.muli %parallel_loop3A_238, %parallel_loop3A_239 : i32
      %parallel_loop3A_241 = vector.broadcast %parallel_loop3A_240 : i32 to vector<16xi32>
      %parallel_loop3A_242 = arith.addi %parallel_loop3A_241, %iota3A : vector<16xi32>
      %parallel_loop3A_243 = arith.constant 3 : i32
      %parallel_loop3A_244 = vector.broadcast %parallel_loop3A_243 : i32 to vector<16xi32>
      %parallel_loop3A_245 = arith.muli %parallel_loop3A_242, %parallel_loop3A_244 : vector<16xi32>
      %parallel_loop3A_246 = arith.constant 1 : i32
      %parallel_loop3A_247 = vector.broadcast %parallel_loop3A_246 : i32 to vector<16xi32>
      %parallel_loop3A_248 = arith.addi %parallel_loop3A_245, %parallel_loop3A_247 : vector<16xi32>
      %parallel_loop3A_249 = tpu.vector_load_idx %arg8[%parallel_loop3A_248] : memref<6144xf32, #tpu.memory_space<vmem>>[vector<16xi32>], vector<16xf32>,
      %parallel_loop3A_250 = arith.constant 2 : i32
      %parallel_loop3A_251 = vector.broadcast %parallel_loop3A_250 : i32 to vector<16xi32>
      %parallel_loop3A_252 = arith.addi %parallel_loop3A_245, %parallel_loop3A_251 : vector<16xi32>
      %parallel_loop3A_253 = tpu.vector_load_idx %arg8[%parallel_loop3A_252] : memref<6144xf32, #tpu.memory_space<vmem>>[vector<16xi32>], vector<16xf32>,
      %parallel_loop3A_254 = arith.constant 2.880000e+02 : f32
      %parallel_loop3A_255 = vector.broadcast %parallel_loop3A_254 : f32 to vector<16xf32>
      %parallel_loop3A_256 = arith.mulf %parallel_loop3A_249, %parallel_loop3A_255 : vector<16xf32>
      %parallel_loop3A_257 = arith.fptosi %parallel_loop3A_256 : vector<16xf32> to vector<16xi32>
      %parallel_loop3A_258 = arith.fptosi %parallel_loop3A_253 : vector<16xf32> to vector<16xi32>
      %parallel_loop3A_259 = arith.constant 12 : i32
      %parallel_loop3A_260 = vector.broadcast %parallel_loop3A_259 : i32 to vector<16xi32>
      %parallel_loop3A_261 = arith.muli %parallel_loop3A_242, %parallel_loop3A_260 : vector<16xi32>
      %parallel_loop3A_262 = arith.constant 11 : i32
      %parallel_loop3A_263 = vector.broadcast %parallel_loop3A_262 : i32 to vector<16xi32>
      %parallel_loop3A_264 = arith.addi %parallel_loop3A_261, %parallel_loop3A_263 : vector<16xi32>
      %parallel_loop3A_265 = arith.constant 7 : i32
      %parallel_loop3A_266 = vector.broadcast %parallel_loop3A_265 : i32 to vector<16xi32>
      %parallel_loop3A_267 = arith.shrsi %parallel_loop3A_264, %parallel_loop3A_266 : vector<16xi32>
      %parallel_loop3A_268 = arith.constant 127 : i32
      %parallel_loop3A_269 = vector.broadcast %parallel_loop3A_268 : i32 to vector<16xi32>
      %parallel_loop3A_270 = arith.andi %parallel_loop3A_264, %parallel_loop3A_269 : vector<16xi32>
      %parallel_loop3A_271 = arith.sitofp %parallel_loop3A_257 : vector<16xi32> to vector<16xf32>
      tpu.vector_store_idx %arg5[%parallel_loop3A_267, %parallel_loop3A_270], %parallel_loop3A_271 : memref<192x128xf32, #tpu.memory_space<vmem>>[vector<16xi32>, vector<16xi32>], vector<16xf32>,
      %parallel_loop3A_272 = arith.sitofp %parallel_loop3A_258 : vector<16xi32> to vector<16xf32>
      tpu.vector_store_idx %arg6[%parallel_loop3A_267, %parallel_loop3A_270], %parallel_loop3A_272 : memref<192x128xf32, #tpu.memory_space<vmem>>[vector<16xi32>, vector<16xi32>], vector<16xf32>,
      %parallel_loop3A_273 = arith.constant 4 : i32
      %parallel_loop3A_274 = arith.muli %parallel_loop3A_234, %parallel_loop3A_273 : i32
      %parallel_loop3A_275 = arith.constant 1 : i32
      %parallel_loop3A_276 = arith.addi %parallel_loop3A_274, %parallel_loop3A_275 : i32
      %parallel_loop3A_277 = arith.constant 16 : i32
      %parallel_loop3A_278 = arith.muli %parallel_loop3A_276, %parallel_loop3A_277 : i32
      %parallel_loop3A_279 = vector.broadcast %parallel_loop3A_278 : i32 to vector<16xi32>
      %parallel_loop3A_280 = arith.addi %parallel_loop3A_279, %iota3A : vector<16xi32>
      %parallel_loop3A_281 = arith.constant 3 : i32
      %parallel_loop3A_282 = vector.broadcast %parallel_loop3A_281 : i32 to vector<16xi32>
      %parallel_loop3A_283 = arith.muli %parallel_loop3A_280, %parallel_loop3A_282 : vector<16xi32>
      %parallel_loop3A_284 = arith.constant 1 : i32
      %parallel_loop3A_285 = vector.broadcast %parallel_loop3A_284 : i32 to vector<16xi32>
      %parallel_loop3A_286 = arith.addi %parallel_loop3A_283, %parallel_loop3A_285 : vector<16xi32>
      %parallel_loop3A_287 = tpu.vector_load_idx %arg8[%parallel_loop3A_286] : memref<6144xf32, #tpu.memory_space<vmem>>[vector<16xi32>], vector<16xf32>,
      %parallel_loop3A_288 = arith.constant 2 : i32
      %parallel_loop3A_289 = vector.broadcast %parallel_loop3A_288 : i32 to vector<16xi32>
      %parallel_loop3A_290 = arith.addi %parallel_loop3A_283, %parallel_loop3A_289 : vector<16xi32>
      %parallel_loop3A_291 = tpu.vector_load_idx %arg8[%parallel_loop3A_290] : memref<6144xf32, #tpu.memory_space<vmem>>[vector<16xi32>], vector<16xf32>,
      %parallel_loop3A_292 = arith.constant 2.880000e+02 : f32
      %parallel_loop3A_293 = vector.broadcast %parallel_loop3A_292 : f32 to vector<16xf32>
      %parallel_loop3A_294 = arith.mulf %parallel_loop3A_287, %parallel_loop3A_293 : vector<16xf32>
      %parallel_loop3A_295 = arith.fptosi %parallel_loop3A_294 : vector<16xf32> to vector<16xi32>
      %parallel_loop3A_296 = arith.fptosi %parallel_loop3A_291 : vector<16xf32> to vector<16xi32>
      %parallel_loop3A_297 = arith.constant 12 : i32
      %parallel_loop3A_298 = vector.broadcast %parallel_loop3A_297 : i32 to vector<16xi32>
      %parallel_loop3A_299 = arith.muli %parallel_loop3A_280, %parallel_loop3A_298 : vector<16xi32>
      %parallel_loop3A_300 = arith.constant 11 : i32
      %parallel_loop3A_301 = vector.broadcast %parallel_loop3A_300 : i32 to vector<16xi32>
      %parallel_loop3A_302 = arith.addi %parallel_loop3A_299, %parallel_loop3A_301 : vector<16xi32>
      %parallel_loop3A_303 = arith.constant 7 : i32
      %parallel_loop3A_304 = vector.broadcast %parallel_loop3A_303 : i32 to vector<16xi32>
      %parallel_loop3A_305 = arith.shrsi %parallel_loop3A_302, %parallel_loop3A_304 : vector<16xi32>
      %parallel_loop3A_306 = arith.constant 127 : i32
      %parallel_loop3A_307 = vector.broadcast %parallel_loop3A_306 : i32 to vector<16xi32>
      %parallel_loop3A_308 = arith.andi %parallel_loop3A_302, %parallel_loop3A_307 : vector<16xi32>
      %parallel_loop3A_309 = arith.sitofp %parallel_loop3A_295 : vector<16xi32> to vector<16xf32>
      tpu.vector_store_idx %arg5[%parallel_loop3A_305, %parallel_loop3A_308], %parallel_loop3A_309 : memref<192x128xf32, #tpu.memory_space<vmem>>[vector<16xi32>, vector<16xi32>], vector<16xf32>,
      %parallel_loop3A_310 = arith.sitofp %parallel_loop3A_296 : vector<16xi32> to vector<16xf32>
      tpu.vector_store_idx %arg6[%parallel_loop3A_305, %parallel_loop3A_308], %parallel_loop3A_310 : memref<192x128xf32, #tpu.memory_space<vmem>>[vector<16xi32>, vector<16xi32>], vector<16xf32>,
      %parallel_loop3A_311 = arith.constant 4 : i32
      %parallel_loop3A_312 = arith.muli %parallel_loop3A_234, %parallel_loop3A_311 : i32
      %parallel_loop3A_313 = arith.constant 2 : i32
      %parallel_loop3A_314 = arith.addi %parallel_loop3A_312, %parallel_loop3A_313 : i32
      %parallel_loop3A_315 = arith.constant 16 : i32
      %parallel_loop3A_316 = arith.muli %parallel_loop3A_314, %parallel_loop3A_315 : i32
      %parallel_loop3A_317 = vector.broadcast %parallel_loop3A_316 : i32 to vector<16xi32>
      %parallel_loop3A_318 = arith.addi %parallel_loop3A_317, %iota3A : vector<16xi32>
      %parallel_loop3A_319 = arith.constant 3 : i32
      %parallel_loop3A_320 = vector.broadcast %parallel_loop3A_319 : i32 to vector<16xi32>
      %parallel_loop3A_321 = arith.muli %parallel_loop3A_318, %parallel_loop3A_320 : vector<16xi32>
      %parallel_loop3A_322 = arith.constant 1 : i32
      %parallel_loop3A_323 = vector.broadcast %parallel_loop3A_322 : i32 to vector<16xi32>
      %parallel_loop3A_324 = arith.addi %parallel_loop3A_321, %parallel_loop3A_323 : vector<16xi32>
      %parallel_loop3A_325 = tpu.vector_load_idx %arg8[%parallel_loop3A_324] : memref<6144xf32, #tpu.memory_space<vmem>>[vector<16xi32>], vector<16xf32>,
      %parallel_loop3A_326 = arith.constant 2 : i32
      %parallel_loop3A_327 = vector.broadcast %parallel_loop3A_326 : i32 to vector<16xi32>
      %parallel_loop3A_328 = arith.addi %parallel_loop3A_321, %parallel_loop3A_327 : vector<16xi32>
      %parallel_loop3A_329 = tpu.vector_load_idx %arg8[%parallel_loop3A_328] : memref<6144xf32, #tpu.memory_space<vmem>>[vector<16xi32>], vector<16xf32>,
      %parallel_loop3A_330 = arith.constant 2.880000e+02 : f32
      %parallel_loop3A_331 = vector.broadcast %parallel_loop3A_330 : f32 to vector<16xf32>
      %parallel_loop3A_332 = arith.mulf %parallel_loop3A_325, %parallel_loop3A_331 : vector<16xf32>
      %parallel_loop3A_333 = arith.fptosi %parallel_loop3A_332 : vector<16xf32> to vector<16xi32>
      %parallel_loop3A_334 = arith.fptosi %parallel_loop3A_329 : vector<16xf32> to vector<16xi32>
      %parallel_loop3A_335 = arith.constant 12 : i32
      %parallel_loop3A_336 = vector.broadcast %parallel_loop3A_335 : i32 to vector<16xi32>
      %parallel_loop3A_337 = arith.muli %parallel_loop3A_318, %parallel_loop3A_336 : vector<16xi32>
      %parallel_loop3A_338 = arith.constant 11 : i32
      %parallel_loop3A_339 = vector.broadcast %parallel_loop3A_338 : i32 to vector<16xi32>
      %parallel_loop3A_340 = arith.addi %parallel_loop3A_337, %parallel_loop3A_339 : vector<16xi32>
      %parallel_loop3A_341 = arith.constant 7 : i32
      %parallel_loop3A_342 = vector.broadcast %parallel_loop3A_341 : i32 to vector<16xi32>
      %parallel_loop3A_343 = arith.shrsi %parallel_loop3A_340, %parallel_loop3A_342 : vector<16xi32>
      %parallel_loop3A_344 = arith.constant 127 : i32
      %parallel_loop3A_345 = vector.broadcast %parallel_loop3A_344 : i32 to vector<16xi32>
      %parallel_loop3A_346 = arith.andi %parallel_loop3A_340, %parallel_loop3A_345 : vector<16xi32>
      %parallel_loop3A_347 = arith.sitofp %parallel_loop3A_333 : vector<16xi32> to vector<16xf32>
      tpu.vector_store_idx %arg5[%parallel_loop3A_343, %parallel_loop3A_346], %parallel_loop3A_347 : memref<192x128xf32, #tpu.memory_space<vmem>>[vector<16xi32>, vector<16xi32>], vector<16xf32>,
      %parallel_loop3A_348 = arith.sitofp %parallel_loop3A_334 : vector<16xi32> to vector<16xf32>
      tpu.vector_store_idx %arg6[%parallel_loop3A_343, %parallel_loop3A_346], %parallel_loop3A_348 : memref<192x128xf32, #tpu.memory_space<vmem>>[vector<16xi32>, vector<16xi32>], vector<16xf32>,
      %parallel_loop3A_349 = arith.constant 4 : i32
      %parallel_loop3A_350 = arith.muli %parallel_loop3A_234, %parallel_loop3A_349 : i32
      %parallel_loop3A_351 = arith.constant 3 : i32
      %parallel_loop3A_352 = arith.addi %parallel_loop3A_350, %parallel_loop3A_351 : i32
      %parallel_loop3A_353 = arith.constant 16 : i32
      %parallel_loop3A_354 = arith.muli %parallel_loop3A_352, %parallel_loop3A_353 : i32
      %parallel_loop3A_355 = vector.broadcast %parallel_loop3A_354 : i32 to vector<16xi32>
      %parallel_loop3A_356 = arith.addi %parallel_loop3A_355, %iota3A : vector<16xi32>
      %parallel_loop3A_357 = arith.constant 3 : i32
      %parallel_loop3A_358 = vector.broadcast %parallel_loop3A_357 : i32 to vector<16xi32>
      %parallel_loop3A_359 = arith.muli %parallel_loop3A_356, %parallel_loop3A_358 : vector<16xi32>
      %parallel_loop3A_360 = arith.constant 1 : i32
      %parallel_loop3A_361 = vector.broadcast %parallel_loop3A_360 : i32 to vector<16xi32>
      %parallel_loop3A_362 = arith.addi %parallel_loop3A_359, %parallel_loop3A_361 : vector<16xi32>
      %parallel_loop3A_363 = tpu.vector_load_idx %arg8[%parallel_loop3A_362] : memref<6144xf32, #tpu.memory_space<vmem>>[vector<16xi32>], vector<16xf32>,
      %parallel_loop3A_364 = arith.constant 2 : i32
      %parallel_loop3A_365 = vector.broadcast %parallel_loop3A_364 : i32 to vector<16xi32>
      %parallel_loop3A_366 = arith.addi %parallel_loop3A_359, %parallel_loop3A_365 : vector<16xi32>
      %parallel_loop3A_367 = tpu.vector_load_idx %arg8[%parallel_loop3A_366] : memref<6144xf32, #tpu.memory_space<vmem>>[vector<16xi32>], vector<16xf32>,
      %parallel_loop3A_368 = arith.constant 2.880000e+02 : f32
      %parallel_loop3A_369 = vector.broadcast %parallel_loop3A_368 : f32 to vector<16xf32>
      %parallel_loop3A_370 = arith.mulf %parallel_loop3A_363, %parallel_loop3A_369 : vector<16xf32>
      %parallel_loop3A_371 = arith.fptosi %parallel_loop3A_370 : vector<16xf32> to vector<16xi32>
      %parallel_loop3A_372 = arith.fptosi %parallel_loop3A_367 : vector<16xf32> to vector<16xi32>
      %parallel_loop3A_373 = arith.constant 12 : i32
      %parallel_loop3A_374 = vector.broadcast %parallel_loop3A_373 : i32 to vector<16xi32>
      %parallel_loop3A_375 = arith.muli %parallel_loop3A_356, %parallel_loop3A_374 : vector<16xi32>
      %parallel_loop3A_376 = arith.constant 11 : i32
      %parallel_loop3A_377 = vector.broadcast %parallel_loop3A_376 : i32 to vector<16xi32>
      %parallel_loop3A_378 = arith.addi %parallel_loop3A_375, %parallel_loop3A_377 : vector<16xi32>
      %parallel_loop3A_379 = arith.constant 7 : i32
      %parallel_loop3A_380 = vector.broadcast %parallel_loop3A_379 : i32 to vector<16xi32>
      %parallel_loop3A_381 = arith.shrsi %parallel_loop3A_378, %parallel_loop3A_380 : vector<16xi32>
      %parallel_loop3A_382 = arith.constant 127 : i32
      %parallel_loop3A_383 = vector.broadcast %parallel_loop3A_382 : i32 to vector<16xi32>
      %parallel_loop3A_384 = arith.andi %parallel_loop3A_378, %parallel_loop3A_383 : vector<16xi32>
      %parallel_loop3A_385 = arith.sitofp %parallel_loop3A_371 : vector<16xi32> to vector<16xf32>
      tpu.vector_store_idx %arg5[%parallel_loop3A_381, %parallel_loop3A_384], %parallel_loop3A_385 : memref<192x128xf32, #tpu.memory_space<vmem>>[vector<16xi32>, vector<16xi32>], vector<16xf32>,
      %parallel_loop3A_386 = arith.sitofp %parallel_loop3A_372 : vector<16xi32> to vector<16xf32>
      tpu.vector_store_idx %arg6[%parallel_loop3A_381, %parallel_loop3A_384], %parallel_loop3A_386 : memref<192x128xf32, #tpu.memory_space<vmem>>[vector<16xi32>, vector<16xi32>], vector<16xf32>,
    } {sc.loop_unroll_factor = 2 : i64, sc.parallel_access}
    %dma_start3A_202 = arith.constant 0 : i32
    %dma_start3A_203 = arith.constant 0 : i32
    %dma_start3A_204 = tpu.memref_slice %arg3[%add3A, %dma_start3A_202, %dma_start3A_203] : memref<32x192x128xf32, #tpu.memory_space<hbm>> -> memref<1x192x128xf32, #tpu.memory_space<hbm>>
    %dma_start3A_205 = tpu.memref_squeeze %dma_start3A_204 : memref<1x192x128xf32, #tpu.memory_space<hbm>> -> memref<192x128xf32, #tpu.memory_space<hbm>>
    %dma_start3A_206 = arith.constant 0 : i32
    %dma_start3A_207 = arith.constant 0 : i32
    %dma_start3A_208 = tpu.memref_slice %arg3[%add3A, %dma_start3A_206, %dma_start3A_207] : memref<32x192x128xf32, #tpu.memory_space<hbm>> -> memref<1x192x128xf32, #tpu.memory_space<hbm>>
    %dma_start3A_209 = tpu.memref_squeeze %dma_start3A_208 : memref<1x192x128xf32, #tpu.memory_space<hbm>> -> memref<192x128xf32, #tpu.memory_space<hbm>>
    tpu.enqueue_dma source(%arg5 : memref<192x128xf32, #tpu.memory_space<vmem>>) target(%dma_start3A_209 : memref<192x128xf32, #tpu.memory_space<hbm>>) target_semaphore(%arg11 : memref<!tpu.dma_semaphore, #tpu.memory_space<semaphore_mem>>)
    %dma_start3A_210 = arith.constant 0 : i32
    %dma_start3A_211 = arith.constant 0 : i32
    %dma_start3A_212 = tpu.memref_slice %arg4[%add3A, %dma_start3A_210, %dma_start3A_211] : memref<32x192x128xf32, #tpu.memory_space<hbm>> -> memref<1x192x128xf32, #tpu.memory_space<hbm>>
    %dma_start3A_213 = tpu.memref_squeeze %dma_start3A_212 : memref<1x192x128xf32, #tpu.memory_space<hbm>> -> memref<192x128xf32, #tpu.memory_space<hbm>>
    %dma_start3A_214 = arith.constant 0 : i32
    %dma_start3A_215 = arith.constant 0 : i32
    %dma_start3A_216 = tpu.memref_slice %arg4[%add3A, %dma_start3A_214, %dma_start3A_215] : memref<32x192x128xf32, #tpu.memory_space<hbm>> -> memref<1x192x128xf32, #tpu.memory_space<hbm>>
    %dma_start3A_217 = tpu.memref_squeeze %dma_start3A_216 : memref<1x192x128xf32, #tpu.memory_space<hbm>> -> memref<192x128xf32, #tpu.memory_space<hbm>>
    tpu.enqueue_dma source(%arg6 : memref<192x128xf32, #tpu.memory_space<vmem>>) target(%dma_start3A_217 : memref<192x128xf32, #tpu.memory_space<hbm>>) target_semaphore(%arg12 : memref<!tpu.dma_semaphore, #tpu.memory_space<semaphore_mem>>)
    %dma_wait3A_218 = arith.constant 0 : i32
    %dma_wait3A_219 = arith.constant 0 : i32
    %dma_wait3A_220 = tpu.memref_slice %arg3[%add3A, %dma_wait3A_218, %dma_wait3A_219] : memref<32x192x128xf32, #tpu.memory_space<hbm>> -> memref<1x192x128xf32, #tpu.memory_space<hbm>>
    %dma_wait3A_221 = tpu.memref_squeeze %dma_wait3A_220 : memref<1x192x128xf32, #tpu.memory_space<hbm>> -> memref<192x128xf32, #tpu.memory_space<hbm>>
    %dma_wait3A_222 = arith.constant 0 : i32
    %dma_wait3A_223 = arith.constant 0 : i32
    %dma_wait3A_224 = tpu.memref_slice %arg3[%add3A, %dma_wait3A_222, %dma_wait3A_223] : memref<32x192x128xf32, #tpu.memory_space<hbm>> -> memref<1x192x128xf32, #tpu.memory_space<hbm>>
    %dma_wait3A_225 = tpu.memref_squeeze %dma_wait3A_224 : memref<1x192x128xf32, #tpu.memory_space<hbm>> -> memref<192x128xf32, #tpu.memory_space<hbm>>
    tpu.wait_dma2 semaphore(%arg11 : memref<!tpu.dma_semaphore, #tpu.memory_space<semaphore_mem>>) src(%arg5 : memref<192x128xf32, #tpu.memory_space<vmem>>) dst(%dma_wait3A_225 : memref<192x128xf32, #tpu.memory_space<hbm>>)
    %dma_wait3A_226 = arith.constant 0 : i32
    %dma_wait3A_227 = arith.constant 0 : i32
    %dma_wait3A_228 = tpu.memref_slice %arg4[%add3A, %dma_wait3A_226, %dma_wait3A_227] : memref<32x192x128xf32, #tpu.memory_space<hbm>> -> memref<1x192x128xf32, #tpu.memory_space<hbm>>
    %dma_wait3A_229 = tpu.memref_squeeze %dma_wait3A_228 : memref<1x192x128xf32, #tpu.memory_space<hbm>> -> memref<192x128xf32, #tpu.memory_space<hbm>>
    %dma_wait3A_230 = arith.constant 0 : i32
    %dma_wait3A_231 = arith.constant 0 : i32
    %dma_wait3A_232 = tpu.memref_slice %arg4[%add3A, %dma_wait3A_230, %dma_wait3A_231] : memref<32x192x128xf32, #tpu.memory_space<hbm>> -> memref<1x192x128xf32, #tpu.memory_space<hbm>>
    %dma_wait3A_233 = tpu.memref_squeeze %dma_wait3A_232 : memref<1x192x128xf32, #tpu.memory_space<hbm>> -> memref<192x128xf32, #tpu.memory_space<hbm>>
    tpu.wait_dma2 semaphore(%arg12 : memref<!tpu.dma_semaphore, #tpu.memory_space<semaphore_mem>>) src(%arg6 : memref<192x128xf32, #tpu.memory_space<vmem>>) dst(%dma_wait3A_233 : memref<192x128xf32, #tpu.memory_space<hbm>>)
    return
  }
}

</mosaic_0001>

<sc_bundles>
// kernel: _sc_idx_call.3.cloned.1.call-start
scs
__scs_entry_jumppad:
0x0: {  	(pc) =	sbr.rel $0x88, $3  }
0x1: {  	(tag) =	ssettag $0x0;
	lr =	simm.s32 $0x1  }
0x2: {  	[smem:$0x3FA0] =	sst lr;
	_ =	strace $0xD0000000  }
0x3: {  	_ = 	snop  }
0x4: {  	_ = 	snop  }
0x5: {  	_ = 	snop  }
0x6: {  	_ = 	snop  }
0x7: {  	_ = 	snop  }
__scs_overlays_trampoline_lowered:
0x8: {  	[smem:$0x3FAF] =	sst s0  }
0x9: {  	[smem:$0x3FB0] =	sst s1  }
0xa: {  	[smem:$0x3FB1] =	sst s2  }
0xb: {  	[smem:$0x3FB2] =	sst s3  }
0xc: {  	[smem:$0x3FB3] =	sst s4  }
0xd: {  	[smem:$0x3FB4] =	sst s5  }
0xe: {  	[smem:$0x3FB5] =	sst s6  }
0xf: {  	[smem:$0x3FB6] =	sst s7  }
0x10: {  	[smem:$0x3FB7] =	sst s8  }
0x11: {  	[smem:$0x3FB8] =	sst s9;
	s0 =	simm.s32 @!p0 $0x0  }
0x12: {  	s1 =	sld [smem:$0x3F9E];
	s0 =	simm.s32 @p0 $0x1  }
0x13: {  	[smem:$0x3FB9] =	sst s0;
	s0 =	simm.s32 @!p1 $0x0  }
0x14: {  	s2 =	sld [smem:$0x3F9D];
	s0 =	simm.s32 @p1 $0x1  }
0x15: {  	[smem:$0x3FBA] =	sst s0;
	s0 =	simm.s32 @!p2 $0x0  }
0x16: {  	s3 =	sld [smem:$0x3FDB];
	s0 =	simm.s32 @p2 $0x1  }
0x17: {  	s4 =	simm.s32 $0x1BF5;
	[smem:$0x3FBC] =	sst s0  }
0x18: {  	s0 =	sld [smem:$0x3F9F];
	_ =	swait.ge [sflag:s4], $0x0  }
0x19: {  	s7 =	sld [smem:$0x3FA0]  }
0x1a: {  	s8 =	sadd.s32 $0xFFFFE003, lr  }
0x1b: {  	s9 =	sadd.s32 $0xFFFFFEF7, lr;
	s5 =	simm.s32 $0xFFFFFFFF;
	p2 =	slt.u32 s8, $0xFFFFF086  }
0x1c: {  	p1 =	slt.u32 s9, $0xF7A;
	s5 =	simm.s32 @!p2 $0x0  }
0x1d: {  	s5 =	simm.s32 @p1 $0x1;
	p0 =	seq.s32 s7, s2  }
0x1e: {  	s7 =	smul.u32 @!p0 $0xF7A, s2;
	p2 =	seq.s32 @!p0 s5, $0x0  }
0x1f: {  	s9 =	smul.u32 $0xF7A, s1;
	s8 =	simm.s32 @!p0 $0x1BF5;
	p2 =	por !p2, p0  }
0x20: {  	[sflag:s8] =	ssyncset.s32 @!p0 $0xFFFFF086;
	s6 =	sadd.s32 @!p0 s3, s7;
	s7 =	simm.s32 @!p0 $0x108  }
0x21: {  	s3 =	sadd.s32 s3, s9;
	s6 =	sadd.s32 @!p0 $0x88, s6;
	s7 =	simm.s32 @p2 $0x1082  }
0x22: {  	[simem:s7], [sflag:s8] =	dma.local @!p0 [hbm:s6], $0xF7A  }
0x23: {  	s9 =	sor.u32 $0xD0000000, s2;
	s6 =	simm.s32 $0x108;
	_ =	swait.ge @!p0 [sflag:s8], $0x0  }
0x24: {  	s3 =	sadd.s32 $0x88, s3;
	s6 =	simm.s32 @!p1 $0x1082;
	[sflag:s4] =	ssyncset.s32 $0xFFFFF086  }
0x25: {  	[simem:s6], [sflag:s4] =	dma.local [hbm:s3], $0xF7A  }
0x26: {  	[smem:$0x3FA0] =	sst s1;
	(tag) =	ssettag s2;
	_ =	strace s9  }
0x27: {  	s1 =	sld [smem:$0x3FB0]  }
0x28: {  	s2 =	sld [smem:$0x3FB1]  }
0x29: {  	s4 =	sld [smem:$0x3FB3]  }
0x2a: {  	p0 =	seq.s32 s5, $0x0;
	s5 =	sld [smem:$0x3FB4]  }
0x2b: {  	s6 =	sld [smem:$0x3FB5]  }
0x2c: {  	s7 =	sld [smem:$0x3FB6]  }
0x2d: {  	s3 =	simm.s32 $0x108;
	s8 =	sld [smem:$0x3FB7]  }
0x2e: {  	s3 =	simm.s32 @!p0 $0x1082;
	s9 =	sld [smem:$0x3FB8]  }
0x2f: {  	lr =	sadd.s32 s0, s3;
	s0 =	sld [smem:$0x3FAF]  }
0x30: {  	s3 =	sld [smem:$0x3FB2]  }
0x31: {  	[smem:$0x3FBB] =	sst s10  }
0x32: {  	s10 =	sld [smem:$0x3FB9];
	_ =	sdelay $0x3  }
0x33: {  	p0 =	seq.s32 s10, $0x1;
	s10 =	sld [smem:$0x3FBB];
	_ =	sdelay $0x3  }
0x34: {  	[smem:$0x3FBB] =	sst s10  }
0x35: {  	s10 =	sld [smem:$0x3FBA];
	_ =	sdelay $0x3  }
0x36: {  	p1 =	seq.s32 s10, $0x1;
	s10 =	sld [smem:$0x3FBB];
	_ =	sdelay $0x3  }
0x37: {  	[smem:$0x3FBB] =	sst s10  }
0x38: {  	s10 =	sld [smem:$0x3FBC]  }
0x39: {  	_ = 	snop;
	(pc) =	sbr.ind lr, $3  }
0x3a: {  	_ = 	snop  }
0x3b: {  	_ = 	snop  }
0x3c: {  	p2 =	seq.s32 s10, $0x1;
	s10 =	sld [smem:$0x3FBB]  }
0x3d: {  	_ =	shalt  }
0x3e: {  	_ =	shalt  }
0x3f: {  	_ =	shalt  }
0x40: {  	_ =	shalt  }
0x41: {  	_ =	shalt  }
0x42: {  	_ =	shalt  }
0x43: {  	_ =	shalt  }
0x44: {  	_ =	shalt  }
0x45: {  	_ =	shalt  }
0x46: {  	_ =	shalt  }
0x47: {  	_ =	shalt  }
0x48: {  	_ =	shalt  }
0x49: {  	_ =	shalt  }
0x4a: {  	_ =	shalt  }
0x4b: {  	_ =	shalt  }
0x4c: {  	_ =	shalt  }
0x4d: {  	_ =	shalt  }
0x4e: {  	_ =	shalt  }
0x4f: {  	_ =	shalt  }
0x50: {  	_ =	shalt  }
0x51: {  	_ =	shalt  }
0x52: {  	_ =	shalt  }
0x53: {  	_ =	shalt  }
0x54: {  	_ =	shalt  }
0x55: {  	_ =	shalt  }
0x56: {  	_ =	shalt  }
0x57: {  	_ =	shalt  }
0x58: {  	_ =	shalt  }
0x59: {  	_ =	shalt  }
0x5a: {  	_ =	shalt  }
0x5b: {  	_ =	shalt  }
0x5c: {  	_ =	shalt  }
0x5d: {  	_ =	shalt  }
0x5e: {  	_ =	shalt  }
0x5f: {  	_ =	shalt  }
0x60: {  	_ =	shalt  }
0x61: {  	_ =	shalt  }
0x62: {  	_ =	shalt  }
0x63: {  	_ =	shalt  }
0x64: {  	_ =	shalt  }
0x65: {  	_ =	shalt  }
0x66: {  	_ =	shalt  }
0x67: {  	_ =	shalt  }
0x68: {  	_ =	shalt  }
0x69: {  	_ =	shalt  }
0x6a: {  	_ =	shalt  }
0x6b: {  	_ =	shalt  }
0x6c: {  	_ =	shalt  }
0x6d: {  	_ =	shalt  }
0x6e: {  	_ =	shalt  }
0x6f: {  	_ =	shalt  }
0x70: {  	_ =	shalt  }
0x71: {  	_ =	shalt  }
0x72: {  	_ =	shalt  }
0x73: {  	_ =	shalt  }
0x74: {  	_ =	shalt  }
0x75: {  	_ =	shalt  }
0x76: {  	_ =	shalt  }
0x77: {  	_ =	shalt  }
0x78: {  	_ =	shalt  }
0x79: {  	_ =	shalt  }
0x7a: {  	_ =	shalt  }
0x7b: {  	_ =	shalt  }
0x7c: {  	_ =	shalt  }
0x7d: {  	_ =	shalt  }
0x7e: {  	_ =	shalt  }
0x7f: {  	_ =	shalt  }
0x80: {  	_ =	shalt  }
0x81: {  	_ =	shalt  }
0x82: {  	_ =	shalt  }
0x83: {  	_ =	shalt  }
0x84: {  	_ =	shalt  }
0x85: {  	_ =	shalt  }
0x86: {  	_ =	shalt  }
0x87: {  	_ =	shalt  }
.Lfunc_end0:
.L_simem_size_0:
called_computation_lowered:
.L_overlay_start_0:
0x88: {  	s2 =	sld [smem:$0x3FD9]  }
0x89: {  	s3 =	sld [smem:$0x3FFE];
	_ =	sdelay $0x1  }
0x8a: {  	s1 =	srdreg.scid  }
0x8b: {  	s0 =	sand.u32 $0x1, s1  }
0x8c: {  	s14 =	sshll.u32 s0, $0xA;
	s2 =	sadd.s32 s3, s2  }
0x8d: {  	s2 =	sadd.s32 s2, s14  }
0x8e: {  	[smem:$0x3FC7] =	sst s2  }
0x8f: {  	_ = 	snop  }
0x90: {  	s2 =	sld [smem:$0x3FD0];
	_ =	sdelay $0x2  }
0x91: {  	s15 =	simm.s32 $0xA;
	s4 =	simm.s32 $0x10  }
0x92: {  	[smem:s4], [sflag:s15] =	dma.local [hbm:s2], $0x1  }
0x93: {  	_ =	swait.eq [sflag:s15], $0x1  }
0x94: {  	[sflag:s15] =	ssyncset.done $0x0  }
0x95: {  	s16 =	sld [smem:$0x10];
	[sflag:s15] =	ssyncadd.s32 $0xFFFFFFFF  }
0x96: {  	s17 =	sld [smem:$0x11];
	(tm) =	ssettm $0x1  }
0x97: {  	s18 =	sld [smem:$0x3FFB];
	_ =	sdelay $0x3  }
0x98: {  	_ =	strace s18  }
0x99: {  	s4 =	sld [smem:$0x3FFC];
	_ =	sdelay $0x3  }
0x9a: {  	_ =	strace s4  }
0x9b: {  	s4 =	sld [smem:$0x3FFD];
	_ =	sdelay $0x3  }
0x9c: {  	_ =	strace s4  }
0x9d: {  	_ =	strace $0x8FFFFFFF  }
0x9e: {  	s19 =	sld [smem:$0x3FDB];
	_ =	sdelay $0x1  }
0x9f: {  	s5 =	simm.s32 $_scs_section_size  }
0xa0: {  	s6 =	simm.s32 $_size__tile_overlayer_lowered;
	s7 =	simm.s32 $_tile_overlayer_lowered  }
0xa1: {  	s22 =	simm.s32 $0x1BFF;
	s21 =	sshll.u32 s7, $0x1;
	s4 =	sadd.s32 s5, s19  }
0xa2: {  	s8 =	simm.s32 $0x0;
	s20 =	sshll.u32 s6, $0x1;
	s6 =	sadd.s32 s21, s4  }
0xa3: {  	[timem:s8], [sflag:s22] =	dma.local [hbm:s6], s20  }
0xa4: {  	_ =	swait.ge [sflag:s22], s20  }
0xa5: {  	s5 =	ssub.s32 $0x0, s20;
	[sflag:s22] =	ssyncset.done $0x0  }
0xa6: {  	[sflag:s22] =	ssyncadd.s32 s5;
	_ =	sdelay $0x1  }
0xa7: {  	s23 =	simm.s32 $0x1B8B  }
0xa8: {  	_ =	swait.ge [sflag:s23], $0x1  }
0xa9: {  	[sflag:s23] =	ssyncset.done $0x0  }
0xaa: {  	s25 =	simm.s32 $0x1B8E;
	s24 =	sld [smem:$0x3FFE];
	[sflag:s23] =	ssyncadd.s32 $0xFFFFFFFF  }
0xab: {  	s26 =	simm.s32 $execute0_lowered;
	[smem:$0x3FD2] =	sst s25  }
0xac: {  	s6 =	sshll.u32 s26, $0x1;
	_ =	strace $0x80000046;
	[dreg:$0x1] =	wrdreg $0xFFFFFFFF  }
0xad: {  	s28 =	simm.s32 $_size_execute0_lowered;
	s4 =	sadd.s32 s4, s6;
	[dreg:$0x0] =	wrdreg $0x0  }
0xae: {  	s6 =	sshll.u32 s28, $0x1;
	[dreg:$0x2] =	wrdreg s4  }
0xaf: {  	[dreg:$0x3] =	wrdreg s6  }
0xb0: {  	[dreg:$0x4] =	wrdreg $0xC0  }
0xb1: {  	_ =	task [dreg:s8], $0x5FFFF  }
0xb2: {  	[dreg:$0x1] =	wrdreg $0xFFFFFFFF  }
0xb3: {  	[dreg:$0x0] =	wrdreg $0x60  }
0xb4: {  	[dreg:$0x2] =	wrdreg s24  }
0xb5: {  	[dreg:$0x3] =	wrdreg s16  }
0xb6: {  	[dreg:$0x4] =	wrdreg s17  }
0xb7: {  	[dreg:$0x5] =	wrdreg $0x9  }
0xb8: {  	_ =	task.clear_ibuf [dreg:s8], $0x6FFFF;
	_ =	strace $0x90000046  }
0xb9: {  	s29 =	simm.s32 $0x9;
	_ =	strace $0x80000048  }
0xba: {  	_ =	swait.ge [sflag:s29], $0x1  }
0xbb: {  	[sflag:s29] =	ssyncadd.s32 $0xFFFFFFFF  }
0xbc: {  	_ =	strace $0x90000048  }
0xbd: {  	_ =	sfence  }
0xbe: {  	s30 =	sld [smem:$0x0];
	_ =	sdelay $0x2  }
0xbf: {  	s31 =	sshll.u32 s1, $0xD;
	s1 =	sshrl.u32 s1, $0x2  }
0xc0: {  	s3 =	sand.u32 $0x4000, s31;
	s1 =	sadd.s32 s1, s30  }
0xc1: {  	s0 =	sor.u32 s3, s0;
	s1 =	sshll.u32 s1, $0x11  }
0xc2: {  	s0 =	sor.u32 s1, s0  }
0xc3: {  	s0 =	sadd.s32 $0x8F2B, s0  }
0xc4: {  	[sflag:s0] =	ssyncadd.remote.s32 $0x1  }
0xc5: {  	_ =	sfence.sel $0xFFFF  }
0xc6: {  	[dreg:$0x0] =	wrdreg $0xFFFFFFFF;
	(pc) =	sbr.abs _section_cstart, $3  }
0xc7: {  	[dreg:$0x1] =	wrdreg $0xFFFFFFFF  }
0xc8: {  	_ =	task.clear_ibuf [dreg:s8], $0x2FFFF;
	_ =	strace $0x9FFFFFFF  }
0xc9: {  	(tm) =	ssettm $0x7FFFFFFF  }
tec
execute0_lowered:
.L_overlay_start_1:
0x0: {  	(tag) =	ssettag $0x1  }
0x1: {  	s1 =	srdreg.scid;
	s3 =	rddreg [dreg:$0x0]  }
0x2: {  	s0 =	stileid.u32;
	s15 =	rddreg [dreg:$0x1]  }
0x3: {  	s16 =	rddreg [dreg:$0x2];
	s2 =	simm.s32 $0x0;
	s19 =	simm.s32 $0x400  }
0x4: {  	s20 =	simm.s32 $0xC000;
	s21 =	simm.s32 $0x1;
	s22 =	simm.s32 $0xD800  }
0x5: {  	s23 =	simm.s32 $0x6000;
	s4 =	sand.u32 $0x1, s1;
	s30 =	sshll.u32 s0, $0x1  }
0x6: {  	s24 =	simm.s32 $0x2;
	s25 =	simm.s32 $0x3;
	s10 =	sor.u32 s4, s30  }
0x7: {  	s26 =	simm.s32 $0x4;
	s4 =	ssub.s32 $0x2, s4;
	s5 =	smul.u32 $0x18000, s10  }
0x8: {  	[smem:$0x7FF] =	sst s2;
	s31 =	sshrl.u32 s4, $0x1;
	s18 =	smul.u32 $0xC00, s10  }
0x9: {  	s28 =	simm.s32 $0x0;
	_ =	strace $0x80000047;
	s17 =	ssub.s32 s4, s31  }
0xa: {  	s5 =	sshrl.u32 s5, $0x3;
	s15 =	sadd.s32 s15, s18;
	s16 =	sadd.s32 s16, s18  }
0xb: {  	s17 =	smax.u32 s17, $0x1;
	s18 =	simm.s32 $0x80;
	s14 =	sadd.s32 s5, s3  }
0xc: {  	s3 =	sadd.s32 $0x600, s14;
	s4 =	sadd.s32 $0x610, s14;
	s5 =	sadd.s32 $0x620, s14  }
0xd: {  	s6 =	sadd.s32 $0x630, s14;
	s7 =	sadd.s32 $0x640, s14;
	s8 =	sadd.s32 $0x650, s14  }
0xe: {  	s9 =	sadd.s32 $0x660, s14;
	s10 =	sadd.s32 $0x670, s14;
	s11 =	sadd.s32 $0x1E00, s14  }
0xf: {  	v0 =	vlaneseq.u32;
	s12 =	sadd.s32 $0x1E10, s14;
	s13 =	sadd.s32 $0x1E20, s14;
	s14 =	sadd.s32 $0x1E30, s14  }
.LBB2_1:
0x10: {  	s29 =	simm.s32 $0x0  }
0x11: {  	v1 =	vor.u32 s29, v0  }
0x12: {  	v2 =	vmul.u32 $0x3, v1;
	_ =	sdelay $0x1  }
0x13: {  	[tilespmem:s20], [sflag:$0x1] =	stream.strided.gather [hbm4b:s3+s18], $0x1800, s19, s18, $0x38;
	v3 =	vadd.s32 $0x1, v2;
	[tilespmem:$0xF000] =	vst v63  }
0x14: {  	_ =	swait.ge [sflag:s21], $0x1800  }
0x15: {  	[sflag:s21] =	ssyncset.done $0x0  }
0x16: {  	[sflag:s21] =	ssyncadd.s32 $0xFFFFE800;
	v2 =	vadd.s32 $0x2, v2  }
0x17: {  	[tilespmem:s22], [sflag:$0x2] =	stream.strided.gather [hbm4b:s4+s18], $0x1800, s19, s18, $0x38;
	[tilespmem:$0xF000] =	vst v63  }
0x18: {  	v3 =	vld.idx.msk [tilespmem:v3+s20+$0x0], $0xffff;
	_ =	sdelay $0x2  }
0x19: {  	v2 =	vld.idx.msk [tilespmem:v2+s20+$0x0], $0xffff;
	_ =	sdelay $0x1  }
0x1a: {  	s29 =	simm.s32 $0x10;
	v3 =	vmul.f32 $2.880000000e+02, v3  }
0x1b: {  	v4 =	vor.u32 s29, v0;
	v1 =	vmul.u32 $0xC, v1  }
0x1c: {  	v5 =	vmul.u32 $0x3, v4;
	v3 =	vtrunc.f32 v3  }
0x1d: {  	v2 =	vtrunc.f32 v2;
	v3 =	vcvt.f32.s32 v3  }
0x1e: {  	v6 =	vadd.s32 $0x1, v5;
	v2 =	vcvt.f32.s32 v2  }
0x1f: {  	v3 =	vcvt.s32.f32 v3  }
0x20: {  	v2 =	vcvt.s32.f32 v2  }
0x21: {  	v5 =	vadd.s32 $0x2, v5;
	[tilespmem:v1+s2+$0x0] =	vst.idx.msk $0xffff, v3  }
0x22: {  	[tilespmem:v1+s23+$0x0] =	vst.idx.msk $0xffff, v2  }
0x23: {  	s29 =	simm.s32 $0x80;
	v1 =	vld.idx.msk [tilespmem:v6+s20+$0x0], $0xffff  }
0x24: {  	v2 =	vor.u32 s29, v0  }
0x25: {  	s30 =	simm.s32 $0x20;
	s29 =	simm.s32 $0x40;
	v3 =	vmul.u32 $0x3, v2  }
0x26: {  	v8 =	vor.u32 s30, v0;
	v6 =	vor.u32 s29, v0;
	v5 =	vld.idx.msk [tilespmem:v5+s20+$0x0], $0xffff  }
0x27: {  	s30 =	simm.s32 $0x90;
	v10 =	vmul.u32 $0x3, v8;
	v7 =	vmul.u32 $0x3, v6;
	v9 =	vadd.s32 $0x1, v3  }
0x28: {  	v24 =	vor.u32 s30, v0;
	v8 =	vmul.u32 $0xC, v8;
	v1 =	vmul.f32 $2.880000000e+02, v1  }
0x29: {  	v4 =	vmul.u32 $0xC, v4;
	v25 =	vmul.u32 $0x3, v24;
	v12 =	vadd.s32 $0x2, v7  }
0x2a: {  	v24 =	vmul.u32 $0xC, v24;
	v3 =	vadd.s32 $0x2, v3;
	v1 =	vtrunc.f32 v1  }
0x2b: {  	v18 =	vadd.s32 $0x1, v7;
	v5 =	vtrunc.f32 v5;
	v1 =	vcvt.f32.s32 v1  }
0x2c: {  	v19 =	vadd.s32 $0x1, v10;
	v10 =	vadd.s32 $0x2, v10;
	v5 =	vcvt.f32.s32 v5;
	v9 =	vld.idx.msk [tilespmem:v9+s20+$0x0], $0xffff  }
0x2d: {  	v28 =	vadd.s32 $0x1, v25;
	v25 =	vadd.s32 $0x2, v25;
	s29 =	simm.s32 $0x50;
	v1 =	vcvt.s32.f32 v1  }
0x2e: {  	v11 =	vor.u32 s29, v0;
	s29 =	simm.s32 $0x30;
	v6 =	vmul.u32 $0xC, v6;
	v12 =	vld.idx.msk [tilespmem:v12+s20+$0x0], $0xffff;
	v5 =	vcvt.s32.f32 v5  }
0x2f: {  	v15 =	vor.u32 s29, v0;
	v13 =	vmul.u32 $0x3, v11;
	s29 =	simm.s32 $0x60;
	v30 =	vmul.u32 $0xC, v11;
	v22 =	vld.idx.msk [tilespmem:v3+s20+$0x0], $0xffff;
	[tilespmem:v4+s2+$0x0] =	vst.idx.msk $0xffff, v1  }
0x30: {  	v14 =	vmul.u32 $0x3, v15;
	v16 =	vor.u32 s29, v0;
	s29 =	simm.s32 $0x70;
	v15 =	vmul.u32 $0xC, v15;
	v27 =	vld.idx.msk [tilespmem:v18+s20+$0x0], $0xffff;
	[tilespmem:v4+s23+$0x0] =	vst.idx.msk $0xffff, v5  }
0x31: {  	v23 =	vmul.u32 $0x3, v16;
	v7 =	vor.u32 s29, v0;
	v3 =	vmul.f32 $2.880000000e+02, v9;
	v4 =	vld.idx.msk [tilespmem:v19+s20+$0x0], $0xffff  }
0x32: {  	s29 =	simm.s32 $0xA0;
	v60 =	vmul.u32 $0xC, v16;
	v17 =	vmul.u32 $0x3, v7;
	v5 =	vmul.u32 $0xC, v2  }
0x33: {  	v20 =	vor.u32 s29, v0;
	v9 =	vtrunc.f32 v12;
	v2 =	vld.idx.msk [tilespmem:v10+s20+$0x0], $0xffff;
	v10 =	vtrunc.f32 v3  }
0x34: {  	v11 =	vadd.s32 $0x2, v14;
	v12 =	vtrunc.f32 v22;
	v10 =	vcvt.f32.s32 v10  }
0x35: {  	v7 =	vmul.u32 $0xC, v7;
	v27 =	vmul.f32 $2.880000000e+02, v27;
	v12 =	vcvt.f32.s32 v12  }
0x36: {  	s29 =	simm.s32 $0xD0;
	v26 =	vmul.u32 $0x3, v20;
	v10 =	vcvt.s32.f32 v10;
	v4 =	vmul.f32 $2.880000000e+02, v4  }
0x37: {  	v18 =	vor.u32 s29, v0;
	s29 =	simm.s32 $0xB0;
	v27 =	vtrunc.f32 v27;
	v12 =	vcvt.s32.f32 v12  }
0x38: {  	v1 =	vor.u32 s29, v0;
	[tilespmem:v5+s2+$0x0] =	vst.idx.msk $0xffff, v10;
	v10 =	vcvt.f32.s32 v27;
	v27 =	vtrunc.f32 v4  }
0x39: {  	s29 =	simm.s32 $0xE0;
	v9 =	vcvt.f32.s32 v9;
	[tilespmem:v5+s23+$0x0] =	vst.idx.msk $0xffff, v12;
	v12 =	vcvt.f32.s32 v27;
	v27 =	vadd.s32 $0x1, v13  }
0x3a: {  	v40 =	vmul.u32 $0xC, v20;
	v3 =	vor.u32 s29, v0;
	v5 =	vld.idx.msk [tilespmem:v28+s20+$0x0], $0xffff;
	v10 =	vcvt.s32.f32 v10  }
0x3b: {  	s29 =	simm.s32 $0xF0;
	v9 =	vcvt.s32.f32 v9;
	v29 =	vtrunc.f32 v2;
	v13 =	vadd.s32 $0x2, v13  }
0x3c: {  	v2 =	vor.u32 s29, v0;
	s29 =	simm.s32 $0xC0;
	v28 =	vcvt.f32.s32 v29;
	v29 =	vadd.s32 $0x2, v23;
	[tilespmem:v6+s2+$0x0] =	vst.idx.msk $0xffff, v10  }
0x3d: {  	v25 =	vld.idx.msk [tilespmem:v25+s20+$0x0], $0xffff;
	v12 =	vcvt.s32.f32 v12;
	[tilespmem:v6+s23+$0x0] =	vst.idx.msk $0xffff, v9;
	v9 =	vadd.s32 $0x1, v23;
	v23 =	vor.u32 s29, v0  }
0x3e: {  	v10 =	vadd.s32 $0x1, v14;
	v6 =	vcvt.s32.f32 v28;
	s29 =	simm.s32 $0x100;
	v14 =	vld.idx.msk [tilespmem:v27+s20+$0x0], $0xffff;
	v27 =	vmul.u32 $0x3, v23  }
0x3f: {  	v39 =	vadd.s32 $0x1, v17;
	v31 =	vor.u32 s29, v0;
	v5 =	vmul.f32 $2.880000000e+02, v5;
	[tilespmem:v8+s2+$0x0] =	vst.idx.msk $0xffff, v12  }
0x40: {  	v41 =	vadd.s32 $0x2, v17;
	v12 =	vld.idx.msk [tilespmem:v13+s20+$0x0], $0xffff;
	[tilespmem:v8+s23+$0x0] =	vst.idx.msk $0xffff, v6;
	v8 =	vmul.u32 $0x3, v31;
	v13 =	vadd.s32 $0x2, v27  }
0x41: {  	v21 =	vmul.u32 $0x3, v18;
	v5 =	vtrunc.f32 v5;
	v6 =	vadd.s32 $0x1, v27  }
0x42: {  	v25 =	vtrunc.f32 v25;
	v11 =	vld.idx.msk [tilespmem:v11+s20+$0x0], $0xffff;
	v5 =	vcvt.f32.s32 v5;
	v27 =	vadd.s32 $0x1, v8  }
0x43: {  	v28 =	vadd.s32 $0x1, v26;
	v26 =	vadd.s32 $0x2, v26;
	v25 =	vcvt.f32.s32 v25;
	v10 =	vld.idx.msk [tilespmem:v10+s20+$0x0], $0xffff  }
0x44: {  	v62 =	vadd.s32 $0x2, v21;
	v5 =	vcvt.s32.f32 v5;
	v14 =	vmul.f32 $2.880000000e+02, v14  }
0x45: {  	v22 =	vmul.u32 $0x3, v3;
	v33 =	vadd.s32 $0x2, v8;
	v25 =	vcvt.s32.f32 v25;
	v36 =	vld.idx.msk [tilespmem:v13+s20+$0x0], $0xffff  }
0x46: {  	v19 =	vmul.u32 $0x3, v1;
	v34 =	vtrunc.f32 v12;
	[tilespmem:v24+s2+$0x0] =	vst.idx.msk $0xffff, v5;
	v5 =	vtrunc.f32 v14;
	v37 =	vld.idx.msk [tilespmem:v6+s20+$0x0], $0xffff  }
0x47: {  	v17 =	vadd.s32 $0x2, v22;
	v57 =	vtrunc.f32 v11;
	[tilespmem:v24+s23+$0x0] =	vst.idx.msk $0xffff, v25;
	v27 =	vld.idx.msk [tilespmem:v27+s20+$0x0], $0xffff;
	v5 =	vcvt.f32.s32 v5  }
0x48: {  	v4 =	vmul.u32 $0x3, v2;
	s29 =	simm.s32 $0x110;
	v6 =	vcvt.f32.s32 v34;
	v25 =	vmul.f32 $2.880000000e+02, v10;
	v26 =	vld.idx.msk [tilespmem:v26+s20+$0x0], $0xffff  }
0x49: {  	v35 =	vor.u32 s29, v0;
	v34 =	vcvt.f32.s32 v57;
	v28 =	vld.idx.msk [tilespmem:v28+s20+$0x0], $0xffff;
	v13 =	vcvt.s32.f32 v5  }
0x4a: {  	v32 =	vmul.u32 $0x3, v35;
	v33 =	vld.idx.msk [tilespmem:v33+s20+$0x0], $0xffff;
	v6 =	vcvt.s32.f32 v6;
	v25 =	vtrunc.f32 v25  }
0x4b: {  	v23 =	vmul.u32 $0xC, v23;
	v25 =	vcvt.f32.s32 v25;
	[tilespmem:v30+s2+$0x0] =	vst.idx.msk $0xffff, v13;
	v36 =	vtrunc.f32 v36  }
0x4c: {  	s29 =	simm.s32 $0x120;
	v31 =	vmul.u32 $0xC, v31;
	v37 =	vmul.f32 $2.880000000e+02, v37;
	v27 =	vmul.f32 $2.880000000e+02, v27;
	[tilespmem:v30+s23+$0x0] =	vst.idx.msk $0xffff, v6  }
0x4d: {  	v8 =	vor.u32 s29, v0;
	s29 =	simm.s32 $0x150;
	v30 =	vcvt.f32.s32 v36;
	v26 =	vtrunc.f32 v26;
	v58 =	vld.idx.msk [tilespmem:v9+s20+$0x0], $0xffff  }
0x4e: {  	v12 =	vor.u32 s29, v0;
	v28 =	vmul.f32 $2.880000000e+02, v28;
	v38 =	vcvt.f32.s32 v26  }
0x4f: {  	v24 =	vmul.u32 $0x3, v8;
	v26 =	vtrunc.f32 v33;
	v27 =	vtrunc.f32 v27  }
0x50: {  	v14 =	vmul.u32 $0x3, v12;
	v29 =	vld.idx.msk [tilespmem:v29+s20+$0x0], $0xffff;
	v59 =	vtrunc.f32 v37;
	v27 =	vcvt.f32.s32 v27  }
0x51: {  	v33 =	vcvt.f32.s32 v59;
	v16 =	vcvt.f32.s32 v26;
	v26 =	vadd.s32 $0x1, v32  }
0x52: {  	s29 =	simm.s32 $0x130;
	v32 =	vadd.s32 $0x2, v32;
	v27 =	vcvt.s32.f32 v27;
	v36 =	vmul.f32 $2.880000000e+02, v58  }
0x53: {  	v5 =	vor.u32 s29, v0;
	v28 =	vtrunc.f32 v28;
	v16 =	vcvt.s32.f32 v16  }
0x54: {  	s29 =	simm.s32 $0x160;
	v10 =	vmul.u32 $0x3, v5;
	v20 =	vcvt.s32.f32 v33;
	[tilespmem:v31+s2+$0x0] =	vst.idx.msk $0xffff, v27;
	v36 =	vtrunc.f32 v36  }
0x55: {  	v11 =	vor.u32 s29, v0;
	v29 =	vtrunc.f32 v29;
	[tilespmem:v31+s23+$0x0] =	vst.idx.msk $0xffff, v16;
	v36 =	vcvt.f32.s32 v36  }
0x56: {  	s29 =	simm.s32 $0x170;
	v27 =	vcvt.f32.s32 v29;
	v29 =	vadd.s32 $0x1, v21;
	v21 =	vcvt.s32.f32 v30;
	v61 =	vld.idx.msk [tilespmem:v26+s20+$0x0], $0xffff  }
0x57: {  	v6 =	vor.u32 s29, v0;
	v28 =	vcvt.f32.s32 v28;
	[tilespmem:v23+s2+$0x0] =	vst.idx.msk $0xffff, v20;
	v32 =	vld.idx.msk [tilespmem:v32+s20+$0x0], $0xffff;
	v31 =	vcvt.s32.f32 v36  }
0x58: {  	v13 =	vmul.u32 $0x3, v11;
	v9 =	vmul.u32 $0x3, v6;
	v20 =	vcvt.s32.f32 v27;
	[tilespmem:v23+s23+$0x0] =	vst.idx.msk $0xffff, v21  }
0x59: {  	s29 =	simm.s32 $0x140;
	v63 =	vcvt.s32.f32 v38;
	v27 =	vcvt.s32.f32 v28;
	v28 =	vadd.s32 $0x1, v19;
	[tilespmem:v60+s2+$0x0] =	vst.idx.msk $0xffff, v31  }
0x5a: {  	v21 =	vmul.u32 $0xC, v18;
	v18 =	vcvt.s32.f32 v25;
	v23 =	vor.u32 s29, v0;
	v30 =	vld.idx.msk [tilespmem:v62+s20+$0x0], $0xffff;
	[tilespmem:v60+s23+$0x0] =	vst.idx.msk $0xffff, v20  }
0x5b: {  	v16 =	vcvt.s32.f32 v34;
	v25 =	vadd.s32 $0x2, v24;
	v34 =	vmul.u32 $0x3, v23;
	[tilespmem:v40+s2+$0x0] =	vst.idx.msk $0xffff, v27;
	v26 =	vld.idx.msk [tilespmem:v39+s20+$0x0], $0xffff  }
0x5c: {  	v27 =	vadd.s32 $0x2, v19;
	[tilespmem:v15+s2+$0x0] =	vst.idx.msk $0xffff, v18;
	v31 =	vld.idx.msk [tilespmem:v29+s20+$0x0], $0xffff;
	v33 =	vmul.f32 $2.880000000e+02, v61;
	v32 =	vtrunc.f32 v32  }
0x5d: {  	s30 =	simm.s32 $0x1C0;
	s29 =	simm.s32 $0x4;
	[tilespmem:v40+s23+$0x0] =	vst.idx.msk $0xffff, v63;
	v29 =	vmul.u32 $0xC, v35;
	v20 =	vadd.s32 $0x1, v22;
	v22 =	vadd.s32 $0x1, v24;
	v24 =	vld.idx.msk [tilespmem:v41+s20+$0x0], $0xffff  }
.LBB2_2:
0x5e: {  	s31 =	sadd.s32 $0xFFFFFFC0, s30;
	s1 =	sadd.s32 $0xFFFFFFD0, s30;
	s29 =	sadd.s32 $0x2, s29;
	v19 =	vtrunc.f32 v33;
	v33 =	vadd.s32 $0x1, v34;
	v34 =	vadd.s32 $0x2, v34;
	v28 =	vld.idx.msk [tilespmem:v28+s20+$0x0], $0xffff;
	[tilespmem:v15+s23+$0x0] =	vst.idx.msk $0xffff, v16  }
0x5f: {  	v15 =	vor.u32 s31, v0;
	v18 =	vor.u32 s1, v0;
	p0 =	slt.u32 s29, $0x1E;
	v16 =	vcvt.f32.s32 v19  }
0x60: {  	v32 =	vcvt.f32.s32 v32;
	v26 =	vmul.f32 $2.880000000e+02, v26;
	v19 =	vmul.u32 $0x3, v15  }
0x61: {  	v35 =	vmul.u32 $0x3, v18;
	v31 =	vmul.f32 $2.880000000e+02, v31;
	v16 =	vcvt.s32.f32 v16  }
0x62: {  	s1 =	sadd.s32 $0xFFFFFFE0, s30;
	v30 =	vtrunc.f32 v30;
	v36 =	vadd.s32 $0x1, v19;
	v37 =	vadd.s32 $0x2, v19;
	v27 =	vld.idx.msk [tilespmem:v27+s20+$0x0], $0xffff  }
0x63: {  	v38 =	vor.u32 s1, v0;
	v31 =	vtrunc.f32 v31;
	[tilespmem:v29+s2+$0x0] =	vst.idx.msk $0xffff, v16;
	v16 =	vcvt.s32.f32 v32;
	v32 =	vld.idx.msk [tilespmem:v34+s20+$0x0], $0xffff  }
0x64: {  	s1 =	sadd.s32 $0x10, s30;
	v19 =	vmul.u32 $0x3, v38;
	v28 =	vmul.f32 $2.880000000e+02, v28;
	v31 =	vcvt.f32.s32 v31;
	v33 =	vld.idx.msk [tilespmem:v33+s20+$0x0], $0xffff  }
0x65: {  	v26 =	vtrunc.f32 v26;
	v34 =	vor.u32 s1, v0;
	[tilespmem:v29+s23+$0x0] =	vst.idx.msk $0xffff, v16;
	v16 =	vcvt.f32.s32 v30  }
0x66: {  	v26 =	vcvt.f32.s32 v26;
	s1 =	sadd.s32 $0xFFFFFFF0, s30;
	v29 =	vmul.u32 $0x3, v34;
	v30 =	vcvt.s32.f32 v31;
	v25 =	vld.idx.msk [tilespmem:v25+s20+$0x0], $0xffff  }
0x67: {  	v24 =	vtrunc.f32 v24;
	v31 =	vld.idx.msk [tilespmem:v36+s20+$0x0], $0xffff;
	v36 =	vor.u32 s1, v0;
	v16 =	vcvt.s32.f32 v16  }
0x68: {  	v26 =	vcvt.s32.f32 v26;
	s1 =	sadd.s32 $0x20, s30;
	v27 =	vtrunc.f32 v27;
	v37 =	vld.idx.msk [tilespmem:v37+s20+$0x0], $0xffff;
	v39 =	vmul.u32 $0x3, v36;
	[tilespmem:v21+s2+$0x0] =	vst.idx.msk $0xffff, v30  }
0x69: {  	v30 =	vor.u32 s1, v0;
	v27 =	vcvt.f32.s32 v27;
	v22 =	vld.idx.msk [tilespmem:v22+s20+$0x0], $0xffff;
	[tilespmem:v21+s23+$0x0] =	vst.idx.msk $0xffff, v16;
	v16 =	vcvt.f32.s32 v24  }
0x6a: {  	v28 =	vtrunc.f32 v28;
	s1 =	sadd.s32 $0x30, s30;
	v24 =	vmul.u32 $0x3, v30;
	v21 =	vtrunc.f32 v32;
	v20 =	vld.idx.msk [tilespmem:v20+s20+$0x0], $0xffff;
	[tilespmem:v7+s2+$0x0] =	vst.idx.msk $0xffff, v26  }
0x6b: {  	v26 =	vor.u32 s1, v0;
	v21 =	vcvt.f32.s32 v21;
	v17 =	vld.idx.msk [tilespmem:v17+s20+$0x0], $0xffff;
	v16 =	vcvt.s32.f32 v16  }
0x6c: {  	v23 =	vmul.u32 $0xC, v23;
	v32 =	vmul.f32 $2.880000000e+02, v33;
	v25 =	vtrunc.f32 v25  }
0x6d: {  	v33 =	vmul.u32 $0x3, v26;
	v31 =	vmul.f32 $2.880000000e+02, v31;
	v25 =	vcvt.f32.s32 v25;
	[tilespmem:v7+s23+$0x0] =	vst.idx.msk $0xffff, v16  }
0x6e: {  	v16 =	vtrunc.f32 v37;
	v37 =	vmul.u32 $0xC, v15;
	v7 =	vtrunc.f32 v32  }
0x6f: {  	v15 =	vtrunc.f32 v31;
	v31 =	vcvt.f32.s32 v7;
	v7 =	vmul.u32 $0xC, v2;
	v2 =	vmovc v6;
	v6 =	vmovc v26  }
0x70: {  	v22 =	vmul.f32 $2.880000000e+02, v22;
	v26 =	vmul.u32 $0xC, v3;
	v3 =	vmovc v11;
	v11 =	vmovc v30;
	v15 =	vcvt.f32.s32 v15  }
0x71: {  	v16 =	vcvt.f32.s32 v16;
	v30 =	vadd.s32 $0x1, v35;
	v20 =	vmul.f32 $2.880000000e+02, v20  }
0x72: {  	v32 =	vadd.s32 $0x2, v35;
	v17 =	vtrunc.f32 v17;
	v15 =	vcvt.s32.f32 v15  }
0x73: {  	v35 =	vadd.s32 $0x1, v4;
	v16 =	vcvt.s32.f32 v16;
	v20 =	vtrunc.f32 v20  }
0x74: {  	v22 =	vtrunc.f32 v22;
	v20 =	vcvt.f32.s32 v20;
	[tilespmem:v37+s2+$0x0] =	vst.idx.msk $0xffff, v15;
	v15 =	vmul.u32 $0xC, v1;
	v1 =	vmovc v5;
	v5 =	vmovc v36  }
0x75: {  	v17 =	vcvt.f32.s32 v17;
	v36 =	vmul.u32 $0xC, v8;
	v8 =	vmovc v38;
	[tilespmem:v37+s23+$0x0] =	vst.idx.msk $0xffff, v16;
	v16 =	vcvt.s32.f32 v31  }
0x76: {  	v22 =	vcvt.f32.s32 v22;
	v20 =	vcvt.s32.f32 v20;
	v31 =	vadd.s32 $0x1, v14;
	v30 =	vld.idx.msk [tilespmem:v30+s20+$0x0], $0xffff  }
0x77: {  	v37 =	vadd.s32 $0x2, v14;
	v14 =	vmovc v29;
	v32 =	vld.idx.msk [tilespmem:v32+s20+$0x0], $0xffff;
	[tilespmem:v23+s2+$0x0] =	vst.idx.msk $0xffff, v16;
	v16 =	vcvt.s32.f32 v27;
	v27 =	vcvt.s32.f32 v17  }
0x78: {  	v21 =	vcvt.s32.f32 v21;
	v38 =	vadd.s32 $0x2, v4;
	v4 =	vmovc v9;
	v9 =	vmovc v33;
	v29 =	vcvt.f32.s32 v28;
	[tilespmem:v26+s2+$0x0] =	vst.idx.msk $0xffff, v20  }
.Ltmp0:
0x79: {  	v22 =	vcvt.s32.f32 v22;
	v28 =	vadd.s32 $0x1, v10;
	v17 =	vadd.s32 $0x2, v13;
	[tilespmem:v26+s23+$0x0] =	vst.idx.msk $0xffff, v27;
	(pc) =	sbr.rel @p0 .LBB2_2-.Ltmp0, $4  }
0x7a: {  	v29 =	vcvt.s32.f32 v29;
	v20 =	vadd.s32 $0x1, v13;
	[tilespmem:v23+s23+$0x0] =	vst.idx.msk $0xffff, v21;
	v21 =	vmul.u32 $0xC, v12;
	v26 =	vld.idx.msk [tilespmem:v35+s20+$0x0], $0xffff;
	v12 =	vmovc v34  }
0x7b: {  	v27 =	vadd.s32 $0x2, v10;
	v10 =	vmovc v39;
	v23 =	vor.u32 s30, v0;
	v35 =	vcvt.s32.f32 v25;
	[tilespmem:v36+s2+$0x0] =	vst.idx.msk $0xffff, v22;
	v31 =	vld.idx.msk [tilespmem:v31+s20+$0x0], $0xffff  }
0x7c: {  	v13 =	vmovc v24;
	v33 =	vmul.f32 $2.880000000e+02, v30;
	v22 =	vadd.s32 $0x1, v19;
	v34 =	vmul.u32 $0x3, v23;
	v30 =	vld.idx.msk [tilespmem:v37+s20+$0x0], $0xffff;
	[tilespmem:v15+s2+$0x0] =	vst.idx.msk $0xffff, v29  }
0x7d: {  	v25 =	vadd.s32 $0x2, v19;
	s30 =	sadd.s32 $0x80, s30;
	v32 =	vtrunc.f32 v32;
	v29 =	vmul.u32 $0xC, v18;
	[tilespmem:v36+s23+$0x0] =	vst.idx.msk $0xffff, v35;
	v24 =	vld.idx.msk [tilespmem:v38+s20+$0x0], $0xffff  }
0x7e: {  	v18 =	vadd.s32 $0x1, v34;
	_ =	sdelay $0x2  }
0x7f: {  	v19 =	vadd.s32 $0x2, v34;
	_ =	sdelay $0x1  }
0x80: {  	v18 =	vld.idx.msk [tilespmem:v18+s20+$0x0], $0xffff;
	_ =	sdelay $0x2  }
0x81: {  	v19 =	vld.idx.msk [tilespmem:v19+s20+$0x0], $0xffff;
	_ =	sdelay $0x1  }
0x82: {  	v18 =	vmul.f32 $2.880000000e+02, v18  }
0x83: {  	v23 =	vmul.u32 $0xC, v23  }
0x84: {  	v18 =	vtrunc.f32 v18  }
0x85: {  	v19 =	vtrunc.f32 v19;
	v18 =	vcvt.f32.s32 v18  }
0x86: {  	v55 =	vadd.s32 $0x1, v14;
	v19 =	vcvt.f32.s32 v19  }
0x87: {  	v18 =	vcvt.s32.f32 v18  }
0x88: {  	v19 =	vcvt.s32.f32 v19  }
0x89: {  	v14 =	vadd.s32 $0x2, v14;
	[tilespmem:v23+s2+$0x0] =	vst.idx.msk $0xffff, v18;
	v18 =	vmul.f32 $2.880000000e+02, v31  }
0x8a: {  	[tilespmem:v23+s23+$0x0] =	vst.idx.msk $0xffff, v19  }
0x8b: {  	v18 =	vtrunc.f32 v18;
	v19 =	vld.idx.msk [tilespmem:v55+s20+$0x0], $0xffff  }
0x8c: {  	v23 =	vtrunc.f32 v30;
	v18 =	vcvt.f32.s32 v18  }
0x8d: {  	v23 =	vcvt.f32.s32 v23  }
0x8e: {  	v56 =	vtrunc.f32 v33;
	v14 =	vld.idx.msk [tilespmem:v14+s20+$0x0], $0xffff;
	v18 =	vcvt.s32.f32 v18  }
0x8f: {  	v30 =	vcvt.f32.s32 v56;
	v23 =	vcvt.s32.f32 v23  }
0x90: {  	v57 =	vcvt.f32.s32 v32;
	v28 =	vld.idx.msk [tilespmem:v28+s20+$0x0], $0xffff;
	[tilespmem:v21+s2+$0x0] =	vst.idx.msk $0xffff, v18;
	v18 =	vmul.f32 $2.880000000e+02, v19  }
0x91: {  	v12 =	vmul.u32 $0xC, v12;
	v30 =	vcvt.s32.f32 v30;
	[tilespmem:v21+s23+$0x0] =	vst.idx.msk $0xffff, v23  }
0x92: {  	v19 =	vcvt.s32.f32 v57;
	v20 =	vld.idx.msk [tilespmem:v20+s20+$0x0], $0xffff;
	v18 =	vtrunc.f32 v18  }
0x93: {  	[tilespmem:v29+s2+$0x0] =	vst.idx.msk $0xffff, v30;
	v14 =	vtrunc.f32 v14;
	v21 =	vld.idx.msk [tilespmem:v27+s20+$0x0], $0xffff;
	v18 =	vcvt.f32.s32 v18  }
0x94: {  	v23 =	vadd.s32 $0x1, v13;
	v14 =	vcvt.f32.s32 v14;
	[tilespmem:v29+s23+$0x0] =	vst.idx.msk $0xffff, v19;
	v19 =	vmul.f32 $2.880000000e+02, v26;
	v17 =	vld.idx.msk [tilespmem:v17+s20+$0x0], $0xffff  }
0x95: {  	v26 =	vmul.f32 $2.880000000e+02, v28;
	v22 =	vld.idx.msk [tilespmem:v22+s20+$0x0], $0xffff;
	v18 =	vcvt.s32.f32 v18  }
0x96: {  	v13 =	vadd.s32 $0x2, v13;
	v25 =	vld.idx.msk [tilespmem:v25+s20+$0x0], $0xffff;
	v14 =	vcvt.s32.f32 v14;
	v19 =	vtrunc.f32 v19  }
0x97: {  	v19 =	vcvt.f32.s32 v19;
	v20 =	vmul.f32 $2.880000000e+02, v20;
	[tilespmem:v12+s2+$0x0] =	vst.idx.msk $0xffff, v18  }
0x98: {  	v3 =	vmul.u32 $0xC, v3;
	v21 =	vtrunc.f32 v21;
	v18 =	vtrunc.f32 v24;
	[tilespmem:v12+s23+$0x0] =	vst.idx.msk $0xffff, v14  }
0x99: {  	v17 =	vtrunc.f32 v17;
	v14 =	vtrunc.f32 v20;
	v20 =	vld.idx.msk [tilespmem:v23+s20+$0x0], $0xffff  }
0x9a: {  	v12 =	vmul.f32 $2.880000000e+02, v22;
	v14 =	vcvt.f32.s32 v14  }
0x9b: {  	v22 =	vtrunc.f32 v25;
	v17 =	vcvt.f32.s32 v17;
	v23 =	vadd.s32 $0x1, v4;
	v13 =	vld.idx.msk [tilespmem:v13+s20+$0x0], $0xffff  }
0x9c: {  	v8 =	vmul.u32 $0xC, v8;
	v12 =	vtrunc.f32 v12;
	v14 =	vcvt.s32.f32 v14  }
0x9d: {  	v4 =	vadd.s32 $0x2, v4;
	v17 =	vcvt.s32.f32 v17;
	v12 =	vcvt.f32.s32 v12  }
0x9e: {  	v22 =	vcvt.f32.s32 v22;
	[tilespmem:v3+s2+$0x0] =	vst.idx.msk $0xffff, v14;
	v14 =	vmul.f32 $2.880000000e+02, v20  }
0x9f: {  	v12 =	vcvt.s32.f32 v12;
	v20 =	vadd.s32 $0x1, v10;
	[tilespmem:v3+s23+$0x0] =	vst.idx.msk $0xffff, v17;
	v3 =	vmul.u32 $0xC, v11  }
0xa0: {  	v10 =	vadd.s32 $0x2, v10;
	v13 =	vtrunc.f32 v13;
	v11 =	vld.idx.msk [tilespmem:v23+s20+$0x0], $0xffff;
	v14 =	vtrunc.f32 v14  }
0xa1: {  	v17 =	vcvt.s32.f32 v22;
	v14 =	vcvt.f32.s32 v14  }
0xa2: {  	v19 =	vcvt.s32.f32 v19;
	[tilespmem:v8+s2+$0x0] =	vst.idx.msk $0xffff, v12;
	v12 =	vadd.s32 $0x1, v9;
	v13 =	vcvt.f32.s32 v13;
	v4 =	vld.idx.msk [tilespmem:v4+s20+$0x0], $0xffff  }
0xa3: {  	v21 =	vcvt.f32.s32 v21;
	[tilespmem:v8+s23+$0x0] =	vst.idx.msk $0xffff, v17;
	v8 =	vcvt.s32.f32 v14  }
0xa4: {  	v13 =	vcvt.s32.f32 v13;
	v14 =	vcvt.f32.s32 v18;
	v17 =	vld.idx.msk [tilespmem:v20+s20+$0x0], $0xffff  }
0xa5: {  	v18 =	vtrunc.f32 v26;
	v10 =	vld.idx.msk [tilespmem:v10+s20+$0x0], $0xffff;
	v11 =	vmul.f32 $2.880000000e+02, v11;
	[tilespmem:v3+s2+$0x0] =	vst.idx.msk $0xffff, v8;
	v8 =	vadd.s32 $0x2, v9  }
0xa6: {  	v9 =	vcvt.s32.f32 v14;
	v14 =	vcvt.f32.s32 v18;
	[tilespmem:v3+s23+$0x0] =	vst.idx.msk $0xffff, v13  }
0xa7: {  	v1 =	vmul.u32 $0xC, v1;
	v4 =	vtrunc.f32 v4;
	v3 =	vcvt.s32.f32 v21;
	v12 =	vld.idx.msk [tilespmem:v12+s20+$0x0], $0xffff  }
0xa8: {  	v4 =	vcvt.f32.s32 v4;
	v11 =	vtrunc.f32 v11  }
0xa9: {  	v2 =	vmul.u32 $0xC, v2;
	v13 =	vcvt.s32.f32 v14;
	v14 =	vmul.f32 $2.880000000e+02, v17  }
0xaa: {  	[tilespmem:v15+s23+$0x0] =	vst.idx.msk $0xffff, v16;
	v11 =	vcvt.f32.s32 v11;
	v10 =	vtrunc.f32 v10;
	v8 =	vld.idx.msk [tilespmem:v8+s20+$0x0], $0xffff  }
0xab: {  	v5 =	vmul.u32 $0xC, v5;
	[tilespmem:v7+s2+$0x0] =	vst.idx.msk $0xffff, v19;
	v4 =	vcvt.s32.f32 v4;
	v14 =	vtrunc.f32 v14  }
0xac: {  	[tilespmem:v7+s23+$0x0] =	vst.idx.msk $0xffff, v9;
	v7 =	vcvt.f32.s32 v14;
	v9 =	vmul.f32 $2.880000000e+02, v12  }
0xad: {  	v6 =	vmul.u32 $0xC, v6;
	[tilespmem:v1+s2+$0x0] =	vst.idx.msk $0xffff, v13;
	v10 =	vcvt.f32.s32 v10;
	v11 =	vcvt.s32.f32 v11  }
0xae: {  	[tilespmem:v1+s23+$0x0] =	vst.idx.msk $0xffff, v3;
	v1 =	vcvt.s32.f32 v7;
	v3 =	vtrunc.f32 v9  }
0xaf: {  	[tilespmem:v2+s2+$0x0] =	vst.idx.msk $0xffff, v11;
	v3 =	vcvt.f32.s32 v3;
	v7 =	vtrunc.f32 v8  }
0xb0: {  	s1 =	simm.s32 $0x0;
	[tilespmem:v2+s23+$0x0] =	vst.idx.msk $0xffff, v4;
	v2 =	vcvt.s32.f32 v10;
	v4 =	vcvt.f32.s32 v7  }
0xb1: {  	[tilespmem:v5+s2+$0x0] =	vst.idx.msk $0xffff, v1;
	v1 =	vcvt.s32.f32 v3;
	v3 =	vor.u32 s1, v0  }
0xb2: {  	[tilespmem:v5+s23+$0x0] =	vst.idx.msk $0xffff, v2;
	v2 =	vcvt.s32.f32 v4;
	v4 =	vmul.u32 $0x3, v3  }
0xb3: {  	[tilespmem:v6+s2+$0x0] =	vst.idx.msk $0xffff, v1  }
0xb4: {  	[tilespmem:v6+s23+$0x0] =	vst.idx.msk $0xffff, v2;
	v1 =	vadd.s32 $0x1, v4  }
0xb5: {  	s31 =	simm.s32 $0x40;
	_ =	swait.ge [sflag:s24], $0x1800  }
0xb6: {  	v2 =	vadd.s32 $0x2, v4;
	v4 =	vor.u32 s31, v0;
	[sflag:s24] =	ssyncset.done $0x0  }
0xb7: {  	v5 =	vmul.u32 $0x3, v4;
	[sflag:s24] =	ssyncadd.s32 $0xFFFFE800  }
0xb8: {  	[tilespmem:s20], [sflag:$0x1] =	stream.strided.gather [hbm4b:s5+s18], $0x1800, s19, s18, $0x38;
	[tilespmem:$0xF000] =	vst v63  }
0xb9: {  	v6 =	vadd.s32 $0x1, v5;
	v1 =	vld.idx.msk [tilespmem:v1+s22+$0x0], $0xffff;
	_ =	sdelay $0x2  }
0xba: {  	v3 =	vmul.u32 $0xC, v3;
	v5 =	vadd.s32 $0x2, v5;
	v2 =	vld.idx.msk [tilespmem:v2+s22+$0x0], $0xffff  }
0xbb: {  	s31 =	simm.s32 $0x10  }
0xbc: {  	v9 =	vor.u32 $0x1, v3;
	v7 =	vor.u32 s31, v0;
	s31 =	simm.s32 $0x50;
	v6 =	vld.idx.msk [tilespmem:v6+s22+$0x0], $0xffff;
	v1 =	vmul.f32 $2.880000000e+02, v1  }
0xbd: {  	v4 =	vmul.u32 $0xC, v4;
	v8 =	vmul.u32 $0x3, v7;
	v10 =	vor.u32 s31, v0  }
0xbe: {  	s31 =	simm.s32 $0x20;
	v7 =	vmul.u32 $0xC, v7;
	v11 =	vmul.u32 $0x3, v10;
	v1 =	vtrunc.f32 v1  }
0xbf: {  	v13 =	vor.u32 s31, v0;
	v5 =	vld.idx.msk [tilespmem:v5+s22+$0x0], $0xffff;
	v2 =	vtrunc.f32 v2;
	v1 =	vcvt.f32.s32 v1  }
0xc0: {  	v4 =	vor.u32 $0x1, v4;
	v12 =	vadd.s32 $0x1, v8;
	v2 =	vcvt.f32.s32 v2  }
0xc1: {  	s31 =	simm.s32 $0x60;
	v8 =	vadd.s32 $0x2, v8;
	v6 =	vmul.f32 $2.880000000e+02, v6;
	v1 =	vcvt.s32.f32 v1  }
0xc2: {  	v15 =	vmul.u32 $0x3, v13;
	v3 =	vor.u32 s31, v0;
	v2 =	vcvt.s32.f32 v2  }
0xc3: {  	s31 =	simm.s32 $0x30;
	v7 =	vor.u32 $0x1, v7;
	v14 =	vadd.s32 $0x1, v11;
	v6 =	vtrunc.f32 v6;
	[tilespmem:v9+s2+$0x0] =	vst.idx.msk $0xffff, v1  }
0xc4: {  	v5 =	vtrunc.f32 v5;
	v6 =	vcvt.f32.s32 v6;
	[tilespmem:v9+s23+$0x0] =	vst.idx.msk $0xffff, v2;
	v2 =	vor.u32 s31, v0  }
0xc5: {  	v11 =	vadd.s32 $0x2, v11;
	v5 =	vcvt.f32.s32 v5;
	s31 =	simm.s32 $0x80;
	v9 =	vld.idx.msk [tilespmem:v12+s22+$0x0], $0xffff;
	v18 =	vmul.u32 $0x3, v2  }
0xc6: {  	v22 =	vmul.u32 $0xC, v2;
	v2 =	vcvt.s32.f32 v6;
	v6 =	vld.idx.msk [tilespmem:v8+s22+$0x0], $0xffff;
	v8 =	vor.u32 s31, v0  }
0xc7: {  	v20 =	vadd.s32 $0x1, v15;
	v5 =	vcvt.s32.f32 v5;
	v16 =	vmul.u32 $0x3, v8  }
0xc8: {  	s29 =	simm.s32 $0x70;
	v15 =	vadd.s32 $0x2, v15;
	v1 =	vmul.u32 $0xC, v10;
	v10 =	vmul.u32 $0xC, v13;
	[tilespmem:v4+s2+$0x0] =	vst.idx.msk $0xffff, v2  }
0xc9: {  	v13 =	vmul.u32 $0x3, v3;
	v12 =	vor.u32 s29, v0;
	s31 =	simm.s32 $0xC0;
	[tilespmem:v4+s23+$0x0] =	vst.idx.msk $0xffff, v5;
	v4 =	vadd.s32 $0x1, v16  }
0xca: {  	v16 =	vadd.s32 $0x2, v16;
	v2 =	vmul.f32 $2.880000000e+02, v9;
	v9 =	vor.u32 s31, v0  }
0xcb: {  	v17 =	vadd.s32 $0x2, v13;
	v1 =	vor.u32 $0x1, v1;
	v11 =	vld.idx.msk [tilespmem:v11+s22+$0x0], $0xffff;
	v5 =	vmul.u32 $0x3, v9  }
0xcc: {  	v13 =	vadd.s32 $0x1, v13;
	v21 =	vmul.u32 $0x3, v12;
	v14 =	vld.idx.msk [tilespmem:v14+s22+$0x0], $0xffff;
	v2 =	vtrunc.f32 v2  }
0xcd: {  	v6 =	vtrunc.f32 v6;
	v2 =	vcvt.f32.s32 v2;
	v19 =	vadd.s32 $0x1, v5  }
0xce: {  	s29 =	simm.s32 $0xF0;
	v24 =	vmul.u32 $0xC, v8;
	v6 =	vcvt.f32.s32 v6;
	v5 =	vadd.s32 $0x2, v5  }
0xcf: {  	v12 =	vmul.u32 $0xC, v12;
	v60 =	vor.u32 s29, v0;
	s31 =	simm.s32 $0x90;
	v16 =	vld.idx.msk [tilespmem:v16+s22+$0x0], $0xffff;
	v2 =	vcvt.s32.f32 v2  }
0xd0: {  	v24 =	vor.u32 $0x1, v24;
	v23 =	vor.u32 s31, v0;
	v6 =	vcvt.s32.f32 v6  }
0xd1: {  	s31 =	simm.s32 $0xD0;
	v9 =	vmul.u32 $0xC, v9;
	v4 =	vld.idx.msk [tilespmem:v4+s22+$0x0], $0xffff;
	v8 =	vtrunc.f32 v11;
	v11 =	vmul.f32 $2.880000000e+02, v14;
	[tilespmem:v7+s2+$0x0] =	vst.idx.msk $0xffff, v2  }
0xd2: {  	v14 =	vmul.u32 $0x3, v23;
	v25 =	vcvt.f32.s32 v8;
	v2 =	vor.u32 s31, v0;
	[tilespmem:v7+s23+$0x0] =	vst.idx.msk $0xffff, v6;
	v6 =	vld.idx.msk [tilespmem:v19+s22+$0x0], $0xffff  }
0xd3: {  	v8 =	vmul.u32 $0xC, v23;
	s31 =	simm.s32 $0xA0;
	v26 =	vmul.u32 $0x3, v2;
	v23 =	vld.idx.msk [tilespmem:v5+s22+$0x0], $0xffff;
	v5 =	vtrunc.f32 v11  }
0xd4: {  	v27 =	vmul.u32 $0xC, v2;
	v16 =	vtrunc.f32 v16;
	v19 =	vld.idx.msk [tilespmem:v20+s22+$0x0], $0xffff;
	v20 =	vor.u32 s31, v0  }
0xd5: {  	v15 =	vld.idx.msk [tilespmem:v15+s22+$0x0], $0xffff;
	v2 =	vcvt.f32.s32 v5;
	v16 =	vcvt.f32.s32 v16;
	v11 =	vmul.u32 $0x3, v20  }
0xd6: {  	v5 =	vmul.u32 $0xC, v20;
	v20 =	vcvt.s32.f32 v25;
	v25 =	vmul.f32 $2.880000000e+02, v4  }
0xd7: {  	v9 =	vor.u32 $0x1, v9;
	s31 =	simm.s32 $0xE0;
	v7 =	vadd.s32 $0x1, v26;
	v2 =	vcvt.s32.f32 v2  }
0xd8: {  	v4 =	vor.u32 s31, v0;
	v16 =	vcvt.s32.f32 v16;
	v25 =	vtrunc.f32 v25  }
0xd9: {  	s31 =	simm.s32 $0xB0;
	v58 =	vmul.u32 $0x3, v4;
	v6 =	vmul.f32 $2.880000000e+02, v6;
	v23 =	vtrunc.f32 v23  }
0xda: {  	v59 =	vor.u32 s31, v0;
	[tilespmem:v1+s2+$0x0] =	vst.idx.msk $0xffff, v2;
	v19 =	vmul.f32 $2.880000000e+02, v19;
	v15 =	vtrunc.f32 v15  }
0xdb: {  	v2 =	vmul.u32 $0x3, v59;
	[tilespmem:v1+s23+$0x0] =	vst.idx.msk $0xffff, v20;
	v20 =	vcvt.f32.s32 v25;
	v23 =	vcvt.f32.s32 v23  }
0xdc: {  	v25 =	vor.u32 $0x1, v10;
	v13 =	vld.idx.msk [tilespmem:v13+s22+$0x0], $0xffff;
	v6 =	vtrunc.f32 v6;
	v15 =	vcvt.f32.s32 v15  }
0xdd: {  	v10 =	vld.idx.msk [tilespmem:v17+s22+$0x0], $0xffff;
	v17 =	vtrunc.f32 v19;
	v19 =	vadd.s32 $0x1, v14;
	v20 =	vcvt.s32.f32 v20  }
0xde: {  	v1 =	vmul.u32 $0xC, v59;
	v61 =	vcvt.f32.s32 v6;
	v17 =	vcvt.f32.s32 v17  }
0xdf: {  	v23 =	vcvt.s32.f32 v23;
	v14 =	vadd.s32 $0x2, v14;
	v6 =	vmul.u32 $0x3, v60;
	[tilespmem:v24+s2+$0x0] =	vst.idx.msk $0xffff, v20  }
0xe0: {  	v20 =	vcvt.s32.f32 v61;
	v17 =	vcvt.s32.f32 v17;
	[tilespmem:v24+s23+$0x0] =	vst.idx.msk $0xffff, v16;
	v24 =	vadd.s32 $0x2, v26  }
0xe1: {  	v26 =	vcvt.s32.f32 v15;
	v15 =	vmul.u32 $0xC, v3;
	v13 =	vmul.f32 $2.880000000e+02, v13  }
0xe2: {  	v3 =	vmul.u32 $0xC, v60;
	v16 =	vadd.s32 $0x2, v18;
	v18 =	vadd.s32 $0x1, v18;
	v62 =	vld.idx.msk [tilespmem:v19+s22+$0x0], $0xffff  }
0xe3: {  	v10 =	vtrunc.f32 v10;
	[tilespmem:v25+s2+$0x0] =	vst.idx.msk $0xffff, v17;
	v17 =	vor.u32 $0x1, v15;
	v13 =	vtrunc.f32 v13  }
0xe4: {  	[tilespmem:v9+s2+$0x0] =	vst.idx.msk $0xffff, v20;
	v63 =	vcvt.f32.s32 v10;
	v10 =	vor.u32 $0x1, v12;
	v13 =	vcvt.f32.s32 v13  }
0xe5: {  	v19 =	vadd.s32 $0x1, v21;
	v15 =	vadd.s32 $0x2, v21;
	v21 =	vld.idx.msk [tilespmem:v14+s22+$0x0], $0xffff;
	[tilespmem:v9+s23+$0x0] =	vst.idx.msk $0xffff, v23;
	v12 =	vadd.s32 $0x2, v58  }
0xe6: {  	v9 =	vor.u32 $0x1, v22;
	v14 =	vor.u32 $0x1, v27;
	v23 =	vld.idx.msk [tilespmem:v24+s22+$0x0], $0xffff;
	v20 =	vcvt.s32.f32 v13  }
0xe7: {  	s30 =	simm.s32 $0x140;
	s29 =	simm.s32 $0x2;
	[tilespmem:v25+s23+$0x0] =	vst.idx.msk $0xffff, v26;
	v22 =	vcvt.s32.f32 v63;
	v13 =	vadd.s32 $0x1, v58;
	v24 =	vmul.f32 $2.880000000e+02, v62  }
.LBB2_4:
0xe8: {  	s1 =	sadd.s32 $0xFFFFFFC0, s30;
	s31 =	sadd.s32 $0xFFFFFFD0, s30;
	s29 =	sadd.s32 $0x2, s29;
	v25 =	vor.u32 $0x1, v8;
	v26 =	vadd.s32 $0x1, v11;
	v27 =	vadd.s32 $0x2, v11;
	v8 =	vld.idx.msk [tilespmem:v16+s22+$0x0], $0xffff;
	[tilespmem:v17+s2+$0x0] =	vst.idx.msk $0xffff, v20  }
0xe9: {  	v11 =	vor.u32 s1, v0;
	v16 =	vor.u32 s31, v0;
	p0 =	slt.u32 s29, $0x1E;
	v20 =	vtrunc.f32 v24;
	v18 =	vld.idx.msk [tilespmem:v18+s22+$0x0], $0xffff;
	[tilespmem:v17+s23+$0x0] =	vst.idx.msk $0xffff, v22  }
0xea: {  	v17 =	vmul.u32 $0x3, v11;
	v22 =	vmul.u32 $0xC, v11;
	v11 =	vcvt.f32.s32 v20;
	v19 =	vld.idx.msk [tilespmem:v19+s22+$0x0], $0xffff  }
0xeb: {  	v21 =	vtrunc.f32 v21;
	v20 =	vor.u32 s30, v0;
	v23 =	vtrunc.f32 v23;
	v15 =	vld.idx.msk [tilespmem:v15+s22+$0x0], $0xffff  }
0xec: {  	v28 =	vmul.u32 $0x3, v20;
	v23 =	vcvt.f32.s32 v23;
	v24 =	vadd.s32 $0x1, v17  }
0xed: {  	v20 =	vmul.u32 $0xC, v20;
	v17 =	vadd.s32 $0x2, v17;
	v11 =	vcvt.s32.f32 v11;
	v29 =	vld.idx.msk [tilespmem:v7+s22+$0x0], $0xffff  }
0xee: {  	v21 =	vcvt.f32.s32 v21;
	v7 =	vadd.s32 $0x1, v28;
	v28 =	vadd.s32 $0x2, v28  }
0xef: {  	s1 =	sadd.s32 $0x10, s30;
	v30 =	vmul.u32 $0x3, v16;
	[tilespmem:v25+s2+$0x0] =	vst.idx.msk $0xffff, v11;
	v11 =	vmul.f32 $2.880000000e+02, v18;
	v18 =	vtrunc.f32 v8  }
0xf0: {  	v31 =	vor.u32 s1, v0;
	v21 =	vcvt.s32.f32 v21;
	v19 =	vmul.f32 $2.880000000e+02, v19  }
0xf1: {  	v32 =	vmul.u32 $0x3, v31;
	v15 =	vtrunc.f32 v15;
	v24 =	vld.idx.msk [tilespmem:v24+s22+$0x0], $0xffff;
	v11 =	vtrunc.f32 v11  }
0xf2: {  	v8 =	vmul.u32 $0xC, v16;
	v16 =	vtrunc.f32 v19;
	v17 =	vld.idx.msk [tilespmem:v17+s22+$0x0], $0xffff;
	[tilespmem:v25+s23+$0x0] =	vst.idx.msk $0xffff, v21;
	v11 =	vcvt.f32.s32 v11  }
0xf3: {  	s1 =	sadd.s32 $0xFFFFFFE0, s30;
	v21 =	vmul.f32 $2.880000000e+02, v29;
	v16 =	vcvt.f32.s32 v16;
	v19 =	vld.idx.msk [tilespmem:v7+s22+$0x0], $0xffff;
	v7 =	vadd.s32 $0x1, v32  }
0xf4: {  	v15 =	vcvt.f32.s32 v15;
	v25 =	vor.u32 s1, v0;
	v26 =	vld.idx.msk [tilespmem:v26+s22+$0x0], $0xffff;
	v29 =	vcvt.s32.f32 v11  }
0xf5: {  	v11 =	vmul.u32 $0x3, v25;
	v21 =	vtrunc.f32 v21;
	v16 =	vcvt.s32.f32 v16;
	v28 =	vld.idx.msk [tilespmem:v28+s22+$0x0], $0xffff  }
0xf6: {  	v31 =	vmul.u32 $0xC, v31;
	v15 =	vcvt.s32.f32 v15;
	v21 =	vcvt.f32.s32 v21;
	v27 =	vld.idx.msk [tilespmem:v27+s22+$0x0], $0xffff;
	[tilespmem:v9+s2+$0x0] =	vst.idx.msk $0xffff, v29  }
0xf7: {  	v23 =	vcvt.s32.f32 v23;
	v18 =	vcvt.f32.s32 v18;
	s1 =	sadd.s32 $0x20, s30;
	v25 =	vmul.u32 $0xC, v25;
	[tilespmem:v10+s2+$0x0] =	vst.idx.msk $0xffff, v16  }
0xf8: {  	v16 =	vmul.f32 $2.880000000e+02, v24;
	v24 =	vor.u32 s1, v0;
	v21 =	vcvt.s32.f32 v21;
	[tilespmem:v10+s23+$0x0] =	vst.idx.msk $0xffff, v15  }
0xf9: {  	s31 =	sadd.s32 $0x30, s30;
	s1 =	sadd.s32 $0xFFFFFFF0, s30;
	v10 =	vtrunc.f32 v17;
	v29 =	vmul.u32 $0x3, v24;
	v15 =	vcvt.s32.f32 v18  }
0xfa: {  	v17 =	vor.u32 s1, v0;
	v18 =	vmul.f32 $2.880000000e+02, v19;
	v19 =	vor.u32 s31, v0;
	[tilespmem:v14+s2+$0x0] =	vst.idx.msk $0xffff, v21  }
0xfb: {  	v16 =	vtrunc.f32 v16;
	v33 =	vmul.u32 $0x3, v17;
	v21 =	vmul.f32 $2.880000000e+02, v26;
	[tilespmem:v14+s23+$0x0] =	vst.idx.msk $0xffff, v23  }
0xfc: {  	v14 =	vmul.u32 $0xC, v17;
	v17 =	vtrunc.f32 v28;
	v23 =	vtrunc.f32 v27;
	[tilespmem:v9+s23+$0x0] =	vst.idx.msk $0xffff, v15  }
0xfd: {  	v9 =	vcvt.f32.s32 v16;
	v15 =	vor.u32 $0x1, v22;
	v16 =	vcvt.f32.s32 v17;
	v13 =	vld.idx.msk [tilespmem:v13+s22+$0x0], $0xffff  }
0xfe: {  	v10 =	vcvt.f32.s32 v10;
	v26 =	vor.u32 $0x1, v5;
	v5 =	vmovc v25;
	v17 =	vtrunc.f32 v18;
	v12 =	vld.idx.msk [tilespmem:v12+s22+$0x0], $0xffff  }
0xff: {  	v18 =	vadd.s32 $0x1, v30;
	v22 =	vcvt.s32.f32 v16;
	v16 =	vtrunc.f32 v21  }
0x100: {  	v9 =	vcvt.s32.f32 v9;
	v21 =	vadd.s32 $0x2, v30;
	v16 =	vcvt.f32.s32 v16  }
0x101: {  	v20 =	vor.u32 $0x1, v20;
	v10 =	vcvt.s32.f32 v10;
	v17 =	vcvt.f32.s32 v17  }
0x102: {  	v23 =	vcvt.f32.s32 v23;
	v16 =	vcvt.s32.f32 v16;
	[tilespmem:v15+s2+$0x0] =	vst.idx.msk $0xffff, v9;
	v9 =	vmul.u32 $0x3, v19  }
0x103: {  	v13 =	vmul.f32 $2.880000000e+02, v13;
	[tilespmem:v15+s23+$0x0] =	vst.idx.msk $0xffff, v10;
	v10 =	vcvt.s32.f32 v17;
	v15 =	vadd.s32 $0x2, v32  }
0x104: {  	v27 =	vcvt.s32.f32 v23;
	v12 =	vtrunc.f32 v12;
	v17 =	vmul.u32 $0xC, v4;
	v4 =	vmovc v24;
	v25 =	vld.idx.msk [tilespmem:v18+s22+$0x0], $0xffff;
	[tilespmem:v26+s2+$0x0] =	vst.idx.msk $0xffff, v16  }
0x105: {  	v19 =	vmul.u32 $0xC, v19;
	v13 =	vtrunc.f32 v13;
	v24 =	vcvt.f32.s32 v12  }
.Ltmp1:
0x106: {  	v16 =	vadd.s32 $0x2, v2;
	v12 =	vcvt.f32.s32 v13;
	v17 =	vor.u32 $0x1, v17;
	v21 =	vld.idx.msk [tilespmem:v21+s22+$0x0], $0xffff;
	[tilespmem:v20+s2+$0x0] =	vst.idx.msk $0xffff, v10;
	(pc) =	sbr.rel @p0 .LBB2_4-.Ltmp1, $4  }
0x107: {  	v18 =	vadd.s32 $0x1, v2;
	v2 =	vmovc v33;
	v10 =	vor.u32 $0x1, v3;
	v3 =	vmov v19;
	[tilespmem:v20+s23+$0x0] =	vst.idx.msk $0xffff, v22  }
0x108: {  	v19 =	vadd.s32 $0x1, v6;
	v20 =	vcvt.s32.f32 v12;
	v23 =	vld.idx.msk [tilespmem:v15+s22+$0x0], $0xffff;
	v15 =	vadd.s32 $0x2, v6;
	v6 =	vmovc v9  }
0x109: {  	v12 =	vadd.s32 $0x2, v29;
	v22 =	vcvt.s32.f32 v24;
	v9 =	vor.u32 $0x1, v1;
	v1 =	vmovc v14  }
0x10a: {  	s30 =	sadd.s32 $0x80, s30;
	v13 =	vadd.s32 $0x1, v29;
	v14 =	vor.u32 $0x1, v31;
	v24 =	vmul.f32 $2.880000000e+02, v25;
	[tilespmem:v26+s23+$0x0] =	vst.idx.msk $0xffff, v27  }
0x10b: {  	_ =	sdelay $0x3  }
0x10c: {  	v7 =	vld.idx.msk [tilespmem:v7+s22+$0x0], $0xffff;
	_ =	sdelay $0x2  }
0x10d: {  	v8 =	vor.u32 $0x1, v8;
	v24 =	vtrunc.f32 v24  }
0x10e: {  	v21 =	vtrunc.f32 v21;
	v24 =	vcvt.f32.s32 v24  }
0x10f: {  	v25 =	vadd.s32 $0x1, v11;
	v21 =	vcvt.f32.s32 v21;
	v7 =	vmul.f32 $2.880000000e+02, v7  }
0x110: {  	v24 =	vcvt.s32.f32 v24  }
0x111: {  	v21 =	vcvt.s32.f32 v21;
	v7 =	vtrunc.f32 v7  }
0x112: {  	v11 =	vadd.s32 $0x2, v11;
	v23 =	vtrunc.f32 v23;
	[tilespmem:v8+s2+$0x0] =	vst.idx.msk $0xffff, v24;
	v7 =	vcvt.f32.s32 v7  }
0x113: {  	v23 =	vcvt.f32.s32 v23;
	[tilespmem:v8+s23+$0x0] =	vst.idx.msk $0xffff, v21  }
0x114: {  	v8 =	vld.idx.msk [tilespmem:v25+s22+$0x0], $0xffff;
	v7 =	vcvt.s32.f32 v7  }
0x115: {  	v21 =	vcvt.s32.f32 v23  }
0x116: {  	[tilespmem:v14+s2+$0x0] =	vst.idx.msk $0xffff, v7  }
0x117: {  	v7 =	vld.idx.msk [tilespmem:v11+s22+$0x0], $0xffff;
	[tilespmem:v14+s23+$0x0] =	vst.idx.msk $0xffff, v21  }
0x118: {  	v11 =	vld.idx.msk [tilespmem:v13+s22+$0x0], $0xffff  }
0x119: {  	v8 =	vmul.f32 $2.880000000e+02, v8;
	v12 =	vld.idx.msk [tilespmem:v12+s22+$0x0], $0xffff;
	_ =	sdelay $0x1  }
0x11a: {  	v5 =	vor.u32 $0x1, v5;
	[tilespmem:v17+s2+$0x0] =	vst.idx.msk $0xffff, v20;
	v8 =	vtrunc.f32 v8  }
0x11b: {  	v4 =	vmul.u32 $0xC, v4;
	v16 =	vld.idx.msk [tilespmem:v16+s22+$0x0], $0xffff;
	[tilespmem:v17+s23+$0x0] =	vst.idx.msk $0xffff, v22;
	v8 =	vcvt.f32.s32 v8;
	v7 =	vtrunc.f32 v7  }
0x11c: {  	v17 =	vadd.s32 $0x1, v2;
	v14 =	vld.idx.msk [tilespmem:v19+s22+$0x0], $0xffff;
	v7 =	vcvt.f32.s32 v7;
	v11 =	vmul.f32 $2.880000000e+02, v11  }
0x11d: {  	v2 =	vadd.s32 $0x2, v2;
	v13 =	vld.idx.msk [tilespmem:v18+s22+$0x0], $0xffff;
	v8 =	vcvt.s32.f32 v8;
	v12 =	vtrunc.f32 v12  }
0x11e: {  	v4 =	vor.u32 $0x1, v4;
	v12 =	vcvt.f32.s32 v12;
	v11 =	vtrunc.f32 v11  }
0x11f: {  	v7 =	vcvt.s32.f32 v7;
	v11 =	vcvt.f32.s32 v11  }
0x120: {  	v18 =	vadd.s32 $0x1, v6;
	[tilespmem:v5+s2+$0x0] =	vst.idx.msk $0xffff, v8;
	v12 =	vcvt.s32.f32 v12  }
0x121: {  	[tilespmem:v5+s23+$0x0] =	vst.idx.msk $0xffff, v7;
	v5 =	vmul.f32 $2.880000000e+02, v14;
	v8 =	vcvt.s32.f32 v11  }
0x122: {  	v15 =	vld.idx.msk [tilespmem:v15+s22+$0x0], $0xffff;
	v7 =	vtrunc.f32 v16;
	v11 =	vmul.f32 $2.880000000e+02, v13  }
0x123: {  	v6 =	vadd.s32 $0x2, v6;
	v2 =	vld.idx.msk [tilespmem:v2+s22+$0x0], $0xffff;
	v7 =	vcvt.f32.s32 v7;
	[tilespmem:v4+s2+$0x0] =	vst.idx.msk $0xffff, v8  }
0x124: {  	v5 =	vtrunc.f32 v5;
	v8 =	vtrunc.f32 v11;
	v11 =	vld.idx.msk [tilespmem:v17+s22+$0x0], $0xffff;
	[tilespmem:v4+s23+$0x0] =	vst.idx.msk $0xffff, v12  }
0x125: {  	v5 =	vcvt.f32.s32 v5;
	v4 =	vcvt.f32.s32 v8;
	v8 =	vld.idx.msk [tilespmem:v18+s22+$0x0], $0xffff  }
0x126: {  	v7 =	vcvt.s32.f32 v7  }
0x127: {  	v12 =	vtrunc.f32 v15;
	v5 =	vcvt.s32.f32 v5  }
0x128: {  	v12 =	vcvt.f32.s32 v12;
	v6 =	vld.idx.msk [tilespmem:v6+s22+$0x0], $0xffff;
	v2 =	vtrunc.f32 v2  }
0x129: {  	v4 =	vcvt.s32.f32 v4;
	v11 =	vmul.f32 $2.880000000e+02, v11  }
0x12a: {  	v2 =	vcvt.f32.s32 v2;
	v8 =	vmul.f32 $2.880000000e+02, v8  }
0x12b: {  	v1 =	vor.u32 $0x1, v1;
	v12 =	vcvt.s32.f32 v12;
	v11 =	vtrunc.f32 v11  }
0x12c: {  	v3 =	vor.u32 $0x1, v3;
	[tilespmem:v9+s2+$0x0] =	vst.idx.msk $0xffff, v4;
	v4 =	vcvt.f32.s32 v11;
	v8 =	vtrunc.f32 v8  }
0x12d: {  	[tilespmem:v10+s2+$0x0] =	vst.idx.msk $0xffff, v5;
	v5 =	vtrunc.f32 v6;
	v6 =	vcvt.f32.s32 v8  }
0x12e: {  	[tilespmem:v10+s23+$0x0] =	vst.idx.msk $0xffff, v12;
	v5 =	vcvt.f32.s32 v5;
	v4 =	vcvt.s32.f32 v4  }
0x12f: {  	s1 =	simm.s32 $0x0;
	[tilespmem:v9+s23+$0x0] =	vst.idx.msk $0xffff, v7;
	v6 =	vcvt.s32.f32 v6  }
0x130: {  	v2 =	vcvt.s32.f32 v2;
	[tilespmem:v1+s2+$0x0] =	vst.idx.msk $0xffff, v4;
	v4 =	vcvt.s32.f32 v5;
	v5 =	vor.u32 s1, v0  }
0x131: {  	[tilespmem:v3+s2+$0x0] =	vst.idx.msk $0xffff, v6;
	v6 =	vmul.u32 $0x3, v5  }
0x132: {  	[tilespmem:v1+s23+$0x0] =	vst.idx.msk $0xffff, v2  }
0x133: {  	[tilespmem:v3+s23+$0x0] =	vst.idx.msk $0xffff, v4;
	v1 =	vadd.s32 $0x1, v6  }
0x134: {  	_ =	swait.ge [sflag:s21], $0x1800  }
0x135: {  	s31 =	simm.s32 $0x40;
	[sflag:s21] =	ssyncset.done $0x0  }
0x136: {  	v3 =	vor.u32 s31, v0;
	v2 =	vadd.s32 $0x2, v6;
	[sflag:s21] =	ssyncadd.s32 $0xFFFFE800  }
0x137: {  	v4 =	vmul.u32 $0x3, v3;
	[tilespmem:s22], [sflag:$0x2] =	stream.strided.gather [hbm4b:s6+s18], $0x1800, s19, s18, $0x38;
	[tilespmem:$0xF000] =	vst v63  }
0x138: {  	v1 =	vld.idx.msk [tilespmem:v1+s20+$0x0], $0xffff  }
0x139: {  	v6 =	vadd.s32 $0x1, v4;
	v4 =	vadd.s32 $0x2, v4;
	_ =	sdelay $0x1  }
0x13a: {  	v2 =	vld.idx.msk [tilespmem:v2+s20+$0x0], $0xffff  }
0x13b: {  	v5 =	vmul.u32 $0xC, v5;
	s31 =	simm.s32 $0x10  }
0x13c: {  	v7 =	vor.u32 s31, v0;
	v8 =	vmul.u32 $0xC, v3;
	s31 =	simm.s32 $0x50;
	v1 =	vmul.f32 $2.880000000e+02, v1  }
0x13d: {  	v5 =	vor.u32 $0x2, v5;
	v9 =	vmul.u32 $0x3, v7;
	v10 =	vor.u32 s31, v0;
	v4 =	vld.idx.msk [tilespmem:v4+s20+$0x0], $0xffff  }
0x13e: {  	s31 =	simm.s32 $0x20;
	v7 =	vmul.u32 $0xC, v7;
	v11 =	vmul.u32 $0x3, v10;
	v6 =	vld.idx.msk [tilespmem:v6+s20+$0x0], $0xffff;
	v1 =	vtrunc.f32 v1  }
0x13f: {  	v13 =	vor.u32 s31, v0;
	v2 =	vtrunc.f32 v2;
	v1 =	vcvt.f32.s32 v1  }
0x140: {  	s31 =	simm.s32 $0x60;
	v12 =	vadd.s32 $0x1, v9;
	v15 =	vmul.u32 $0x3, v13;
	v2 =	vcvt.f32.s32 v2  }
0x141: {  	v3 =	vor.u32 s31, v0;
	v9 =	vadd.s32 $0x2, v9;
	v1 =	vcvt.s32.f32 v1  }
0x142: {  	v7 =	vor.u32 $0x2, v7;
	v4 =	vtrunc.f32 v4;
	v2 =	vcvt.s32.f32 v2  }
0x143: {  	v14 =	vadd.s32 $0x1, v11;
	v6 =	vmul.f32 $2.880000000e+02, v6;
	v4 =	vcvt.f32.s32 v4;
	[tilespmem:v5+s2+$0x0] =	vst.idx.msk $0xffff, v1  }
0x144: {  	v11 =	vadd.s32 $0x2, v11;
	v20 =	vadd.s32 $0x1, v15;
	v15 =	vadd.s32 $0x2, v15;
	[tilespmem:v5+s23+$0x0] =	vst.idx.msk $0xffff, v2  }
0x145: {  	s31 =	simm.s32 $0x30;
	v4 =	vcvt.s32.f32 v4;
	v5 =	vtrunc.f32 v6;
	v6 =	vor.u32 $0x2, v8;
	v8 =	vld.idx.msk [tilespmem:v12+s20+$0x0], $0xffff  }
0x146: {  	v1 =	vmul.u32 $0xC, v10;
	v2 =	vor.u32 s31, v0;
	v5 =	vcvt.f32.s32 v5  }
0x147: {  	v10 =	vmul.u32 $0xC, v13;
	v13 =	vmul.u32 $0x3, v3;
	s31 =	simm.s32 $0x80;
	v18 =	vmul.u32 $0x3, v2  }
0x148: {  	s29 =	simm.s32 $0x70;
	v22 =	vmul.u32 $0xC, v2;
	v2 =	vcvt.s32.f32 v5;
	v5 =	vld.idx.msk [tilespmem:v9+s20+$0x0], $0xffff;
	v9 =	vor.u32 s31, v0  }
0x149: {  	v12 =	vor.u32 s29, v0;
	v1 =	vor.u32 $0x2, v1;
	s31 =	simm.s32 $0xC0;
	v16 =	vmul.u32 $0x3, v9  }
0x14a: {  	v62 =	vor.u32 $0x2, v10;
	[tilespmem:v6+s2+$0x0] =	vst.idx.msk $0xffff, v2;
	v2 =	vmul.f32 $2.880000000e+02, v8;
	v8 =	vor.u32 s31, v0  }
0x14b: {  	[tilespmem:v6+s23+$0x0] =	vst.idx.msk $0xffff, v4;
	v4 =	vadd.s32 $0x1, v16;
	v16 =	vadd.s32 $0x2, v16;
	v17 =	vmul.u32 $0x3, v8  }
0x14c: {  	v21 =	vmul.u32 $0x3, v12;
	v12 =	vmul.u32 $0xC, v12;
	v11 =	vld.idx.msk [tilespmem:v11+s20+$0x0], $0xffff;
	v2 =	vtrunc.f32 v2  }
0x14d: {  	s29 =	simm.s32 $0xF0;
	v14 =	vld.idx.msk [tilespmem:v14+s20+$0x0], $0xffff;
	v5 =	vtrunc.f32 v5;
	v2 =	vcvt.f32.s32 v2;
	v19 =	vadd.s32 $0x1, v17  }
0x14e: {  	v30 =	vor.u32 s29, v0;
	v5 =	vcvt.f32.s32 v5;
	v17 =	vadd.s32 $0x2, v17  }
0x14f: {  	v9 =	vmul.u32 $0xC, v9;
	v6 =	vadd.s32 $0x2, v13;
	s31 =	simm.s32 $0x90;
	v2 =	vcvt.s32.f32 v2  }
0x150: {  	v13 =	vadd.s32 $0x1, v13;
	v23 =	vor.u32 s31, v0;
	v5 =	vcvt.s32.f32 v5;
	v16 =	vld.idx.msk [tilespmem:v16+s20+$0x0], $0xffff  }
0x151: {  	v9 =	vor.u32 $0x2, v9;
	s31 =	simm.s32 $0xD0;
	v26 =	vmul.u32 $0x3, v23;
	v4 =	vld.idx.msk [tilespmem:v4+s20+$0x0], $0xffff;
	v11 =	vtrunc.f32 v11;
	[tilespmem:v7+s2+$0x0] =	vst.idx.msk $0xffff, v2  }
0x152: {  	v2 =	vor.u32 s31, v0;
	v24 =	vcvt.f32.s32 v11;
	[tilespmem:v7+s23+$0x0] =	vst.idx.msk $0xffff, v5;
	v19 =	vld.idx.msk [tilespmem:v19+s20+$0x0], $0xffff;
	v5 =	vmul.f32 $2.880000000e+02, v14  }
0x153: {  	s31 =	simm.s32 $0xA0;
	v25 =	vmul.u32 $0x3, v2;
	v14 =	vmul.u32 $0xC, v8;
	v8 =	vmul.u32 $0xC, v23;
	v17 =	vld.idx.msk [tilespmem:v17+s20+$0x0], $0xffff  }
0x154: {  	v23 =	vor.u32 s31, v0;
	v27 =	vmul.u32 $0xC, v2;
	v20 =	vld.idx.msk [tilespmem:v20+s20+$0x0], $0xffff;
	v5 =	vtrunc.f32 v5  }
0x155: {  	v11 =	vmul.u32 $0x3, v23;
	v15 =	vld.idx.msk [tilespmem:v15+s20+$0x0], $0xffff;
	v16 =	vtrunc.f32 v16;
	v2 =	vcvt.f32.s32 v5  }
0x156: {  	v5 =	vmul.u32 $0xC, v23;
	v23 =	vcvt.s32.f32 v24;
	v24 =	vmul.f32 $2.880000000e+02, v4  }
0x157: {  	v7 =	vadd.s32 $0x1, v25;
	v16 =	vcvt.f32.s32 v16;
	v2 =	vcvt.s32.f32 v2  }
0x158: {  	v14 =	vor.u32 $0x2, v14;
	v19 =	vmul.f32 $2.880000000e+02, v19;
	v24 =	vtrunc.f32 v24  }
0x159: {  	s31 =	simm.s32 $0xE0;
	v25 =	vadd.s32 $0x2, v25;
	v17 =	vtrunc.f32 v17;
	v16 =	vcvt.s32.f32 v16;
	[tilespmem:v1+s2+$0x0] =	vst.idx.msk $0xffff, v2  }
0x15a: {  	v4 =	vor.u32 s31, v0;
	v20 =	vmul.f32 $2.880000000e+02, v20;
	v15 =	vtrunc.f32 v15;
	[tilespmem:v1+s23+$0x0] =	vst.idx.msk $0xffff, v23  }
0x15b: {  	s31 =	simm.s32 $0xB0;
	v28 =	vmul.u32 $0x3, v4;
	v17 =	vcvt.f32.s32 v17;
	v19 =	vtrunc.f32 v19;
	v13 =	vld.idx.msk [tilespmem:v13+s20+$0x0], $0xffff  }
0x15c: {  	v29 =	vor.u32 s31, v0;
	v15 =	vcvt.f32.s32 v15;
	v23 =	vcvt.f32.s32 v24;
	v10 =	vld.idx.msk [tilespmem:v6+s20+$0x0], $0xffff  }
0x15d: {  	v24 =	vcvt.s32.f32 v17;
	v17 =	vadd.s32 $0x1, v26;
	v19 =	vcvt.f32.s32 v19  }
0x15e: {  	v2 =	vmul.u32 $0x3, v29;
	v6 =	vtrunc.f32 v20;
	v20 =	vcvt.s32.f32 v23  }
0x15f: {  	v1 =	vmul.u32 $0xC, v29;
	v31 =	vcvt.s32.f32 v15;
	v15 =	vadd.s32 $0x2, v21  }
0x160: {  	v6 =	vcvt.f32.s32 v6;
	v23 =	vadd.s32 $0x2, v26;
	v19 =	vcvt.s32.f32 v19;
	[tilespmem:v9+s2+$0x0] =	vst.idx.msk $0xffff, v20  }
0x161: {  	[tilespmem:v9+s23+$0x0] =	vst.idx.msk $0xffff, v16;
	v13 =	vmul.f32 $2.880000000e+02, v13;
	v9 =	vtrunc.f32 v10;
	v10 =	vmul.u32 $0xC, v3  }
0x162: {  	v26 =	vcvt.s32.f32 v6;
	v6 =	vmul.u32 $0x3, v30;
	[tilespmem:v14+s2+$0x0] =	vst.idx.msk $0xffff, v19;
	v19 =	vadd.s32 $0x1, v21;
	v32 =	vld.idx.msk [tilespmem:v17+s20+$0x0], $0xffff  }
0x163: {  	v16 =	vadd.s32 $0x2, v18;
	v13 =	vtrunc.f32 v13;
	v17 =	vor.u32 $0x2, v10  }
0x164: {  	v18 =	vadd.s32 $0x1, v18;
	v63 =	vcvt.f32.s32 v9;
	v9 =	vcvt.f32.s32 v13  }
0x165: {  	[tilespmem:v14+s23+$0x0] =	vst.idx.msk $0xffff, v24;
	v14 =	vor.u32 $0x2, v27;
	v3 =	vmul.u32 $0xC, v30;
	v21 =	vld.idx.msk [tilespmem:v23+s20+$0x0], $0xffff;
	v10 =	vor.u32 $0x2, v12  }
0x166: {  	[tilespmem:v62+s2+$0x0] =	vst.idx.msk $0xffff, v26;
	v23 =	vld.idx.msk [tilespmem:v25+s20+$0x0], $0xffff;
	v12 =	vadd.s32 $0x2, v28;
	v13 =	vadd.s32 $0x1, v28;
	v20 =	vcvt.s32.f32 v9  }
0x167: {  	s30 =	simm.s32 $0x140;
	s29 =	simm.s32 $0x2;
	[tilespmem:v62+s23+$0x0] =	vst.idx.msk $0xffff, v31;
	v9 =	vor.u32 $0x2, v22;
	v22 =	vcvt.s32.f32 v63;
	v24 =	vmul.f32 $2.880000000e+02, v32  }
.LBB2_6:
0x168: {  	s1 =	sadd.s32 $0xFFFFFFC0, s30;
	s31 =	sadd.s32 $0xFFFFFFD0, s30;
	s29 =	sadd.s32 $0x2, s29;
	v25 =	vor.u32 $0x2, v8;
	v26 =	vadd.s32 $0x1, v11;
	v27 =	vadd.s32 $0x2, v11;
	v8 =	vld.idx.msk [tilespmem:v16+s20+$0x0], $0xffff;
	[tilespmem:v17+s2+$0x0] =	vst.idx.msk $0xffff, v20  }
0x169: {  	v11 =	vor.u32 s1, v0;
	v16 =	vor.u32 s31, v0;
	p0 =	slt.u32 s29, $0x1E;
	v20 =	vtrunc.f32 v24;
	v18 =	vld.idx.msk [tilespmem:v18+s20+$0x0], $0xffff;
	[tilespmem:v17+s23+$0x0] =	vst.idx.msk $0xffff, v22  }
0x16a: {  	v17 =	vmul.u32 $0x3, v11;
	v22 =	vmul.u32 $0xC, v11;
	v11 =	vcvt.f32.s32 v20;
	v19 =	vld.idx.msk [tilespmem:v19+s20+$0x0], $0xffff  }
0x16b: {  	v21 =	vtrunc.f32 v21;
	v20 =	vor.u32 s30, v0;
	v23 =	vtrunc.f32 v23;
	v15 =	vld.idx.msk [tilespmem:v15+s20+$0x0], $0xffff  }
0x16c: {  	v28 =	vmul.u32 $0x3, v20;
	v23 =	vcvt.f32.s32 v23;
	v24 =	vadd.s32 $0x1, v17  }
0x16d: {  	v20 =	vmul.u32 $0xC, v20;
	v17 =	vadd.s32 $0x2, v17;
	v11 =	vcvt.s32.f32 v11;
	v29 =	vld.idx.msk [tilespmem:v7+s20+$0x0], $0xffff  }
0x16e: {  	v21 =	vcvt.f32.s32 v21;
	v7 =	vadd.s32 $0x1, v28;
	v28 =	vadd.s32 $0x2, v28  }
0x16f: {  	s1 =	sadd.s32 $0x10, s30;
	v30 =	vmul.u32 $0x3, v16;
	[tilespmem:v25+s2+$0x0] =	vst.idx.msk $0xffff, v11;
	v11 =	vmul.f32 $2.880000000e+02, v18;
	v18 =	vtrunc.f32 v8  }
0x170: {  	v31 =	vor.u32 s1, v0;
	v21 =	vcvt.s32.f32 v21;
	v19 =	vmul.f32 $2.880000000e+02, v19  }
0x171: {  	v32 =	vmul.u32 $0x3, v31;
	v15 =	vtrunc.f32 v15;
	v24 =	vld.idx.msk [tilespmem:v24+s20+$0x0], $0xffff;
	v11 =	vtrunc.f32 v11  }
0x172: {  	v8 =	vmul.u32 $0xC, v16;
	v16 =	vtrunc.f32 v19;
	v17 =	vld.idx.msk [tilespmem:v17+s20+$0x0], $0xffff;
	[tilespmem:v25+s23+$0x0] =	vst.idx.msk $0xffff, v21;
	v11 =	vcvt.f32.s32 v11  }
0x173: {  	s1 =	sadd.s32 $0xFFFFFFE0, s30;
	v21 =	vmul.f32 $2.880000000e+02, v29;
	v16 =	vcvt.f32.s32 v16;
	v19 =	vld.idx.msk [tilespmem:v7+s20+$0x0], $0xffff;
	v7 =	vadd.s32 $0x1, v32  }
0x174: {  	v15 =	vcvt.f32.s32 v15;
	v25 =	vor.u32 s1, v0;
	v26 =	vld.idx.msk [tilespmem:v26+s20+$0x0], $0xffff;
	v29 =	vcvt.s32.f32 v11  }
0x175: {  	v11 =	vmul.u32 $0x3, v25;
	v21 =	vtrunc.f32 v21;
	v16 =	vcvt.s32.f32 v16;
	v28 =	vld.idx.msk [tilespmem:v28+s20+$0x0], $0xffff  }
0x176: {  	v31 =	vmul.u32 $0xC, v31;
	v15 =	vcvt.s32.f32 v15;
	v21 =	vcvt.f32.s32 v21;
	v27 =	vld.idx.msk [tilespmem:v27+s20+$0x0], $0xffff;
	[tilespmem:v9+s2+$0x0] =	vst.idx.msk $0xffff, v29  }
0x177: {  	v23 =	vcvt.s32.f32 v23;
	v18 =	vcvt.f32.s32 v18;
	s1 =	sadd.s32 $0x20, s30;
	v25 =	vmul.u32 $0xC, v25;
	[tilespmem:v10+s2+$0x0] =	vst.idx.msk $0xffff, v16  }
0x178: {  	v16 =	vmul.f32 $2.880000000e+02, v24;
	v24 =	vor.u32 s1, v0;
	v21 =	vcvt.s32.f32 v21;
	[tilespmem:v10+s23+$0x0] =	vst.idx.msk $0xffff, v15  }
0x179: {  	s31 =	sadd.s32 $0x30, s30;
	s1 =	sadd.s32 $0xFFFFFFF0, s30;
	v10 =	vtrunc.f32 v17;
	v29 =	vmul.u32 $0x3, v24;
	v15 =	vcvt.s32.f32 v18  }
0x17a: {  	v17 =	vor.u32 s1, v0;
	v18 =	vmul.f32 $2.880000000e+02, v19;
	v19 =	vor.u32 s31, v0;
	[tilespmem:v14+s2+$0x0] =	vst.idx.msk $0xffff, v21  }
0x17b: {  	v16 =	vtrunc.f32 v16;
	v33 =	vmul.u32 $0x3, v17;
	v21 =	vmul.f32 $2.880000000e+02, v26;
	[tilespmem:v14+s23+$0x0] =	vst.idx.msk $0xffff, v23  }
0x17c: {  	v14 =	vmul.u32 $0xC, v17;
	v17 =	vtrunc.f32 v28;
	v23 =	vtrunc.f32 v27;
	[tilespmem:v9+s23+$0x0] =	vst.idx.msk $0xffff, v15  }
0x17d: {  	v9 =	vcvt.f32.s32 v16;
	v15 =	vor.u32 $0x2, v22;
	v16 =	vcvt.f32.s32 v17;
	v13 =	vld.idx.msk [tilespmem:v13+s20+$0x0], $0xffff  }
0x17e: {  	v10 =	vcvt.f32.s32 v10;
	v26 =	vor.u32 $0x2, v5;
	v5 =	vmovc v25;
	v17 =	vtrunc.f32 v18;
	v12 =	vld.idx.msk [tilespmem:v12+s20+$0x0], $0xffff  }
0x17f: {  	v18 =	vadd.s32 $0x1, v30;
	v22 =	vcvt.s32.f32 v16;
	v16 =	vtrunc.f32 v21  }
0x180: {  	v9 =	vcvt.s32.f32 v9;
	v21 =	vadd.s32 $0x2, v30;
	v16 =	vcvt.f32.s32 v16  }
0x181: {  	v20 =	vor.u32 $0x2, v20;
	v10 =	vcvt.s32.f32 v10;
	v17 =	vcvt.f32.s32 v17  }
0x182: {  	v23 =	vcvt.f32.s32 v23;
	v16 =	vcvt.s32.f32 v16;
	[tilespmem:v15+s2+$0x0] =	vst.idx.msk $0xffff, v9;
	v9 =	vmul.u32 $0x3, v19  }
0x183: {  	v13 =	vmul.f32 $2.880000000e+02, v13;
	[tilespmem:v15+s23+$0x0] =	vst.idx.msk $0xffff, v10;
	v10 =	vcvt.s32.f32 v17;
	v15 =	vadd.s32 $0x2, v32  }
0x184: {  	v27 =	vcvt.s32.f32 v23;
	v12 =	vtrunc.f32 v12;
	v17 =	vmul.u32 $0xC, v4;
	v4 =	vmovc v24;
	v25 =	vld.idx.msk [tilespmem:v18+s20+$0x0], $0xffff;
	[tilespmem:v26+s2+$0x0] =	vst.idx.msk $0xffff, v16  }
0x185: {  	v19 =	vmul.u32 $0xC, v19;
	v13 =	vtrunc.f32 v13;
	v24 =	vcvt.f32.s32 v12  }
.Ltmp2:
0x186: {  	v16 =	vadd.s32 $0x2, v2;
	v12 =	vcvt.f32.s32 v13;
	v17 =	vor.u32 $0x2, v17;
	v21 =	vld.idx.msk [tilespmem:v21+s20+$0x0], $0xffff;
	[tilespmem:v20+s2+$0x0] =	vst.idx.msk $0xffff, v10;
	(pc) =	sbr.rel @p0 .LBB2_6-.Ltmp2, $4  }
0x187: {  	v18 =	vadd.s32 $0x1, v2;
	v2 =	vmovc v33;
	v10 =	vor.u32 $0x2, v3;
	v3 =	vmov v19;
	[tilespmem:v20+s23+$0x0] =	vst.idx.msk $0xffff, v22  }
0x188: {  	v19 =	vadd.s32 $0x1, v6;
	v20 =	vcvt.s32.f32 v12;
	v23 =	vld.idx.msk [tilespmem:v15+s20+$0x0], $0xffff;
	v15 =	vadd.s32 $0x2, v6;
	v6 =	vmovc v9  }
0x189: {  	v12 =	vadd.s32 $0x2, v29;
	v22 =	vcvt.s32.f32 v24;
	v9 =	vor.u32 $0x2, v1;
	v1 =	vmovc v14  }
0x18a: {  	s30 =	sadd.s32 $0x80, s30;
	v13 =	vadd.s32 $0x1, v29;
	v14 =	vor.u32 $0x2, v31;
	v24 =	vmul.f32 $2.880000000e+02, v25;
	[tilespmem:v26+s23+$0x0] =	vst.idx.msk $0xffff, v27  }
0x18b: {  	_ =	sdelay $0x3  }
0x18c: {  	v7 =	vld.idx.msk [tilespmem:v7+s20+$0x0], $0xffff;
	_ =	sdelay $0x2  }
0x18d: {  	v8 =	vor.u32 $0x2, v8;
	v24 =	vtrunc.f32 v24  }
0x18e: {  	v21 =	vtrunc.f32 v21;
	v24 =	vcvt.f32.s32 v24  }
0x18f: {  	v25 =	vadd.s32 $0x1, v11;
	v21 =	vcvt.f32.s32 v21;
	v7 =	vmul.f32 $2.880000000e+02, v7  }
0x190: {  	v24 =	vcvt.s32.f32 v24  }
0x191: {  	v21 =	vcvt.s32.f32 v21;
	v7 =	vtrunc.f32 v7  }
0x192: {  	v11 =	vadd.s32 $0x2, v11;
	v23 =	vtrunc.f32 v23;
	[tilespmem:v8+s2+$0x0] =	vst.idx.msk $0xffff, v24;
	v7 =	vcvt.f32.s32 v7  }
0x193: {  	v23 =	vcvt.f32.s32 v23;
	[tilespmem:v8+s23+$0x0] =	vst.idx.msk $0xffff, v21  }
0x194: {  	v8 =	vld.idx.msk [tilespmem:v25+s20+$0x0], $0xffff;
	v7 =	vcvt.s32.f32 v7  }
0x195: {  	v21 =	vcvt.s32.f32 v23  }
0x196: {  	[tilespmem:v14+s2+$0x0] =	vst.idx.msk $0xffff, v7  }
0x197: {  	v7 =	vld.idx.msk [tilespmem:v11+s20+$0x0], $0xffff;
	[tilespmem:v14+s23+$0x0] =	vst.idx.msk $0xffff, v21  }
0x198: {  	v11 =	vld.idx.msk [tilespmem:v13+s20+$0x0], $0xffff  }
0x199: {  	v8 =	vmul.f32 $2.880000000e+02, v8;
	v12 =	vld.idx.msk [tilespmem:v12+s20+$0x0], $0xffff;
	_ =	sdelay $0x1  }
0x19a: {  	v5 =	vor.u32 $0x2, v5;
	[tilespmem:v17+s2+$0x0] =	vst.idx.msk $0xffff, v20;
	v8 =	vtrunc.f32 v8  }
0x19b: {  	v4 =	vmul.u32 $0xC, v4;
	v16 =	vld.idx.msk [tilespmem:v16+s20+$0x0], $0xffff;
	[tilespmem:v17+s23+$0x0] =	vst.idx.msk $0xffff, v22;
	v8 =	vcvt.f32.s32 v8;
	v7 =	vtrunc.f32 v7  }
0x19c: {  	v17 =	vadd.s32 $0x1, v2;
	v14 =	vld.idx.msk [tilespmem:v19+s20+$0x0], $0xffff;
	v7 =	vcvt.f32.s32 v7;
	v11 =	vmul.f32 $2.880000000e+02, v11  }
0x19d: {  	v2 =	vadd.s32 $0x2, v2;
	v13 =	vld.idx.msk [tilespmem:v18+s20+$0x0], $0xffff;
	v8 =	vcvt.s32.f32 v8;
	v12 =	vtrunc.f32 v12  }
0x19e: {  	v4 =	vor.u32 $0x2, v4;
	v12 =	vcvt.f32.s32 v12;
	v11 =	vtrunc.f32 v11  }
0x19f: {  	v7 =	vcvt.s32.f32 v7;
	v11 =	vcvt.f32.s32 v11  }
0x1a0: {  	v18 =	vadd.s32 $0x1, v6;
	[tilespmem:v5+s2+$0x0] =	vst.idx.msk $0xffff, v8;
	v12 =	vcvt.s32.f32 v12  }
0x1a1: {  	[tilespmem:v5+s23+$0x0] =	vst.idx.msk $0xffff, v7;
	v5 =	vmul.f32 $2.880000000e+02, v14;
	v8 =	vcvt.s32.f32 v11  }
0x1a2: {  	v15 =	vld.idx.msk [tilespmem:v15+s20+$0x0], $0xffff;
	v7 =	vtrunc.f32 v16;
	v11 =	vmul.f32 $2.880000000e+02, v13  }
0x1a3: {  	v6 =	vadd.s32 $0x2, v6;
	v2 =	vld.idx.msk [tilespmem:v2+s20+$0x0], $0xffff;
	v7 =	vcvt.f32.s32 v7;
	[tilespmem:v4+s2+$0x0] =	vst.idx.msk $0xffff, v8  }
0x1a4: {  	v5 =	vtrunc.f32 v5;
	v8 =	vtrunc.f32 v11;
	v11 =	vld.idx.msk [tilespmem:v17+s20+$0x0], $0xffff;
	[tilespmem:v4+s23+$0x0] =	vst.idx.msk $0xffff, v12  }
0x1a5: {  	v5 =	vcvt.f32.s32 v5;
	v4 =	vcvt.f32.s32 v8;
	v8 =	vld.idx.msk [tilespmem:v18+s20+$0x0], $0xffff  }
0x1a6: {  	v7 =	vcvt.s32.f32 v7  }
0x1a7: {  	v12 =	vtrunc.f32 v15;
	v5 =	vcvt.s32.f32 v5  }
0x1a8: {  	v12 =	vcvt.f32.s32 v12;
	v6 =	vld.idx.msk [tilespmem:v6+s20+$0x0], $0xffff;
	v2 =	vtrunc.f32 v2  }
0x1a9: {  	v4 =	vcvt.s32.f32 v4;
	v11 =	vmul.f32 $2.880000000e+02, v11  }
0x1aa: {  	v2 =	vcvt.f32.s32 v2;
	v8 =	vmul.f32 $2.880000000e+02, v8  }
0x1ab: {  	v1 =	vor.u32 $0x2, v1;
	v12 =	vcvt.s32.f32 v12;
	v11 =	vtrunc.f32 v11  }
0x1ac: {  	v3 =	vor.u32 $0x2, v3;
	[tilespmem:v9+s2+$0x0] =	vst.idx.msk $0xffff, v4;
	v4 =	vcvt.f32.s32 v11;
	v8 =	vtrunc.f32 v8  }
0x1ad: {  	[tilespmem:v10+s2+$0x0] =	vst.idx.msk $0xffff, v5;
	v5 =	vtrunc.f32 v6;
	v6 =	vcvt.f32.s32 v8  }
0x1ae: {  	[tilespmem:v10+s23+$0x0] =	vst.idx.msk $0xffff, v12;
	v5 =	vcvt.f32.s32 v5;
	v4 =	vcvt.s32.f32 v4  }
0x1af: {  	s1 =	simm.s32 $0x0;
	[tilespmem:v9+s23+$0x0] =	vst.idx.msk $0xffff, v7;
	v6 =	vcvt.s32.f32 v6  }
0x1b0: {  	v2 =	vcvt.s32.f32 v2;
	[tilespmem:v1+s2+$0x0] =	vst.idx.msk $0xffff, v4;
	v4 =	vcvt.s32.f32 v5;
	v5 =	vor.u32 s1, v0  }
0x1b1: {  	[tilespmem:v3+s2+$0x0] =	vst.idx.msk $0xffff, v6;
	v6 =	vmul.u32 $0x3, v5  }
0x1b2: {  	[tilespmem:v1+s23+$0x0] =	vst.idx.msk $0xffff, v2  }
0x1b3: {  	[tilespmem:v3+s23+$0x0] =	vst.idx.msk $0xffff, v4;
	v1 =	vadd.s32 $0x1, v6  }
0x1b4: {  	_ =	swait.ge [sflag:s24], $0x1800  }
0x1b5: {  	s31 =	simm.s32 $0x40;
	[sflag:s24] =	ssyncset.done $0x0  }
0x1b6: {  	v3 =	vor.u32 s31, v0;
	v2 =	vadd.s32 $0x2, v6;
	[sflag:s24] =	ssyncadd.s32 $0xFFFFE800  }
0x1b7: {  	v4 =	vmul.u32 $0x3, v3;
	[tilespmem:s20], [sflag:$0x1] =	stream.strided.gather [hbm4b:s7+s18], $0x1800, s19, s18, $0x38;
	[tilespmem:$0xF000] =	vst v63  }
0x1b8: {  	v1 =	vld.idx.msk [tilespmem:v1+s22+$0x0], $0xffff  }
0x1b9: {  	v6 =	vadd.s32 $0x1, v4;
	v4 =	vadd.s32 $0x2, v4;
	_ =	sdelay $0x1  }
0x1ba: {  	v2 =	vld.idx.msk [tilespmem:v2+s22+$0x0], $0xffff  }
0x1bb: {  	v5 =	vmul.u32 $0xC, v5;
	s31 =	simm.s32 $0x10  }
0x1bc: {  	v7 =	vor.u32 s31, v0;
	v8 =	vmul.u32 $0xC, v3;
	s31 =	simm.s32 $0x50;
	v1 =	vmul.f32 $2.880000000e+02, v1  }
0x1bd: {  	v5 =	vor.u32 $0x3, v5;
	v9 =	vmul.u32 $0x3, v7;
	v10 =	vor.u32 s31, v0;
	v4 =	vld.idx.msk [tilespmem:v4+s22+$0x0], $0xffff  }
0x1be: {  	s31 =	simm.s32 $0x20;
	v7 =	vmul.u32 $0xC, v7;
	v11 =	vmul.u32 $0x3, v10;
	v6 =	vld.idx.msk [tilespmem:v6+s22+$0x0], $0xffff;
	v1 =	vtrunc.f32 v1  }
0x1bf: {  	v13 =	vor.u32 s31, v0;
	v2 =	vtrunc.f32 v2;
	v1 =	vcvt.f32.s32 v1  }
0x1c0: {  	s31 =	simm.s32 $0x60;
	v12 =	vadd.s32 $0x1, v9;
	v15 =	vmul.u32 $0x3, v13;
	v2 =	vcvt.f32.s32 v2  }
0x1c1: {  	v3 =	vor.u32 s31, v0;
	v9 =	vadd.s32 $0x2, v9;
	v1 =	vcvt.s32.f32 v1  }
0x1c2: {  	v7 =	vor.u32 $0x3, v7;
	v4 =	vtrunc.f32 v4;
	v2 =	vcvt.s32.f32 v2  }
0x1c3: {  	v14 =	vadd.s32 $0x1, v11;
	v6 =	vmul.f32 $2.880000000e+02, v6;
	v4 =	vcvt.f32.s32 v4;
	[tilespmem:v5+s2+$0x0] =	vst.idx.msk $0xffff, v1  }
0x1c4: {  	v11 =	vadd.s32 $0x2, v11;
	v20 =	vadd.s32 $0x1, v15;
	v15 =	vadd.s32 $0x2, v15;
	[tilespmem:v5+s23+$0x0] =	vst.idx.msk $0xffff, v2  }
0x1c5: {  	s31 =	simm.s32 $0x30;
	v4 =	vcvt.s32.f32 v4;
	v5 =	vtrunc.f32 v6;
	v6 =	vor.u32 $0x3, v8;
	v8 =	vld.idx.msk [tilespmem:v12+s22+$0x0], $0xffff  }
0x1c6: {  	v1 =	vmul.u32 $0xC, v10;
	v2 =	vor.u32 s31, v0;
	v5 =	vcvt.f32.s32 v5  }
0x1c7: {  	v10 =	vmul.u32 $0xC, v13;
	v13 =	vmul.u32 $0x3, v3;
	s31 =	simm.s32 $0x80;
	v18 =	vmul.u32 $0x3, v2  }
0x1c8: {  	s29 =	simm.s32 $0x70;
	v22 =	vmul.u32 $0xC, v2;
	v2 =	vcvt.s32.f32 v5;
	v5 =	vld.idx.msk [tilespmem:v9+s22+$0x0], $0xffff;
	v9 =	vor.u32 s31, v0  }
0x1c9: {  	v12 =	vor.u32 s29, v0;
	v1 =	vor.u32 $0x3, v1;
	s31 =	simm.s32 $0xC0;
	v16 =	vmul.u32 $0x3, v9  }
0x1ca: {  	v62 =	vor.u32 $0x3, v10;
	[tilespmem:v6+s2+$0x0] =	vst.idx.msk $0xffff, v2;
	v2 =	vmul.f32 $2.880000000e+02, v8;
	v8 =	vor.u32 s31, v0  }
0x1cb: {  	[tilespmem:v6+s23+$0x0] =	vst.idx.msk $0xffff, v4;
	v4 =	vadd.s32 $0x1, v16;
	v16 =	vadd.s32 $0x2, v16;
	v17 =	vmul.u32 $0x3, v8  }
0x1cc: {  	v21 =	vmul.u32 $0x3, v12;
	v12 =	vmul.u32 $0xC, v12;
	v11 =	vld.idx.msk [tilespmem:v11+s22+$0x0], $0xffff;
	v2 =	vtrunc.f32 v2  }
0x1cd: {  	s29 =	simm.s32 $0xF0;
	v14 =	vld.idx.msk [tilespmem:v14+s22+$0x0], $0xffff;
	v5 =	vtrunc.f32 v5;
	v2 =	vcvt.f32.s32 v2;
	v19 =	vadd.s32 $0x1, v17  }
0x1ce: {  	v30 =	vor.u32 s29, v0;
	v5 =	vcvt.f32.s32 v5;
	v17 =	vadd.s32 $0x2, v17  }
0x1cf: {  	v9 =	vmul.u32 $0xC, v9;
	v6 =	vadd.s32 $0x2, v13;
	s31 =	simm.s32 $0x90;
	v2 =	vcvt.s32.f32 v2  }
0x1d0: {  	v13 =	vadd.s32 $0x1, v13;
	v23 =	vor.u32 s31, v0;
	v5 =	vcvt.s32.f32 v5;
	v16 =	vld.idx.msk [tilespmem:v16+s22+$0x0], $0xffff  }
0x1d1: {  	v9 =	vor.u32 $0x3, v9;
	s31 =	simm.s32 $0xD0;
	v26 =	vmul.u32 $0x3, v23;
	v4 =	vld.idx.msk [tilespmem:v4+s22+$0x0], $0xffff;
	v11 =	vtrunc.f32 v11;
	[tilespmem:v7+s2+$0x0] =	vst.idx.msk $0xffff, v2  }
0x1d2: {  	v2 =	vor.u32 s31, v0;
	v24 =	vcvt.f32.s32 v11;
	[tilespmem:v7+s23+$0x0] =	vst.idx.msk $0xffff, v5;
	v19 =	vld.idx.msk [tilespmem:v19+s22+$0x0], $0xffff;
	v5 =	vmul.f32 $2.880000000e+02, v14  }
0x1d3: {  	s31 =	simm.s32 $0xA0;
	v25 =	vmul.u32 $0x3, v2;
	v14 =	vmul.u32 $0xC, v8;
	v8 =	vmul.u32 $0xC, v23;
	v17 =	vld.idx.msk [tilespmem:v17+s22+$0x0], $0xffff  }
0x1d4: {  	v23 =	vor.u32 s31, v0;
	v27 =	vmul.u32 $0xC, v2;
	v20 =	vld.idx.msk [tilespmem:v20+s22+$0x0], $0xffff;
	v5 =	vtrunc.f32 v5  }
0x1d5: {  	v11 =	vmul.u32 $0x3, v23;
	v15 =	vld.idx.msk [tilespmem:v15+s22+$0x0], $0xffff;
	v16 =	vtrunc.f32 v16;
	v2 =	vcvt.f32.s32 v5  }
0x1d6: {  	v5 =	vmul.u32 $0xC, v23;
	v23 =	vcvt.s32.f32 v24;
	v24 =	vmul.f32 $2.880000000e+02, v4  }
0x1d7: {  	v7 =	vadd.s32 $0x1, v25;
	v16 =	vcvt.f32.s32 v16;
	v2 =	vcvt.s32.f32 v2  }
0x1d8: {  	v14 =	vor.u32 $0x3, v14;
	v19 =	vmul.f32 $2.880000000e+02, v19;
	v24 =	vtrunc.f32 v24  }
0x1d9: {  	s31 =	simm.s32 $0xE0;
	v25 =	vadd.s32 $0x2, v25;
	v17 =	vtrunc.f32 v17;
	v16 =	vcvt.s32.f32 v16;
	[tilespmem:v1+s2+$0x0] =	vst.idx.msk $0xffff, v2  }
0x1da: {  	v4 =	vor.u32 s31, v0;
	v20 =	vmul.f32 $2.880000000e+02, v20;
	v15 =	vtrunc.f32 v15;
	[tilespmem:v1+s23+$0x0] =	vst.idx.msk $0xffff, v23  }
0x1db: {  	s31 =	simm.s32 $0xB0;
	v28 =	vmul.u32 $0x3, v4;
	v17 =	vcvt.f32.s32 v17;
	v19 =	vtrunc.f32 v19;
	v13 =	vld.idx.msk [tilespmem:v13+s22+$0x0], $0xffff  }
0x1dc: {  	v29 =	vor.u32 s31, v0;
	v15 =	vcvt.f32.s32 v15;
	v23 =	vcvt.f32.s32 v24;
	v10 =	vld.idx.msk [tilespmem:v6+s22+$0x0], $0xffff  }
0x1dd: {  	v24 =	vcvt.s32.f32 v17;
	v17 =	vadd.s32 $0x1, v26;
	v19 =	vcvt.f32.s32 v19  }
0x1de: {  	v2 =	vmul.u32 $0x3, v29;
	v6 =	vtrunc.f32 v20;
	v20 =	vcvt.s32.f32 v23  }
0x1df: {  	v1 =	vmul.u32 $0xC, v29;
	v31 =	vcvt.s32.f32 v15;
	v15 =	vadd.s32 $0x2, v21  }
0x1e0: {  	v6 =	vcvt.f32.s32 v6;
	v23 =	vadd.s32 $0x2, v26;
	v19 =	vcvt.s32.f32 v19;
	[tilespmem:v9+s2+$0x0] =	vst.idx.msk $0xffff, v20  }
0x1e1: {  	[tilespmem:v9+s23+$0x0] =	vst.idx.msk $0xffff, v16;
	v13 =	vmul.f32 $2.880000000e+02, v13;
	v9 =	vtrunc.f32 v10;
	v10 =	vmul.u32 $0xC, v3  }
0x1e2: {  	v26 =	vcvt.s32.f32 v6;
	v6 =	vmul.u32 $0x3, v30;
	[tilespmem:v14+s2+$0x0] =	vst.idx.msk $0xffff, v19;
	v19 =	vadd.s32 $0x1, v21;
	v32 =	vld.idx.msk [tilespmem:v17+s22+$0x0], $0xffff  }
0x1e3: {  	v16 =	vadd.s32 $0x2, v18;
	v13 =	vtrunc.f32 v13;
	v17 =	vor.u32 $0x3, v10  }
0x1e4: {  	v18 =	vadd.s32 $0x1, v18;
	v63 =	vcvt.f32.s32 v9;
	v9 =	vcvt.f32.s32 v13  }
0x1e5: {  	[tilespmem:v14+s23+$0x0] =	vst.idx.msk $0xffff, v24;
	v14 =	vor.u32 $0x3, v27;
	v3 =	vmul.u32 $0xC, v30;
	v21 =	vld.idx.msk [tilespmem:v23+s22+$0x0], $0xffff;
	v10 =	vor.u32 $0x3, v12  }
0x1e6: {  	[tilespmem:v62+s2+$0x0] =	vst.idx.msk $0xffff, v26;
	v23 =	vld.idx.msk [tilespmem:v25+s22+$0x0], $0xffff;
	v12 =	vadd.s32 $0x2, v28;
	v13 =	vadd.s32 $0x1, v28;
	v20 =	vcvt.s32.f32 v9  }
0x1e7: {  	s30 =	simm.s32 $0x140;
	s29 =	simm.s32 $0x2;
	[tilespmem:v62+s23+$0x0] =	vst.idx.msk $0xffff, v31;
	v9 =	vor.u32 $0x3, v22;
	v22 =	vcvt.s32.f32 v63;
	v24 =	vmul.f32 $2.880000000e+02, v32  }
.LBB2_8:
0x1e8: {  	s1 =	sadd.s32 $0xFFFFFFC0, s30;
	s31 =	sadd.s32 $0xFFFFFFD0, s30;
	s29 =	sadd.s32 $0x2, s29;
	v25 =	vor.u32 $0x3, v8;
	v26 =	vadd.s32 $0x1, v11;
	v27 =	vadd.s32 $0x2, v11;
	v8 =	vld.idx.msk [tilespmem:v16+s22+$0x0], $0xffff;
	[tilespmem:v17+s2+$0x0] =	vst.idx.msk $0xffff, v20  }
0x1e9: {  	v11 =	vor.u32 s1, v0;
	v16 =	vor.u32 s31, v0;
	p0 =	slt.u32 s29, $0x1E;
	v20 =	vtrunc.f32 v24;
	v18 =	vld.idx.msk [tilespmem:v18+s22+$0x0], $0xffff;
	[tilespmem:v17+s23+$0x0] =	vst.idx.msk $0xffff, v22  }
0x1ea: {  	v17 =	vmul.u32 $0x3, v11;
	v22 =	vmul.u32 $0xC, v11;
	v11 =	vcvt.f32.s32 v20;
	v19 =	vld.idx.msk [tilespmem:v19+s22+$0x0], $0xffff  }
0x1eb: {  	v21 =	vtrunc.f32 v21;
	v20 =	vor.u32 s30, v0;
	v23 =	vtrunc.f32 v23;
	v15 =	vld.idx.msk [tilespmem:v15+s22+$0x0], $0xffff  }
0x1ec: {  	v28 =	vmul.u32 $0x3, v20;
	v23 =	vcvt.f32.s32 v23;
	v24 =	vadd.s32 $0x1, v17  }
0x1ed: {  	v20 =	vmul.u32 $0xC, v20;
	v17 =	vadd.s32 $0x2, v17;
	v11 =	vcvt.s32.f32 v11;
	v29 =	vld.idx.msk [tilespmem:v7+s22+$0x0], $0xffff  }
0x1ee: {  	v21 =	vcvt.f32.s32 v21;
	v7 =	vadd.s32 $0x1, v28;
	v28 =	vadd.s32 $0x2, v28  }
0x1ef: {  	s1 =	sadd.s32 $0x10, s30;
	v30 =	vmul.u32 $0x3, v16;
	[tilespmem:v25+s2+$0x0] =	vst.idx.msk $0xffff, v11;
	v11 =	vmul.f32 $2.880000000e+02, v18;
	v18 =	vtrunc.f32 v8  }
0x1f0: {  	v31 =	vor.u32 s1, v0;
	v21 =	vcvt.s32.f32 v21;
	v19 =	vmul.f32 $2.880000000e+02, v19  }
0x1f1: {  	v32 =	vmul.u32 $0x3, v31;
	v15 =	vtrunc.f32 v15;
	v24 =	vld.idx.msk [tilespmem:v24+s22+$0x0], $0xffff;
	v11 =	vtrunc.f32 v11  }
0x1f2: {  	v8 =	vmul.u32 $0xC, v16;
	v16 =	vtrunc.f32 v19;
	v17 =	vld.idx.msk [tilespmem:v17+s22+$0x0], $0xffff;
	[tilespmem:v25+s23+$0x0] =	vst.idx.msk $0xffff, v21;
	v11 =	vcvt.f32.s32 v11  }
0x1f3: {  	s1 =	sadd.s32 $0xFFFFFFE0, s30;
	v21 =	vmul.f32 $2.880000000e+02, v29;
	v16 =	vcvt.f32.s32 v16;
	v19 =	vld.idx.msk [tilespmem:v7+s22+$0x0], $0xffff;
	v7 =	vadd.s32 $0x1, v32  }
0x1f4: {  	v15 =	vcvt.f32.s32 v15;
	v25 =	vor.u32 s1, v0;
	v26 =	vld.idx.msk [tilespmem:v26+s22+$0x0], $0xffff;
	v29 =	vcvt.s32.f32 v11  }
0x1f5: {  	v11 =	vmul.u32 $0x3, v25;
	v21 =	vtrunc.f32 v21;
	v16 =	vcvt.s32.f32 v16;
	v28 =	vld.idx.msk [tilespmem:v28+s22+$0x0], $0xffff  }
0x1f6: {  	v31 =	vmul.u32 $0xC, v31;
	v15 =	vcvt.s32.f32 v15;
	v21 =	vcvt.f32.s32 v21;
	v27 =	vld.idx.msk [tilespmem:v27+s22+$0x0], $0xffff;
	[tilespmem:v9+s2+$0x0] =	vst.idx.msk $0xffff, v29  }
0x1f7: {  	v23 =	vcvt.s32.f32 v23;
	v18 =	vcvt.f32.s32 v18;
	s1 =	sadd.s32 $0x20, s30;
	v25 =	vmul.u32 $0xC, v25;
	[tilespmem:v10+s2+$0x0] =	vst.idx.msk $0xffff, v16  }
0x1f8: {  	v16 =	vmul.f32 $2.880000000e+02, v24;
	v24 =	vor.u32 s1, v0;
	v21 =	vcvt.s32.f32 v21;
	[tilespmem:v10+s23+$0x0] =	vst.idx.msk $0xffff, v15  }
0x1f9: {  	s31 =	sadd.s32 $0x30, s30;
	s1 =	sadd.s32 $0xFFFFFFF0, s30;
	v10 =	vtrunc.f32 v17;
	v29 =	vmul.u32 $0x3, v24;
	v15 =	vcvt.s32.f32 v18  }
0x1fa: {  	v17 =	vor.u32 s1, v0;
	v18 =	vmul.f32 $2.880000000e+02, v19;
	v19 =	vor.u32 s31, v0;
	[tilespmem:v14+s2+$0x0] =	vst.idx.msk $0xffff, v21  }
0x1fb: {  	v16 =	vtrunc.f32 v16;
	v33 =	vmul.u32 $0x3, v17;
	v21 =	vmul.f32 $2.880000000e+02, v26;
	[tilespmem:v14+s23+$0x0] =	vst.idx.msk $0xffff, v23  }
0x1fc: {  	v14 =	vmul.u32 $0xC, v17;
	v17 =	vtrunc.f32 v28;
	v23 =	vtrunc.f32 v27;
	[tilespmem:v9+s23+$0x0] =	vst.idx.msk $0xffff, v15  }
0x1fd: {  	v9 =	vcvt.f32.s32 v16;
	v15 =	vor.u32 $0x3, v22;
	v16 =	vcvt.f32.s32 v17;
	v13 =	vld.idx.msk [tilespmem:v13+s22+$0x0], $0xffff  }
0x1fe: {  	v10 =	vcvt.f32.s32 v10;
	v26 =	vor.u32 $0x3, v5;
	v5 =	vmovc v25;
	v17 =	vtrunc.f32 v18;
	v12 =	vld.idx.msk [tilespmem:v12+s22+$0x0], $0xffff  }
0x1ff: {  	v18 =	vadd.s32 $0x1, v30;
	v22 =	vcvt.s32.f32 v16;
	v16 =	vtrunc.f32 v21  }
0x200: {  	v9 =	vcvt.s32.f32 v9;
	v21 =	vadd.s32 $0x2, v30;
	v16 =	vcvt.f32.s32 v16  }
0x201: {  	v20 =	vor.u32 $0x3, v20;
	v10 =	vcvt.s32.f32 v10;
	v17 =	vcvt.f32.s32 v17  }
0x202: {  	v23 =	vcvt.f32.s32 v23;
	v16 =	vcvt.s32.f32 v16;
	[tilespmem:v15+s2+$0x0] =	vst.idx.msk $0xffff, v9;
	v9 =	vmul.u32 $0x3, v19  }
0x203: {  	v13 =	vmul.f32 $2.880000000e+02, v13;
	[tilespmem:v15+s23+$0x0] =	vst.idx.msk $0xffff, v10;
	v10 =	vcvt.s32.f32 v17;
	v15 =	vadd.s32 $0x2, v32  }
0x204: {  	v27 =	vcvt.s32.f32 v23;
	v12 =	vtrunc.f32 v12;
	v17 =	vmul.u32 $0xC, v4;
	v4 =	vmovc v24;
	v25 =	vld.idx.msk [tilespmem:v18+s22+$0x0], $0xffff;
	[tilespmem:v26+s2+$0x0] =	vst.idx.msk $0xffff, v16  }
0x205: {  	v19 =	vmul.u32 $0xC, v19;
	v13 =	vtrunc.f32 v13;
	v24 =	vcvt.f32.s32 v12  }
.Ltmp3:
0x206: {  	v16 =	vadd.s32 $0x2, v2;
	v12 =	vcvt.f32.s32 v13;
	v17 =	vor.u32 $0x3, v17;
	v21 =	vld.idx.msk [tilespmem:v21+s22+$0x0], $0xffff;
	[tilespmem:v20+s2+$0x0] =	vst.idx.msk $0xffff, v10;
	(pc) =	sbr.rel @p0 .LBB2_8-.Ltmp3, $4  }
0x207: {  	v18 =	vadd.s32 $0x1, v2;
	v2 =	vmovc v33;
	v10 =	vor.u32 $0x3, v3;
	v3 =	vmov v19;
	[tilespmem:v20+s23+$0x0] =	vst.idx.msk $0xffff, v22  }
0x208: {  	v19 =	vadd.s32 $0x1, v6;
	v20 =	vcvt.s32.f32 v12;
	v23 =	vld.idx.msk [tilespmem:v15+s22+$0x0], $0xffff;
	v15 =	vadd.s32 $0x2, v6;
	v6 =	vmovc v9  }
0x209: {  	v12 =	vadd.s32 $0x2, v29;
	v22 =	vcvt.s32.f32 v24;
	v9 =	vor.u32 $0x3, v1;
	v1 =	vmovc v14  }
0x20a: {  	s30 =	sadd.s32 $0x80, s30;
	v13 =	vadd.s32 $0x1, v29;
	v14 =	vor.u32 $0x3, v31;
	v24 =	vmul.f32 $2.880000000e+02, v25;
	[tilespmem:v26+s23+$0x0] =	vst.idx.msk $0xffff, v27  }
0x20b: {  	_ =	sdelay $0x3  }
0x20c: {  	v7 =	vld.idx.msk [tilespmem:v7+s22+$0x0], $0xffff;
	_ =	sdelay $0x2  }
0x20d: {  	v8 =	vor.u32 $0x3, v8;
	v24 =	vtrunc.f32 v24  }
0x20e: {  	v21 =	vtrunc.f32 v21;
	v24 =	vcvt.f32.s32 v24  }
0x20f: {  	v25 =	vadd.s32 $0x1, v11;
	v21 =	vcvt.f32.s32 v21;
	v7 =	vmul.f32 $2.880000000e+02, v7  }
0x210: {  	v24 =	vcvt.s32.f32 v24  }
0x211: {  	v21 =	vcvt.s32.f32 v21;
	v7 =	vtrunc.f32 v7  }
0x212: {  	v11 =	vadd.s32 $0x2, v11;
	v23 =	vtrunc.f32 v23;
	[tilespmem:v8+s2+$0x0] =	vst.idx.msk $0xffff, v24;
	v7 =	vcvt.f32.s32 v7  }
0x213: {  	v23 =	vcvt.f32.s32 v23;
	[tilespmem:v8+s23+$0x0] =	vst.idx.msk $0xffff, v21  }
0x214: {  	v8 =	vld.idx.msk [tilespmem:v25+s22+$0x0], $0xffff;
	v7 =	vcvt.s32.f32 v7  }
0x215: {  	v21 =	vcvt.s32.f32 v23  }
0x216: {  	[tilespmem:v14+s2+$0x0] =	vst.idx.msk $0xffff, v7  }
0x217: {  	v7 =	vld.idx.msk [tilespmem:v11+s22+$0x0], $0xffff;
	[tilespmem:v14+s23+$0x0] =	vst.idx.msk $0xffff, v21  }
0x218: {  	v11 =	vld.idx.msk [tilespmem:v13+s22+$0x0], $0xffff  }
0x219: {  	v8 =	vmul.f32 $2.880000000e+02, v8;
	v12 =	vld.idx.msk [tilespmem:v12+s22+$0x0], $0xffff;
	_ =	sdelay $0x1  }
0x21a: {  	v5 =	vor.u32 $0x3, v5;
	[tilespmem:v17+s2+$0x0] =	vst.idx.msk $0xffff, v20;
	v8 =	vtrunc.f32 v8  }
0x21b: {  	v4 =	vmul.u32 $0xC, v4;
	v16 =	vld.idx.msk [tilespmem:v16+s22+$0x0], $0xffff;
	[tilespmem:v17+s23+$0x0] =	vst.idx.msk $0xffff, v22;
	v8 =	vcvt.f32.s32 v8;
	v7 =	vtrunc.f32 v7  }
0x21c: {  	v17 =	vadd.s32 $0x1, v2;
	v14 =	vld.idx.msk [tilespmem:v19+s22+$0x0], $0xffff;
	v7 =	vcvt.f32.s32 v7;
	v11 =	vmul.f32 $2.880000000e+02, v11  }
0x21d: {  	v2 =	vadd.s32 $0x2, v2;
	v13 =	vld.idx.msk [tilespmem:v18+s22+$0x0], $0xffff;
	v8 =	vcvt.s32.f32 v8;
	v12 =	vtrunc.f32 v12  }
0x21e: {  	v4 =	vor.u32 $0x3, v4;
	v12 =	vcvt.f32.s32 v12;
	v11 =	vtrunc.f32 v11  }
0x21f: {  	v7 =	vcvt.s32.f32 v7;
	v11 =	vcvt.f32.s32 v11  }
0x220: {  	v18 =	vadd.s32 $0x1, v6;
	[tilespmem:v5+s2+$0x0] =	vst.idx.msk $0xffff, v8;
	v12 =	vcvt.s32.f32 v12  }
0x221: {  	[tilespmem:v5+s23+$0x0] =	vst.idx.msk $0xffff, v7;
	v5 =	vmul.f32 $2.880000000e+02, v14;
	v8 =	vcvt.s32.f32 v11  }
0x222: {  	v15 =	vld.idx.msk [tilespmem:v15+s22+$0x0], $0xffff;
	v7 =	vtrunc.f32 v16;
	v11 =	vmul.f32 $2.880000000e+02, v13  }
0x223: {  	v6 =	vadd.s32 $0x2, v6;
	v2 =	vld.idx.msk [tilespmem:v2+s22+$0x0], $0xffff;
	v7 =	vcvt.f32.s32 v7;
	[tilespmem:v4+s2+$0x0] =	vst.idx.msk $0xffff, v8  }
0x224: {  	v5 =	vtrunc.f32 v5;
	v8 =	vtrunc.f32 v11;
	v11 =	vld.idx.msk [tilespmem:v17+s22+$0x0], $0xffff;
	[tilespmem:v4+s23+$0x0] =	vst.idx.msk $0xffff, v12  }
0x225: {  	v5 =	vcvt.f32.s32 v5;
	v4 =	vcvt.f32.s32 v8;
	v8 =	vld.idx.msk [tilespmem:v18+s22+$0x0], $0xffff  }
0x226: {  	v7 =	vcvt.s32.f32 v7  }
0x227: {  	v12 =	vtrunc.f32 v15;
	v5 =	vcvt.s32.f32 v5  }
0x228: {  	v12 =	vcvt.f32.s32 v12;
	v6 =	vld.idx.msk [tilespmem:v6+s22+$0x0], $0xffff;
	v2 =	vtrunc.f32 v2  }
0x229: {  	v4 =	vcvt.s32.f32 v4;
	v11 =	vmul.f32 $2.880000000e+02, v11  }
0x22a: {  	v2 =	vcvt.f32.s32 v2;
	v8 =	vmul.f32 $2.880000000e+02, v8  }
0x22b: {  	v1 =	vor.u32 $0x3, v1;
	v12 =	vcvt.s32.f32 v12;
	v11 =	vtrunc.f32 v11  }
0x22c: {  	v3 =	vor.u32 $0x3, v3;
	[tilespmem:v9+s2+$0x0] =	vst.idx.msk $0xffff, v4;
	v4 =	vcvt.f32.s32 v11;
	v8 =	vtrunc.f32 v8  }
0x22d: {  	[tilespmem:v10+s2+$0x0] =	vst.idx.msk $0xffff, v5;
	v5 =	vtrunc.f32 v6;
	v6 =	vcvt.f32.s32 v8  }
0x22e: {  	[tilespmem:v10+s23+$0x0] =	vst.idx.msk $0xffff, v12;
	v5 =	vcvt.f32.s32 v5;
	v4 =	vcvt.s32.f32 v4  }
0x22f: {  	s1 =	simm.s32 $0x0;
	[tilespmem:v9+s23+$0x0] =	vst.idx.msk $0xffff, v7;
	v6 =	vcvt.s32.f32 v6  }
0x230: {  	v2 =	vcvt.s32.f32 v2;
	[tilespmem:v1+s2+$0x0] =	vst.idx.msk $0xffff, v4;
	v4 =	vcvt.s32.f32 v5;
	v5 =	vor.u32 s1, v0  }
0x231: {  	[tilespmem:v3+s2+$0x0] =	vst.idx.msk $0xffff, v6;
	v6 =	vmul.u32 $0x3, v5  }
0x232: {  	[tilespmem:v1+s23+$0x0] =	vst.idx.msk $0xffff, v2  }
0x233: {  	s31 =	simm.s32 $0x40;
	[tilespmem:v3+s23+$0x0] =	vst.idx.msk $0xffff, v4;
	v1 =	vadd.s32 $0x1, v6  }
0x234: {  	v2 =	vor.u32 s31, v0;
	_ =	swait.ge [sflag:s21], $0x1800  }
0x235: {  	v3 =	vmul.u32 $0x3, v2;
	[sflag:s21] =	ssyncset.done $0x0  }
0x236: {  	v4 =	vadd.s32 $0x2, v6;
	[sflag:s21] =	ssyncadd.s32 $0xFFFFE800  }
0x237: {  	v6 =	vadd.s32 $0x1, v3;
	[tilespmem:s22], [sflag:$0x2] =	stream.strided.gather [hbm4b:s8+s18], $0x1800, s19, s18, $0x38;
	[tilespmem:$0xF000] =	vst v63  }
0x238: {  	v1 =	vld.idx.msk [tilespmem:v1+s20+$0x0], $0xffff  }
0x239: {  	v3 =	vadd.s32 $0x2, v3  }
0x23a: {  	s29 =	simm.s32 $0x80;
	s31 =	simm.s32 $0x10  }
0x23b: {  	v16 =	vor.u32 s29, v0;
	v7 =	vor.u32 s31, v0;
	s31 =	simm.s32 $0x50;
	v4 =	vld.idx.msk [tilespmem:v4+s20+$0x0], $0xffff  }
0x23c: {  	v5 =	vmul.u32 $0xC, v5;
	v8 =	vmul.u32 $0xC, v7;
	v9 =	vor.u32 s31, v0;
	v6 =	vld.idx.msk [tilespmem:v6+s20+$0x0], $0xffff  }
0x23d: {  	v7 =	vmul.u32 $0x3, v7;
	v2 =	vmul.u32 $0xC, v2;
	s31 =	simm.s32 $0x20;
	v1 =	vmul.f32 $2.880000000e+02, v1  }
0x23e: {  	v10 =	vmul.u32 $0x3, v9;
	v11 =	vor.u32 s31, v0;
	v5 =	vadd.s32 $0x4, v5;
	v3 =	vld.idx.msk [tilespmem:v3+s20+$0x0], $0xffff  }
0x23f: {  	s31 =	simm.s32 $0x60;
	v9 =	vmul.u32 $0xC, v9;
	v12 =	vmul.u32 $0x3, v11;
	v1 =	vtrunc.f32 v1  }
0x240: {  	v13 =	vadd.s32 $0x1, v7;
	v14 =	vor.u32 s31, v0;
	v1 =	vcvt.f32.s32 v1  }
0x241: {  	v2 =	vadd.s32 $0x4, v2;
	v4 =	vtrunc.f32 v4;
	v6 =	vmul.f32 $2.880000000e+02, v6  }
0x242: {  	v7 =	vadd.s32 $0x2, v7;
	v4 =	vcvt.f32.s32 v4;
	v1 =	vcvt.s32.f32 v1  }
0x243: {  	v11 =	vmul.u32 $0xC, v11;
	v3 =	vtrunc.f32 v3;
	v6 =	vtrunc.f32 v6  }
0x244: {  	v8 =	vadd.s32 $0x4, v8;
	v4 =	vcvt.s32.f32 v4;
	[tilespmem:v5+s2+$0x0] =	vst.idx.msk $0xffff, v1;
	v1 =	vcvt.f32.s32 v6  }
0x245: {  	v15 =	vmul.u32 $0x3, v14;
	v18 =	vadd.s32 $0x1, v12;
	v3 =	vcvt.f32.s32 v3  }
0x246: {  	s31 =	simm.s32 $0x30;
	v12 =	vadd.s32 $0x2, v12;
	[tilespmem:v5+s23+$0x0] =	vst.idx.msk $0xffff, v4;
	v4 =	vadd.s32 $0x1, v10;
	v1 =	vcvt.s32.f32 v1  }
0x247: {  	v3 =	vcvt.s32.f32 v3;
	v6 =	vadd.s32 $0x2, v10;
	v10 =	vor.u32 s31, v0;
	v5 =	vld.idx.msk [tilespmem:v13+s20+$0x0], $0xffff  }
0x248: {  	v11 =	vadd.s32 $0x4, v11;
	s31 =	simm.s32 $0x70;
	v13 =	vmul.u32 $0xC, v14;
	v14 =	vmul.u32 $0x3, v10;
	v7 =	vld.idx.msk [tilespmem:v7+s20+$0x0], $0xffff;
	[tilespmem:v2+s2+$0x0] =	vst.idx.msk $0xffff, v1  }
0x249: {  	v10 =	vmul.u32 $0xC, v10;
	v1 =	vor.u32 s31, v0;
	[tilespmem:v2+s23+$0x0] =	vst.idx.msk $0xffff, v3;
	v2 =	vmul.u32 $0x3, v16  }
0x24a: {  	s31 =	simm.s32 $0xC0;
	v13 =	vadd.s32 $0x4, v13;
	v21 =	vmul.u32 $0x3, v1;
	v59 =	vmul.u32 $0xC, v1  }
0x24b: {  	v1 =	vadd.s32 $0x4, v9;
	v3 =	vld.idx.msk [tilespmem:v4+s20+$0x0], $0xffff;
	v4 =	vor.u32 s31, v0;
	v17 =	vadd.s32 $0x1, v2  }
0x24c: {  	v9 =	vld.idx.msk [tilespmem:v6+s20+$0x0], $0xffff;
	s31 =	simm.s32 $0x90;
	v5 =	vmul.f32 $2.880000000e+02, v5;
	v6 =	vmul.u32 $0x3, v4;
	v2 =	vadd.s32 $0x2, v2  }
0x24d: {  	v16 =	vmul.u32 $0xC, v16;
	v7 =	vtrunc.f32 v7;
	v22 =	vor.u32 s31, v0  }
0x24e: {  	v60 =	vmul.u32 $0xC, v4;
	v5 =	vtrunc.f32 v5;
	v19 =	vadd.s32 $0x2, v6  }
0x24f: {  	s31 =	simm.s32 $0xD0;
	v16 =	vadd.s32 $0x4, v16;
	v20 =	vadd.s32 $0x1, v6;
	v5 =	vcvt.f32.s32 v5  }
0x250: {  	v7 =	vcvt.f32.s32 v7;
	v23 =	vor.u32 s31, v0;
	v3 =	vmul.f32 $2.880000000e+02, v3;
	v17 =	vld.idx.msk [tilespmem:v17+s20+$0x0], $0xffff  }
0x251: {  	v6 =	vmul.u32 $0xC, v22;
	v22 =	vmul.u32 $0x3, v22;
	v5 =	vcvt.s32.f32 v5;
	v2 =	vld.idx.msk [tilespmem:v2+s20+$0x0], $0xffff  }
0x252: {  	s31 =	simm.s32 $0xA0;
	v26 =	vmul.u32 $0x3, v23;
	v7 =	vcvt.s32.f32 v7;
	v3 =	vtrunc.f32 v3  }
0x253: {  	v4 =	vor.u32 s31, v0;
	s31 =	simm.s32 $0xE0;
	v9 =	vtrunc.f32 v9;
	v3 =	vcvt.f32.s32 v3;
	[tilespmem:v8+s2+$0x0] =	vst.idx.msk $0xffff, v5;
	v19 =	vld.idx.msk [tilespmem:v19+s20+$0x0], $0xffff  }
0x254: {  	v27 =	vmul.u32 $0xC, v23;
	v23 =	vor.u32 s31, v0;
	v9 =	vcvt.f32.s32 v9;
	[tilespmem:v8+s23+$0x0] =	vst.idx.msk $0xffff, v7;
	v7 =	vld.idx.msk [tilespmem:v20+s20+$0x0], $0xffff  }
0x255: {  	s31 =	simm.s32 $0xB0;
	v20 =	vcvt.s32.f32 v3;
	v18 =	vld.idx.msk [tilespmem:v18+s20+$0x0], $0xffff;
	v3 =	vmul.f32 $2.880000000e+02, v17;
	v17 =	vadd.s32 $0x1, v15  }
0x256: {  	v29 =	vor.u32 s31, v0;
	v61 =	vadd.s32 $0x2, v26;
	v12 =	vld.idx.msk [tilespmem:v12+s20+$0x0], $0xffff;
	v2 =	vtrunc.f32 v2  }
0x257: {  	v5 =	vmul.u32 $0x3, v23;
	v9 =	vcvt.s32.f32 v9;
	v2 =	vcvt.f32.s32 v2  }
0x258: {  	v15 =	vadd.s32 $0x2, v15;
	[tilespmem:v1+s2+$0x0] =	vst.idx.msk $0xffff, v20;
	v28 =	vtrunc.f32 v3;
	v19 =	vtrunc.f32 v19  }
0x259: {  	v8 =	vmul.u32 $0x3, v4;
	[tilespmem:v1+s23+$0x0] =	vst.idx.msk $0xffff, v9;
	v7 =	vmul.f32 $2.880000000e+02, v7;
	v9 =	vcvt.f32.s32 v28  }
0x25a: {  	v3 =	vmul.u32 $0xC, v4;
	v19 =	vcvt.f32.s32 v19;
	v2 =	vcvt.s32.f32 v2;
	v17 =	vld.idx.msk [tilespmem:v17+s20+$0x0], $0xffff  }
0x25b: {  	v4 =	vmul.u32 $0xC, v23;
	v18 =	vmul.f32 $2.880000000e+02, v18;
	v12 =	vtrunc.f32 v12  }
0x25c: {  	v23 =	vadd.s32 $0x4, v60;
	v9 =	vcvt.s32.f32 v9;
	v7 =	vtrunc.f32 v7  }
0x25d: {  	v20 =	vadd.s32 $0x1, v22;
	v15 =	vld.idx.msk [tilespmem:v15+s20+$0x0], $0xffff;
	v18 =	vtrunc.f32 v18;
	v7 =	vcvt.f32.s32 v7  }
0x25e: {  	v22 =	vadd.s32 $0x2, v22;
	v12 =	vcvt.f32.s32 v12;
	v18 =	vcvt.f32.s32 v18  }
0x25f: {  	[tilespmem:v16+s2+$0x0] =	vst.idx.msk $0xffff, v9;
	v9 =	vadd.s32 $0x1, v26;
	v7 =	vcvt.s32.f32 v7;
	v17 =	vmul.f32 $2.880000000e+02, v17  }
0x260: {  	v1 =	vmul.u32 $0x3, v29;
	v19 =	vcvt.s32.f32 v19;
	[tilespmem:v16+s23+$0x0] =	vst.idx.msk $0xffff, v2;
	v18 =	vcvt.s32.f32 v18  }
0x261: {  	v12 =	vcvt.s32.f32 v12;
	v2 =	vmul.u32 $0xC, v29;
	[tilespmem:v23+s2+$0x0] =	vst.idx.msk $0xffff, v7;
	v16 =	vtrunc.f32 v17  }
0x262: {  	s31 =	simm.s32 $0xF0;
	v15 =	vtrunc.f32 v15;
	[tilespmem:v11+s2+$0x0] =	vst.idx.msk $0xffff, v18;
	v18 =	vld.idx.msk [tilespmem:v20+s20+$0x0], $0xffff;
	v62 =	vcvt.f32.s32 v16;
	v16 =	vadd.s32 $0x1, v14  }
0x263: {  	v63 =	vcvt.f32.s32 v15;
	v20 =	vor.u32 s31, v0;
	v15 =	vadd.s32 $0x2, v14;
	[tilespmem:v23+s23+$0x0] =	vst.idx.msk $0xffff, v19;
	v17 =	vld.idx.msk [tilespmem:v22+s20+$0x0], $0xffff  }
0x264: {  	v7 =	vmul.u32 $0x3, v20;
	v22 =	vld.idx.msk [tilespmem:v9+s20+$0x0], $0xffff;
	v9 =	vadd.s32 $0x4, v10;
	v26 =	vcvt.s32.f32 v62  }
0x265: {  	[tilespmem:v11+s23+$0x0] =	vst.idx.msk $0xffff, v12;
	v12 =	vadd.s32 $0x4, v27;
	v14 =	vmul.u32 $0xC, v20;
	v20 =	vadd.s32 $0x1, v21  }
0x266: {  	s30 =	simm.s32 $0x140;
	s29 =	simm.s32 $0x2;
	v23 =	vld.idx.msk [tilespmem:v61+s20+$0x0], $0xffff;
	v10 =	vadd.s32 $0x4, v59;
	v19 =	vcvt.s32.f32 v63;
	v21 =	vadd.s32 $0x2, v21;
	[tilespmem:v13+s2+$0x0] =	vst.idx.msk $0xffff, v26  }
.LBB2_10:
0x267: {  	s1 =	sadd.s32 $0xFFFFFFC0, s30;
	s31 =	sadd.s32 $0xFFFFFFD0, s30;
	s29 =	sadd.s32 $0x2, s29;
	v24 =	vadd.s32 $0x4, v6;
	v25 =	vadd.s32 $0x1, v8;
	v26 =	vadd.s32 $0x2, v8;
	v8 =	vld.idx.msk [tilespmem:v16+s20+$0x0], $0xffff;
	v11 =	vmovc v14  }
0x268: {  	v18 =	vmul.f32 $2.880000000e+02, v18;
	v14 =	vor.u32 s1, v0;
	v16 =	vor.u32 s31, v0;
	s1 =	sadd.s32 $0x10, s30;
	p0 =	slt.u32 s29, $0x1E;
	v15 =	vld.idx.msk [tilespmem:v15+s20+$0x0], $0xffff  }
0x269: {  	v27 =	vmul.u32 $0x3, v14;
	v6 =	vmul.u32 $0xC, v16;
	v28 =	vor.u32 s1, v0;
	[tilespmem:v13+s23+$0x0] =	vst.idx.msk $0xffff, v19  }
0x26a: {  	v17 =	vtrunc.f32 v17;
	v13 =	vor.u32 s30, v0;
	v18 =	vtrunc.f32 v18;
	v19 =	vld.idx.msk [tilespmem:v20+s20+$0x0], $0xffff  }
0x26b: {  	v29 =	vmul.u32 $0x3, v13;
	v22 =	vmul.f32 $2.880000000e+02, v22;
	v20 =	vadd.s32 $0x1, v27;
	v21 =	vld.idx.msk [tilespmem:v21+s20+$0x0], $0xffff  }
0x26c: {  	v17 =	vcvt.f32.s32 v17;
	v27 =	vadd.s32 $0x2, v27;
	v23 =	vtrunc.f32 v23  }
0x26d: {  	v30 =	vadd.s32 $0x1, v29;
	v29 =	vadd.s32 $0x2, v29;
	v22 =	vtrunc.f32 v22  }
0x26e: {  	v14 =	vmul.u32 $0xC, v14;
	v18 =	vcvt.f32.s32 v18;
	v17 =	vcvt.s32.f32 v17  }
0x26f: {  	v16 =	vmul.u32 $0x3, v16;
	v31 =	vmul.f32 $2.880000000e+02, v8;
	v22 =	vcvt.f32.s32 v22  }
0x270: {  	v13 =	vmul.u32 $0xC, v13;
	v8 =	vcvt.s32.f32 v18;
	v18 =	vmul.f32 $2.880000000e+02, v19  }
0x271: {  	s1 =	sadd.s32 $0xFFFFFFE0, s30;
	v22 =	vcvt.s32.f32 v22;
	v21 =	vtrunc.f32 v21;
	v19 =	vld.idx.msk [tilespmem:v20+s20+$0x0], $0xffff;
	v20 =	vmul.u32 $0x3, v28  }
0x272: {  	v32 =	vor.u32 s1, v0;
	v18 =	vtrunc.f32 v18;
	v21 =	vcvt.f32.s32 v21;
	v27 =	vld.idx.msk [tilespmem:v27+s20+$0x0], $0xffff;
	[tilespmem:v24+s2+$0x0] =	vst.idx.msk $0xffff, v8  }
0x273: {  	v8 =	vmul.u32 $0x3, v32;
	v18 =	vcvt.f32.s32 v18;
	v29 =	vld.idx.msk [tilespmem:v29+s20+$0x0], $0xffff;
	[tilespmem:v24+s23+$0x0] =	vst.idx.msk $0xffff, v17;
	v17 =	vtrunc.f32 v31  }
0x274: {  	s1 =	sadd.s32 $0x20, s30;
	v23 =	vcvt.f32.s32 v23;
	v28 =	vmul.u32 $0xC, v28;
	v21 =	vcvt.s32.f32 v21;
	v24 =	vld.idx.msk [tilespmem:v30+s20+$0x0], $0xffff  }
0x275: {  	v15 =	vtrunc.f32 v15;
	v30 =	vor.u32 s1, v0;
	v17 =	vcvt.f32.s32 v17;
	v25 =	vld.idx.msk [tilespmem:v25+s20+$0x0], $0xffff  }
0x276: {  	v15 =	vcvt.f32.s32 v15;
	v18 =	vcvt.s32.f32 v18;
	v31 =	vmul.u32 $0x3, v30  }
0x277: {  	v19 =	vmul.f32 $2.880000000e+02, v19;
	v17 =	vcvt.s32.f32 v17;
	v26 =	vld.idx.msk [tilespmem:v26+s20+$0x0], $0xffff;
	[tilespmem:v12+s2+$0x0] =	vst.idx.msk $0xffff, v22;
	v22 =	vadd.s32 $0x1, v5  }
0x278: {  	v33 =	vadd.s32 $0x2, v5;
	v15 =	vcvt.s32.f32 v15;
	v27 =	vtrunc.f32 v27;
	v5 =	vmovc v31;
	[tilespmem:v10+s2+$0x0] =	vst.idx.msk $0xffff, v18  }
0x279: {  	v23 =	vcvt.s32.f32 v23;
	s1 =	sadd.s32 $0xFFFFFFF0, s30;
	v18 =	vtrunc.f32 v19;
	v19 =	vmul.u32 $0xC, v32;
	[tilespmem:v9+s2+$0x0] =	vst.idx.msk $0xffff, v17  }
0x27a: {  	v30 =	vmul.u32 $0xC, v30;
	v17 =	vor.u32 s1, v0;
	v24 =	vmul.f32 $2.880000000e+02, v24;
	[tilespmem:v10+s23+$0x0] =	vst.idx.msk $0xffff, v21  }
0x27b: {  	v10 =	vadd.s32 $0x4, v14;
	v14 =	vtrunc.f32 v29;
	v21 =	vmul.f32 $2.880000000e+02, v25;
	[tilespmem:v12+s23+$0x0] =	vst.idx.msk $0xffff, v23  }
0x27c: {  	v12 =	vcvt.f32.s32 v18;
	v23 =	vmul.u32 $0x3, v17;
	v14 =	vcvt.f32.s32 v14;
	v22 =	vld.idx.msk [tilespmem:v22+s20+$0x0], $0xffff;
	[tilespmem:v9+s23+$0x0] =	vst.idx.msk $0xffff, v15  }
0x27d: {  	v9 =	vcvt.f32.s32 v27;
	v15 =	vadd.s32 $0x1, v16;
	v18 =	vtrunc.f32 v26;
	v25 =	vld.idx.msk [tilespmem:v33+s20+$0x0], $0xffff  }
0x27e: {  	v16 =	vadd.s32 $0x2, v16;
	v12 =	vcvt.s32.f32 v12;
	v18 =	vcvt.f32.s32 v18  }
0x27f: {  	v26 =	vmul.u32 $0xC, v17;
	v17 =	vtrunc.f32 v21;
	v9 =	vcvt.s32.f32 v9  }
0x280: {  	v21 =	vcvt.f32.s32 v17;
	[tilespmem:v10+s2+$0x0] =	vst.idx.msk $0xffff, v12;
	v12 =	vtrunc.f32 v24;
	v24 =	vadd.s32 $0x4, v3;
	v3 =	vmovc v19  }
0x281: {  	v27 =	vcvt.s32.f32 v18;
	[tilespmem:v10+s23+$0x0] =	vst.idx.msk $0xffff, v9;
	v9 =	vadd.s32 $0x4, v13;
	v10 =	vcvt.s32.f32 v14  }
0x282: {  	v12 =	vcvt.f32.s32 v12;
	v14 =	vmul.f32 $2.880000000e+02, v22;
	v13 =	vadd.s32 $0x4, v4;
	v4 =	vmovc v30;
	v18 =	vld.idx.msk [tilespmem:v15+s20+$0x0], $0xffff  }
0x283: {  	v22 =	vadd.s32 $0x1, v20;
	v15 =	vcvt.s32.f32 v21;
	v19 =	vtrunc.f32 v25;
	v17 =	vld.idx.msk [tilespmem:v16+s20+$0x0], $0xffff  }
0x284: {  	v21 =	vadd.s32 $0x2, v20;
	v12 =	vcvt.s32.f32 v12;
	v14 =	vtrunc.f32 v14  }
.Ltmp4:
0x285: {  	s1 =	sadd.s32 $0x30, s30;
	v16 =	vadd.s32 $0x1, v1;
	v19 =	vcvt.f32.s32 v19;
	v14 =	vcvt.f32.s32 v14;
	[tilespmem:v24+s2+$0x0] =	vst.idx.msk $0xffff, v15;
	(pc) =	sbr.rel @p0 .LBB2_10-.Ltmp4, $4  }
0x286: {  	v15 =	vadd.s32 $0x2, v1;
	v1 =	vmov v23;
	[tilespmem:v9+s2+$0x0] =	vst.idx.msk $0xffff, v12;
	v12 =	vor.u32 s1, v0  }
0x287: {  	v19 =	vcvt.s32.f32 v19;
	[tilespmem:v9+s23+$0x0] =	vst.idx.msk $0xffff, v10;
	v25 =	vmul.u32 $0x3, v12;
	v10 =	vcvt.s32.f32 v14  }
0x288: {  	v20 =	vadd.s32 $0x1, v7;
	v14 =	vmul.u32 $0xC, v12;
	v9 =	vadd.s32 $0x4, v2;
	v2 =	vmovc v26;
	v22 =	vld.idx.msk [tilespmem:v22+s20+$0x0], $0xffff;
	[tilespmem:v24+s23+$0x0] =	vst.idx.msk $0xffff, v27  }
0x289: {  	s30 =	sadd.s32 $0x80, s30;
	v12 =	vadd.s32 $0x4, v28;
	v23 =	vld.idx.msk [tilespmem:v21+s20+$0x0], $0xffff;
	[tilespmem:v13+s2+$0x0] =	vst.idx.msk $0xffff, v10;
	v21 =	vadd.s32 $0x2, v7;
	v10 =	vadd.s32 $0x4, v11;
	v7 =	vmovc v25  }
0x28a: {  	_ = 	snop  }
0x28b: {  	v11 =	vmul.f32 $2.880000000e+02, v18  }
0x28c: {  	v17 =	vtrunc.f32 v17  }
0x28d: {  	v6 =	vadd.s32 $0x4, v6;
	v11 =	vtrunc.f32 v11;
	v18 =	vmul.f32 $2.880000000e+02, v22  }
0x28e: {  	v17 =	vcvt.f32.s32 v17;
	v11 =	vcvt.f32.s32 v11  }
0x28f: {  	v22 =	vtrunc.f32 v23;
	v23 =	vadd.s32 $0x1, v8;
	v18 =	vtrunc.f32 v18  }
0x290: {  	v8 =	vadd.s32 $0x2, v8;
	v11 =	vcvt.s32.f32 v11;
	v18 =	vcvt.f32.s32 v18  }
0x291: {  	v24 =	vadd.s32 $0x1, v5;
	v17 =	vcvt.s32.f32 v17;
	v22 =	vcvt.f32.s32 v22  }
0x292: {  	[tilespmem:v6+s2+$0x0] =	vst.idx.msk $0xffff, v11;
	v18 =	vcvt.s32.f32 v18  }
0x293: {  	v5 =	vadd.s32 $0x2, v5;
	[tilespmem:v6+s23+$0x0] =	vst.idx.msk $0xffff, v17;
	v6 =	vcvt.s32.f32 v22  }
0x294: {  	v11 =	vld.idx.msk [tilespmem:v23+s20+$0x0], $0xffff;
	[tilespmem:v12+s2+$0x0] =	vst.idx.msk $0xffff, v18  }
0x295: {  	v8 =	vld.idx.msk [tilespmem:v8+s20+$0x0], $0xffff;
	[tilespmem:v12+s23+$0x0] =	vst.idx.msk $0xffff, v6  }
0x296: {  	v6 =	vld.idx.msk [tilespmem:v24+s20+$0x0], $0xffff;
	_ =	sdelay $0x1  }
0x297: {  	v5 =	vld.idx.msk [tilespmem:v5+s20+$0x0], $0xffff  }
0x298: {  	v11 =	vmul.f32 $2.880000000e+02, v11  }
0x299: {  	v8 =	vtrunc.f32 v8  }
0x29a: {  	[tilespmem:v13+s23+$0x0] =	vst.idx.msk $0xffff, v19;
	v3 =	vadd.s32 $0x4, v3;
	v11 =	vtrunc.f32 v11;
	v6 =	vmul.f32 $2.880000000e+02, v6  }
0x29b: {  	v4 =	vadd.s32 $0x4, v4;
	v13 =	vld.idx.msk [tilespmem:v20+s20+$0x0], $0xffff;
	v8 =	vcvt.f32.s32 v8;
	v11 =	vcvt.f32.s32 v11  }
0x29c: {  	v18 =	vadd.s32 $0x1, v1;
	v12 =	vld.idx.msk [tilespmem:v16+s20+$0x0], $0xffff;
	v5 =	vtrunc.f32 v5;
	v6 =	vtrunc.f32 v6  }
0x29d: {  	v1 =	vadd.s32 $0x2, v1;
	v16 =	vld.idx.msk [tilespmem:v21+s20+$0x0], $0xffff;
	v11 =	vcvt.s32.f32 v11;
	v6 =	vcvt.f32.s32 v6  }
0x29e: {  	v17 =	vadd.s32 $0x1, v7;
	v8 =	vcvt.s32.f32 v8;
	v5 =	vcvt.f32.s32 v5  }
0x29f: {  	[tilespmem:v3+s2+$0x0] =	vst.idx.msk $0xffff, v11;
	v6 =	vcvt.s32.f32 v6  }
0x2a0: {  	v5 =	vcvt.s32.f32 v5;
	v11 =	vld.idx.msk [tilespmem:v15+s20+$0x0], $0xffff;
	[tilespmem:v3+s23+$0x0] =	vst.idx.msk $0xffff, v8  }
0x2a1: {  	v12 =	vmul.f32 $2.880000000e+02, v12;
	v8 =	vld.idx.msk [tilespmem:v18+s20+$0x0], $0xffff;
	[tilespmem:v4+s2+$0x0] =	vst.idx.msk $0xffff, v6  }
0x2a2: {  	v1 =	vld.idx.msk [tilespmem:v1+s20+$0x0], $0xffff;
	v6 =	vmul.f32 $2.880000000e+02, v13;
	v13 =	vtrunc.f32 v16;
	[tilespmem:v4+s23+$0x0] =	vst.idx.msk $0xffff, v5  }
0x2a3: {  	v7 =	vadd.s32 $0x2, v7;
	v4 =	vcvt.f32.s32 v13;
	v3 =	vld.idx.msk [tilespmem:v17+s20+$0x0], $0xffff  }
0x2a4: {  	v5 =	vtrunc.f32 v6;
	v6 =	vtrunc.f32 v12  }
0x2a5: {  	v11 =	vtrunc.f32 v11;
	v5 =	vcvt.f32.s32 v5  }
0x2a6: {  	v4 =	vcvt.s32.f32 v4;
	v6 =	vcvt.f32.s32 v6  }
0x2a7: {  	v11 =	vcvt.f32.s32 v11;
	v8 =	vmul.f32 $2.880000000e+02, v8  }
0x2a8: {  	v7 =	vld.idx.msk [tilespmem:v7+s20+$0x0], $0xffff;
	v1 =	vtrunc.f32 v1;
	v3 =	vmul.f32 $2.880000000e+02, v3  }
0x2a9: {  	v5 =	vcvt.s32.f32 v5;
	v6 =	vcvt.s32.f32 v6  }
0x2aa: {  	v12 =	vadd.s32 $0x4, v14;
	v11 =	vcvt.s32.f32 v11;
	v3 =	vtrunc.f32 v3  }
0x2ab: {  	v2 =	vadd.s32 $0x4, v2;
	[tilespmem:v10+s2+$0x0] =	vst.idx.msk $0xffff, v5;
	v5 =	vtrunc.f32 v8;
	v3 =	vcvt.f32.s32 v3  }
0x2ac: {  	v1 =	vcvt.f32.s32 v1;
	[tilespmem:v9+s2+$0x0] =	vst.idx.msk $0xffff, v6;
	v5 =	vcvt.f32.s32 v5  }
0x2ad: {  	v7 =	vtrunc.f32 v7;
	[tilespmem:v10+s23+$0x0] =	vst.idx.msk $0xffff, v4;
	v3 =	vcvt.s32.f32 v3  }
0x2ae: {  	s1 =	simm.s32 $0x0;
	v6 =	vcvt.f32.s32 v7;
	[tilespmem:v9+s23+$0x0] =	vst.idx.msk $0xffff, v11;
	v4 =	vcvt.s32.f32 v5  }
0x2af: {  	v1 =	vcvt.s32.f32 v1;
	[tilespmem:v12+s2+$0x0] =	vst.idx.msk $0xffff, v3;
	v3 =	vor.u32 s1, v0  }
0x2b0: {  	v5 =	vcvt.s32.f32 v6;
	[tilespmem:v2+s2+$0x0] =	vst.idx.msk $0xffff, v4;
	v4 =	vmul.u32 $0x3, v3  }
0x2b1: {  	[tilespmem:v2+s23+$0x0] =	vst.idx.msk $0xffff, v1  }
0x2b2: {  	s31 =	simm.s32 $0x40;
	[tilespmem:v12+s23+$0x0] =	vst.idx.msk $0xffff, v5;
	v1 =	vadd.s32 $0x1, v4  }
0x2b3: {  	v2 =	vor.u32 s31, v0;
	_ =	swait.ge [sflag:s24], $0x1800  }
0x2b4: {  	v5 =	vmul.u32 $0x3, v2;
	[sflag:s24] =	ssyncset.done $0x0  }
0x2b5: {  	v4 =	vadd.s32 $0x2, v4;
	[sflag:s24] =	ssyncadd.s32 $0xFFFFE800  }
0x2b6: {  	v6 =	vadd.s32 $0x1, v5;
	[tilespmem:s20], [sflag:$0x1] =	stream.strided.gather [hbm4b:s9+s18], $0x1800, s19, s18, $0x38;
	[tilespmem:$0xF000] =	vst v63  }
0x2b7: {  	v1 =	vld.idx.msk [tilespmem:v1+s22+$0x0], $0xffff;
	_ =	sdelay $0x1  }
0x2b8: {  	s29 =	simm.s32 $0x80;
	s31 =	simm.s32 $0x10;
	v5 =	vadd.s32 $0x2, v5  }
0x2b9: {  	v16 =	vor.u32 s29, v0;
	v7 =	vor.u32 s31, v0;
	s31 =	simm.s32 $0x50;
	v4 =	vld.idx.msk [tilespmem:v4+s22+$0x0], $0xffff  }
0x2ba: {  	v8 =	vmul.u32 $0xC, v7;
	v9 =	vor.u32 s31, v0;
	v3 =	vmul.u32 $0xC, v3;
	v6 =	vld.idx.msk [tilespmem:v6+s22+$0x0], $0xffff  }
0x2bb: {  	v7 =	vmul.u32 $0x3, v7;
	v2 =	vmul.u32 $0xC, v2;
	s31 =	simm.s32 $0x20;
	v1 =	vmul.f32 $2.880000000e+02, v1  }
0x2bc: {  	v10 =	vmul.u32 $0x3, v9;
	v11 =	vor.u32 s31, v0;
	v9 =	vmul.u32 $0xC, v9  }
0x2bd: {  	v3 =	vadd.s32 $0x5, v3;
	v12 =	vmul.u32 $0x3, v11;
	v5 =	vld.idx.msk [tilespmem:v5+s22+$0x0], $0xffff;
	v1 =	vtrunc.f32 v1  }
0x2be: {  	s31 =	simm.s32 $0x60;
	v13 =	vadd.s32 $0x1, v7;
	v4 =	vtrunc.f32 v4;
	v1 =	vcvt.f32.s32 v1  }
0x2bf: {  	v14 =	vor.u32 s31, v0;
	v6 =	vmul.f32 $2.880000000e+02, v6;
	v4 =	vcvt.f32.s32 v4  }
0x2c0: {  	v2 =	vadd.s32 $0x5, v2;
	v7 =	vadd.s32 $0x2, v7;
	v1 =	vcvt.s32.f32 v1  }
0x2c1: {  	v11 =	vmul.u32 $0xC, v11;
	v6 =	vtrunc.f32 v6;
	v4 =	vcvt.s32.f32 v4  }
0x2c2: {  	v8 =	vadd.s32 $0x5, v8;
	v5 =	vtrunc.f32 v5;
	[tilespmem:v3+s2+$0x0] =	vst.idx.msk $0xffff, v1;
	v1 =	vcvt.f32.s32 v6  }
0x2c3: {  	v15 =	vmul.u32 $0x3, v14;
	v5 =	vcvt.f32.s32 v5;
	[tilespmem:v3+s23+$0x0] =	vst.idx.msk $0xffff, v4;
	v3 =	vadd.s32 $0x1, v10  }
0x2c4: {  	s31 =	simm.s32 $0x30;
	v18 =	vadd.s32 $0x1, v12;
	v6 =	vadd.s32 $0x2, v10;
	v1 =	vcvt.s32.f32 v1  }
0x2c5: {  	v12 =	vadd.s32 $0x2, v12;
	v5 =	vcvt.s32.f32 v5;
	v10 =	vor.u32 s31, v0;
	v4 =	vld.idx.msk [tilespmem:v13+s22+$0x0], $0xffff  }
0x2c6: {  	v11 =	vadd.s32 $0x5, v11;
	s31 =	simm.s32 $0x70;
	v13 =	vmul.u32 $0xC, v14;
	v14 =	vmul.u32 $0x3, v10;
	[tilespmem:v2+s2+$0x0] =	vst.idx.msk $0xffff, v1  }
0x2c7: {  	v10 =	vmul.u32 $0xC, v10;
	v7 =	vld.idx.msk [tilespmem:v7+s22+$0x0], $0xffff;
	v1 =	vor.u32 s31, v0;
	s31 =	simm.s32 $0xC0;
	[tilespmem:v2+s23+$0x0] =	vst.idx.msk $0xffff, v5;
	v2 =	vmul.u32 $0x3, v16  }
0x2c8: {  	v21 =	vmul.u32 $0x3, v1;
	v60 =	vmul.u32 $0xC, v1;
	v5 =	vor.u32 s31, v0;
	v3 =	vld.idx.msk [tilespmem:v3+s22+$0x0], $0xffff  }
0x2c9: {  	v1 =	vadd.s32 $0x5, v9;
	v9 =	vld.idx.msk [tilespmem:v6+s22+$0x0], $0xffff;
	v6 =	vmul.u32 $0x3, v5;
	v17 =	vadd.s32 $0x1, v2  }
0x2ca: {  	v13 =	vadd.s32 $0x5, v13;
	s31 =	simm.s32 $0x90;
	v4 =	vmul.f32 $2.880000000e+02, v4;
	v2 =	vadd.s32 $0x2, v2  }
0x2cb: {  	v16 =	vmul.u32 $0xC, v16;
	v22 =	vor.u32 s31, v0;
	v19 =	vadd.s32 $0x2, v6  }
0x2cc: {  	s31 =	simm.s32 $0xD0;
	v25 =	vmul.u32 $0xC, v5;
	v7 =	vtrunc.f32 v7;
	v4 =	vtrunc.f32 v4  }
0x2cd: {  	v23 =	vor.u32 s31, v0;
	v20 =	vadd.s32 $0x1, v6;
	v4 =	vcvt.f32.s32 v4  }
0x2ce: {  	v16 =	vadd.s32 $0x5, v16;
	v7 =	vcvt.f32.s32 v7;
	v3 =	vmul.f32 $2.880000000e+02, v3;
	v17 =	vld.idx.msk [tilespmem:v17+s22+$0x0], $0xffff  }
0x2cf: {  	v6 =	vmul.u32 $0xC, v22;
	v22 =	vmul.u32 $0x3, v22;
	v4 =	vcvt.s32.f32 v4;
	v2 =	vld.idx.msk [tilespmem:v2+s22+$0x0], $0xffff  }
0x2d0: {  	v26 =	vmul.u32 $0x3, v23;
	v7 =	vcvt.s32.f32 v7;
	v3 =	vtrunc.f32 v3;
	v19 =	vld.idx.msk [tilespmem:v19+s22+$0x0], $0xffff  }
0x2d1: {  	s31 =	simm.s32 $0xA0;
	v27 =	vmul.u32 $0xC, v23;
	v9 =	vtrunc.f32 v9;
	v3 =	vcvt.f32.s32 v3;
	[tilespmem:v8+s2+$0x0] =	vst.idx.msk $0xffff, v4  }
0x2d2: {  	v61 =	vadd.s32 $0x2, v26;
	v9 =	vcvt.f32.s32 v9;
	v4 =	vor.u32 s31, v0;
	[tilespmem:v8+s23+$0x0] =	vst.idx.msk $0xffff, v7;
	v7 =	vld.idx.msk [tilespmem:v20+s22+$0x0], $0xffff  }
0x2d3: {  	s31 =	simm.s32 $0xE0;
	v20 =	vcvt.s32.f32 v3;
	v18 =	vld.idx.msk [tilespmem:v18+s22+$0x0], $0xffff;
	v3 =	vmul.f32 $2.880000000e+02, v17;
	v17 =	vadd.s32 $0x1, v15  }
0x2d4: {  	v9 =	vcvt.s32.f32 v9;
	v8 =	vmul.u32 $0x3, v4;
	v23 =	vor.u32 s31, v0;
	v12 =	vld.idx.msk [tilespmem:v12+s22+$0x0], $0xffff  }
0x2d5: {  	v5 =	vmul.u32 $0x3, v23;
	v2 =	vtrunc.f32 v2;
	v19 =	vtrunc.f32 v19  }
0x2d6: {  	s31 =	simm.s32 $0xB0;
	v15 =	vadd.s32 $0x2, v15;
	[tilespmem:v1+s2+$0x0] =	vst.idx.msk $0xffff, v20;
	v2 =	vcvt.f32.s32 v2;
	v28 =	vtrunc.f32 v3  }
0x2d7: {  	v29 =	vor.u32 s31, v0;
	[tilespmem:v1+s23+$0x0] =	vst.idx.msk $0xffff, v9;
	v19 =	vcvt.f32.s32 v19;
	v7 =	vmul.f32 $2.880000000e+02, v7  }
0x2d8: {  	v3 =	vmul.u32 $0xC, v4;
	v9 =	vcvt.f32.s32 v28;
	v2 =	vcvt.s32.f32 v2;
	v17 =	vld.idx.msk [tilespmem:v17+s22+$0x0], $0xffff  }
0x2d9: {  	v4 =	vmul.u32 $0xC, v23;
	v18 =	vmul.f32 $2.880000000e+02, v18;
	v12 =	vtrunc.f32 v12  }
0x2da: {  	v23 =	vadd.s32 $0x5, v25;
	v9 =	vcvt.s32.f32 v9;
	v7 =	vtrunc.f32 v7  }
0x2db: {  	v20 =	vadd.s32 $0x1, v22;
	v15 =	vld.idx.msk [tilespmem:v15+s22+$0x0], $0xffff;
	v18 =	vtrunc.f32 v18;
	v7 =	vcvt.f32.s32 v7  }
0x2dc: {  	v22 =	vadd.s32 $0x2, v22;
	v12 =	vcvt.f32.s32 v12;
	v18 =	vcvt.f32.s32 v18  }
0x2dd: {  	[tilespmem:v16+s2+$0x0] =	vst.idx.msk $0xffff, v9;
	v9 =	vadd.s32 $0x1, v26;
	v7 =	vcvt.s32.f32 v7;
	v17 =	vmul.f32 $2.880000000e+02, v17  }
0x2de: {  	v1 =	vmul.u32 $0x3, v29;
	v19 =	vcvt.s32.f32 v19;
	[tilespmem:v16+s23+$0x0] =	vst.idx.msk $0xffff, v2;
	v18 =	vcvt.s32.f32 v18  }
0x2df: {  	v12 =	vcvt.s32.f32 v12;
	v2 =	vmul.u32 $0xC, v29;
	[tilespmem:v23+s2+$0x0] =	vst.idx.msk $0xffff, v7;
	v16 =	vtrunc.f32 v17  }
0x2e0: {  	s31 =	simm.s32 $0xF0;
	v15 =	vtrunc.f32 v15;
	[tilespmem:v11+s2+$0x0] =	vst.idx.msk $0xffff, v18;
	v18 =	vld.idx.msk [tilespmem:v20+s22+$0x0], $0xffff;
	v62 =	vcvt.f32.s32 v16;
	v16 =	vadd.s32 $0x1, v14  }
0x2e1: {  	v63 =	vcvt.f32.s32 v15;
	v20 =	vor.u32 s31, v0;
	v15 =	vadd.s32 $0x2, v14;
	[tilespmem:v23+s23+$0x0] =	vst.idx.msk $0xffff, v19;
	v17 =	vld.idx.msk [tilespmem:v22+s22+$0x0], $0xffff  }
0x2e2: {  	v7 =	vmul.u32 $0x3, v20;
	v22 =	vld.idx.msk [tilespmem:v9+s22+$0x0], $0xffff;
	v9 =	vadd.s32 $0x5, v10;
	v26 =	vcvt.s32.f32 v62  }
0x2e3: {  	[tilespmem:v11+s23+$0x0] =	vst.idx.msk $0xffff, v12;
	v12 =	vadd.s32 $0x5, v27;
	v14 =	vmul.u32 $0xC, v20;
	v20 =	vadd.s32 $0x1, v21  }
0x2e4: {  	s30 =	simm.s32 $0x140;
	s29 =	simm.s32 $0x2;
	v23 =	vld.idx.msk [tilespmem:v61+s22+$0x0], $0xffff;
	v10 =	vadd.s32 $0x5, v60;
	v19 =	vcvt.s32.f32 v63;
	v21 =	vadd.s32 $0x2, v21;
	[tilespmem:v13+s2+$0x0] =	vst.idx.msk $0xffff, v26  }
.LBB2_12:
0x2e5: {  	s1 =	sadd.s32 $0xFFFFFFC0, s30;
	s31 =	sadd.s32 $0xFFFFFFD0, s30;
	s29 =	sadd.s32 $0x2, s29;
	v24 =	vadd.s32 $0x5, v6;
	v25 =	vadd.s32 $0x1, v8;
	v26 =	vadd.s32 $0x2, v8;
	v8 =	vld.idx.msk [tilespmem:v16+s22+$0x0], $0xffff;
	v11 =	vmovc v14  }
0x2e6: {  	v18 =	vmul.f32 $2.880000000e+02, v18;
	v14 =	vor.u32 s1, v0;
	v16 =	vor.u32 s31, v0;
	s1 =	sadd.s32 $0x10, s30;
	p0 =	slt.u32 s29, $0x1E;
	v15 =	vld.idx.msk [tilespmem:v15+s22+$0x0], $0xffff  }
0x2e7: {  	v27 =	vmul.u32 $0x3, v14;
	v6 =	vmul.u32 $0xC, v16;
	v28 =	vor.u32 s1, v0;
	[tilespmem:v13+s23+$0x0] =	vst.idx.msk $0xffff, v19  }
0x2e8: {  	v17 =	vtrunc.f32 v17;
	v13 =	vor.u32 s30, v0;
	v18 =	vtrunc.f32 v18;
	v19 =	vld.idx.msk [tilespmem:v20+s22+$0x0], $0xffff  }
0x2e9: {  	v29 =	vmul.u32 $0x3, v13;
	v22 =	vmul.f32 $2.880000000e+02, v22;
	v20 =	vadd.s32 $0x1, v27;
	v21 =	vld.idx.msk [tilespmem:v21+s22+$0x0], $0xffff  }
0x2ea: {  	v17 =	vcvt.f32.s32 v17;
	v27 =	vadd.s32 $0x2, v27;
	v23 =	vtrunc.f32 v23  }
0x2eb: {  	v30 =	vadd.s32 $0x1, v29;
	v29 =	vadd.s32 $0x2, v29;
	v22 =	vtrunc.f32 v22  }
0x2ec: {  	v14 =	vmul.u32 $0xC, v14;
	v18 =	vcvt.f32.s32 v18;
	v17 =	vcvt.s32.f32 v17  }
0x2ed: {  	v16 =	vmul.u32 $0x3, v16;
	v31 =	vmul.f32 $2.880000000e+02, v8;
	v22 =	vcvt.f32.s32 v22  }
0x2ee: {  	v13 =	vmul.u32 $0xC, v13;
	v8 =	vcvt.s32.f32 v18;
	v18 =	vmul.f32 $2.880000000e+02, v19  }
0x2ef: {  	s1 =	sadd.s32 $0xFFFFFFE0, s30;
	v22 =	vcvt.s32.f32 v22;
	v21 =	vtrunc.f32 v21;
	v19 =	vld.idx.msk [tilespmem:v20+s22+$0x0], $0xffff;
	v20 =	vmul.u32 $0x3, v28  }
0x2f0: {  	v32 =	vor.u32 s1, v0;
	v18 =	vtrunc.f32 v18;
	v21 =	vcvt.f32.s32 v21;
	v27 =	vld.idx.msk [tilespmem:v27+s22+$0x0], $0xffff;
	[tilespmem:v24+s2+$0x0] =	vst.idx.msk $0xffff, v8  }
0x2f1: {  	v8 =	vmul.u32 $0x3, v32;
	v18 =	vcvt.f32.s32 v18;
	v29 =	vld.idx.msk [tilespmem:v29+s22+$0x0], $0xffff;
	[tilespmem:v24+s23+$0x0] =	vst.idx.msk $0xffff, v17;
	v17 =	vtrunc.f32 v31  }
0x2f2: {  	s1 =	sadd.s32 $0x20, s30;
	v23 =	vcvt.f32.s32 v23;
	v28 =	vmul.u32 $0xC, v28;
	v21 =	vcvt.s32.f32 v21;
	v24 =	vld.idx.msk [tilespmem:v30+s22+$0x0], $0xffff  }
0x2f3: {  	v15 =	vtrunc.f32 v15;
	v30 =	vor.u32 s1, v0;
	v17 =	vcvt.f32.s32 v17;
	v25 =	vld.idx.msk [tilespmem:v25+s22+$0x0], $0xffff  }
0x2f4: {  	v15 =	vcvt.f32.s32 v15;
	v18 =	vcvt.s32.f32 v18;
	v31 =	vmul.u32 $0x3, v30  }
0x2f5: {  	v19 =	vmul.f32 $2.880000000e+02, v19;
	v17 =	vcvt.s32.f32 v17;
	v26 =	vld.idx.msk [tilespmem:v26+s22+$0x0], $0xffff;
	[tilespmem:v12+s2+$0x0] =	vst.idx.msk $0xffff, v22;
	v22 =	vadd.s32 $0x1, v5  }
0x2f6: {  	v33 =	vadd.s32 $0x2, v5;
	v15 =	vcvt.s32.f32 v15;
	v27 =	vtrunc.f32 v27;
	v5 =	vmovc v31;
	[tilespmem:v10+s2+$0x0] =	vst.idx.msk $0xffff, v18  }
0x2f7: {  	v23 =	vcvt.s32.f32 v23;
	s1 =	sadd.s32 $0xFFFFFFF0, s30;
	v18 =	vtrunc.f32 v19;
	v19 =	vmul.u32 $0xC, v32;
	[tilespmem:v9+s2+$0x0] =	vst.idx.msk $0xffff, v17  }
0x2f8: {  	v30 =	vmul.u32 $0xC, v30;
	v17 =	vor.u32 s1, v0;
	v24 =	vmul.f32 $2.880000000e+02, v24;
	[tilespmem:v10+s23+$0x0] =	vst.idx.msk $0xffff, v21  }
0x2f9: {  	v10 =	vadd.s32 $0x5, v14;
	v14 =	vtrunc.f32 v29;
	v21 =	vmul.f32 $2.880000000e+02, v25;
	[tilespmem:v12+s23+$0x0] =	vst.idx.msk $0xffff, v23  }
0x2fa: {  	v12 =	vcvt.f32.s32 v18;
	v23 =	vmul.u32 $0x3, v17;
	v14 =	vcvt.f32.s32 v14;
	v22 =	vld.idx.msk [tilespmem:v22+s22+$0x0], $0xffff;
	[tilespmem:v9+s23+$0x0] =	vst.idx.msk $0xffff, v15  }
0x2fb: {  	v9 =	vcvt.f32.s32 v27;
	v15 =	vadd.s32 $0x1, v16;
	v18 =	vtrunc.f32 v26;
	v25 =	vld.idx.msk [tilespmem:v33+s22+$0x0], $0xffff  }
0x2fc: {  	v16 =	vadd.s32 $0x2, v16;
	v12 =	vcvt.s32.f32 v12;
	v18 =	vcvt.f32.s32 v18  }
0x2fd: {  	v26 =	vmul.u32 $0xC, v17;
	v17 =	vtrunc.f32 v21;
	v9 =	vcvt.s32.f32 v9  }
0x2fe: {  	v21 =	vcvt.f32.s32 v17;
	[tilespmem:v10+s2+$0x0] =	vst.idx.msk $0xffff, v12;
	v12 =	vtrunc.f32 v24;
	v24 =	vadd.s32 $0x5, v3;
	v3 =	vmovc v19  }
0x2ff: {  	v27 =	vcvt.s32.f32 v18;
	[tilespmem:v10+s23+$0x0] =	vst.idx.msk $0xffff, v9;
	v9 =	vadd.s32 $0x5, v13;
	v10 =	vcvt.s32.f32 v14  }
0x300: {  	v12 =	vcvt.f32.s32 v12;
	v14 =	vmul.f32 $2.880000000e+02, v22;
	v13 =	vadd.s32 $0x5, v4;
	v4 =	vmovc v30;
	v18 =	vld.idx.msk [tilespmem:v15+s22+$0x0], $0xffff  }
0x301: {  	v22 =	vadd.s32 $0x1, v20;
	v15 =	vcvt.s32.f32 v21;
	v19 =	vtrunc.f32 v25;
	v17 =	vld.idx.msk [tilespmem:v16+s22+$0x0], $0xffff  }
0x302: {  	v21 =	vadd.s32 $0x2, v20;
	v12 =	vcvt.s32.f32 v12;
	v14 =	vtrunc.f32 v14  }
.Ltmp5:
0x303: {  	s1 =	sadd.s32 $0x30, s30;
	v16 =	vadd.s32 $0x1, v1;
	v19 =	vcvt.f32.s32 v19;
	v14 =	vcvt.f32.s32 v14;
	[tilespmem:v24+s2+$0x0] =	vst.idx.msk $0xffff, v15;
	(pc) =	sbr.rel @p0 .LBB2_12-.Ltmp5, $4  }
0x304: {  	v15 =	vadd.s32 $0x2, v1;
	v1 =	vmov v23;
	[tilespmem:v9+s2+$0x0] =	vst.idx.msk $0xffff, v12;
	v12 =	vor.u32 s1, v0  }
0x305: {  	v19 =	vcvt.s32.f32 v19;
	[tilespmem:v9+s23+$0x0] =	vst.idx.msk $0xffff, v10;
	v25 =	vmul.u32 $0x3, v12;
	v10 =	vcvt.s32.f32 v14  }
0x306: {  	v20 =	vadd.s32 $0x1, v7;
	v14 =	vmul.u32 $0xC, v12;
	v9 =	vadd.s32 $0x5, v2;
	v2 =	vmovc v26;
	v22 =	vld.idx.msk [tilespmem:v22+s22+$0x0], $0xffff;
	[tilespmem:v24+s23+$0x0] =	vst.idx.msk $0xffff, v27  }
0x307: {  	s30 =	sadd.s32 $0x80, s30;
	v12 =	vadd.s32 $0x5, v28;
	v23 =	vld.idx.msk [tilespmem:v21+s22+$0x0], $0xffff;
	[tilespmem:v13+s2+$0x0] =	vst.idx.msk $0xffff, v10;
	v21 =	vadd.s32 $0x2, v7;
	v10 =	vadd.s32 $0x5, v11;
	v7 =	vmovc v25  }
0x308: {  	_ = 	snop  }
0x309: {  	v11 =	vmul.f32 $2.880000000e+02, v18  }
0x30a: {  	v17 =	vtrunc.f32 v17  }
0x30b: {  	v6 =	vadd.s32 $0x5, v6;
	v11 =	vtrunc.f32 v11;
	v18 =	vmul.f32 $2.880000000e+02, v22  }
0x30c: {  	v17 =	vcvt.f32.s32 v17;
	v11 =	vcvt.f32.s32 v11  }
0x30d: {  	v22 =	vtrunc.f32 v23;
	v23 =	vadd.s32 $0x1, v8;
	v18 =	vtrunc.f32 v18  }
0x30e: {  	v8 =	vadd.s32 $0x2, v8;
	v11 =	vcvt.s32.f32 v11;
	v18 =	vcvt.f32.s32 v18  }
0x30f: {  	v24 =	vadd.s32 $0x1, v5;
	v17 =	vcvt.s32.f32 v17;
	v22 =	vcvt.f32.s32 v22  }
0x310: {  	[tilespmem:v6+s2+$0x0] =	vst.idx.msk $0xffff, v11;
	v18 =	vcvt.s32.f32 v18  }
0x311: {  	v5 =	vadd.s32 $0x2, v5;
	[tilespmem:v6+s23+$0x0] =	vst.idx.msk $0xffff, v17;
	v6 =	vcvt.s32.f32 v22  }
0x312: {  	v11 =	vld.idx.msk [tilespmem:v23+s22+$0x0], $0xffff;
	[tilespmem:v12+s2+$0x0] =	vst.idx.msk $0xffff, v18  }
0x313: {  	v8 =	vld.idx.msk [tilespmem:v8+s22+$0x0], $0xffff;
	[tilespmem:v12+s23+$0x0] =	vst.idx.msk $0xffff, v6  }
0x314: {  	v6 =	vld.idx.msk [tilespmem:v24+s22+$0x0], $0xffff;
	_ =	sdelay $0x1  }
0x315: {  	v5 =	vld.idx.msk [tilespmem:v5+s22+$0x0], $0xffff  }
0x316: {  	v11 =	vmul.f32 $2.880000000e+02, v11  }
0x317: {  	v8 =	vtrunc.f32 v8  }
0x318: {  	[tilespmem:v13+s23+$0x0] =	vst.idx.msk $0xffff, v19;
	v3 =	vadd.s32 $0x5, v3;
	v11 =	vtrunc.f32 v11;
	v6 =	vmul.f32 $2.880000000e+02, v6  }
0x319: {  	v4 =	vadd.s32 $0x5, v4;
	v13 =	vld.idx.msk [tilespmem:v20+s22+$0x0], $0xffff;
	v8 =	vcvt.f32.s32 v8;
	v11 =	vcvt.f32.s32 v11  }
0x31a: {  	v18 =	vadd.s32 $0x1, v1;
	v12 =	vld.idx.msk [tilespmem:v16+s22+$0x0], $0xffff;
	v5 =	vtrunc.f32 v5;
	v6 =	vtrunc.f32 v6  }
0x31b: {  	v1 =	vadd.s32 $0x2, v1;
	v16 =	vld.idx.msk [tilespmem:v21+s22+$0x0], $0xffff;
	v11 =	vcvt.s32.f32 v11;
	v6 =	vcvt.f32.s32 v6  }
0x31c: {  	v17 =	vadd.s32 $0x1, v7;
	v8 =	vcvt.s32.f32 v8;
	v5 =	vcvt.f32.s32 v5  }
0x31d: {  	[tilespmem:v3+s2+$0x0] =	vst.idx.msk $0xffff, v11;
	v6 =	vcvt.s32.f32 v6  }
0x31e: {  	v5 =	vcvt.s32.f32 v5;
	v11 =	vld.idx.msk [tilespmem:v15+s22+$0x0], $0xffff;
	[tilespmem:v3+s23+$0x0] =	vst.idx.msk $0xffff, v8  }
0x31f: {  	v12 =	vmul.f32 $2.880000000e+02, v12;
	v8 =	vld.idx.msk [tilespmem:v18+s22+$0x0], $0xffff;
	[tilespmem:v4+s2+$0x0] =	vst.idx.msk $0xffff, v6  }
0x320: {  	v1 =	vld.idx.msk [tilespmem:v1+s22+$0x0], $0xffff;
	v6 =	vmul.f32 $2.880000000e+02, v13;
	v13 =	vtrunc.f32 v16;
	[tilespmem:v4+s23+$0x0] =	vst.idx.msk $0xffff, v5  }
0x321: {  	v7 =	vadd.s32 $0x2, v7;
	v4 =	vcvt.f32.s32 v13;
	v3 =	vld.idx.msk [tilespmem:v17+s22+$0x0], $0xffff  }
0x322: {  	v5 =	vtrunc.f32 v6;
	v6 =	vtrunc.f32 v12  }
0x323: {  	v11 =	vtrunc.f32 v11;
	v5 =	vcvt.f32.s32 v5  }
0x324: {  	v4 =	vcvt.s32.f32 v4;
	v6 =	vcvt.f32.s32 v6  }
0x325: {  	v11 =	vcvt.f32.s32 v11;
	v8 =	vmul.f32 $2.880000000e+02, v8  }
0x326: {  	v7 =	vld.idx.msk [tilespmem:v7+s22+$0x0], $0xffff;
	v1 =	vtrunc.f32 v1;
	v3 =	vmul.f32 $2.880000000e+02, v3  }
0x327: {  	v5 =	vcvt.s32.f32 v5;
	v6 =	vcvt.s32.f32 v6  }
0x328: {  	v12 =	vadd.s32 $0x5, v14;
	v11 =	vcvt.s32.f32 v11;
	v3 =	vtrunc.f32 v3  }
0x329: {  	v2 =	vadd.s32 $0x5, v2;
	[tilespmem:v10+s2+$0x0] =	vst.idx.msk $0xffff, v5;
	v5 =	vtrunc.f32 v8;
	v3 =	vcvt.f32.s32 v3  }
0x32a: {  	v1 =	vcvt.f32.s32 v1;
	[tilespmem:v9+s2+$0x0] =	vst.idx.msk $0xffff, v6;
	v5 =	vcvt.f32.s32 v5  }
0x32b: {  	v7 =	vtrunc.f32 v7;
	[tilespmem:v10+s23+$0x0] =	vst.idx.msk $0xffff, v4;
	v3 =	vcvt.s32.f32 v3  }
0x32c: {  	s1 =	simm.s32 $0x0;
	v6 =	vcvt.f32.s32 v7;
	[tilespmem:v9+s23+$0x0] =	vst.idx.msk $0xffff, v11;
	v4 =	vcvt.s32.f32 v5  }
0x32d: {  	v1 =	vcvt.s32.f32 v1;
	[tilespmem:v12+s2+$0x0] =	vst.idx.msk $0xffff, v3;
	v3 =	vor.u32 s1, v0  }
0x32e: {  	v5 =	vcvt.s32.f32 v6;
	[tilespmem:v2+s2+$0x0] =	vst.idx.msk $0xffff, v4;
	v4 =	vmul.u32 $0x3, v3  }
0x32f: {  	[tilespmem:v2+s23+$0x0] =	vst.idx.msk $0xffff, v1  }
0x330: {  	s31 =	simm.s32 $0x40;
	[tilespmem:v12+s23+$0x0] =	vst.idx.msk $0xffff, v5;
	v1 =	vadd.s32 $0x1, v4  }
0x331: {  	v2 =	vor.u32 s31, v0;
	_ =	swait.ge [sflag:s21], $0x1800  }
0x332: {  	v5 =	vmul.u32 $0x3, v2;
	[sflag:s21] =	ssyncset.done $0x0  }
0x333: {  	v4 =	vadd.s32 $0x2, v4;
	[sflag:s21] =	ssyncadd.s32 $0xFFFFE800  }
0x334: {  	v6 =	vadd.s32 $0x1, v5;
	[tilespmem:s22], [sflag:$0x2] =	stream.strided.gather [hbm4b:s10+s18], $0x1800, s19, s18, $0x38;
	[tilespmem:$0xF000] =	vst v63  }
0x335: {  	v1 =	vld.idx.msk [tilespmem:v1+s20+$0x0], $0xffff;
	_ =	sdelay $0x1  }
0x336: {  	s29 =	simm.s32 $0x80;
	s31 =	simm.s32 $0x10;
	v5 =	vadd.s32 $0x2, v5  }
0x337: {  	v16 =	vor.u32 s29, v0;
	v7 =	vor.u32 s31, v0;
	s31 =	simm.s32 $0x50;
	v4 =	vld.idx.msk [tilespmem:v4+s20+$0x0], $0xffff  }
0x338: {  	v8 =	vmul.u32 $0xC, v7;
	v9 =	vor.u32 s31, v0;
	v3 =	vmul.u32 $0xC, v3;
	v6 =	vld.idx.msk [tilespmem:v6+s20+$0x0], $0xffff  }
0x339: {  	v7 =	vmul.u32 $0x3, v7;
	v2 =	vmul.u32 $0xC, v2;
	s31 =	simm.s32 $0x20;
	v1 =	vmul.f32 $2.880000000e+02, v1  }
0x33a: {  	v10 =	vmul.u32 $0x3, v9;
	v11 =	vor.u32 s31, v0;
	v9 =	vmul.u32 $0xC, v9  }
0x33b: {  	v3 =	vadd.s32 $0x6, v3;
	v12 =	vmul.u32 $0x3, v11;
	v5 =	vld.idx.msk [tilespmem:v5+s20+$0x0], $0xffff;
	v1 =	vtrunc.f32 v1  }
0x33c: {  	s31 =	simm.s32 $0x60;
	v13 =	vadd.s32 $0x1, v7;
	v4 =	vtrunc.f32 v4;
	v1 =	vcvt.f32.s32 v1  }
0x33d: {  	v14 =	vor.u32 s31, v0;
	v6 =	vmul.f32 $2.880000000e+02, v6;
	v4 =	vcvt.f32.s32 v4  }
0x33e: {  	v2 =	vadd.s32 $0x6, v2;
	v7 =	vadd.s32 $0x2, v7;
	v1 =	vcvt.s32.f32 v1  }
0x33f: {  	v11 =	vmul.u32 $0xC, v11;
	v6 =	vtrunc.f32 v6;
	v4 =	vcvt.s32.f32 v4  }
0x340: {  	v8 =	vadd.s32 $0x6, v8;
	v5 =	vtrunc.f32 v5;
	[tilespmem:v3+s2+$0x0] =	vst.idx.msk $0xffff, v1;
	v1 =	vcvt.f32.s32 v6  }
0x341: {  	v15 =	vmul.u32 $0x3, v14;
	v5 =	vcvt.f32.s32 v5;
	[tilespmem:v3+s23+$0x0] =	vst.idx.msk $0xffff, v4;
	v3 =	vadd.s32 $0x1, v10  }
0x342: {  	s31 =	simm.s32 $0x30;
	v18 =	vadd.s32 $0x1, v12;
	v6 =	vadd.s32 $0x2, v10;
	v1 =	vcvt.s32.f32 v1  }
0x343: {  	v12 =	vadd.s32 $0x2, v12;
	v5 =	vcvt.s32.f32 v5;
	v10 =	vor.u32 s31, v0;
	v4 =	vld.idx.msk [tilespmem:v13+s20+$0x0], $0xffff  }
0x344: {  	v11 =	vadd.s32 $0x6, v11;
	s31 =	simm.s32 $0x70;
	v13 =	vmul.u32 $0xC, v14;
	v14 =	vmul.u32 $0x3, v10;
	[tilespmem:v2+s2+$0x0] =	vst.idx.msk $0xffff, v1  }
0x345: {  	v10 =	vmul.u32 $0xC, v10;
	v7 =	vld.idx.msk [tilespmem:v7+s20+$0x0], $0xffff;
	v1 =	vor.u32 s31, v0;
	s31 =	simm.s32 $0xC0;
	[tilespmem:v2+s23+$0x0] =	vst.idx.msk $0xffff, v5;
	v2 =	vmul.u32 $0x3, v16  }
0x346: {  	v21 =	vmul.u32 $0x3, v1;
	v60 =	vmul.u32 $0xC, v1;
	v5 =	vor.u32 s31, v0;
	v3 =	vld.idx.msk [tilespmem:v3+s20+$0x0], $0xffff  }
0x347: {  	v1 =	vadd.s32 $0x6, v9;
	v9 =	vld.idx.msk [tilespmem:v6+s20+$0x0], $0xffff;
	v6 =	vmul.u32 $0x3, v5;
	v17 =	vadd.s32 $0x1, v2  }
0x348: {  	v13 =	vadd.s32 $0x6, v13;
	s31 =	simm.s32 $0x90;
	v4 =	vmul.f32 $2.880000000e+02, v4;
	v2 =	vadd.s32 $0x2, v2  }
0x349: {  	v16 =	vmul.u32 $0xC, v16;
	v22 =	vor.u32 s31, v0;
	v19 =	vadd.s32 $0x2, v6  }
0x34a: {  	s31 =	simm.s32 $0xD0;
	v25 =	vmul.u32 $0xC, v5;
	v7 =	vtrunc.f32 v7;
	v4 =	vtrunc.f32 v4  }
0x34b: {  	v23 =	vor.u32 s31, v0;
	v20 =	vadd.s32 $0x1, v6;
	v4 =	vcvt.f32.s32 v4  }
0x34c: {  	v16 =	vadd.s32 $0x6, v16;
	v7 =	vcvt.f32.s32 v7;
	v3 =	vmul.f32 $2.880000000e+02, v3;
	v17 =	vld.idx.msk [tilespmem:v17+s20+$0x0], $0xffff  }
0x34d: {  	v6 =	vmul.u32 $0xC, v22;
	v22 =	vmul.u32 $0x3, v22;
	v4 =	vcvt.s32.f32 v4;
	v2 =	vld.idx.msk [tilespmem:v2+s20+$0x0], $0xffff  }
0x34e: {  	v26 =	vmul.u32 $0x3, v23;
	v7 =	vcvt.s32.f32 v7;
	v3 =	vtrunc.f32 v3;
	v19 =	vld.idx.msk [tilespmem:v19+s20+$0x0], $0xffff  }
0x34f: {  	s31 =	simm.s32 $0xA0;
	v27 =	vmul.u32 $0xC, v23;
	v9 =	vtrunc.f32 v9;
	v3 =	vcvt.f32.s32 v3;
	[tilespmem:v8+s2+$0x0] =	vst.idx.msk $0xffff, v4  }
0x350: {  	v61 =	vadd.s32 $0x2, v26;
	v9 =	vcvt.f32.s32 v9;
	v4 =	vor.u32 s31, v0;
	[tilespmem:v8+s23+$0x0] =	vst.idx.msk $0xffff, v7;
	v7 =	vld.idx.msk [tilespmem:v20+s20+$0x0], $0xffff  }
0x351: {  	s31 =	simm.s32 $0xE0;
	v20 =	vcvt.s32.f32 v3;
	v18 =	vld.idx.msk [tilespmem:v18+s20+$0x0], $0xffff;
	v3 =	vmul.f32 $2.880000000e+02, v17;
	v17 =	vadd.s32 $0x1, v15  }
0x352: {  	v9 =	vcvt.s32.f32 v9;
	v8 =	vmul.u32 $0x3, v4;
	v23 =	vor.u32 s31, v0;
	v12 =	vld.idx.msk [tilespmem:v12+s20+$0x0], $0xffff  }
0x353: {  	v5 =	vmul.u32 $0x3, v23;
	v2 =	vtrunc.f32 v2;
	v19 =	vtrunc.f32 v19  }
0x354: {  	s31 =	simm.s32 $0xB0;
	v15 =	vadd.s32 $0x2, v15;
	[tilespmem:v1+s2+$0x0] =	vst.idx.msk $0xffff, v20;
	v2 =	vcvt.f32.s32 v2;
	v28 =	vtrunc.f32 v3  }
0x355: {  	v29 =	vor.u32 s31, v0;
	[tilespmem:v1+s23+$0x0] =	vst.idx.msk $0xffff, v9;
	v19 =	vcvt.f32.s32 v19;
	v7 =	vmul.f32 $2.880000000e+02, v7  }
0x356: {  	v3 =	vmul.u32 $0xC, v4;
	v9 =	vcvt.f32.s32 v28;
	v2 =	vcvt.s32.f32 v2;
	v17 =	vld.idx.msk [tilespmem:v17+s20+$0x0], $0xffff  }
0x357: {  	v4 =	vmul.u32 $0xC, v23;
	v18 =	vmul.f32 $2.880000000e+02, v18;
	v12 =	vtrunc.f32 v12  }
0x358: {  	v23 =	vadd.s32 $0x6, v25;
	v9 =	vcvt.s32.f32 v9;
	v7 =	vtrunc.f32 v7  }
0x359: {  	v20 =	vadd.s32 $0x1, v22;
	v15 =	vld.idx.msk [tilespmem:v15+s20+$0x0], $0xffff;
	v18 =	vtrunc.f32 v18;
	v7 =	vcvt.f32.s32 v7  }
0x35a: {  	v22 =	vadd.s32 $0x2, v22;
	v12 =	vcvt.f32.s32 v12;
	v18 =	vcvt.f32.s32 v18  }
0x35b: {  	[tilespmem:v16+s2+$0x0] =	vst.idx.msk $0xffff, v9;
	v9 =	vadd.s32 $0x1, v26;
	v7 =	vcvt.s32.f32 v7;
	v17 =	vmul.f32 $2.880000000e+02, v17  }
0x35c: {  	v1 =	vmul.u32 $0x3, v29;
	v19 =	vcvt.s32.f32 v19;
	[tilespmem:v16+s23+$0x0] =	vst.idx.msk $0xffff, v2;
	v18 =	vcvt.s32.f32 v18  }
0x35d: {  	v12 =	vcvt.s32.f32 v12;
	v2 =	vmul.u32 $0xC, v29;
	[tilespmem:v23+s2+$0x0] =	vst.idx.msk $0xffff, v7;
	v16 =	vtrunc.f32 v17  }
0x35e: {  	s31 =	simm.s32 $0xF0;
	v15 =	vtrunc.f32 v15;
	[tilespmem:v11+s2+$0x0] =	vst.idx.msk $0xffff, v18;
	v18 =	vld.idx.msk [tilespmem:v20+s20+$0x0], $0xffff;
	v62 =	vcvt.f32.s32 v16;
	v16 =	vadd.s32 $0x1, v14  }
0x35f: {  	v63 =	vcvt.f32.s32 v15;
	v20 =	vor.u32 s31, v0;
	v15 =	vadd.s32 $0x2, v14;
	[tilespmem:v23+s23+$0x0] =	vst.idx.msk $0xffff, v19;
	v17 =	vld.idx.msk [tilespmem:v22+s20+$0x0], $0xffff  }
0x360: {  	v7 =	vmul.u32 $0x3, v20;
	v22 =	vld.idx.msk [tilespmem:v9+s20+$0x0], $0xffff;
	v9 =	vadd.s32 $0x6, v10;
	v26 =	vcvt.s32.f32 v62  }
0x361: {  	[tilespmem:v11+s23+$0x0] =	vst.idx.msk $0xffff, v12;
	v12 =	vadd.s32 $0x6, v27;
	v14 =	vmul.u32 $0xC, v20;
	v20 =	vadd.s32 $0x1, v21  }
0x362: {  	s30 =	simm.s32 $0x140;
	s29 =	simm.s32 $0x2;
	v23 =	vld.idx.msk [tilespmem:v61+s20+$0x0], $0xffff;
	v10 =	vadd.s32 $0x6, v60;
	v19 =	vcvt.s32.f32 v63;
	v21 =	vadd.s32 $0x2, v21;
	[tilespmem:v13+s2+$0x0] =	vst.idx.msk $0xffff, v26  }
.LBB2_14:
0x363: {  	s1 =	sadd.s32 $0xFFFFFFC0, s30;
	s31 =	sadd.s32 $0xFFFFFFD0, s30;
	s29 =	sadd.s32 $0x2, s29;
	v24 =	vadd.s32 $0x6, v6;
	v25 =	vadd.s32 $0x1, v8;
	v26 =	vadd.s32 $0x2, v8;
	v8 =	vld.idx.msk [tilespmem:v16+s20+$0x0], $0xffff;
	v11 =	vmovc v14  }
0x364: {  	v18 =	vmul.f32 $2.880000000e+02, v18;
	v14 =	vor.u32 s1, v0;
	v16 =	vor.u32 s31, v0;
	s1 =	sadd.s32 $0x10, s30;
	p0 =	slt.u32 s29, $0x1E;
	v15 =	vld.idx.msk [tilespmem:v15+s20+$0x0], $0xffff  }
0x365: {  	v27 =	vmul.u32 $0x3, v14;
	v6 =	vmul.u32 $0xC, v16;
	v28 =	vor.u32 s1, v0;
	[tilespmem:v13+s23+$0x0] =	vst.idx.msk $0xffff, v19  }
0x366: {  	v17 =	vtrunc.f32 v17;
	v13 =	vor.u32 s30, v0;
	v18 =	vtrunc.f32 v18;
	v19 =	vld.idx.msk [tilespmem:v20+s20+$0x0], $0xffff  }
0x367: {  	v29 =	vmul.u32 $0x3, v13;
	v22 =	vmul.f32 $2.880000000e+02, v22;
	v20 =	vadd.s32 $0x1, v27;
	v21 =	vld.idx.msk [tilespmem:v21+s20+$0x0], $0xffff  }
0x368: {  	v17 =	vcvt.f32.s32 v17;
	v27 =	vadd.s32 $0x2, v27;
	v23 =	vtrunc.f32 v23  }
0x369: {  	v30 =	vadd.s32 $0x1, v29;
	v29 =	vadd.s32 $0x2, v29;
	v22 =	vtrunc.f32 v22  }
0x36a: {  	v14 =	vmul.u32 $0xC, v14;
	v18 =	vcvt.f32.s32 v18;
	v17 =	vcvt.s32.f32 v17  }
0x36b: {  	v16 =	vmul.u32 $0x3, v16;
	v31 =	vmul.f32 $2.880000000e+02, v8;
	v22 =	vcvt.f32.s32 v22  }
0x36c: {  	v13 =	vmul.u32 $0xC, v13;
	v8 =	vcvt.s32.f32 v18;
	v18 =	vmul.f32 $2.880000000e+02, v19  }
0x36d: {  	s1 =	sadd.s32 $0xFFFFFFE0, s30;
	v22 =	vcvt.s32.f32 v22;
	v21 =	vtrunc.f32 v21;
	v19 =	vld.idx.msk [tilespmem:v20+s20+$0x0], $0xffff;
	v20 =	vmul.u32 $0x3, v28  }
0x36e: {  	v32 =	vor.u32 s1, v0;
	v18 =	vtrunc.f32 v18;
	v21 =	vcvt.f32.s32 v21;
	v27 =	vld.idx.msk [tilespmem:v27+s20+$0x0], $0xffff;
	[tilespmem:v24+s2+$0x0] =	vst.idx.msk $0xffff, v8  }
0x36f: {  	v8 =	vmul.u32 $0x3, v32;
	v18 =	vcvt.f32.s32 v18;
	v29 =	vld.idx.msk [tilespmem:v29+s20+$0x0], $0xffff;
	[tilespmem:v24+s23+$0x0] =	vst.idx.msk $0xffff, v17;
	v17 =	vtrunc.f32 v31  }
0x370: {  	s1 =	sadd.s32 $0x20, s30;
	v23 =	vcvt.f32.s32 v23;
	v28 =	vmul.u32 $0xC, v28;
	v21 =	vcvt.s32.f32 v21;
	v24 =	vld.idx.msk [tilespmem:v30+s20+$0x0], $0xffff  }
0x371: {  	v15 =	vtrunc.f32 v15;
	v30 =	vor.u32 s1, v0;
	v17 =	vcvt.f32.s32 v17;
	v25 =	vld.idx.msk [tilespmem:v25+s20+$0x0], $0xffff  }
0x372: {  	v15 =	vcvt.f32.s32 v15;
	v18 =	vcvt.s32.f32 v18;
	v31 =	vmul.u32 $0x3, v30  }
0x373: {  	v19 =	vmul.f32 $2.880000000e+02, v19;
	v17 =	vcvt.s32.f32 v17;
	v26 =	vld.idx.msk [tilespmem:v26+s20+$0x0], $0xffff;
	[tilespmem:v12+s2+$0x0] =	vst.idx.msk $0xffff, v22;
	v22 =	vadd.s32 $0x1, v5  }
0x374: {  	v33 =	vadd.s32 $0x2, v5;
	v15 =	vcvt.s32.f32 v15;
	v27 =	vtrunc.f32 v27;
	v5 =	vmovc v31;
	[tilespmem:v10+s2+$0x0] =	vst.idx.msk $0xffff, v18  }
0x375: {  	v23 =	vcvt.s32.f32 v23;
	s1 =	sadd.s32 $0xFFFFFFF0, s30;
	v18 =	vtrunc.f32 v19;
	v19 =	vmul.u32 $0xC, v32;
	[tilespmem:v9+s2+$0x0] =	vst.idx.msk $0xffff, v17  }
0x376: {  	v30 =	vmul.u32 $0xC, v30;
	v17 =	vor.u32 s1, v0;
	v24 =	vmul.f32 $2.880000000e+02, v24;
	[tilespmem:v10+s23+$0x0] =	vst.idx.msk $0xffff, v21  }
0x377: {  	v10 =	vadd.s32 $0x6, v14;
	v14 =	vtrunc.f32 v29;
	v21 =	vmul.f32 $2.880000000e+02, v25;
	[tilespmem:v12+s23+$0x0] =	vst.idx.msk $0xffff, v23  }
0x378: {  	v12 =	vcvt.f32.s32 v18;
	v23 =	vmul.u32 $0x3, v17;
	v14 =	vcvt.f32.s32 v14;
	v22 =	vld.idx.msk [tilespmem:v22+s20+$0x0], $0xffff;
	[tilespmem:v9+s23+$0x0] =	vst.idx.msk $0xffff, v15  }
0x379: {  	v9 =	vcvt.f32.s32 v27;
	v15 =	vadd.s32 $0x1, v16;
	v18 =	vtrunc.f32 v26;
	v25 =	vld.idx.msk [tilespmem:v33+s20+$0x0], $0xffff  }
0x37a: {  	v16 =	vadd.s32 $0x2, v16;
	v12 =	vcvt.s32.f32 v12;
	v18 =	vcvt.f32.s32 v18  }
0x37b: {  	v26 =	vmul.u32 $0xC, v17;
	v17 =	vtrunc.f32 v21;
	v9 =	vcvt.s32.f32 v9  }
0x37c: {  	v21 =	vcvt.f32.s32 v17;
	[tilespmem:v10+s2+$0x0] =	vst.idx.msk $0xffff, v12;
	v12 =	vtrunc.f32 v24;
	v24 =	vadd.s32 $0x6, v3;
	v3 =	vmovc v19  }
0x37d: {  	v27 =	vcvt.s32.f32 v18;
	[tilespmem:v10+s23+$0x0] =	vst.idx.msk $0xffff, v9;
	v9 =	vadd.s32 $0x6, v13;
	v10 =	vcvt.s32.f32 v14  }
0x37e: {  	v12 =	vcvt.f32.s32 v12;
	v14 =	vmul.f32 $2.880000000e+02, v22;
	v13 =	vadd.s32 $0x6, v4;
	v4 =	vmovc v30;
	v18 =	vld.idx.msk [tilespmem:v15+s20+$0x0], $0xffff  }
0x37f: {  	v22 =	vadd.s32 $0x1, v20;
	v15 =	vcvt.s32.f32 v21;
	v19 =	vtrunc.f32 v25;
	v17 =	vld.idx.msk [tilespmem:v16+s20+$0x0], $0xffff  }
0x380: {  	v21 =	vadd.s32 $0x2, v20;
	v12 =	vcvt.s32.f32 v12;
	v14 =	vtrunc.f32 v14  }
.Ltmp6:
0x381: {  	s1 =	sadd.s32 $0x30, s30;
	v16 =	vadd.s32 $0x1, v1;
	v19 =	vcvt.f32.s32 v19;
	v14 =	vcvt.f32.s32 v14;
	[tilespmem:v24+s2+$0x0] =	vst.idx.msk $0xffff, v15;
	(pc) =	sbr.rel @p0 .LBB2_14-.Ltmp6, $4  }
0x382: {  	v15 =	vadd.s32 $0x2, v1;
	v1 =	vmov v23;
	[tilespmem:v9+s2+$0x0] =	vst.idx.msk $0xffff, v12;
	v12 =	vor.u32 s1, v0  }
0x383: {  	v19 =	vcvt.s32.f32 v19;
	[tilespmem:v9+s23+$0x0] =	vst.idx.msk $0xffff, v10;
	v25 =	vmul.u32 $0x3, v12;
	v10 =	vcvt.s32.f32 v14  }
0x384: {  	v20 =	vadd.s32 $0x1, v7;
	v14 =	vmul.u32 $0xC, v12;
	v9 =	vadd.s32 $0x6, v2;
	v2 =	vmovc v26;
	v22 =	vld.idx.msk [tilespmem:v22+s20+$0x0], $0xffff;
	[tilespmem:v24+s23+$0x0] =	vst.idx.msk $0xffff, v27  }
0x385: {  	s30 =	sadd.s32 $0x80, s30;
	v12 =	vadd.s32 $0x6, v28;
	v23 =	vld.idx.msk [tilespmem:v21+s20+$0x0], $0xffff;
	[tilespmem:v13+s2+$0x0] =	vst.idx.msk $0xffff, v10;
	v21 =	vadd.s32 $0x2, v7;
	v10 =	vadd.s32 $0x6, v11;
	v7 =	vmovc v25  }
0x386: {  	_ = 	snop  }
0x387: {  	v11 =	vmul.f32 $2.880000000e+02, v18  }
0x388: {  	v17 =	vtrunc.f32 v17  }
0x389: {  	v6 =	vadd.s32 $0x6, v6;
	v11 =	vtrunc.f32 v11;
	v18 =	vmul.f32 $2.880000000e+02, v22  }
0x38a: {  	v17 =	vcvt.f32.s32 v17;
	v11 =	vcvt.f32.s32 v11  }
0x38b: {  	v22 =	vtrunc.f32 v23;
	v23 =	vadd.s32 $0x1, v8;
	v18 =	vtrunc.f32 v18  }
0x38c: {  	v8 =	vadd.s32 $0x2, v8;
	v11 =	vcvt.s32.f32 v11;
	v18 =	vcvt.f32.s32 v18  }
0x38d: {  	v24 =	vadd.s32 $0x1, v5;
	v17 =	vcvt.s32.f32 v17;
	v22 =	vcvt.f32.s32 v22  }
0x38e: {  	[tilespmem:v6+s2+$0x0] =	vst.idx.msk $0xffff, v11;
	v18 =	vcvt.s32.f32 v18  }
0x38f: {  	v5 =	vadd.s32 $0x2, v5;
	[tilespmem:v6+s23+$0x0] =	vst.idx.msk $0xffff, v17;
	v6 =	vcvt.s32.f32 v22  }
0x390: {  	v11 =	vld.idx.msk [tilespmem:v23+s20+$0x0], $0xffff;
	[tilespmem:v12+s2+$0x0] =	vst.idx.msk $0xffff, v18  }
0x391: {  	v8 =	vld.idx.msk [tilespmem:v8+s20+$0x0], $0xffff;
	[tilespmem:v12+s23+$0x0] =	vst.idx.msk $0xffff, v6  }
0x392: {  	v6 =	vld.idx.msk [tilespmem:v24+s20+$0x0], $0xffff;
	_ =	sdelay $0x1  }
0x393: {  	v5 =	vld.idx.msk [tilespmem:v5+s20+$0x0], $0xffff  }
0x394: {  	v11 =	vmul.f32 $2.880000000e+02, v11  }
0x395: {  	v8 =	vtrunc.f32 v8  }
0x396: {  	[tilespmem:v13+s23+$0x0] =	vst.idx.msk $0xffff, v19;
	v3 =	vadd.s32 $0x6, v3;
	v11 =	vtrunc.f32 v11;
	v6 =	vmul.f32 $2.880000000e+02, v6  }
0x397: {  	v4 =	vadd.s32 $0x6, v4;
	v13 =	vld.idx.msk [tilespmem:v20+s20+$0x0], $0xffff;
	v8 =	vcvt.f32.s32 v8;
	v11 =	vcvt.f32.s32 v11  }
0x398: {  	v18 =	vadd.s32 $0x1, v1;
	v12 =	vld.idx.msk [tilespmem:v16+s20+$0x0], $0xffff;
	v5 =	vtrunc.f32 v5;
	v6 =	vtrunc.f32 v6  }
0x399: {  	v1 =	vadd.s32 $0x2, v1;
	v16 =	vld.idx.msk [tilespmem:v21+s20+$0x0], $0xffff;
	v11 =	vcvt.s32.f32 v11;
	v6 =	vcvt.f32.s32 v6  }
0x39a: {  	v17 =	vadd.s32 $0x1, v7;
	v8 =	vcvt.s32.f32 v8;
	v5 =	vcvt.f32.s32 v5  }
0x39b: {  	[tilespmem:v3+s2+$0x0] =	vst.idx.msk $0xffff, v11;
	v6 =	vcvt.s32.f32 v6  }
0x39c: {  	v5 =	vcvt.s32.f32 v5;
	v11 =	vld.idx.msk [tilespmem:v15+s20+$0x0], $0xffff;
	[tilespmem:v3+s23+$0x0] =	vst.idx.msk $0xffff, v8  }
0x39d: {  	v12 =	vmul.f32 $2.880000000e+02, v12;
	v8 =	vld.idx.msk [tilespmem:v18+s20+$0x0], $0xffff;
	[tilespmem:v4+s2+$0x0] =	vst.idx.msk $0xffff, v6  }
0x39e: {  	v1 =	vld.idx.msk [tilespmem:v1+s20+$0x0], $0xffff;
	v6 =	vmul.f32 $2.880000000e+02, v13;
	v13 =	vtrunc.f32 v16;
	[tilespmem:v4+s23+$0x0] =	vst.idx.msk $0xffff, v5  }
0x39f: {  	v7 =	vadd.s32 $0x2, v7;
	v4 =	vcvt.f32.s32 v13;
	v3 =	vld.idx.msk [tilespmem:v17+s20+$0x0], $0xffff  }
0x3a0: {  	v5 =	vtrunc.f32 v6;
	v6 =	vtrunc.f32 v12  }
0x3a1: {  	v11 =	vtrunc.f32 v11;
	v5 =	vcvt.f32.s32 v5  }
0x3a2: {  	v4 =	vcvt.s32.f32 v4;
	v6 =	vcvt.f32.s32 v6  }
0x3a3: {  	v11 =	vcvt.f32.s32 v11;
	v8 =	vmul.f32 $2.880000000e+02, v8  }
0x3a4: {  	v7 =	vld.idx.msk [tilespmem:v7+s20+$0x0], $0xffff;
	v1 =	vtrunc.f32 v1;
	v3 =	vmul.f32 $2.880000000e+02, v3  }
0x3a5: {  	v5 =	vcvt.s32.f32 v5;
	v6 =	vcvt.s32.f32 v6  }
0x3a6: {  	v12 =	vadd.s32 $0x6, v14;
	v11 =	vcvt.s32.f32 v11;
	v3 =	vtrunc.f32 v3  }
0x3a7: {  	v2 =	vadd.s32 $0x6, v2;
	[tilespmem:v10+s2+$0x0] =	vst.idx.msk $0xffff, v5;
	v5 =	vtrunc.f32 v8;
	v3 =	vcvt.f32.s32 v3  }
0x3a8: {  	v1 =	vcvt.f32.s32 v1;
	[tilespmem:v9+s2+$0x0] =	vst.idx.msk $0xffff, v6;
	v5 =	vcvt.f32.s32 v5  }
0x3a9: {  	v7 =	vtrunc.f32 v7;
	[tilespmem:v10+s23+$0x0] =	vst.idx.msk $0xffff, v4;
	v3 =	vcvt.s32.f32 v3  }
0x3aa: {  	s1 =	simm.s32 $0x0;
	v6 =	vcvt.f32.s32 v7;
	[tilespmem:v9+s23+$0x0] =	vst.idx.msk $0xffff, v11;
	v4 =	vcvt.s32.f32 v5  }
0x3ab: {  	v1 =	vcvt.s32.f32 v1;
	[tilespmem:v12+s2+$0x0] =	vst.idx.msk $0xffff, v3;
	v3 =	vor.u32 s1, v0  }
0x3ac: {  	v5 =	vcvt.s32.f32 v6;
	[tilespmem:v2+s2+$0x0] =	vst.idx.msk $0xffff, v4;
	v4 =	vmul.u32 $0x3, v3  }
0x3ad: {  	[tilespmem:v2+s23+$0x0] =	vst.idx.msk $0xffff, v1  }
0x3ae: {  	s31 =	simm.s32 $0x40;
	[tilespmem:v12+s23+$0x0] =	vst.idx.msk $0xffff, v5;
	v1 =	vadd.s32 $0x1, v4  }
0x3af: {  	v2 =	vor.u32 s31, v0;
	_ =	swait.ge [sflag:s24], $0x1800  }
0x3b0: {  	v5 =	vmul.u32 $0x3, v2;
	[sflag:s24] =	ssyncset.done $0x0  }
0x3b1: {  	v4 =	vadd.s32 $0x2, v4;
	[sflag:s24] =	ssyncadd.s32 $0xFFFFE800  }
0x3b2: {  	v6 =	vadd.s32 $0x1, v5;
	[tilespmem:s20], [sflag:$0x1] =	stream.strided.gather [hbm4b:s11+s18], $0x1800, s19, s18, $0x38;
	[tilespmem:$0xF000] =	vst v63  }
0x3b3: {  	v1 =	vld.idx.msk [tilespmem:v1+s22+$0x0], $0xffff;
	_ =	sdelay $0x1  }
0x3b4: {  	s29 =	simm.s32 $0x80;
	s31 =	simm.s32 $0x10;
	v5 =	vadd.s32 $0x2, v5  }
0x3b5: {  	v16 =	vor.u32 s29, v0;
	v7 =	vor.u32 s31, v0;
	s31 =	simm.s32 $0x50;
	v4 =	vld.idx.msk [tilespmem:v4+s22+$0x0], $0xffff  }
0x3b6: {  	v8 =	vmul.u32 $0xC, v7;
	v9 =	vor.u32 s31, v0;
	v3 =	vmul.u32 $0xC, v3;
	v6 =	vld.idx.msk [tilespmem:v6+s22+$0x0], $0xffff  }
0x3b7: {  	v7 =	vmul.u32 $0x3, v7;
	v2 =	vmul.u32 $0xC, v2;
	s31 =	simm.s32 $0x20;
	v1 =	vmul.f32 $2.880000000e+02, v1  }
0x3b8: {  	v10 =	vmul.u32 $0x3, v9;
	v11 =	vor.u32 s31, v0;
	v9 =	vmul.u32 $0xC, v9  }
0x3b9: {  	v3 =	vadd.s32 $0x7, v3;
	v12 =	vmul.u32 $0x3, v11;
	v5 =	vld.idx.msk [tilespmem:v5+s22+$0x0], $0xffff;
	v1 =	vtrunc.f32 v1  }
0x3ba: {  	s31 =	simm.s32 $0x60;
	v13 =	vadd.s32 $0x1, v7;
	v4 =	vtrunc.f32 v4;
	v1 =	vcvt.f32.s32 v1  }
0x3bb: {  	v14 =	vor.u32 s31, v0;
	v6 =	vmul.f32 $2.880000000e+02, v6;
	v4 =	vcvt.f32.s32 v4  }
0x3bc: {  	v2 =	vadd.s32 $0x7, v2;
	v7 =	vadd.s32 $0x2, v7;
	v1 =	vcvt.s32.f32 v1  }
0x3bd: {  	v11 =	vmul.u32 $0xC, v11;
	v6 =	vtrunc.f32 v6;
	v4 =	vcvt.s32.f32 v4  }
0x3be: {  	v8 =	vadd.s32 $0x7, v8;
	v5 =	vtrunc.f32 v5;
	[tilespmem:v3+s2+$0x0] =	vst.idx.msk $0xffff, v1;
	v1 =	vcvt.f32.s32 v6  }
0x3bf: {  	v15 =	vmul.u32 $0x3, v14;
	v5 =	vcvt.f32.s32 v5;
	[tilespmem:v3+s23+$0x0] =	vst.idx.msk $0xffff, v4;
	v3 =	vadd.s32 $0x1, v10  }
0x3c0: {  	s31 =	simm.s32 $0x30;
	v18 =	vadd.s32 $0x1, v12;
	v6 =	vadd.s32 $0x2, v10;
	v1 =	vcvt.s32.f32 v1  }
0x3c1: {  	v12 =	vadd.s32 $0x2, v12;
	v5 =	vcvt.s32.f32 v5;
	v10 =	vor.u32 s31, v0;
	v4 =	vld.idx.msk [tilespmem:v13+s22+$0x0], $0xffff  }
0x3c2: {  	v11 =	vadd.s32 $0x7, v11;
	s31 =	simm.s32 $0x70;
	v13 =	vmul.u32 $0xC, v14;
	v14 =	vmul.u32 $0x3, v10;
	[tilespmem:v2+s2+$0x0] =	vst.idx.msk $0xffff, v1  }
0x3c3: {  	v10 =	vmul.u32 $0xC, v10;
	v7 =	vld.idx.msk [tilespmem:v7+s22+$0x0], $0xffff;
	v1 =	vor.u32 s31, v0;
	s31 =	simm.s32 $0xC0;
	[tilespmem:v2+s23+$0x0] =	vst.idx.msk $0xffff, v5;
	v2 =	vmul.u32 $0x3, v16  }
0x3c4: {  	v21 =	vmul.u32 $0x3, v1;
	v60 =	vmul.u32 $0xC, v1;
	v5 =	vor.u32 s31, v0;
	v3 =	vld.idx.msk [tilespmem:v3+s22+$0x0], $0xffff  }
0x3c5: {  	v1 =	vadd.s32 $0x7, v9;
	v9 =	vld.idx.msk [tilespmem:v6+s22+$0x0], $0xffff;
	v6 =	vmul.u32 $0x3, v5;
	v17 =	vadd.s32 $0x1, v2  }
0x3c6: {  	v13 =	vadd.s32 $0x7, v13;
	s31 =	simm.s32 $0x90;
	v4 =	vmul.f32 $2.880000000e+02, v4;
	v2 =	vadd.s32 $0x2, v2  }
0x3c7: {  	v16 =	vmul.u32 $0xC, v16;
	v22 =	vor.u32 s31, v0;
	v19 =	vadd.s32 $0x2, v6  }
0x3c8: {  	s31 =	simm.s32 $0xD0;
	v25 =	vmul.u32 $0xC, v5;
	v7 =	vtrunc.f32 v7;
	v4 =	vtrunc.f32 v4  }
0x3c9: {  	v23 =	vor.u32 s31, v0;
	v20 =	vadd.s32 $0x1, v6;
	v4 =	vcvt.f32.s32 v4  }
0x3ca: {  	v16 =	vadd.s32 $0x7, v16;
	v7 =	vcvt.f32.s32 v7;
	v3 =	vmul.f32 $2.880000000e+02, v3;
	v17 =	vld.idx.msk [tilespmem:v17+s22+$0x0], $0xffff  }
0x3cb: {  	v6 =	vmul.u32 $0xC, v22;
	v22 =	vmul.u32 $0x3, v22;
	v4 =	vcvt.s32.f32 v4;
	v2 =	vld.idx.msk [tilespmem:v2+s22+$0x0], $0xffff  }
0x3cc: {  	v26 =	vmul.u32 $0x3, v23;
	v7 =	vcvt.s32.f32 v7;
	v3 =	vtrunc.f32 v3;
	v19 =	vld.idx.msk [tilespmem:v19+s22+$0x0], $0xffff  }
0x3cd: {  	s31 =	simm.s32 $0xA0;
	v27 =	vmul.u32 $0xC, v23;
	v9 =	vtrunc.f32 v9;
	v3 =	vcvt.f32.s32 v3;
	[tilespmem:v8+s2+$0x0] =	vst.idx.msk $0xffff, v4  }
0x3ce: {  	v61 =	vadd.s32 $0x2, v26;
	v9 =	vcvt.f32.s32 v9;
	v4 =	vor.u32 s31, v0;
	[tilespmem:v8+s23+$0x0] =	vst.idx.msk $0xffff, v7;
	v7 =	vld.idx.msk [tilespmem:v20+s22+$0x0], $0xffff  }
0x3cf: {  	s31 =	simm.s32 $0xE0;
	v20 =	vcvt.s32.f32 v3;
	v18 =	vld.idx.msk [tilespmem:v18+s22+$0x0], $0xffff;
	v3 =	vmul.f32 $2.880000000e+02, v17;
	v17 =	vadd.s32 $0x1, v15  }
0x3d0: {  	v9 =	vcvt.s32.f32 v9;
	v8 =	vmul.u32 $0x3, v4;
	v23 =	vor.u32 s31, v0;
	v12 =	vld.idx.msk [tilespmem:v12+s22+$0x0], $0xffff  }
0x3d1: {  	v5 =	vmul.u32 $0x3, v23;
	v2 =	vtrunc.f32 v2;
	v19 =	vtrunc.f32 v19  }
0x3d2: {  	s31 =	simm.s32 $0xB0;
	v15 =	vadd.s32 $0x2, v15;
	[tilespmem:v1+s2+$0x0] =	vst.idx.msk $0xffff, v20;
	v2 =	vcvt.f32.s32 v2;
	v28 =	vtrunc.f32 v3  }
0x3d3: {  	v29 =	vor.u32 s31, v0;
	[tilespmem:v1+s23+$0x0] =	vst.idx.msk $0xffff, v9;
	v19 =	vcvt.f32.s32 v19;
	v7 =	vmul.f32 $2.880000000e+02, v7  }
0x3d4: {  	v3 =	vmul.u32 $0xC, v4;
	v9 =	vcvt.f32.s32 v28;
	v2 =	vcvt.s32.f32 v2;
	v17 =	vld.idx.msk [tilespmem:v17+s22+$0x0], $0xffff  }
0x3d5: {  	v4 =	vmul.u32 $0xC, v23;
	v18 =	vmul.f32 $2.880000000e+02, v18;
	v12 =	vtrunc.f32 v12  }
0x3d6: {  	v23 =	vadd.s32 $0x7, v25;
	v9 =	vcvt.s32.f32 v9;
	v7 =	vtrunc.f32 v7  }
0x3d7: {  	v20 =	vadd.s32 $0x1, v22;
	v15 =	vld.idx.msk [tilespmem:v15+s22+$0x0], $0xffff;
	v18 =	vtrunc.f32 v18;
	v7 =	vcvt.f32.s32 v7  }
0x3d8: {  	v22 =	vadd.s32 $0x2, v22;
	v12 =	vcvt.f32.s32 v12;
	v18 =	vcvt.f32.s32 v18  }
0x3d9: {  	[tilespmem:v16+s2+$0x0] =	vst.idx.msk $0xffff, v9;
	v9 =	vadd.s32 $0x1, v26;
	v7 =	vcvt.s32.f32 v7;
	v17 =	vmul.f32 $2.880000000e+02, v17  }
0x3da: {  	v1 =	vmul.u32 $0x3, v29;
	v19 =	vcvt.s32.f32 v19;
	[tilespmem:v16+s23+$0x0] =	vst.idx.msk $0xffff, v2;
	v18 =	vcvt.s32.f32 v18  }
0x3db: {  	v12 =	vcvt.s32.f32 v12;
	v2 =	vmul.u32 $0xC, v29;
	[tilespmem:v23+s2+$0x0] =	vst.idx.msk $0xffff, v7;
	v16 =	vtrunc.f32 v17  }
0x3dc: {  	s31 =	simm.s32 $0xF0;
	v15 =	vtrunc.f32 v15;
	[tilespmem:v11+s2+$0x0] =	vst.idx.msk $0xffff, v18;
	v18 =	vld.idx.msk [tilespmem:v20+s22+$0x0], $0xffff;
	v62 =	vcvt.f32.s32 v16;
	v16 =	vadd.s32 $0x1, v14  }
0x3dd: {  	v63 =	vcvt.f32.s32 v15;
	v20 =	vor.u32 s31, v0;
	v15 =	vadd.s32 $0x2, v14;
	[tilespmem:v23+s23+$0x0] =	vst.idx.msk $0xffff, v19;
	v17 =	vld.idx.msk [tilespmem:v22+s22+$0x0], $0xffff  }
0x3de: {  	v7 =	vmul.u32 $0x3, v20;
	v22 =	vld.idx.msk [tilespmem:v9+s22+$0x0], $0xffff;
	v9 =	vadd.s32 $0x7, v10;
	v26 =	vcvt.s32.f32 v62  }
0x3df: {  	[tilespmem:v11+s23+$0x0] =	vst.idx.msk $0xffff, v12;
	v12 =	vadd.s32 $0x7, v27;
	v14 =	vmul.u32 $0xC, v20;
	v20 =	vadd.s32 $0x1, v21  }
0x3e0: {  	s30 =	simm.s32 $0x140;
	s29 =	simm.s32 $0x2;
	v23 =	vld.idx.msk [tilespmem:v61+s22+$0x0], $0xffff;
	v10 =	vadd.s32 $0x7, v60;
	v19 =	vcvt.s32.f32 v63;
	v21 =	vadd.s32 $0x2, v21;
	[tilespmem:v13+s2+$0x0] =	vst.idx.msk $0xffff, v26  }
.LBB2_16:
0x3e1: {  	s1 =	sadd.s32 $0xFFFFFFC0, s30;
	s31 =	sadd.s32 $0xFFFFFFD0, s30;
	s29 =	sadd.s32 $0x2, s29;
	v24 =	vadd.s32 $0x7, v6;
	v25 =	vadd.s32 $0x1, v8;
	v26 =	vadd.s32 $0x2, v8;
	v8 =	vld.idx.msk [tilespmem:v16+s22+$0x0], $0xffff;
	v11 =	vmovc v14  }
0x3e2: {  	v18 =	vmul.f32 $2.880000000e+02, v18;
	v14 =	vor.u32 s1, v0;
	v16 =	vor.u32 s31, v0;
	s1 =	sadd.s32 $0x10, s30;
	p0 =	slt.u32 s29, $0x1E;
	v15 =	vld.idx.msk [tilespmem:v15+s22+$0x0], $0xffff  }
0x3e3: {  	v27 =	vmul.u32 $0x3, v14;
	v6 =	vmul.u32 $0xC, v16;
	v28 =	vor.u32 s1, v0;
	[tilespmem:v13+s23+$0x0] =	vst.idx.msk $0xffff, v19  }
0x3e4: {  	v17 =	vtrunc.f32 v17;
	v13 =	vor.u32 s30, v0;
	v18 =	vtrunc.f32 v18;
	v19 =	vld.idx.msk [tilespmem:v20+s22+$0x0], $0xffff  }
0x3e5: {  	v29 =	vmul.u32 $0x3, v13;
	v22 =	vmul.f32 $2.880000000e+02, v22;
	v20 =	vadd.s32 $0x1, v27;
	v21 =	vld.idx.msk [tilespmem:v21+s22+$0x0], $0xffff  }
0x3e6: {  	v17 =	vcvt.f32.s32 v17;
	v27 =	vadd.s32 $0x2, v27;
	v23 =	vtrunc.f32 v23  }
0x3e7: {  	v30 =	vadd.s32 $0x1, v29;
	v29 =	vadd.s32 $0x2, v29;
	v22 =	vtrunc.f32 v22  }
0x3e8: {  	v14 =	vmul.u32 $0xC, v14;
	v18 =	vcvt.f32.s32 v18;
	v17 =	vcvt.s32.f32 v17  }
0x3e9: {  	v16 =	vmul.u32 $0x3, v16;
	v31 =	vmul.f32 $2.880000000e+02, v8;
	v22 =	vcvt.f32.s32 v22  }
0x3ea: {  	v13 =	vmul.u32 $0xC, v13;
	v8 =	vcvt.s32.f32 v18;
	v18 =	vmul.f32 $2.880000000e+02, v19  }
0x3eb: {  	s1 =	sadd.s32 $0xFFFFFFE0, s30;
	v22 =	vcvt.s32.f32 v22;
	v21 =	vtrunc.f32 v21;
	v19 =	vld.idx.msk [tilespmem:v20+s22+$0x0], $0xffff;
	v20 =	vmul.u32 $0x3, v28  }
0x3ec: {  	v32 =	vor.u32 s1, v0;
	v18 =	vtrunc.f32 v18;
	v21 =	vcvt.f32.s32 v21;
	v27 =	vld.idx.msk [tilespmem:v27+s22+$0x0], $0xffff;
	[tilespmem:v24+s2+$0x0] =	vst.idx.msk $0xffff, v8  }
0x3ed: {  	v8 =	vmul.u32 $0x3, v32;
	v18 =	vcvt.f32.s32 v18;
	v29 =	vld.idx.msk [tilespmem:v29+s22+$0x0], $0xffff;
	[tilespmem:v24+s23+$0x0] =	vst.idx.msk $0xffff, v17;
	v17 =	vtrunc.f32 v31  }
0x3ee: {  	s1 =	sadd.s32 $0x20, s30;
	v23 =	vcvt.f32.s32 v23;
	v28 =	vmul.u32 $0xC, v28;
	v21 =	vcvt.s32.f32 v21;
	v24 =	vld.idx.msk [tilespmem:v30+s22+$0x0], $0xffff  }
0x3ef: {  	v15 =	vtrunc.f32 v15;
	v30 =	vor.u32 s1, v0;
	v17 =	vcvt.f32.s32 v17;
	v25 =	vld.idx.msk [tilespmem:v25+s22+$0x0], $0xffff  }
0x3f0: {  	v15 =	vcvt.f32.s32 v15;
	v18 =	vcvt.s32.f32 v18;
	v31 =	vmul.u32 $0x3, v30  }
0x3f1: {  	v19 =	vmul.f32 $2.880000000e+02, v19;
	v17 =	vcvt.s32.f32 v17;
	v26 =	vld.idx.msk [tilespmem:v26+s22+$0x0], $0xffff;
	[tilespmem:v12+s2+$0x0] =	vst.idx.msk $0xffff, v22;
	v22 =	vadd.s32 $0x1, v5  }
0x3f2: {  	v33 =	vadd.s32 $0x2, v5;
	v15 =	vcvt.s32.f32 v15;
	v27 =	vtrunc.f32 v27;
	v5 =	vmovc v31;
	[tilespmem:v10+s2+$0x0] =	vst.idx.msk $0xffff, v18  }
0x3f3: {  	v23 =	vcvt.s32.f32 v23;
	s1 =	sadd.s32 $0xFFFFFFF0, s30;
	v18 =	vtrunc.f32 v19;
	v19 =	vmul.u32 $0xC, v32;
	[tilespmem:v9+s2+$0x0] =	vst.idx.msk $0xffff, v17  }
0x3f4: {  	v30 =	vmul.u32 $0xC, v30;
	v17 =	vor.u32 s1, v0;
	v24 =	vmul.f32 $2.880000000e+02, v24;
	[tilespmem:v10+s23+$0x0] =	vst.idx.msk $0xffff, v21  }
0x3f5: {  	v10 =	vadd.s32 $0x7, v14;
	v14 =	vtrunc.f32 v29;
	v21 =	vmul.f32 $2.880000000e+02, v25;
	[tilespmem:v12+s23+$0x0] =	vst.idx.msk $0xffff, v23  }
0x3f6: {  	v12 =	vcvt.f32.s32 v18;
	v23 =	vmul.u32 $0x3, v17;
	v14 =	vcvt.f32.s32 v14;
	v22 =	vld.idx.msk [tilespmem:v22+s22+$0x0], $0xffff;
	[tilespmem:v9+s23+$0x0] =	vst.idx.msk $0xffff, v15  }
0x3f7: {  	v9 =	vcvt.f32.s32 v27;
	v15 =	vadd.s32 $0x1, v16;
	v18 =	vtrunc.f32 v26;
	v25 =	vld.idx.msk [tilespmem:v33+s22+$0x0], $0xffff  }
0x3f8: {  	v16 =	vadd.s32 $0x2, v16;
	v12 =	vcvt.s32.f32 v12;
	v18 =	vcvt.f32.s32 v18  }
0x3f9: {  	v26 =	vmul.u32 $0xC, v17;
	v17 =	vtrunc.f32 v21;
	v9 =	vcvt.s32.f32 v9  }
0x3fa: {  	v21 =	vcvt.f32.s32 v17;
	[tilespmem:v10+s2+$0x0] =	vst.idx.msk $0xffff, v12;
	v12 =	vtrunc.f32 v24;
	v24 =	vadd.s32 $0x7, v3;
	v3 =	vmovc v19  }
0x3fb: {  	v27 =	vcvt.s32.f32 v18;
	[tilespmem:v10+s23+$0x0] =	vst.idx.msk $0xffff, v9;
	v9 =	vadd.s32 $0x7, v13;
	v10 =	vcvt.s32.f32 v14  }
0x3fc: {  	v12 =	vcvt.f32.s32 v12;
	v14 =	vmul.f32 $2.880000000e+02, v22;
	v13 =	vadd.s32 $0x7, v4;
	v4 =	vmovc v30;
	v18 =	vld.idx.msk [tilespmem:v15+s22+$0x0], $0xffff  }
0x3fd: {  	v22 =	vadd.s32 $0x1, v20;
	v15 =	vcvt.s32.f32 v21;
	v19 =	vtrunc.f32 v25;
	v17 =	vld.idx.msk [tilespmem:v16+s22+$0x0], $0xffff  }
0x3fe: {  	v21 =	vadd.s32 $0x2, v20;
	v12 =	vcvt.s32.f32 v12;
	v14 =	vtrunc.f32 v14  }
.Ltmp7:
0x3ff: {  	s1 =	sadd.s32 $0x30, s30;
	v16 =	vadd.s32 $0x1, v1;
	v19 =	vcvt.f32.s32 v19;
	v14 =	vcvt.f32.s32 v14;
	[tilespmem:v24+s2+$0x0] =	vst.idx.msk $0xffff, v15;
	(pc) =	sbr.rel @p0 .LBB2_16-.Ltmp7, $4  }
0x400: {  	v15 =	vadd.s32 $0x2, v1;
	v1 =	vmov v23;
	[tilespmem:v9+s2+$0x0] =	vst.idx.msk $0xffff, v12;
	v12 =	vor.u32 s1, v0  }
0x401: {  	v19 =	vcvt.s32.f32 v19;
	[tilespmem:v9+s23+$0x0] =	vst.idx.msk $0xffff, v10;
	v25 =	vmul.u32 $0x3, v12;
	v10 =	vcvt.s32.f32 v14  }
0x402: {  	v20 =	vadd.s32 $0x1, v7;
	v14 =	vmul.u32 $0xC, v12;
	v9 =	vadd.s32 $0x7, v2;
	v2 =	vmovc v26;
	v22 =	vld.idx.msk [tilespmem:v22+s22+$0x0], $0xffff;
	[tilespmem:v24+s23+$0x0] =	vst.idx.msk $0xffff, v27  }
0x403: {  	s30 =	sadd.s32 $0x80, s30;
	v12 =	vadd.s32 $0x7, v28;
	v23 =	vld.idx.msk [tilespmem:v21+s22+$0x0], $0xffff;
	[tilespmem:v13+s2+$0x0] =	vst.idx.msk $0xffff, v10;
	v21 =	vadd.s32 $0x2, v7;
	v10 =	vadd.s32 $0x7, v11;
	v7 =	vmovc v25  }
0x404: {  	_ = 	snop  }
0x405: {  	v11 =	vmul.f32 $2.880000000e+02, v18  }
0x406: {  	v17 =	vtrunc.f32 v17  }
0x407: {  	v6 =	vadd.s32 $0x7, v6;
	v11 =	vtrunc.f32 v11;
	v18 =	vmul.f32 $2.880000000e+02, v22  }
0x408: {  	v17 =	vcvt.f32.s32 v17;
	v11 =	vcvt.f32.s32 v11  }
0x409: {  	v22 =	vtrunc.f32 v23;
	v23 =	vadd.s32 $0x1, v8;
	v18 =	vtrunc.f32 v18  }
0x40a: {  	v8 =	vadd.s32 $0x2, v8;
	v11 =	vcvt.s32.f32 v11;
	v18 =	vcvt.f32.s32 v18  }
0x40b: {  	v24 =	vadd.s32 $0x1, v5;
	v17 =	vcvt.s32.f32 v17;
	v22 =	vcvt.f32.s32 v22  }
0x40c: {  	[tilespmem:v6+s2+$0x0] =	vst.idx.msk $0xffff, v11;
	v18 =	vcvt.s32.f32 v18  }
0x40d: {  	v5 =	vadd.s32 $0x2, v5;
	[tilespmem:v6+s23+$0x0] =	vst.idx.msk $0xffff, v17;
	v6 =	vcvt.s32.f32 v22  }
0x40e: {  	v11 =	vld.idx.msk [tilespmem:v23+s22+$0x0], $0xffff;
	[tilespmem:v12+s2+$0x0] =	vst.idx.msk $0xffff, v18  }
0x40f: {  	v8 =	vld.idx.msk [tilespmem:v8+s22+$0x0], $0xffff;
	[tilespmem:v12+s23+$0x0] =	vst.idx.msk $0xffff, v6  }
0x410: {  	v6 =	vld.idx.msk [tilespmem:v24+s22+$0x0], $0xffff;
	_ =	sdelay $0x1  }
0x411: {  	v5 =	vld.idx.msk [tilespmem:v5+s22+$0x0], $0xffff  }
0x412: {  	v11 =	vmul.f32 $2.880000000e+02, v11  }
0x413: {  	v8 =	vtrunc.f32 v8  }
0x414: {  	[tilespmem:v13+s23+$0x0] =	vst.idx.msk $0xffff, v19;
	v3 =	vadd.s32 $0x7, v3;
	v11 =	vtrunc.f32 v11;
	v6 =	vmul.f32 $2.880000000e+02, v6  }
0x415: {  	v4 =	vadd.s32 $0x7, v4;
	v13 =	vld.idx.msk [tilespmem:v20+s22+$0x0], $0xffff;
	v8 =	vcvt.f32.s32 v8;
	v11 =	vcvt.f32.s32 v11  }
0x416: {  	v18 =	vadd.s32 $0x1, v1;
	v12 =	vld.idx.msk [tilespmem:v16+s22+$0x0], $0xffff;
	v5 =	vtrunc.f32 v5;
	v6 =	vtrunc.f32 v6  }
0x417: {  	v1 =	vadd.s32 $0x2, v1;
	v16 =	vld.idx.msk [tilespmem:v21+s22+$0x0], $0xffff;
	v11 =	vcvt.s32.f32 v11;
	v6 =	vcvt.f32.s32 v6  }
0x418: {  	v17 =	vadd.s32 $0x1, v7;
	v8 =	vcvt.s32.f32 v8;
	v5 =	vcvt.f32.s32 v5  }
0x419: {  	[tilespmem:v3+s2+$0x0] =	vst.idx.msk $0xffff, v11;
	v6 =	vcvt.s32.f32 v6  }
0x41a: {  	v5 =	vcvt.s32.f32 v5;
	v11 =	vld.idx.msk [tilespmem:v15+s22+$0x0], $0xffff;
	[tilespmem:v3+s23+$0x0] =	vst.idx.msk $0xffff, v8  }
0x41b: {  	v12 =	vmul.f32 $2.880000000e+02, v12;
	v8 =	vld.idx.msk [tilespmem:v18+s22+$0x0], $0xffff;
	[tilespmem:v4+s2+$0x0] =	vst.idx.msk $0xffff, v6  }
0x41c: {  	v1 =	vld.idx.msk [tilespmem:v1+s22+$0x0], $0xffff;
	v6 =	vmul.f32 $2.880000000e+02, v13;
	v13 =	vtrunc.f32 v16;
	[tilespmem:v4+s23+$0x0] =	vst.idx.msk $0xffff, v5  }
0x41d: {  	v7 =	vadd.s32 $0x2, v7;
	v4 =	vcvt.f32.s32 v13;
	v3 =	vld.idx.msk [tilespmem:v17+s22+$0x0], $0xffff  }
0x41e: {  	v5 =	vtrunc.f32 v6;
	v6 =	vtrunc.f32 v12  }
0x41f: {  	v11 =	vtrunc.f32 v11;
	v5 =	vcvt.f32.s32 v5  }
0x420: {  	v4 =	vcvt.s32.f32 v4;
	v6 =	vcvt.f32.s32 v6  }
0x421: {  	v11 =	vcvt.f32.s32 v11;
	v8 =	vmul.f32 $2.880000000e+02, v8  }
0x422: {  	v7 =	vld.idx.msk [tilespmem:v7+s22+$0x0], $0xffff;
	v1 =	vtrunc.f32 v1;
	v3 =	vmul.f32 $2.880000000e+02, v3  }
0x423: {  	v5 =	vcvt.s32.f32 v5;
	v6 =	vcvt.s32.f32 v6  }
0x424: {  	v12 =	vadd.s32 $0x7, v14;
	v11 =	vcvt.s32.f32 v11;
	v3 =	vtrunc.f32 v3  }
0x425: {  	v2 =	vadd.s32 $0x7, v2;
	[tilespmem:v10+s2+$0x0] =	vst.idx.msk $0xffff, v5;
	v5 =	vtrunc.f32 v8;
	v3 =	vcvt.f32.s32 v3  }
0x426: {  	v1 =	vcvt.f32.s32 v1;
	[tilespmem:v9+s2+$0x0] =	vst.idx.msk $0xffff, v6;
	v5 =	vcvt.f32.s32 v5  }
0x427: {  	v7 =	vtrunc.f32 v7;
	[tilespmem:v10+s23+$0x0] =	vst.idx.msk $0xffff, v4;
	v3 =	vcvt.s32.f32 v3  }
0x428: {  	s1 =	simm.s32 $0x0;
	v6 =	vcvt.f32.s32 v7;
	[tilespmem:v9+s23+$0x0] =	vst.idx.msk $0xffff, v11;
	v4 =	vcvt.s32.f32 v5  }
0x429: {  	v1 =	vcvt.s32.f32 v1;
	[tilespmem:v12+s2+$0x0] =	vst.idx.msk $0xffff, v3;
	v3 =	vor.u32 s1, v0  }
0x42a: {  	v5 =	vcvt.s32.f32 v6;
	[tilespmem:v2+s2+$0x0] =	vst.idx.msk $0xffff, v4;
	v4 =	vmul.u32 $0x3, v3  }
0x42b: {  	[tilespmem:v2+s23+$0x0] =	vst.idx.msk $0xffff, v1  }
0x42c: {  	s31 =	simm.s32 $0x40;
	[tilespmem:v12+s23+$0x0] =	vst.idx.msk $0xffff, v5;
	v1 =	vadd.s32 $0x1, v4  }
0x42d: {  	v2 =	vor.u32 s31, v0;
	_ =	swait.ge [sflag:s21], $0x1800  }
0x42e: {  	v5 =	vmul.u32 $0x3, v2;
	[sflag:s21] =	ssyncset.done $0x0  }
0x42f: {  	v4 =	vadd.s32 $0x2, v4;
	[sflag:s21] =	ssyncadd.s32 $0xFFFFE800  }
0x430: {  	v6 =	vadd.s32 $0x1, v5;
	[tilespmem:s22], [sflag:$0x2] =	stream.strided.gather [hbm4b:s12+s18], $0x1800, s19, s18, $0x38;
	[tilespmem:$0xF000] =	vst v63  }
0x431: {  	v1 =	vld.idx.msk [tilespmem:v1+s20+$0x0], $0xffff;
	_ =	sdelay $0x1  }
0x432: {  	s29 =	simm.s32 $0x80;
	s31 =	simm.s32 $0x10;
	v5 =	vadd.s32 $0x2, v5  }
0x433: {  	v16 =	vor.u32 s29, v0;
	v7 =	vor.u32 s31, v0;
	s31 =	simm.s32 $0x50;
	v4 =	vld.idx.msk [tilespmem:v4+s20+$0x0], $0xffff  }
0x434: {  	v8 =	vmul.u32 $0xC, v7;
	v9 =	vor.u32 s31, v0;
	v3 =	vmul.u32 $0xC, v3;
	v6 =	vld.idx.msk [tilespmem:v6+s20+$0x0], $0xffff  }
0x435: {  	v7 =	vmul.u32 $0x3, v7;
	v2 =	vmul.u32 $0xC, v2;
	s31 =	simm.s32 $0x20;
	v1 =	vmul.f32 $2.880000000e+02, v1  }
0x436: {  	v10 =	vmul.u32 $0x3, v9;
	v11 =	vor.u32 s31, v0;
	v9 =	vmul.u32 $0xC, v9  }
0x437: {  	v3 =	vadd.s32 $0x8, v3;
	v12 =	vmul.u32 $0x3, v11;
	v5 =	vld.idx.msk [tilespmem:v5+s20+$0x0], $0xffff;
	v1 =	vtrunc.f32 v1  }
0x438: {  	s31 =	simm.s32 $0x60;
	v13 =	vadd.s32 $0x1, v7;
	v4 =	vtrunc.f32 v4;
	v1 =	vcvt.f32.s32 v1  }
0x439: {  	v14 =	vor.u32 s31, v0;
	v6 =	vmul.f32 $2.880000000e+02, v6;
	v4 =	vcvt.f32.s32 v4  }
0x43a: {  	v2 =	vadd.s32 $0x8, v2;
	v7 =	vadd.s32 $0x2, v7;
	v1 =	vcvt.s32.f32 v1  }
0x43b: {  	v11 =	vmul.u32 $0xC, v11;
	v6 =	vtrunc.f32 v6;
	v4 =	vcvt.s32.f32 v4  }
0x43c: {  	v8 =	vadd.s32 $0x8, v8;
	v5 =	vtrunc.f32 v5;
	[tilespmem:v3+s2+$0x0] =	vst.idx.msk $0xffff, v1;
	v1 =	vcvt.f32.s32 v6  }
0x43d: {  	v15 =	vmul.u32 $0x3, v14;
	v5 =	vcvt.f32.s32 v5;
	[tilespmem:v3+s23+$0x0] =	vst.idx.msk $0xffff, v4;
	v3 =	vadd.s32 $0x1, v10  }
0x43e: {  	s31 =	simm.s32 $0x30;
	v18 =	vadd.s32 $0x1, v12;
	v6 =	vadd.s32 $0x2, v10;
	v1 =	vcvt.s32.f32 v1  }
0x43f: {  	v12 =	vadd.s32 $0x2, v12;
	v5 =	vcvt.s32.f32 v5;
	v10 =	vor.u32 s31, v0;
	v4 =	vld.idx.msk [tilespmem:v13+s20+$0x0], $0xffff  }
0x440: {  	v11 =	vadd.s32 $0x8, v11;
	s31 =	simm.s32 $0x70;
	v13 =	vmul.u32 $0xC, v14;
	v14 =	vmul.u32 $0x3, v10;
	[tilespmem:v2+s2+$0x0] =	vst.idx.msk $0xffff, v1  }
0x441: {  	v10 =	vmul.u32 $0xC, v10;
	v7 =	vld.idx.msk [tilespmem:v7+s20+$0x0], $0xffff;
	v1 =	vor.u32 s31, v0;
	s31 =	simm.s32 $0xC0;
	[tilespmem:v2+s23+$0x0] =	vst.idx.msk $0xffff, v5;
	v2 =	vmul.u32 $0x3, v16  }
0x442: {  	v21 =	vmul.u32 $0x3, v1;
	v60 =	vmul.u32 $0xC, v1;
	v5 =	vor.u32 s31, v0;
	v3 =	vld.idx.msk [tilespmem:v3+s20+$0x0], $0xffff  }
0x443: {  	v1 =	vadd.s32 $0x8, v9;
	v9 =	vld.idx.msk [tilespmem:v6+s20+$0x0], $0xffff;
	v6 =	vmul.u32 $0x3, v5;
	v17 =	vadd.s32 $0x1, v2  }
0x444: {  	v13 =	vadd.s32 $0x8, v13;
	s31 =	simm.s32 $0x90;
	v4 =	vmul.f32 $2.880000000e+02, v4;
	v2 =	vadd.s32 $0x2, v2  }
0x445: {  	v16 =	vmul.u32 $0xC, v16;
	v22 =	vor.u32 s31, v0;
	v19 =	vadd.s32 $0x2, v6  }
0x446: {  	s31 =	simm.s32 $0xD0;
	v25 =	vmul.u32 $0xC, v5;
	v7 =	vtrunc.f32 v7;
	v4 =	vtrunc.f32 v4  }
0x447: {  	v23 =	vor.u32 s31, v0;
	v20 =	vadd.s32 $0x1, v6;
	v4 =	vcvt.f32.s32 v4  }
0x448: {  	v16 =	vadd.s32 $0x8, v16;
	v7 =	vcvt.f32.s32 v7;
	v3 =	vmul.f32 $2.880000000e+02, v3;
	v17 =	vld.idx.msk [tilespmem:v17+s20+$0x0], $0xffff  }
0x449: {  	v6 =	vmul.u32 $0xC, v22;
	v22 =	vmul.u32 $0x3, v22;
	v4 =	vcvt.s32.f32 v4;
	v2 =	vld.idx.msk [tilespmem:v2+s20+$0x0], $0xffff  }
0x44a: {  	v26 =	vmul.u32 $0x3, v23;
	v7 =	vcvt.s32.f32 v7;
	v3 =	vtrunc.f32 v3;
	v19 =	vld.idx.msk [tilespmem:v19+s20+$0x0], $0xffff  }
0x44b: {  	s31 =	simm.s32 $0xA0;
	v27 =	vmul.u32 $0xC, v23;
	v9 =	vtrunc.f32 v9;
	v3 =	vcvt.f32.s32 v3;
	[tilespmem:v8+s2+$0x0] =	vst.idx.msk $0xffff, v4  }
0x44c: {  	v61 =	vadd.s32 $0x2, v26;
	v9 =	vcvt.f32.s32 v9;
	v4 =	vor.u32 s31, v0;
	[tilespmem:v8+s23+$0x0] =	vst.idx.msk $0xffff, v7;
	v7 =	vld.idx.msk [tilespmem:v20+s20+$0x0], $0xffff  }
0x44d: {  	s31 =	simm.s32 $0xE0;
	v20 =	vcvt.s32.f32 v3;
	v18 =	vld.idx.msk [tilespmem:v18+s20+$0x0], $0xffff;
	v3 =	vmul.f32 $2.880000000e+02, v17;
	v17 =	vadd.s32 $0x1, v15  }
0x44e: {  	v9 =	vcvt.s32.f32 v9;
	v8 =	vmul.u32 $0x3, v4;
	v23 =	vor.u32 s31, v0;
	v12 =	vld.idx.msk [tilespmem:v12+s20+$0x0], $0xffff  }
0x44f: {  	v5 =	vmul.u32 $0x3, v23;
	v2 =	vtrunc.f32 v2;
	v19 =	vtrunc.f32 v19  }
0x450: {  	s31 =	simm.s32 $0xB0;
	v15 =	vadd.s32 $0x2, v15;
	[tilespmem:v1+s2+$0x0] =	vst.idx.msk $0xffff, v20;
	v2 =	vcvt.f32.s32 v2;
	v28 =	vtrunc.f32 v3  }
0x451: {  	v29 =	vor.u32 s31, v0;
	[tilespmem:v1+s23+$0x0] =	vst.idx.msk $0xffff, v9;
	v19 =	vcvt.f32.s32 v19;
	v7 =	vmul.f32 $2.880000000e+02, v7  }
0x452: {  	v3 =	vmul.u32 $0xC, v4;
	v9 =	vcvt.f32.s32 v28;
	v2 =	vcvt.s32.f32 v2;
	v17 =	vld.idx.msk [tilespmem:v17+s20+$0x0], $0xffff  }
0x453: {  	v4 =	vmul.u32 $0xC, v23;
	v18 =	vmul.f32 $2.880000000e+02, v18;
	v12 =	vtrunc.f32 v12  }
0x454: {  	v23 =	vadd.s32 $0x8, v25;
	v9 =	vcvt.s32.f32 v9;
	v7 =	vtrunc.f32 v7  }
0x455: {  	v20 =	vadd.s32 $0x1, v22;
	v15 =	vld.idx.msk [tilespmem:v15+s20+$0x0], $0xffff;
	v18 =	vtrunc.f32 v18;
	v7 =	vcvt.f32.s32 v7  }
0x456: {  	v22 =	vadd.s32 $0x2, v22;
	v12 =	vcvt.f32.s32 v12;
	v18 =	vcvt.f32.s32 v18  }
0x457: {  	[tilespmem:v16+s2+$0x0] =	vst.idx.msk $0xffff, v9;
	v9 =	vadd.s32 $0x1, v26;
	v7 =	vcvt.s32.f32 v7;
	v17 =	vmul.f32 $2.880000000e+02, v17  }
0x458: {  	v1 =	vmul.u32 $0x3, v29;
	v19 =	vcvt.s32.f32 v19;
	[tilespmem:v16+s23+$0x0] =	vst.idx.msk $0xffff, v2;
	v18 =	vcvt.s32.f32 v18  }
0x459: {  	v12 =	vcvt.s32.f32 v12;
	v2 =	vmul.u32 $0xC, v29;
	[tilespmem:v23+s2+$0x0] =	vst.idx.msk $0xffff, v7;
	v16 =	vtrunc.f32 v17  }
0x45a: {  	s31 =	simm.s32 $0xF0;
	v15 =	vtrunc.f32 v15;
	[tilespmem:v11+s2+$0x0] =	vst.idx.msk $0xffff, v18;
	v18 =	vld.idx.msk [tilespmem:v20+s20+$0x0], $0xffff;
	v62 =	vcvt.f32.s32 v16;
	v16 =	vadd.s32 $0x1, v14  }
0x45b: {  	v63 =	vcvt.f32.s32 v15;
	v20 =	vor.u32 s31, v0;
	v15 =	vadd.s32 $0x2, v14;
	[tilespmem:v23+s23+$0x0] =	vst.idx.msk $0xffff, v19;
	v17 =	vld.idx.msk [tilespmem:v22+s20+$0x0], $0xffff  }
0x45c: {  	v7 =	vmul.u32 $0x3, v20;
	v22 =	vld.idx.msk [tilespmem:v9+s20+$0x0], $0xffff;
	v9 =	vadd.s32 $0x8, v10;
	v26 =	vcvt.s32.f32 v62  }
0x45d: {  	[tilespmem:v11+s23+$0x0] =	vst.idx.msk $0xffff, v12;
	v12 =	vadd.s32 $0x8, v27;
	v14 =	vmul.u32 $0xC, v20;
	v20 =	vadd.s32 $0x1, v21  }
0x45e: {  	s30 =	simm.s32 $0x140;
	s29 =	simm.s32 $0x2;
	v23 =	vld.idx.msk [tilespmem:v61+s20+$0x0], $0xffff;
	v10 =	vadd.s32 $0x8, v60;
	v19 =	vcvt.s32.f32 v63;
	v21 =	vadd.s32 $0x2, v21;
	[tilespmem:v13+s2+$0x0] =	vst.idx.msk $0xffff, v26  }
.LBB2_18:
0x45f: {  	s1 =	sadd.s32 $0xFFFFFFC0, s30;
	s31 =	sadd.s32 $0xFFFFFFD0, s30;
	s29 =	sadd.s32 $0x2, s29;
	v24 =	vadd.s32 $0x8, v6;
	v25 =	vadd.s32 $0x1, v8;
	v26 =	vadd.s32 $0x2, v8;
	v8 =	vld.idx.msk [tilespmem:v16+s20+$0x0], $0xffff;
	v11 =	vmovc v14  }
0x460: {  	v18 =	vmul.f32 $2.880000000e+02, v18;
	v14 =	vor.u32 s1, v0;
	v16 =	vor.u32 s31, v0;
	s1 =	sadd.s32 $0x10, s30;
	p0 =	slt.u32 s29, $0x1E;
	v15 =	vld.idx.msk [tilespmem:v15+s20+$0x0], $0xffff  }
0x461: {  	v27 =	vmul.u32 $0x3, v14;
	v6 =	vmul.u32 $0xC, v16;
	v28 =	vor.u32 s1, v0;
	[tilespmem:v13+s23+$0x0] =	vst.idx.msk $0xffff, v19  }
0x462: {  	v17 =	vtrunc.f32 v17;
	v13 =	vor.u32 s30, v0;
	v18 =	vtrunc.f32 v18;
	v19 =	vld.idx.msk [tilespmem:v20+s20+$0x0], $0xffff  }
0x463: {  	v29 =	vmul.u32 $0x3, v13;
	v22 =	vmul.f32 $2.880000000e+02, v22;
	v20 =	vadd.s32 $0x1, v27;
	v21 =	vld.idx.msk [tilespmem:v21+s20+$0x0], $0xffff  }
0x464: {  	v17 =	vcvt.f32.s32 v17;
	v27 =	vadd.s32 $0x2, v27;
	v23 =	vtrunc.f32 v23  }
0x465: {  	v30 =	vadd.s32 $0x1, v29;
	v29 =	vadd.s32 $0x2, v29;
	v22 =	vtrunc.f32 v22  }
0x466: {  	v14 =	vmul.u32 $0xC, v14;
	v18 =	vcvt.f32.s32 v18;
	v17 =	vcvt.s32.f32 v17  }
0x467: {  	v16 =	vmul.u32 $0x3, v16;
	v31 =	vmul.f32 $2.880000000e+02, v8;
	v22 =	vcvt.f32.s32 v22  }
0x468: {  	v13 =	vmul.u32 $0xC, v13;
	v8 =	vcvt.s32.f32 v18;
	v18 =	vmul.f32 $2.880000000e+02, v19  }
0x469: {  	s1 =	sadd.s32 $0xFFFFFFE0, s30;
	v22 =	vcvt.s32.f32 v22;
	v21 =	vtrunc.f32 v21;
	v19 =	vld.idx.msk [tilespmem:v20+s20+$0x0], $0xffff;
	v20 =	vmul.u32 $0x3, v28  }
0x46a: {  	v32 =	vor.u32 s1, v0;
	v18 =	vtrunc.f32 v18;
	v21 =	vcvt.f32.s32 v21;
	v27 =	vld.idx.msk [tilespmem:v27+s20+$0x0], $0xffff;
	[tilespmem:v24+s2+$0x0] =	vst.idx.msk $0xffff, v8  }
0x46b: {  	v8 =	vmul.u32 $0x3, v32;
	v18 =	vcvt.f32.s32 v18;
	v29 =	vld.idx.msk [tilespmem:v29+s20+$0x0], $0xffff;
	[tilespmem:v24+s23+$0x0] =	vst.idx.msk $0xffff, v17;
	v17 =	vtrunc.f32 v31  }
0x46c: {  	s1 =	sadd.s32 $0x20, s30;
	v23 =	vcvt.f32.s32 v23;
	v28 =	vmul.u32 $0xC, v28;
	v21 =	vcvt.s32.f32 v21;
	v24 =	vld.idx.msk [tilespmem:v30+s20+$0x0], $0xffff  }
0x46d: {  	v15 =	vtrunc.f32 v15;
	v30 =	vor.u32 s1, v0;
	v17 =	vcvt.f32.s32 v17;
	v25 =	vld.idx.msk [tilespmem:v25+s20+$0x0], $0xffff  }
0x46e: {  	v15 =	vcvt.f32.s32 v15;
	v18 =	vcvt.s32.f32 v18;
	v31 =	vmul.u32 $0x3, v30  }
0x46f: {  	v19 =	vmul.f32 $2.880000000e+02, v19;
	v17 =	vcvt.s32.f32 v17;
	v26 =	vld.idx.msk [tilespmem:v26+s20+$0x0], $0xffff;
	[tilespmem:v12+s2+$0x0] =	vst.idx.msk $0xffff, v22;
	v22 =	vadd.s32 $0x1, v5  }
0x470: {  	v33 =	vadd.s32 $0x2, v5;
	v15 =	vcvt.s32.f32 v15;
	v27 =	vtrunc.f32 v27;
	v5 =	vmovc v31;
	[tilespmem:v10+s2+$0x0] =	vst.idx.msk $0xffff, v18  }
0x471: {  	v23 =	vcvt.s32.f32 v23;
	s1 =	sadd.s32 $0xFFFFFFF0, s30;
	v18 =	vtrunc.f32 v19;
	v19 =	vmul.u32 $0xC, v32;
	[tilespmem:v9+s2+$0x0] =	vst.idx.msk $0xffff, v17  }
0x472: {  	v30 =	vmul.u32 $0xC, v30;
	v17 =	vor.u32 s1, v0;
	v24 =	vmul.f32 $2.880000000e+02, v24;
	[tilespmem:v10+s23+$0x0] =	vst.idx.msk $0xffff, v21  }
0x473: {  	v10 =	vadd.s32 $0x8, v14;
	v14 =	vtrunc.f32 v29;
	v21 =	vmul.f32 $2.880000000e+02, v25;
	[tilespmem:v12+s23+$0x0] =	vst.idx.msk $0xffff, v23  }
0x474: {  	v12 =	vcvt.f32.s32 v18;
	v23 =	vmul.u32 $0x3, v17;
	v14 =	vcvt.f32.s32 v14;
	v22 =	vld.idx.msk [tilespmem:v22+s20+$0x0], $0xffff;
	[tilespmem:v9+s23+$0x0] =	vst.idx.msk $0xffff, v15  }
0x475: {  	v9 =	vcvt.f32.s32 v27;
	v15 =	vadd.s32 $0x1, v16;
	v18 =	vtrunc.f32 v26;
	v25 =	vld.idx.msk [tilespmem:v33+s20+$0x0], $0xffff  }
0x476: {  	v16 =	vadd.s32 $0x2, v16;
	v12 =	vcvt.s32.f32 v12;
	v18 =	vcvt.f32.s32 v18  }
0x477: {  	v26 =	vmul.u32 $0xC, v17;
	v17 =	vtrunc.f32 v21;
	v9 =	vcvt.s32.f32 v9  }
0x478: {  	v21 =	vcvt.f32.s32 v17;
	[tilespmem:v10+s2+$0x0] =	vst.idx.msk $0xffff, v12;
	v12 =	vtrunc.f32 v24;
	v24 =	vadd.s32 $0x8, v3;
	v3 =	vmovc v19  }
0x479: {  	v27 =	vcvt.s32.f32 v18;
	[tilespmem:v10+s23+$0x0] =	vst.idx.msk $0xffff, v9;
	v9 =	vadd.s32 $0x8, v13;
	v10 =	vcvt.s32.f32 v14  }
0x47a: {  	v12 =	vcvt.f32.s32 v12;
	v14 =	vmul.f32 $2.880000000e+02, v22;
	v13 =	vadd.s32 $0x8, v4;
	v4 =	vmovc v30;
	v18 =	vld.idx.msk [tilespmem:v15+s20+$0x0], $0xffff  }
0x47b: {  	v22 =	vadd.s32 $0x1, v20;
	v15 =	vcvt.s32.f32 v21;
	v19 =	vtrunc.f32 v25;
	v17 =	vld.idx.msk [tilespmem:v16+s20+$0x0], $0xffff  }
0x47c: {  	v21 =	vadd.s32 $0x2, v20;
	v12 =	vcvt.s32.f32 v12;
	v14 =	vtrunc.f32 v14  }
.Ltmp8:
0x47d: {  	s1 =	sadd.s32 $0x30, s30;
	v16 =	vadd.s32 $0x1, v1;
	v19 =	vcvt.f32.s32 v19;
	v14 =	vcvt.f32.s32 v14;
	[tilespmem:v24+s2+$0x0] =	vst.idx.msk $0xffff, v15;
	(pc) =	sbr.rel @p0 .LBB2_18-.Ltmp8, $4  }
0x47e: {  	v15 =	vadd.s32 $0x2, v1;
	v1 =	vmov v23;
	[tilespmem:v9+s2+$0x0] =	vst.idx.msk $0xffff, v12;
	v12 =	vor.u32 s1, v0  }
0x47f: {  	v19 =	vcvt.s32.f32 v19;
	[tilespmem:v9+s23+$0x0] =	vst.idx.msk $0xffff, v10;
	v25 =	vmul.u32 $0x3, v12;
	v10 =	vcvt.s32.f32 v14  }
0x480: {  	v20 =	vadd.s32 $0x1, v7;
	v14 =	vmul.u32 $0xC, v12;
	v9 =	vadd.s32 $0x8, v2;
	v2 =	vmovc v26;
	v22 =	vld.idx.msk [tilespmem:v22+s20+$0x0], $0xffff;
	[tilespmem:v24+s23+$0x0] =	vst.idx.msk $0xffff, v27  }
0x481: {  	s30 =	sadd.s32 $0x80, s30;
	v12 =	vadd.s32 $0x8, v28;
	v23 =	vld.idx.msk [tilespmem:v21+s20+$0x0], $0xffff;
	[tilespmem:v13+s2+$0x0] =	vst.idx.msk $0xffff, v10;
	v21 =	vadd.s32 $0x2, v7;
	v10 =	vadd.s32 $0x8, v11;
	v7 =	vmovc v25  }
0x482: {  	_ = 	snop  }
0x483: {  	v11 =	vmul.f32 $2.880000000e+02, v18  }
0x484: {  	v17 =	vtrunc.f32 v17  }
0x485: {  	v6 =	vadd.s32 $0x8, v6;
	v11 =	vtrunc.f32 v11;
	v18 =	vmul.f32 $2.880000000e+02, v22  }
0x486: {  	v17 =	vcvt.f32.s32 v17;
	v11 =	vcvt.f32.s32 v11  }
0x487: {  	v22 =	vtrunc.f32 v23;
	v23 =	vadd.s32 $0x1, v8;
	v18 =	vtrunc.f32 v18  }
0x488: {  	v8 =	vadd.s32 $0x2, v8;
	v11 =	vcvt.s32.f32 v11;
	v18 =	vcvt.f32.s32 v18  }
0x489: {  	v24 =	vadd.s32 $0x1, v5;
	v17 =	vcvt.s32.f32 v17;
	v22 =	vcvt.f32.s32 v22  }
0x48a: {  	[tilespmem:v6+s2+$0x0] =	vst.idx.msk $0xffff, v11;
	v18 =	vcvt.s32.f32 v18  }
0x48b: {  	v5 =	vadd.s32 $0x2, v5;
	[tilespmem:v6+s23+$0x0] =	vst.idx.msk $0xffff, v17;
	v6 =	vcvt.s32.f32 v22  }
0x48c: {  	v11 =	vld.idx.msk [tilespmem:v23+s20+$0x0], $0xffff;
	[tilespmem:v12+s2+$0x0] =	vst.idx.msk $0xffff, v18  }
0x48d: {  	v8 =	vld.idx.msk [tilespmem:v8+s20+$0x0], $0xffff;
	[tilespmem:v12+s23+$0x0] =	vst.idx.msk $0xffff, v6  }
0x48e: {  	v6 =	vld.idx.msk [tilespmem:v24+s20+$0x0], $0xffff;
	_ =	sdelay $0x1  }
0x48f: {  	v5 =	vld.idx.msk [tilespmem:v5+s20+$0x0], $0xffff  }
0x490: {  	v11 =	vmul.f32 $2.880000000e+02, v11  }
0x491: {  	v8 =	vtrunc.f32 v8  }
0x492: {  	[tilespmem:v13+s23+$0x0] =	vst.idx.msk $0xffff, v19;
	v3 =	vadd.s32 $0x8, v3;
	v11 =	vtrunc.f32 v11;
	v6 =	vmul.f32 $2.880000000e+02, v6  }
0x493: {  	v4 =	vadd.s32 $0x8, v4;
	v13 =	vld.idx.msk [tilespmem:v20+s20+$0x0], $0xffff;
	v8 =	vcvt.f32.s32 v8;
	v11 =	vcvt.f32.s32 v11  }
0x494: {  	v18 =	vadd.s32 $0x1, v1;
	v12 =	vld.idx.msk [tilespmem:v16+s20+$0x0], $0xffff;
	v5 =	vtrunc.f32 v5;
	v6 =	vtrunc.f32 v6  }
0x495: {  	v1 =	vadd.s32 $0x2, v1;
	v16 =	vld.idx.msk [tilespmem:v21+s20+$0x0], $0xffff;
	v11 =	vcvt.s32.f32 v11;
	v6 =	vcvt.f32.s32 v6  }
0x496: {  	v17 =	vadd.s32 $0x1, v7;
	v8 =	vcvt.s32.f32 v8;
	v5 =	vcvt.f32.s32 v5  }
0x497: {  	[tilespmem:v3+s2+$0x0] =	vst.idx.msk $0xffff, v11;
	v6 =	vcvt.s32.f32 v6  }
0x498: {  	v5 =	vcvt.s32.f32 v5;
	v11 =	vld.idx.msk [tilespmem:v15+s20+$0x0], $0xffff;
	[tilespmem:v3+s23+$0x0] =	vst.idx.msk $0xffff, v8  }
0x499: {  	v12 =	vmul.f32 $2.880000000e+02, v12;
	v8 =	vld.idx.msk [tilespmem:v18+s20+$0x0], $0xffff;
	[tilespmem:v4+s2+$0x0] =	vst.idx.msk $0xffff, v6  }
0x49a: {  	v1 =	vld.idx.msk [tilespmem:v1+s20+$0x0], $0xffff;
	v6 =	vmul.f32 $2.880000000e+02, v13;
	v13 =	vtrunc.f32 v16;
	[tilespmem:v4+s23+$0x0] =	vst.idx.msk $0xffff, v5  }
0x49b: {  	v7 =	vadd.s32 $0x2, v7;
	v4 =	vcvt.f32.s32 v13;
	v3 =	vld.idx.msk [tilespmem:v17+s20+$0x0], $0xffff  }
0x49c: {  	v5 =	vtrunc.f32 v6;
	v6 =	vtrunc.f32 v12  }
0x49d: {  	v11 =	vtrunc.f32 v11;
	v5 =	vcvt.f32.s32 v5  }
0x49e: {  	v4 =	vcvt.s32.f32 v4;
	v6 =	vcvt.f32.s32 v6  }
0x49f: {  	v11 =	vcvt.f32.s32 v11;
	v8 =	vmul.f32 $2.880000000e+02, v8  }
0x4a0: {  	v7 =	vld.idx.msk [tilespmem:v7+s20+$0x0], $0xffff;
	v1 =	vtrunc.f32 v1;
	v3 =	vmul.f32 $2.880000000e+02, v3  }
0x4a1: {  	v5 =	vcvt.s32.f32 v5;
	v6 =	vcvt.s32.f32 v6  }
0x4a2: {  	v12 =	vadd.s32 $0x8, v14;
	v11 =	vcvt.s32.f32 v11;
	v3 =	vtrunc.f32 v3  }
0x4a3: {  	v2 =	vadd.s32 $0x8, v2;
	[tilespmem:v10+s2+$0x0] =	vst.idx.msk $0xffff, v5;
	v5 =	vtrunc.f32 v8;
	v3 =	vcvt.f32.s32 v3  }
0x4a4: {  	v1 =	vcvt.f32.s32 v1;
	[tilespmem:v9+s2+$0x0] =	vst.idx.msk $0xffff, v6;
	v5 =	vcvt.f32.s32 v5  }
0x4a5: {  	v7 =	vtrunc.f32 v7;
	[tilespmem:v10+s23+$0x0] =	vst.idx.msk $0xffff, v4;
	v3 =	vcvt.s32.f32 v3  }
0x4a6: {  	s1 =	simm.s32 $0x0;
	v6 =	vcvt.f32.s32 v7;
	[tilespmem:v9+s23+$0x0] =	vst.idx.msk $0xffff, v11;
	v4 =	vcvt.s32.f32 v5  }
0x4a7: {  	v1 =	vcvt.s32.f32 v1;
	[tilespmem:v12+s2+$0x0] =	vst.idx.msk $0xffff, v3;
	v3 =	vor.u32 s1, v0  }
0x4a8: {  	v5 =	vcvt.s32.f32 v6;
	[tilespmem:v2+s2+$0x0] =	vst.idx.msk $0xffff, v4;
	v4 =	vmul.u32 $0x3, v3  }
0x4a9: {  	[tilespmem:v2+s23+$0x0] =	vst.idx.msk $0xffff, v1  }
0x4aa: {  	s31 =	simm.s32 $0x40;
	[tilespmem:v12+s23+$0x0] =	vst.idx.msk $0xffff, v5;
	v1 =	vadd.s32 $0x1, v4  }
0x4ab: {  	v2 =	vor.u32 s31, v0;
	_ =	swait.ge [sflag:s24], $0x1800  }
0x4ac: {  	v5 =	vmul.u32 $0x3, v2;
	[sflag:s24] =	ssyncset.done $0x0  }
0x4ad: {  	v4 =	vadd.s32 $0x2, v4;
	[sflag:s24] =	ssyncadd.s32 $0xFFFFE800  }
0x4ae: {  	v6 =	vadd.s32 $0x1, v5;
	[tilespmem:s20], [sflag:$0x1] =	stream.strided.gather [hbm4b:s13+s18], $0x1800, s19, s18, $0x38;
	[tilespmem:$0xF000] =	vst v63  }
0x4af: {  	v1 =	vld.idx.msk [tilespmem:v1+s22+$0x0], $0xffff;
	_ =	sdelay $0x1  }
0x4b0: {  	s29 =	simm.s32 $0x80;
	s31 =	simm.s32 $0x10;
	v5 =	vadd.s32 $0x2, v5  }
0x4b1: {  	v16 =	vor.u32 s29, v0;
	v7 =	vor.u32 s31, v0;
	s31 =	simm.s32 $0x50;
	v4 =	vld.idx.msk [tilespmem:v4+s22+$0x0], $0xffff  }
0x4b2: {  	v8 =	vmul.u32 $0xC, v7;
	v9 =	vor.u32 s31, v0;
	v3 =	vmul.u32 $0xC, v3;
	v6 =	vld.idx.msk [tilespmem:v6+s22+$0x0], $0xffff  }
0x4b3: {  	v7 =	vmul.u32 $0x3, v7;
	v2 =	vmul.u32 $0xC, v2;
	s31 =	simm.s32 $0x20;
	v1 =	vmul.f32 $2.880000000e+02, v1  }
0x4b4: {  	v10 =	vmul.u32 $0x3, v9;
	v11 =	vor.u32 s31, v0;
	v9 =	vmul.u32 $0xC, v9  }
0x4b5: {  	v3 =	vadd.s32 $0x9, v3;
	v12 =	vmul.u32 $0x3, v11;
	v5 =	vld.idx.msk [tilespmem:v5+s22+$0x0], $0xffff;
	v1 =	vtrunc.f32 v1  }
0x4b6: {  	s31 =	simm.s32 $0x60;
	v13 =	vadd.s32 $0x1, v7;
	v4 =	vtrunc.f32 v4;
	v1 =	vcvt.f32.s32 v1  }
0x4b7: {  	v14 =	vor.u32 s31, v0;
	v6 =	vmul.f32 $2.880000000e+02, v6;
	v4 =	vcvt.f32.s32 v4  }
0x4b8: {  	v2 =	vadd.s32 $0x9, v2;
	v7 =	vadd.s32 $0x2, v7;
	v1 =	vcvt.s32.f32 v1  }
0x4b9: {  	v11 =	vmul.u32 $0xC, v11;
	v6 =	vtrunc.f32 v6;
	v4 =	vcvt.s32.f32 v4  }
0x4ba: {  	v8 =	vadd.s32 $0x9, v8;
	v5 =	vtrunc.f32 v5;
	[tilespmem:v3+s2+$0x0] =	vst.idx.msk $0xffff, v1;
	v1 =	vcvt.f32.s32 v6  }
0x4bb: {  	v15 =	vmul.u32 $0x3, v14;
	v5 =	vcvt.f32.s32 v5;
	[tilespmem:v3+s23+$0x0] =	vst.idx.msk $0xffff, v4;
	v3 =	vadd.s32 $0x1, v10  }
0x4bc: {  	s31 =	simm.s32 $0x30;
	v18 =	vadd.s32 $0x1, v12;
	v6 =	vadd.s32 $0x2, v10;
	v1 =	vcvt.s32.f32 v1  }
0x4bd: {  	v12 =	vadd.s32 $0x2, v12;
	v5 =	vcvt.s32.f32 v5;
	v10 =	vor.u32 s31, v0;
	v4 =	vld.idx.msk [tilespmem:v13+s22+$0x0], $0xffff  }
0x4be: {  	v11 =	vadd.s32 $0x9, v11;
	s31 =	simm.s32 $0x70;
	v13 =	vmul.u32 $0xC, v14;
	v14 =	vmul.u32 $0x3, v10;
	[tilespmem:v2+s2+$0x0] =	vst.idx.msk $0xffff, v1  }
0x4bf: {  	v10 =	vmul.u32 $0xC, v10;
	v7 =	vld.idx.msk [tilespmem:v7+s22+$0x0], $0xffff;
	v1 =	vor.u32 s31, v0;
	s31 =	simm.s32 $0xC0;
	[tilespmem:v2+s23+$0x0] =	vst.idx.msk $0xffff, v5;
	v2 =	vmul.u32 $0x3, v16  }
0x4c0: {  	v21 =	vmul.u32 $0x3, v1;
	v60 =	vmul.u32 $0xC, v1;
	v5 =	vor.u32 s31, v0;
	v3 =	vld.idx.msk [tilespmem:v3+s22+$0x0], $0xffff  }
0x4c1: {  	v1 =	vadd.s32 $0x9, v9;
	v9 =	vld.idx.msk [tilespmem:v6+s22+$0x0], $0xffff;
	v6 =	vmul.u32 $0x3, v5;
	v17 =	vadd.s32 $0x1, v2  }
0x4c2: {  	v13 =	vadd.s32 $0x9, v13;
	s31 =	simm.s32 $0x90;
	v4 =	vmul.f32 $2.880000000e+02, v4;
	v2 =	vadd.s32 $0x2, v2  }
0x4c3: {  	v16 =	vmul.u32 $0xC, v16;
	v22 =	vor.u32 s31, v0;
	v19 =	vadd.s32 $0x2, v6  }
0x4c4: {  	s31 =	simm.s32 $0xD0;
	v25 =	vmul.u32 $0xC, v5;
	v7 =	vtrunc.f32 v7;
	v4 =	vtrunc.f32 v4  }
0x4c5: {  	v23 =	vor.u32 s31, v0;
	v20 =	vadd.s32 $0x1, v6;
	v4 =	vcvt.f32.s32 v4  }
0x4c6: {  	v16 =	vadd.s32 $0x9, v16;
	v7 =	vcvt.f32.s32 v7;
	v3 =	vmul.f32 $2.880000000e+02, v3;
	v17 =	vld.idx.msk [tilespmem:v17+s22+$0x0], $0xffff  }
0x4c7: {  	v6 =	vmul.u32 $0xC, v22;
	v22 =	vmul.u32 $0x3, v22;
	v4 =	vcvt.s32.f32 v4;
	v2 =	vld.idx.msk [tilespmem:v2+s22+$0x0], $0xffff  }
0x4c8: {  	v26 =	vmul.u32 $0x3, v23;
	v7 =	vcvt.s32.f32 v7;
	v3 =	vtrunc.f32 v3;
	v19 =	vld.idx.msk [tilespmem:v19+s22+$0x0], $0xffff  }
0x4c9: {  	s31 =	simm.s32 $0xA0;
	v27 =	vmul.u32 $0xC, v23;
	v9 =	vtrunc.f32 v9;
	v3 =	vcvt.f32.s32 v3;
	[tilespmem:v8+s2+$0x0] =	vst.idx.msk $0xffff, v4  }
0x4ca: {  	v61 =	vadd.s32 $0x2, v26;
	v9 =	vcvt.f32.s32 v9;
	v4 =	vor.u32 s31, v0;
	[tilespmem:v8+s23+$0x0] =	vst.idx.msk $0xffff, v7;
	v7 =	vld.idx.msk [tilespmem:v20+s22+$0x0], $0xffff  }
0x4cb: {  	s31 =	simm.s32 $0xE0;
	v20 =	vcvt.s32.f32 v3;
	v18 =	vld.idx.msk [tilespmem:v18+s22+$0x0], $0xffff;
	v3 =	vmul.f32 $2.880000000e+02, v17;
	v17 =	vadd.s32 $0x1, v15  }
0x4cc: {  	v9 =	vcvt.s32.f32 v9;
	v8 =	vmul.u32 $0x3, v4;
	v23 =	vor.u32 s31, v0;
	v12 =	vld.idx.msk [tilespmem:v12+s22+$0x0], $0xffff  }
0x4cd: {  	v5 =	vmul.u32 $0x3, v23;
	v2 =	vtrunc.f32 v2;
	v19 =	vtrunc.f32 v19  }
0x4ce: {  	s31 =	simm.s32 $0xB0;
	v15 =	vadd.s32 $0x2, v15;
	[tilespmem:v1+s2+$0x0] =	vst.idx.msk $0xffff, v20;
	v2 =	vcvt.f32.s32 v2;
	v28 =	vtrunc.f32 v3  }
0x4cf: {  	v29 =	vor.u32 s31, v0;
	[tilespmem:v1+s23+$0x0] =	vst.idx.msk $0xffff, v9;
	v19 =	vcvt.f32.s32 v19;
	v7 =	vmul.f32 $2.880000000e+02, v7  }
0x4d0: {  	v3 =	vmul.u32 $0xC, v4;
	v9 =	vcvt.f32.s32 v28;
	v2 =	vcvt.s32.f32 v2;
	v17 =	vld.idx.msk [tilespmem:v17+s22+$0x0], $0xffff  }
0x4d1: {  	v4 =	vmul.u32 $0xC, v23;
	v18 =	vmul.f32 $2.880000000e+02, v18;
	v12 =	vtrunc.f32 v12  }
0x4d2: {  	v23 =	vadd.s32 $0x9, v25;
	v9 =	vcvt.s32.f32 v9;
	v7 =	vtrunc.f32 v7  }
0x4d3: {  	v20 =	vadd.s32 $0x1, v22;
	v15 =	vld.idx.msk [tilespmem:v15+s22+$0x0], $0xffff;
	v18 =	vtrunc.f32 v18;
	v7 =	vcvt.f32.s32 v7  }
0x4d4: {  	v22 =	vadd.s32 $0x2, v22;
	v12 =	vcvt.f32.s32 v12;
	v18 =	vcvt.f32.s32 v18  }
0x4d5: {  	[tilespmem:v16+s2+$0x0] =	vst.idx.msk $0xffff, v9;
	v9 =	vadd.s32 $0x1, v26;
	v7 =	vcvt.s32.f32 v7;
	v17 =	vmul.f32 $2.880000000e+02, v17  }
0x4d6: {  	v1 =	vmul.u32 $0x3, v29;
	v19 =	vcvt.s32.f32 v19;
	[tilespmem:v16+s23+$0x0] =	vst.idx.msk $0xffff, v2;
	v18 =	vcvt.s32.f32 v18  }
0x4d7: {  	v12 =	vcvt.s32.f32 v12;
	v2 =	vmul.u32 $0xC, v29;
	[tilespmem:v23+s2+$0x0] =	vst.idx.msk $0xffff, v7;
	v16 =	vtrunc.f32 v17  }
0x4d8: {  	s31 =	simm.s32 $0xF0;
	v15 =	vtrunc.f32 v15;
	[tilespmem:v11+s2+$0x0] =	vst.idx.msk $0xffff, v18;
	v18 =	vld.idx.msk [tilespmem:v20+s22+$0x0], $0xffff;
	v62 =	vcvt.f32.s32 v16;
	v16 =	vadd.s32 $0x1, v14  }
0x4d9: {  	v63 =	vcvt.f32.s32 v15;
	v20 =	vor.u32 s31, v0;
	v15 =	vadd.s32 $0x2, v14;
	[tilespmem:v23+s23+$0x0] =	vst.idx.msk $0xffff, v19;
	v17 =	vld.idx.msk [tilespmem:v22+s22+$0x0], $0xffff  }
0x4da: {  	v7 =	vmul.u32 $0x3, v20;
	v22 =	vld.idx.msk [tilespmem:v9+s22+$0x0], $0xffff;
	v9 =	vadd.s32 $0x9, v10;
	v26 =	vcvt.s32.f32 v62  }
0x4db: {  	[tilespmem:v11+s23+$0x0] =	vst.idx.msk $0xffff, v12;
	v12 =	vadd.s32 $0x9, v27;
	v14 =	vmul.u32 $0xC, v20;
	v20 =	vadd.s32 $0x1, v21  }
0x4dc: {  	s30 =	simm.s32 $0x140;
	s29 =	simm.s32 $0x2;
	v23 =	vld.idx.msk [tilespmem:v61+s22+$0x0], $0xffff;
	v10 =	vadd.s32 $0x9, v60;
	v19 =	vcvt.s32.f32 v63;
	v21 =	vadd.s32 $0x2, v21;
	[tilespmem:v13+s2+$0x0] =	vst.idx.msk $0xffff, v26  }
.LBB2_20:
0x4dd: {  	s1 =	sadd.s32 $0xFFFFFFC0, s30;
	s31 =	sadd.s32 $0xFFFFFFD0, s30;
	s29 =	sadd.s32 $0x2, s29;
	v24 =	vadd.s32 $0x9, v6;
	v25 =	vadd.s32 $0x1, v8;
	v26 =	vadd.s32 $0x2, v8;
	v8 =	vld.idx.msk [tilespmem:v16+s22+$0x0], $0xffff;
	v11 =	vmovc v14  }
0x4de: {  	v18 =	vmul.f32 $2.880000000e+02, v18;
	v14 =	vor.u32 s1, v0;
	v16 =	vor.u32 s31, v0;
	s1 =	sadd.s32 $0x10, s30;
	p0 =	slt.u32 s29, $0x1E;
	v15 =	vld.idx.msk [tilespmem:v15+s22+$0x0], $0xffff  }
0x4df: {  	v27 =	vmul.u32 $0x3, v14;
	v6 =	vmul.u32 $0xC, v16;
	v28 =	vor.u32 s1, v0;
	[tilespmem:v13+s23+$0x0] =	vst.idx.msk $0xffff, v19  }
0x4e0: {  	v17 =	vtrunc.f32 v17;
	v13 =	vor.u32 s30, v0;
	v18 =	vtrunc.f32 v18;
	v19 =	vld.idx.msk [tilespmem:v20+s22+$0x0], $0xffff  }
0x4e1: {  	v29 =	vmul.u32 $0x3, v13;
	v22 =	vmul.f32 $2.880000000e+02, v22;
	v20 =	vadd.s32 $0x1, v27;
	v21 =	vld.idx.msk [tilespmem:v21+s22+$0x0], $0xffff  }
0x4e2: {  	v17 =	vcvt.f32.s32 v17;
	v27 =	vadd.s32 $0x2, v27;
	v23 =	vtrunc.f32 v23  }
0x4e3: {  	v30 =	vadd.s32 $0x1, v29;
	v29 =	vadd.s32 $0x2, v29;
	v22 =	vtrunc.f32 v22  }
0x4e4: {  	v14 =	vmul.u32 $0xC, v14;
	v18 =	vcvt.f32.s32 v18;
	v17 =	vcvt.s32.f32 v17  }
0x4e5: {  	v16 =	vmul.u32 $0x3, v16;
	v31 =	vmul.f32 $2.880000000e+02, v8;
	v22 =	vcvt.f32.s32 v22  }
0x4e6: {  	v13 =	vmul.u32 $0xC, v13;
	v8 =	vcvt.s32.f32 v18;
	v18 =	vmul.f32 $2.880000000e+02, v19  }
0x4e7: {  	s1 =	sadd.s32 $0xFFFFFFE0, s30;
	v22 =	vcvt.s32.f32 v22;
	v21 =	vtrunc.f32 v21;
	v19 =	vld.idx.msk [tilespmem:v20+s22+$0x0], $0xffff;
	v20 =	vmul.u32 $0x3, v28  }
0x4e8: {  	v32 =	vor.u32 s1, v0;
	v18 =	vtrunc.f32 v18;
	v21 =	vcvt.f32.s32 v21;
	v27 =	vld.idx.msk [tilespmem:v27+s22+$0x0], $0xffff;
	[tilespmem:v24+s2+$0x0] =	vst.idx.msk $0xffff, v8  }
0x4e9: {  	v8 =	vmul.u32 $0x3, v32;
	v18 =	vcvt.f32.s32 v18;
	v29 =	vld.idx.msk [tilespmem:v29+s22+$0x0], $0xffff;
	[tilespmem:v24+s23+$0x0] =	vst.idx.msk $0xffff, v17;
	v17 =	vtrunc.f32 v31  }
0x4ea: {  	s1 =	sadd.s32 $0x20, s30;
	v23 =	vcvt.f32.s32 v23;
	v28 =	vmul.u32 $0xC, v28;
	v21 =	vcvt.s32.f32 v21;
	v24 =	vld.idx.msk [tilespmem:v30+s22+$0x0], $0xffff  }
0x4eb: {  	v15 =	vtrunc.f32 v15;
	v30 =	vor.u32 s1, v0;
	v17 =	vcvt.f32.s32 v17;
	v25 =	vld.idx.msk [tilespmem:v25+s22+$0x0], $0xffff  }
0x4ec: {  	v15 =	vcvt.f32.s32 v15;
	v18 =	vcvt.s32.f32 v18;
	v31 =	vmul.u32 $0x3, v30  }
0x4ed: {  	v19 =	vmul.f32 $2.880000000e+02, v19;
	v17 =	vcvt.s32.f32 v17;
	v26 =	vld.idx.msk [tilespmem:v26+s22+$0x0], $0xffff;
	[tilespmem:v12+s2+$0x0] =	vst.idx.msk $0xffff, v22;
	v22 =	vadd.s32 $0x1, v5  }
0x4ee: {  	v33 =	vadd.s32 $0x2, v5;
	v15 =	vcvt.s32.f32 v15;
	v27 =	vtrunc.f32 v27;
	v5 =	vmovc v31;
	[tilespmem:v10+s2+$0x0] =	vst.idx.msk $0xffff, v18  }
0x4ef: {  	v23 =	vcvt.s32.f32 v23;
	s1 =	sadd.s32 $0xFFFFFFF0, s30;
	v18 =	vtrunc.f32 v19;
	v19 =	vmul.u32 $0xC, v32;
	[tilespmem:v9+s2+$0x0] =	vst.idx.msk $0xffff, v17  }
0x4f0: {  	v30 =	vmul.u32 $0xC, v30;
	v17 =	vor.u32 s1, v0;
	v24 =	vmul.f32 $2.880000000e+02, v24;
	[tilespmem:v10+s23+$0x0] =	vst.idx.msk $0xffff, v21  }
0x4f1: {  	v10 =	vadd.s32 $0x9, v14;
	v14 =	vtrunc.f32 v29;
	v21 =	vmul.f32 $2.880000000e+02, v25;
	[tilespmem:v12+s23+$0x0] =	vst.idx.msk $0xffff, v23  }
0x4f2: {  	v12 =	vcvt.f32.s32 v18;
	v23 =	vmul.u32 $0x3, v17;
	v14 =	vcvt.f32.s32 v14;
	v22 =	vld.idx.msk [tilespmem:v22+s22+$0x0], $0xffff;
	[tilespmem:v9+s23+$0x0] =	vst.idx.msk $0xffff, v15  }
0x4f3: {  	v9 =	vcvt.f32.s32 v27;
	v15 =	vadd.s32 $0x1, v16;
	v18 =	vtrunc.f32 v26;
	v25 =	vld.idx.msk [tilespmem:v33+s22+$0x0], $0xffff  }
0x4f4: {  	v16 =	vadd.s32 $0x2, v16;
	v12 =	vcvt.s32.f32 v12;
	v18 =	vcvt.f32.s32 v18  }
0x4f5: {  	v26 =	vmul.u32 $0xC, v17;
	v17 =	vtrunc.f32 v21;
	v9 =	vcvt.s32.f32 v9  }
0x4f6: {  	v21 =	vcvt.f32.s32 v17;
	[tilespmem:v10+s2+$0x0] =	vst.idx.msk $0xffff, v12;
	v12 =	vtrunc.f32 v24;
	v24 =	vadd.s32 $0x9, v3;
	v3 =	vmovc v19  }
0x4f7: {  	v27 =	vcvt.s32.f32 v18;
	[tilespmem:v10+s23+$0x0] =	vst.idx.msk $0xffff, v9;
	v9 =	vadd.s32 $0x9, v13;
	v10 =	vcvt.s32.f32 v14  }
0x4f8: {  	v12 =	vcvt.f32.s32 v12;
	v14 =	vmul.f32 $2.880000000e+02, v22;
	v13 =	vadd.s32 $0x9, v4;
	v4 =	vmovc v30;
	v18 =	vld.idx.msk [tilespmem:v15+s22+$0x0], $0xffff  }
0x4f9: {  	v22 =	vadd.s32 $0x1, v20;
	v15 =	vcvt.s32.f32 v21;
	v19 =	vtrunc.f32 v25;
	v17 =	vld.idx.msk [tilespmem:v16+s22+$0x0], $0xffff  }
0x4fa: {  	v21 =	vadd.s32 $0x2, v20;
	v12 =	vcvt.s32.f32 v12;
	v14 =	vtrunc.f32 v14  }
.Ltmp9:
0x4fb: {  	s1 =	sadd.s32 $0x30, s30;
	v16 =	vadd.s32 $0x1, v1;
	v19 =	vcvt.f32.s32 v19;
	v14 =	vcvt.f32.s32 v14;
	[tilespmem:v24+s2+$0x0] =	vst.idx.msk $0xffff, v15;
	(pc) =	sbr.rel @p0 .LBB2_20-.Ltmp9, $4  }
0x4fc: {  	v15 =	vadd.s32 $0x2, v1;
	v1 =	vmov v23;
	[tilespmem:v9+s2+$0x0] =	vst.idx.msk $0xffff, v12;
	v12 =	vor.u32 s1, v0  }
0x4fd: {  	v19 =	vcvt.s32.f32 v19;
	[tilespmem:v9+s23+$0x0] =	vst.idx.msk $0xffff, v10;
	v25 =	vmul.u32 $0x3, v12;
	v10 =	vcvt.s32.f32 v14  }
0x4fe: {  	v20 =	vadd.s32 $0x1, v7;
	v14 =	vmul.u32 $0xC, v12;
	v9 =	vadd.s32 $0x9, v2;
	v2 =	vmovc v26;
	v22 =	vld.idx.msk [tilespmem:v22+s22+$0x0], $0xffff;
	[tilespmem:v24+s23+$0x0] =	vst.idx.msk $0xffff, v27  }
0x4ff: {  	s30 =	sadd.s32 $0x80, s30;
	v12 =	vadd.s32 $0x9, v28;
	v23 =	vld.idx.msk [tilespmem:v21+s22+$0x0], $0xffff;
	[tilespmem:v13+s2+$0x0] =	vst.idx.msk $0xffff, v10;
	v21 =	vadd.s32 $0x2, v7;
	v10 =	vadd.s32 $0x9, v11;
	v7 =	vmovc v25  }
0x500: {  	_ = 	snop  }
0x501: {  	v11 =	vmul.f32 $2.880000000e+02, v18  }
0x502: {  	v17 =	vtrunc.f32 v17  }
0x503: {  	v6 =	vadd.s32 $0x9, v6;
	v11 =	vtrunc.f32 v11;
	v18 =	vmul.f32 $2.880000000e+02, v22  }
0x504: {  	v17 =	vcvt.f32.s32 v17;
	v11 =	vcvt.f32.s32 v11  }
0x505: {  	v22 =	vtrunc.f32 v23;
	v23 =	vadd.s32 $0x1, v8;
	v18 =	vtrunc.f32 v18  }
0x506: {  	v8 =	vadd.s32 $0x2, v8;
	v11 =	vcvt.s32.f32 v11;
	v18 =	vcvt.f32.s32 v18  }
0x507: {  	v24 =	vadd.s32 $0x1, v5;
	v17 =	vcvt.s32.f32 v17;
	v22 =	vcvt.f32.s32 v22  }
0x508: {  	[tilespmem:v6+s2+$0x0] =	vst.idx.msk $0xffff, v11;
	v18 =	vcvt.s32.f32 v18  }
0x509: {  	v5 =	vadd.s32 $0x2, v5;
	[tilespmem:v6+s23+$0x0] =	vst.idx.msk $0xffff, v17;
	v6 =	vcvt.s32.f32 v22  }
0x50a: {  	v11 =	vld.idx.msk [tilespmem:v23+s22+$0x0], $0xffff;
	[tilespmem:v12+s2+$0x0] =	vst.idx.msk $0xffff, v18  }
0x50b: {  	v8 =	vld.idx.msk [tilespmem:v8+s22+$0x0], $0xffff;
	[tilespmem:v12+s23+$0x0] =	vst.idx.msk $0xffff, v6  }
0x50c: {  	v6 =	vld.idx.msk [tilespmem:v24+s22+$0x0], $0xffff;
	_ =	sdelay $0x1  }
0x50d: {  	v5 =	vld.idx.msk [tilespmem:v5+s22+$0x0], $0xffff  }
0x50e: {  	v11 =	vmul.f32 $2.880000000e+02, v11  }
0x50f: {  	v8 =	vtrunc.f32 v8  }
0x510: {  	[tilespmem:v13+s23+$0x0] =	vst.idx.msk $0xffff, v19;
	v3 =	vadd.s32 $0x9, v3;
	v11 =	vtrunc.f32 v11;
	v6 =	vmul.f32 $2.880000000e+02, v6  }
0x511: {  	v4 =	vadd.s32 $0x9, v4;
	v13 =	vld.idx.msk [tilespmem:v20+s22+$0x0], $0xffff;
	v8 =	vcvt.f32.s32 v8;
	v11 =	vcvt.f32.s32 v11  }
0x512: {  	v18 =	vadd.s32 $0x1, v1;
	v12 =	vld.idx.msk [tilespmem:v16+s22+$0x0], $0xffff;
	v5 =	vtrunc.f32 v5;
	v6 =	vtrunc.f32 v6  }
0x513: {  	v1 =	vadd.s32 $0x2, v1;
	v16 =	vld.idx.msk [tilespmem:v21+s22+$0x0], $0xffff;
	v11 =	vcvt.s32.f32 v11;
	v6 =	vcvt.f32.s32 v6  }
0x514: {  	v17 =	vadd.s32 $0x1, v7;
	v8 =	vcvt.s32.f32 v8;
	v5 =	vcvt.f32.s32 v5  }
0x515: {  	[tilespmem:v3+s2+$0x0] =	vst.idx.msk $0xffff, v11;
	v6 =	vcvt.s32.f32 v6  }
0x516: {  	v5 =	vcvt.s32.f32 v5;
	v11 =	vld.idx.msk [tilespmem:v15+s22+$0x0], $0xffff;
	[tilespmem:v3+s23+$0x0] =	vst.idx.msk $0xffff, v8  }
0x517: {  	v12 =	vmul.f32 $2.880000000e+02, v12;
	v8 =	vld.idx.msk [tilespmem:v18+s22+$0x0], $0xffff;
	[tilespmem:v4+s2+$0x0] =	vst.idx.msk $0xffff, v6  }
0x518: {  	v1 =	vld.idx.msk [tilespmem:v1+s22+$0x0], $0xffff;
	v6 =	vmul.f32 $2.880000000e+02, v13;
	v13 =	vtrunc.f32 v16;
	[tilespmem:v4+s23+$0x0] =	vst.idx.msk $0xffff, v5  }
0x519: {  	v7 =	vadd.s32 $0x2, v7;
	v4 =	vcvt.f32.s32 v13;
	v3 =	vld.idx.msk [tilespmem:v17+s22+$0x0], $0xffff  }
0x51a: {  	v5 =	vtrunc.f32 v6;
	v6 =	vtrunc.f32 v12  }
0x51b: {  	v11 =	vtrunc.f32 v11;
	v5 =	vcvt.f32.s32 v5  }
0x51c: {  	v4 =	vcvt.s32.f32 v4;
	v6 =	vcvt.f32.s32 v6  }
0x51d: {  	v11 =	vcvt.f32.s32 v11;
	v8 =	vmul.f32 $2.880000000e+02, v8  }
0x51e: {  	v7 =	vld.idx.msk [tilespmem:v7+s22+$0x0], $0xffff;
	v1 =	vtrunc.f32 v1;
	v3 =	vmul.f32 $2.880000000e+02, v3  }
0x51f: {  	v5 =	vcvt.s32.f32 v5;
	v6 =	vcvt.s32.f32 v6  }
0x520: {  	v12 =	vadd.s32 $0x9, v14;
	v11 =	vcvt.s32.f32 v11;
	v3 =	vtrunc.f32 v3  }
0x521: {  	v2 =	vadd.s32 $0x9, v2;
	[tilespmem:v10+s2+$0x0] =	vst.idx.msk $0xffff, v5;
	v5 =	vtrunc.f32 v8;
	v3 =	vcvt.f32.s32 v3  }
0x522: {  	v1 =	vcvt.f32.s32 v1;
	[tilespmem:v9+s2+$0x0] =	vst.idx.msk $0xffff, v6;
	v5 =	vcvt.f32.s32 v5  }
0x523: {  	v7 =	vtrunc.f32 v7;
	[tilespmem:v10+s23+$0x0] =	vst.idx.msk $0xffff, v4;
	v3 =	vcvt.s32.f32 v3  }
0x524: {  	s1 =	simm.s32 $0x0;
	v6 =	vcvt.f32.s32 v7;
	[tilespmem:v9+s23+$0x0] =	vst.idx.msk $0xffff, v11;
	v4 =	vcvt.s32.f32 v5  }
0x525: {  	v1 =	vcvt.s32.f32 v1;
	[tilespmem:v12+s2+$0x0] =	vst.idx.msk $0xffff, v3;
	v3 =	vor.u32 s1, v0  }
0x526: {  	v5 =	vcvt.s32.f32 v6;
	[tilespmem:v2+s2+$0x0] =	vst.idx.msk $0xffff, v4;
	v4 =	vmul.u32 $0x3, v3  }
0x527: {  	[tilespmem:v2+s23+$0x0] =	vst.idx.msk $0xffff, v1  }
0x528: {  	s31 =	simm.s32 $0x40;
	[tilespmem:v12+s23+$0x0] =	vst.idx.msk $0xffff, v5;
	v1 =	vadd.s32 $0x1, v4  }
0x529: {  	v2 =	vor.u32 s31, v0;
	_ =	swait.ge [sflag:s21], $0x1800  }
0x52a: {  	v5 =	vmul.u32 $0x3, v2;
	[sflag:s21] =	ssyncset.done $0x0  }
0x52b: {  	v4 =	vadd.s32 $0x2, v4;
	[sflag:s21] =	ssyncadd.s32 $0xFFFFE800  }
0x52c: {  	v6 =	vadd.s32 $0x1, v5;
	[tilespmem:s22], [sflag:$0x2] =	stream.strided.gather [hbm4b:s14+s18], $0x1800, s19, s18, $0x38;
	[tilespmem:$0xF000] =	vst v63  }
0x52d: {  	v1 =	vld.idx.msk [tilespmem:v1+s20+$0x0], $0xffff;
	_ =	sdelay $0x1  }
0x52e: {  	s29 =	simm.s32 $0x80;
	s31 =	simm.s32 $0x10;
	v5 =	vadd.s32 $0x2, v5  }
0x52f: {  	v16 =	vor.u32 s29, v0;
	v7 =	vor.u32 s31, v0;
	s31 =	simm.s32 $0x50;
	v4 =	vld.idx.msk [tilespmem:v4+s20+$0x0], $0xffff  }
0x530: {  	v8 =	vmul.u32 $0xC, v7;
	v9 =	vor.u32 s31, v0;
	v3 =	vmul.u32 $0xC, v3;
	v6 =	vld.idx.msk [tilespmem:v6+s20+$0x0], $0xffff  }
0x531: {  	v7 =	vmul.u32 $0x3, v7;
	v2 =	vmul.u32 $0xC, v2;
	s31 =	simm.s32 $0x20;
	v1 =	vmul.f32 $2.880000000e+02, v1  }
0x532: {  	v10 =	vmul.u32 $0x3, v9;
	v11 =	vor.u32 s31, v0;
	v9 =	vmul.u32 $0xC, v9  }
0x533: {  	v3 =	vadd.s32 $0xA, v3;
	v12 =	vmul.u32 $0x3, v11;
	v5 =	vld.idx.msk [tilespmem:v5+s20+$0x0], $0xffff;
	v1 =	vtrunc.f32 v1  }
0x534: {  	s31 =	simm.s32 $0x60;
	v13 =	vadd.s32 $0x1, v7;
	v4 =	vtrunc.f32 v4;
	v1 =	vcvt.f32.s32 v1  }
0x535: {  	v14 =	vor.u32 s31, v0;
	v6 =	vmul.f32 $2.880000000e+02, v6;
	v4 =	vcvt.f32.s32 v4  }
0x536: {  	v2 =	vadd.s32 $0xA, v2;
	v7 =	vadd.s32 $0x2, v7;
	v1 =	vcvt.s32.f32 v1  }
0x537: {  	v11 =	vmul.u32 $0xC, v11;
	v6 =	vtrunc.f32 v6;
	v4 =	vcvt.s32.f32 v4  }
0x538: {  	v8 =	vadd.s32 $0xA, v8;
	v5 =	vtrunc.f32 v5;
	[tilespmem:v3+s2+$0x0] =	vst.idx.msk $0xffff, v1;
	v1 =	vcvt.f32.s32 v6  }
0x539: {  	v15 =	vmul.u32 $0x3, v14;
	v5 =	vcvt.f32.s32 v5;
	[tilespmem:v3+s23+$0x0] =	vst.idx.msk $0xffff, v4;
	v3 =	vadd.s32 $0x1, v10  }
0x53a: {  	s31 =	simm.s32 $0x30;
	v18 =	vadd.s32 $0x1, v12;
	v6 =	vadd.s32 $0x2, v10;
	v1 =	vcvt.s32.f32 v1  }
0x53b: {  	v12 =	vadd.s32 $0x2, v12;
	v5 =	vcvt.s32.f32 v5;
	v10 =	vor.u32 s31, v0;
	v4 =	vld.idx.msk [tilespmem:v13+s20+$0x0], $0xffff  }
0x53c: {  	v11 =	vadd.s32 $0xA, v11;
	s31 =	simm.s32 $0x70;
	v13 =	vmul.u32 $0xC, v14;
	v14 =	vmul.u32 $0x3, v10;
	[tilespmem:v2+s2+$0x0] =	vst.idx.msk $0xffff, v1  }
0x53d: {  	v10 =	vmul.u32 $0xC, v10;
	v7 =	vld.idx.msk [tilespmem:v7+s20+$0x0], $0xffff;
	v1 =	vor.u32 s31, v0;
	s31 =	simm.s32 $0xC0;
	[tilespmem:v2+s23+$0x0] =	vst.idx.msk $0xffff, v5;
	v2 =	vmul.u32 $0x3, v16  }
0x53e: {  	v21 =	vmul.u32 $0x3, v1;
	v60 =	vmul.u32 $0xC, v1;
	v5 =	vor.u32 s31, v0;
	v3 =	vld.idx.msk [tilespmem:v3+s20+$0x0], $0xffff  }
0x53f: {  	v1 =	vadd.s32 $0xA, v9;
	v9 =	vld.idx.msk [tilespmem:v6+s20+$0x0], $0xffff;
	v6 =	vmul.u32 $0x3, v5;
	v17 =	vadd.s32 $0x1, v2  }
0x540: {  	v13 =	vadd.s32 $0xA, v13;
	s31 =	simm.s32 $0x90;
	v4 =	vmul.f32 $2.880000000e+02, v4;
	v2 =	vadd.s32 $0x2, v2  }
0x541: {  	v16 =	vmul.u32 $0xC, v16;
	v22 =	vor.u32 s31, v0;
	v19 =	vadd.s32 $0x2, v6  }
0x542: {  	s31 =	simm.s32 $0xD0;
	v26 =	vmul.u32 $0xC, v5;
	v7 =	vtrunc.f32 v7;
	v4 =	vtrunc.f32 v4  }
0x543: {  	v25 =	vor.u32 s31, v0;
	v20 =	vadd.s32 $0x1, v6;
	v4 =	vcvt.f32.s32 v4  }
0x544: {  	v16 =	vadd.s32 $0xA, v16;
	v7 =	vcvt.f32.s32 v7;
	v3 =	vmul.f32 $2.880000000e+02, v3;
	v17 =	vld.idx.msk [tilespmem:v17+s20+$0x0], $0xffff  }
0x545: {  	v6 =	vmul.u32 $0xC, v22;
	v22 =	vmul.u32 $0x3, v22;
	v4 =	vcvt.s32.f32 v4;
	v2 =	vld.idx.msk [tilespmem:v2+s20+$0x0], $0xffff  }
0x546: {  	v27 =	vmul.u32 $0x3, v25;
	v7 =	vcvt.s32.f32 v7;
	v3 =	vtrunc.f32 v3;
	v19 =	vld.idx.msk [tilespmem:v19+s20+$0x0], $0xffff  }
0x547: {  	s31 =	simm.s32 $0xA0;
	v25 =	vmul.u32 $0xC, v25;
	v23 =	vtrunc.f32 v9;
	v3 =	vcvt.f32.s32 v3;
	[tilespmem:v8+s2+$0x0] =	vst.idx.msk $0xffff, v4  }
0x548: {  	v61 =	vadd.s32 $0x1, v27;
	v4 =	vor.u32 s31, v0;
	[tilespmem:v8+s23+$0x0] =	vst.idx.msk $0xffff, v7;
	v7 =	vld.idx.msk [tilespmem:v20+s20+$0x0], $0xffff;
	v20 =	vcvt.f32.s32 v23  }
0x549: {  	v8 =	vcvt.s32.f32 v3;
	v18 =	vld.idx.msk [tilespmem:v18+s20+$0x0], $0xffff;
	v3 =	vmul.f32 $2.880000000e+02, v17;
	v17 =	vadd.s32 $0x1, v15  }
0x54a: {  	v27 =	vadd.s32 $0x2, v27;
	s31 =	simm.s32 $0xE0;
	v9 =	vmul.u32 $0x3, v4;
	v12 =	vld.idx.msk [tilespmem:v12+s20+$0x0], $0xffff;
	v2 =	vtrunc.f32 v2  }
0x54b: {  	v23 =	vor.u32 s31, v0;
	v20 =	vcvt.s32.f32 v20;
	[tilespmem:v1+s2+$0x0] =	vst.idx.msk $0xffff, v8;
	v8 =	vtrunc.f32 v19  }
0x54c: {  	v15 =	vadd.s32 $0x2, v15;
	v2 =	vcvt.f32.s32 v2;
	v28 =	vtrunc.f32 v3  }
0x54d: {  	s31 =	simm.s32 $0xB0;
	v5 =	vmul.u32 $0x3, v23;
	[tilespmem:v1+s23+$0x0] =	vst.idx.msk $0xffff, v20;
	v8 =	vcvt.f32.s32 v8;
	v7 =	vmul.f32 $2.880000000e+02, v7  }
0x54e: {  	v29 =	vor.u32 s31, v0;
	v19 =	vcvt.f32.s32 v28;
	v2 =	vcvt.s32.f32 v2;
	v17 =	vld.idx.msk [tilespmem:v17+s20+$0x0], $0xffff  }
0x54f: {  	v3 =	vmul.u32 $0xC, v4;
	v18 =	vmul.f32 $2.880000000e+02, v18;
	v12 =	vtrunc.f32 v12  }
0x550: {  	v4 =	vmul.u32 $0xC, v23;
	v8 =	vcvt.s32.f32 v8;
	v19 =	vcvt.s32.f32 v19  }
0x551: {  	v23 =	vadd.s32 $0xA, v26;
	v15 =	vld.idx.msk [tilespmem:v15+s20+$0x0], $0xffff;
	v12 =	vcvt.f32.s32 v12;
	v7 =	vtrunc.f32 v7  }
0x552: {  	v20 =	vadd.s32 $0x1, v22;
	v18 =	vtrunc.f32 v18;
	v7 =	vcvt.f32.s32 v7  }
0x553: {  	v22 =	vadd.s32 $0x2, v22;
	v18 =	vcvt.f32.s32 v18;
	v17 =	vmul.f32 $2.880000000e+02, v17  }
0x554: {  	v1 =	vmul.u32 $0x3, v29;
	v12 =	vcvt.s32.f32 v12;
	[tilespmem:v16+s2+$0x0] =	vst.idx.msk $0xffff, v19;
	v7 =	vcvt.s32.f32 v7  }
0x555: {  	[tilespmem:v16+s23+$0x0] =	vst.idx.msk $0xffff, v2;
	v2 =	vmul.u32 $0xC, v29;
	v18 =	vcvt.s32.f32 v18;
	v16 =	vtrunc.f32 v17  }
0x556: {  	s31 =	simm.s32 $0xF0;
	v15 =	vtrunc.f32 v15;
	[tilespmem:v23+s2+$0x0] =	vst.idx.msk $0xffff, v7;
	v19 =	vcvt.f32.s32 v16;
	v16 =	vadd.s32 $0x1, v14  }
0x557: {  	[tilespmem:v11+s2+$0x0] =	vst.idx.msk $0xffff, v18;
	v62 =	vcvt.f32.s32 v15;
	v18 =	vld.idx.msk [tilespmem:v20+s20+$0x0], $0xffff;
	v20 =	vor.u32 s31, v0;
	v15 =	vadd.s32 $0x2, v14  }
0x558: {  	[tilespmem:v23+s23+$0x0] =	vst.idx.msk $0xffff, v8;
	v8 =	vadd.s32 $0xA, v10;
	v10 =	vadd.s32 $0xA, v60;
	v17 =	vld.idx.msk [tilespmem:v22+s20+$0x0], $0xffff;
	v63 =	vcvt.s32.f32 v19  }
0x559: {  	v7 =	vmul.u32 $0x3, v20;
	v22 =	vld.idx.msk [tilespmem:v61+s20+$0x0], $0xffff;
	[tilespmem:v11+s23+$0x0] =	vst.idx.msk $0xffff, v12;
	v14 =	vmul.u32 $0xC, v20;
	v20 =	vadd.s32 $0x1, v21  }
0x55a: {  	s30 =	simm.s32 $0x140;
	s29 =	simm.s32 $0x2;
	v23 =	vld.idx.msk [tilespmem:v27+s20+$0x0], $0xffff;
	v12 =	vadd.s32 $0xA, v25;
	v21 =	vadd.s32 $0x2, v21;
	v19 =	vcvt.s32.f32 v62;
	[tilespmem:v13+s2+$0x0] =	vst.idx.msk $0xffff, v63  }
.LBB2_22:
0x55b: {  	s1 =	sadd.s32 $0xFFFFFFC0, s30;
	s31 =	sadd.s32 $0xFFFFFFD0, s30;
	s29 =	sadd.s32 $0x2, s29;
	v24 =	vadd.s32 $0xA, v6;
	v25 =	vadd.s32 $0x1, v9;
	v26 =	vadd.s32 $0x2, v9;
	v9 =	vld.idx.msk [tilespmem:v16+s20+$0x0], $0xffff;
	v11 =	vmovc v14  }
0x55c: {  	v18 =	vmul.f32 $2.880000000e+02, v18;
	v14 =	vor.u32 s1, v0;
	v16 =	vor.u32 s31, v0;
	s1 =	sadd.s32 $0x10, s30;
	p0 =	slt.u32 s29, $0x1E;
	v15 =	vld.idx.msk [tilespmem:v15+s20+$0x0], $0xffff  }
0x55d: {  	v27 =	vmul.u32 $0x3, v14;
	v6 =	vmul.u32 $0xC, v16;
	v28 =	vor.u32 s1, v0;
	[tilespmem:v13+s23+$0x0] =	vst.idx.msk $0xffff, v19  }
0x55e: {  	v17 =	vtrunc.f32 v17;
	v13 =	vor.u32 s30, v0;
	v18 =	vtrunc.f32 v18;
	v19 =	vld.idx.msk [tilespmem:v20+s20+$0x0], $0xffff  }
0x55f: {  	v29 =	vmul.u32 $0x3, v13;
	v22 =	vmul.f32 $2.880000000e+02, v22;
	v20 =	vadd.s32 $0x1, v27;
	v21 =	vld.idx.msk [tilespmem:v21+s20+$0x0], $0xffff  }
0x560: {  	v17 =	vcvt.f32.s32 v17;
	v27 =	vadd.s32 $0x2, v27;
	v23 =	vtrunc.f32 v23  }
0x561: {  	v30 =	vadd.s32 $0x1, v29;
	v29 =	vadd.s32 $0x2, v29;
	v22 =	vtrunc.f32 v22  }
0x562: {  	v14 =	vmul.u32 $0xC, v14;
	v18 =	vcvt.f32.s32 v18;
	v17 =	vcvt.s32.f32 v17  }
0x563: {  	v16 =	vmul.u32 $0x3, v16;
	v31 =	vmul.f32 $2.880000000e+02, v9;
	v22 =	vcvt.f32.s32 v22  }
0x564: {  	v13 =	vmul.u32 $0xC, v13;
	v9 =	vcvt.s32.f32 v18;
	v18 =	vmul.f32 $2.880000000e+02, v19  }
0x565: {  	s1 =	sadd.s32 $0xFFFFFFE0, s30;
	v22 =	vcvt.s32.f32 v22;
	v21 =	vtrunc.f32 v21;
	v19 =	vld.idx.msk [tilespmem:v20+s20+$0x0], $0xffff;
	v20 =	vmul.u32 $0x3, v28  }
0x566: {  	v32 =	vor.u32 s1, v0;
	v18 =	vtrunc.f32 v18;
	v21 =	vcvt.f32.s32 v21;
	v27 =	vld.idx.msk [tilespmem:v27+s20+$0x0], $0xffff;
	[tilespmem:v24+s2+$0x0] =	vst.idx.msk $0xffff, v9  }
0x567: {  	v9 =	vmul.u32 $0x3, v32;
	v18 =	vcvt.f32.s32 v18;
	v29 =	vld.idx.msk [tilespmem:v29+s20+$0x0], $0xffff;
	[tilespmem:v24+s23+$0x0] =	vst.idx.msk $0xffff, v17;
	v17 =	vtrunc.f32 v31  }
0x568: {  	s1 =	sadd.s32 $0x20, s30;
	v23 =	vcvt.f32.s32 v23;
	v28 =	vmul.u32 $0xC, v28;
	v21 =	vcvt.s32.f32 v21;
	v24 =	vld.idx.msk [tilespmem:v30+s20+$0x0], $0xffff  }
0x569: {  	v15 =	vtrunc.f32 v15;
	v30 =	vor.u32 s1, v0;
	v17 =	vcvt.f32.s32 v17;
	v25 =	vld.idx.msk [tilespmem:v25+s20+$0x0], $0xffff  }
0x56a: {  	v15 =	vcvt.f32.s32 v15;
	v18 =	vcvt.s32.f32 v18;
	v31 =	vmul.u32 $0x3, v30  }
0x56b: {  	v19 =	vmul.f32 $2.880000000e+02, v19;
	v17 =	vcvt.s32.f32 v17;
	v26 =	vld.idx.msk [tilespmem:v26+s20+$0x0], $0xffff;
	[tilespmem:v12+s2+$0x0] =	vst.idx.msk $0xffff, v22;
	v22 =	vadd.s32 $0x1, v5  }
0x56c: {  	v33 =	vadd.s32 $0x2, v5;
	v15 =	vcvt.s32.f32 v15;
	v27 =	vtrunc.f32 v27;
	v5 =	vmovc v31;
	[tilespmem:v10+s2+$0x0] =	vst.idx.msk $0xffff, v18  }
0x56d: {  	v23 =	vcvt.s32.f32 v23;
	s1 =	sadd.s32 $0xFFFFFFF0, s30;
	v18 =	vtrunc.f32 v19;
	v19 =	vmul.u32 $0xC, v32;
	[tilespmem:v8+s2+$0x0] =	vst.idx.msk $0xffff, v17  }
0x56e: {  	v30 =	vmul.u32 $0xC, v30;
	v17 =	vor.u32 s1, v0;
	v24 =	vmul.f32 $2.880000000e+02, v24;
	[tilespmem:v10+s23+$0x0] =	vst.idx.msk $0xffff, v21  }
0x56f: {  	v10 =	vadd.s32 $0xA, v14;
	v14 =	vtrunc.f32 v29;
	v21 =	vmul.f32 $2.880000000e+02, v25;
	[tilespmem:v12+s23+$0x0] =	vst.idx.msk $0xffff, v23  }
0x570: {  	v12 =	vcvt.f32.s32 v18;
	v23 =	vmul.u32 $0x3, v17;
	v14 =	vcvt.f32.s32 v14;
	v22 =	vld.idx.msk [tilespmem:v22+s20+$0x0], $0xffff;
	[tilespmem:v8+s23+$0x0] =	vst.idx.msk $0xffff, v15  }
0x571: {  	v8 =	vcvt.f32.s32 v27;
	v15 =	vadd.s32 $0x1, v16;
	v18 =	vtrunc.f32 v26;
	v25 =	vld.idx.msk [tilespmem:v33+s20+$0x0], $0xffff  }
0x572: {  	v16 =	vadd.s32 $0x2, v16;
	v12 =	vcvt.s32.f32 v12;
	v18 =	vcvt.f32.s32 v18  }
0x573: {  	v26 =	vmul.u32 $0xC, v17;
	v17 =	vtrunc.f32 v21;
	v8 =	vcvt.s32.f32 v8  }
0x574: {  	v21 =	vcvt.f32.s32 v17;
	[tilespmem:v10+s2+$0x0] =	vst.idx.msk $0xffff, v12;
	v12 =	vtrunc.f32 v24;
	v24 =	vadd.s32 $0xA, v3;
	v3 =	vmovc v19  }
0x575: {  	v27 =	vcvt.s32.f32 v18;
	[tilespmem:v10+s23+$0x0] =	vst.idx.msk $0xffff, v8;
	v8 =	vadd.s32 $0xA, v13;
	v10 =	vcvt.s32.f32 v14  }
0x576: {  	v12 =	vcvt.f32.s32 v12;
	v14 =	vmul.f32 $2.880000000e+02, v22;
	v13 =	vadd.s32 $0xA, v4;
	v4 =	vmovc v30;
	v18 =	vld.idx.msk [tilespmem:v15+s20+$0x0], $0xffff  }
0x577: {  	v22 =	vadd.s32 $0x1, v20;
	v15 =	vcvt.s32.f32 v21;
	v19 =	vtrunc.f32 v25;
	v17 =	vld.idx.msk [tilespmem:v16+s20+$0x0], $0xffff  }
0x578: {  	v21 =	vadd.s32 $0x2, v20;
	v12 =	vcvt.s32.f32 v12;
	v14 =	vtrunc.f32 v14  }
.Ltmp10:
0x579: {  	s1 =	sadd.s32 $0x30, s30;
	v16 =	vadd.s32 $0x1, v1;
	v19 =	vcvt.f32.s32 v19;
	v14 =	vcvt.f32.s32 v14;
	[tilespmem:v24+s2+$0x0] =	vst.idx.msk $0xffff, v15;
	(pc) =	sbr.rel @p0 .LBB2_22-.Ltmp10, $4  }
0x57a: {  	v15 =	vadd.s32 $0x2, v1;
	v1 =	vmov v23;
	[tilespmem:v8+s2+$0x0] =	vst.idx.msk $0xffff, v12;
	v12 =	vor.u32 s1, v0  }
0x57b: {  	v19 =	vcvt.s32.f32 v19;
	[tilespmem:v8+s23+$0x0] =	vst.idx.msk $0xffff, v10;
	v25 =	vmul.u32 $0x3, v12;
	v10 =	vcvt.s32.f32 v14  }
0x57c: {  	v20 =	vadd.s32 $0x1, v7;
	v14 =	vmul.u32 $0xC, v12;
	v8 =	vadd.s32 $0xA, v2;
	v2 =	vmovc v26;
	v22 =	vld.idx.msk [tilespmem:v22+s20+$0x0], $0xffff;
	[tilespmem:v24+s23+$0x0] =	vst.idx.msk $0xffff, v27  }
0x57d: {  	s30 =	sadd.s32 $0x80, s30;
	v12 =	vadd.s32 $0xA, v28;
	v23 =	vld.idx.msk [tilespmem:v21+s20+$0x0], $0xffff;
	[tilespmem:v13+s2+$0x0] =	vst.idx.msk $0xffff, v10;
	v21 =	vadd.s32 $0x2, v7;
	v10 =	vadd.s32 $0xA, v11;
	v7 =	vmovc v25  }
0x57e: {  	_ = 	snop  }
0x57f: {  	v11 =	vmul.f32 $2.880000000e+02, v18  }
0x580: {  	v17 =	vtrunc.f32 v17  }
0x581: {  	v6 =	vadd.s32 $0xA, v6;
	v11 =	vtrunc.f32 v11;
	v18 =	vmul.f32 $2.880000000e+02, v22  }
0x582: {  	v17 =	vcvt.f32.s32 v17;
	v11 =	vcvt.f32.s32 v11  }
0x583: {  	v22 =	vtrunc.f32 v23;
	v23 =	vadd.s32 $0x1, v9;
	v18 =	vtrunc.f32 v18  }
0x584: {  	v9 =	vadd.s32 $0x2, v9;
	v11 =	vcvt.s32.f32 v11;
	v18 =	vcvt.f32.s32 v18  }
0x585: {  	v24 =	vadd.s32 $0x1, v5;
	v17 =	vcvt.s32.f32 v17;
	v22 =	vcvt.f32.s32 v22  }
0x586: {  	[tilespmem:v6+s2+$0x0] =	vst.idx.msk $0xffff, v11;
	v18 =	vcvt.s32.f32 v18  }
0x587: {  	v5 =	vadd.s32 $0x2, v5;
	[tilespmem:v6+s23+$0x0] =	vst.idx.msk $0xffff, v17;
	v6 =	vcvt.s32.f32 v22  }
0x588: {  	v11 =	vld.idx.msk [tilespmem:v23+s20+$0x0], $0xffff;
	[tilespmem:v12+s2+$0x0] =	vst.idx.msk $0xffff, v18  }
0x589: {  	v9 =	vld.idx.msk [tilespmem:v9+s20+$0x0], $0xffff;
	[tilespmem:v12+s23+$0x0] =	vst.idx.msk $0xffff, v6  }
0x58a: {  	v6 =	vld.idx.msk [tilespmem:v24+s20+$0x0], $0xffff;
	_ =	sdelay $0x1  }
0x58b: {  	v5 =	vld.idx.msk [tilespmem:v5+s20+$0x0], $0xffff  }
0x58c: {  	v11 =	vmul.f32 $2.880000000e+02, v11  }
0x58d: {  	v9 =	vtrunc.f32 v9  }
0x58e: {  	[tilespmem:v13+s23+$0x0] =	vst.idx.msk $0xffff, v19;
	v3 =	vadd.s32 $0xA, v3;
	v11 =	vtrunc.f32 v11;
	v6 =	vmul.f32 $2.880000000e+02, v6  }
0x58f: {  	v4 =	vadd.s32 $0xA, v4;
	v13 =	vld.idx.msk [tilespmem:v20+s20+$0x0], $0xffff;
	v9 =	vcvt.f32.s32 v9;
	v11 =	vcvt.f32.s32 v11  }
0x590: {  	v18 =	vadd.s32 $0x1, v1;
	v12 =	vld.idx.msk [tilespmem:v16+s20+$0x0], $0xffff;
	v5 =	vtrunc.f32 v5;
	v6 =	vtrunc.f32 v6  }
0x591: {  	v1 =	vadd.s32 $0x2, v1;
	v16 =	vld.idx.msk [tilespmem:v21+s20+$0x0], $0xffff;
	v11 =	vcvt.s32.f32 v11;
	v6 =	vcvt.f32.s32 v6  }
0x592: {  	v17 =	vadd.s32 $0x1, v7;
	v9 =	vcvt.s32.f32 v9;
	v5 =	vcvt.f32.s32 v5  }
0x593: {  	[tilespmem:v3+s2+$0x0] =	vst.idx.msk $0xffff, v11;
	v6 =	vcvt.s32.f32 v6  }
0x594: {  	v5 =	vcvt.s32.f32 v5;
	v11 =	vld.idx.msk [tilespmem:v15+s20+$0x0], $0xffff;
	[tilespmem:v3+s23+$0x0] =	vst.idx.msk $0xffff, v9  }
0x595: {  	v12 =	vmul.f32 $2.880000000e+02, v12;
	v9 =	vld.idx.msk [tilespmem:v18+s20+$0x0], $0xffff;
	[tilespmem:v4+s2+$0x0] =	vst.idx.msk $0xffff, v6  }
0x596: {  	v1 =	vld.idx.msk [tilespmem:v1+s20+$0x0], $0xffff;
	v6 =	vmul.f32 $2.880000000e+02, v13;
	v13 =	vtrunc.f32 v16;
	[tilespmem:v4+s23+$0x0] =	vst.idx.msk $0xffff, v5  }
0x597: {  	v7 =	vadd.s32 $0x2, v7;
	v4 =	vcvt.f32.s32 v13;
	v3 =	vld.idx.msk [tilespmem:v17+s20+$0x0], $0xffff  }
0x598: {  	v5 =	vtrunc.f32 v6;
	v6 =	vtrunc.f32 v12  }
0x599: {  	v11 =	vtrunc.f32 v11;
	v5 =	vcvt.f32.s32 v5  }
0x59a: {  	v4 =	vcvt.s32.f32 v4;
	v6 =	vcvt.f32.s32 v6  }
0x59b: {  	v11 =	vcvt.f32.s32 v11;
	v9 =	vmul.f32 $2.880000000e+02, v9  }
0x59c: {  	v7 =	vld.idx.msk [tilespmem:v7+s20+$0x0], $0xffff;
	v1 =	vtrunc.f32 v1;
	v3 =	vmul.f32 $2.880000000e+02, v3  }
0x59d: {  	v5 =	vcvt.s32.f32 v5;
	v6 =	vcvt.s32.f32 v6  }
0x59e: {  	v12 =	vadd.s32 $0xA, v14;
	v11 =	vcvt.s32.f32 v11;
	v3 =	vtrunc.f32 v3  }
0x59f: {  	v2 =	vadd.s32 $0xA, v2;
	[tilespmem:v10+s2+$0x0] =	vst.idx.msk $0xffff, v5;
	v5 =	vtrunc.f32 v9;
	v3 =	vcvt.f32.s32 v3  }
0x5a0: {  	v1 =	vcvt.f32.s32 v1;
	[tilespmem:v8+s2+$0x0] =	vst.idx.msk $0xffff, v6;
	v5 =	vcvt.f32.s32 v5  }
0x5a1: {  	s1 =	simm.s32 $0x0;
	v7 =	vtrunc.f32 v7;
	[tilespmem:v10+s23+$0x0] =	vst.idx.msk $0xffff, v4;
	v3 =	vcvt.s32.f32 v3  }
0x5a2: {  	v6 =	vcvt.f32.s32 v7;
	[tilespmem:v8+s23+$0x0] =	vst.idx.msk $0xffff, v11;
	v4 =	vcvt.s32.f32 v5;
	v5 =	vor.u32 s1, v0  }
0x5a3: {  	v1 =	vcvt.s32.f32 v1;
	[tilespmem:v12+s2+$0x0] =	vst.idx.msk $0xffff, v3;
	v3 =	vmul.u32 $0x3, v5  }
0x5a4: {  	v6 =	vcvt.s32.f32 v6;
	[tilespmem:v2+s2+$0x0] =	vst.idx.msk $0xffff, v4  }
0x5a5: {  	s31 =	simm.s32 $0x40;
	[tilespmem:v2+s23+$0x0] =	vst.idx.msk $0xffff, v1;
	v4 =	vadd.s32 $0x1, v3  }
0x5a6: {  	v1 =	vor.u32 s31, v0;
	[tilespmem:v12+s23+$0x0] =	vst.idx.msk $0xffff, v6  }
0x5a7: {  	v2 =	vmul.u32 $0x3, v1;
	_ =	swait.ge [sflag:s24], $0x1800  }
0x5a8: {  	v3 =	vadd.s32 $0x2, v3;
	[sflag:s24] =	ssyncset.done $0x0  }
0x5a9: {  	v6 =	vadd.s32 $0x1, v2;
	[sflag:s24] =	ssyncadd.s32 $0xFFFFE800  }
0x5aa: {  	v4 =	vld.idx.msk [tilespmem:v4+s22+$0x0], $0xffff  }
0x5ab: {  	v2 =	vadd.s32 $0x2, v2;
	_ =	sdelay $0x1  }
0x5ac: {  	s29 =	simm.s32 $0x80;
	s31 =	simm.s32 $0x10;
	v3 =	vld.idx.msk [tilespmem:v3+s22+$0x0], $0xffff  }
0x5ad: {  	v16 =	vor.u32 s29, v0;
	v7 =	vor.u32 s31, v0;
	v6 =	vld.idx.msk [tilespmem:v6+s22+$0x0], $0xffff  }
0x5ae: {  	s31 =	simm.s32 $0x50;
	v5 =	vmul.u32 $0xC, v5;
	v1 =	vmul.u32 $0xC, v1;
	v4 =	vmul.f32 $2.880000000e+02, v4  }
0x5af: {  	v8 =	vmul.u32 $0xC, v7;
	v9 =	vor.u32 s31, v0;
	v7 =	vmul.u32 $0x3, v7;
	v2 =	vld.idx.msk [tilespmem:v2+s22+$0x0], $0xffff  }
0x5b0: {  	s31 =	simm.s32 $0x20;
	v10 =	vmul.u32 $0x3, v9;
	v5 =	vadd.s32 $0xB, v5;
	v4 =	vtrunc.f32 v4  }
0x5b1: {  	v11 =	vor.u32 s31, v0;
	v9 =	vmul.u32 $0xC, v9;
	v4 =	vcvt.f32.s32 v4  }
0x5b2: {  	v1 =	vadd.s32 $0xB, v1;
	v3 =	vtrunc.f32 v3;
	v6 =	vmul.f32 $2.880000000e+02, v6  }
0x5b3: {  	v13 =	vadd.s32 $0x1, v7;
	v3 =	vcvt.f32.s32 v3;
	v4 =	vcvt.s32.f32 v4  }
0x5b4: {  	s31 =	simm.s32 $0x60;
	v12 =	vmul.u32 $0x3, v11;
	v2 =	vtrunc.f32 v2;
	v6 =	vtrunc.f32 v6  }
0x5b5: {  	v14 =	vor.u32 s31, v0;
	v3 =	vcvt.s32.f32 v3;
	[tilespmem:v5+s2+$0x0] =	vst.idx.msk $0xffff, v4;
	v4 =	vcvt.f32.s32 v6  }
0x5b6: {  	v7 =	vadd.s32 $0x2, v7;
	v11 =	vmul.u32 $0xC, v11;
	v2 =	vcvt.f32.s32 v2  }
0x5b7: {  	v8 =	vadd.s32 $0xB, v8;
	[tilespmem:v5+s23+$0x0] =	vst.idx.msk $0xffff, v3;
	v3 =	vadd.s32 $0x1, v10;
	v4 =	vcvt.s32.f32 v4  }
0x5b8: {  	v15 =	vmul.u32 $0x3, v14;
	v2 =	vcvt.s32.f32 v2;
	v6 =	vadd.s32 $0x2, v10;
	v5 =	vld.idx.msk [tilespmem:v13+s22+$0x0], $0xffff  }
0x5b9: {  	s31 =	simm.s32 $0x30;
	v9 =	vadd.s32 $0xB, v9;
	v18 =	vadd.s32 $0x1, v12;
	v12 =	vadd.s32 $0x2, v12;
	[tilespmem:v1+s2+$0x0] =	vst.idx.msk $0xffff, v4  }
0x5ba: {  	v11 =	vadd.s32 $0xB, v11;
	v10 =	vor.u32 s31, v0;
	s31 =	simm.s32 $0x70;
	[tilespmem:v1+s23+$0x0] =	vst.idx.msk $0xffff, v2;
	v1 =	vmul.u32 $0x3, v16  }
0x5bb: {  	v13 =	vmul.u32 $0xC, v14;
	v14 =	vmul.u32 $0x3, v10;
	v7 =	vld.idx.msk [tilespmem:v7+s22+$0x0], $0xffff;
	v4 =	vor.u32 s31, v0;
	s31 =	simm.s32 $0xC0  }
0x5bc: {  	v21 =	vmul.u32 $0x3, v4;
	v2 =	vld.idx.msk [tilespmem:v3+s22+$0x0], $0xffff;
	v3 =	vor.u32 s31, v0;
	v17 =	vadd.s32 $0x1, v1  }
0x5bd: {  	v59 =	vmul.u32 $0xC, v4;
	v4 =	vld.idx.msk [tilespmem:v6+s22+$0x0], $0xffff;
	v5 =	vmul.f32 $2.880000000e+02, v5;
	v6 =	vmul.u32 $0x3, v3  }
0x5be: {  	v10 =	vmul.u32 $0xC, v10;
	v13 =	vadd.s32 $0xB, v13;
	v1 =	vadd.s32 $0x2, v1  }
0x5bf: {  	v16 =	vmul.u32 $0xC, v16;
	v5 =	vtrunc.f32 v5;
	v19 =	vadd.s32 $0x2, v6  }
0x5c0: {  	s31 =	simm.s32 $0x90;
	v7 =	vtrunc.f32 v7;
	v20 =	vadd.s32 $0x1, v6;
	v5 =	vcvt.f32.s32 v5  }
0x5c1: {  	v22 =	vor.u32 s31, v0;
	v25 =	vmul.u32 $0xC, v3;
	v7 =	vcvt.f32.s32 v7;
	v17 =	vld.idx.msk [tilespmem:v17+s22+$0x0], $0xffff  }
0x5c2: {  	s31 =	simm.s32 $0xD0;
	v16 =	vadd.s32 $0xB, v16;
	v2 =	vmul.f32 $2.880000000e+02, v2;
	v5 =	vcvt.s32.f32 v5  }
0x5c3: {  	v23 =	vor.u32 s31, v0;
	v6 =	vmul.u32 $0xC, v22;
	v7 =	vcvt.s32.f32 v7;
	v1 =	vld.idx.msk [tilespmem:v1+s22+$0x0], $0xffff  }
0x5c4: {  	s31 =	simm.s32 $0xA0;
	v22 =	vmul.u32 $0x3, v22;
	v26 =	vmul.u32 $0x3, v23;
	v2 =	vtrunc.f32 v2;
	[tilespmem:v8+s2+$0x0] =	vst.idx.msk $0xffff, v5;
	v19 =	vld.idx.msk [tilespmem:v19+s22+$0x0], $0xffff  }
0x5c5: {  	v3 =	vor.u32 s31, v0;
	v27 =	vmul.u32 $0xC, v23;
	v2 =	vcvt.f32.s32 v2;
	[tilespmem:v8+s23+$0x0] =	vst.idx.msk $0xffff, v7;
	v7 =	vld.idx.msk [tilespmem:v20+s22+$0x0], $0xffff  }
0x5c6: {  	v23 =	vadd.s32 $0x1, v15;
	v4 =	vtrunc.f32 v4;
	v18 =	vld.idx.msk [tilespmem:v18+s22+$0x0], $0xffff;
	v17 =	vmul.f32 $2.880000000e+02, v17  }
0x5c7: {  	v15 =	vadd.s32 $0x2, v15;
	v4 =	vcvt.f32.s32 v4;
	v2 =	vcvt.s32.f32 v2;
	v12 =	vld.idx.msk [tilespmem:v12+s22+$0x0], $0xffff  }
0x5c8: {  	s31 =	simm.s32 $0xE0;
	v8 =	vmul.u32 $0x3, v3;
	v28 =	vtrunc.f32 v1;
	v1 =	vtrunc.f32 v17  }
0x5c9: {  	v20 =	vor.u32 s31, v0;
	[tilespmem:v9+s2+$0x0] =	vst.idx.msk $0xffff, v2;
	v17 =	vcvt.s32.f32 v4;
	v2 =	vtrunc.f32 v19  }
0x5ca: {  	v3 =	vmul.u32 $0xC, v3;
	v19 =	vcvt.f32.s32 v28;
	v7 =	vmul.f32 $2.880000000e+02, v7  }
0x5cb: {  	s31 =	simm.s32 $0xB0;
	v5 =	vmul.u32 $0x3, v20;
	v2 =	vcvt.f32.s32 v2;
	v18 =	vmul.f32 $2.880000000e+02, v18;
	[tilespmem:v9+s23+$0x0] =	vst.idx.msk $0xffff, v17  }
0x5cc: {  	v29 =	vor.u32 s31, v0;
	v9 =	vcvt.f32.s32 v1;
	v12 =	vtrunc.f32 v12;
	v17 =	vld.idx.msk [tilespmem:v23+s22+$0x0], $0xffff  }
0x5cd: {  	v4 =	vmul.u32 $0xC, v20;
	v19 =	vcvt.s32.f32 v19;
	v12 =	vcvt.f32.s32 v12  }
0x5ce: {  	v20 =	vadd.s32 $0x1, v22;
	v7 =	vtrunc.f32 v7;
	v60 =	vcvt.s32.f32 v2  }
0x5cf: {  	v15 =	vld.idx.msk [tilespmem:v15+s22+$0x0], $0xffff;
	v23 =	vadd.s32 $0xB, v25;
	v9 =	vcvt.s32.f32 v9;
	v18 =	vtrunc.f32 v18  }
0x5d0: {  	v22 =	vadd.s32 $0x2, v22;
	v2 =	vcvt.f32.s32 v7;
	v18 =	vcvt.f32.s32 v18  }
0x5d1: {  	v1 =	vmul.u32 $0x3, v29;
	v12 =	vcvt.s32.f32 v12;
	[tilespmem:v16+s2+$0x0] =	vst.idx.msk $0xffff, v9;
	v7 =	vmul.f32 $2.880000000e+02, v17  }
0x5d2: {  	v9 =	vadd.s32 $0x1, v26;
	v26 =	vadd.s32 $0x2, v26;
	[tilespmem:v16+s23+$0x0] =	vst.idx.msk $0xffff, v19;
	v19 =	vcvt.s32.f32 v2  }
0x5d3: {  	v2 =	vmul.u32 $0xC, v29;
	v17 =	vcvt.s32.f32 v18;
	v7 =	vtrunc.f32 v7  }
0x5d4: {  	s31 =	simm.s32 $0xF0;
	v16 =	vadd.s32 $0x1, v14;
	v15 =	vtrunc.f32 v15;
	[tilespmem:v23+s2+$0x0] =	vst.idx.msk $0xffff, v19;
	v61 =	vcvt.f32.s32 v7  }
0x5d5: {  	v18 =	vld.idx.msk [tilespmem:v20+s22+$0x0], $0xffff;
	v20 =	vor.u32 s31, v0;
	v62 =	vcvt.f32.s32 v15;
	v15 =	vadd.s32 $0x2, v14;
	[tilespmem:v11+s2+$0x0] =	vst.idx.msk $0xffff, v17  }
0x5d6: {  	v14 =	vmul.u32 $0xC, v20;
	v17 =	vld.idx.msk [tilespmem:v22+s22+$0x0], $0xffff;
	[tilespmem:v23+s23+$0x0] =	vst.idx.msk $0xffff, v60;
	v7 =	vmul.u32 $0x3, v20;
	v63 =	vcvt.s32.f32 v61  }
0x5d7: {  	v19 =	vcvt.s32.f32 v62;
	v22 =	vld.idx.msk [tilespmem:v9+s22+$0x0], $0xffff;
	[tilespmem:v11+s23+$0x0] =	vst.idx.msk $0xffff, v12;
	v9 =	vadd.s32 $0xB, v10;
	v20 =	vadd.s32 $0x1, v21  }
0x5d8: {  	s30 =	simm.s32 $0x140;
	s29 =	simm.s32 $0x2;
	v23 =	vld.idx.msk [tilespmem:v26+s22+$0x0], $0xffff;
	v12 =	vadd.s32 $0xB, v27;
	v21 =	vadd.s32 $0x2, v21;
	v10 =	vadd.s32 $0xB, v59;
	[tilespmem:v13+s2+$0x0] =	vst.idx.msk $0xffff, v63  }
.LBB2_24:
0x5d9: {  	s1 =	sadd.s32 $0xFFFFFFC0, s30;
	s31 =	sadd.s32 $0xFFFFFFD0, s30;
	s29 =	sadd.s32 $0x2, s29;
	v24 =	vadd.s32 $0xB, v6;
	v25 =	vadd.s32 $0x1, v8;
	v26 =	vadd.s32 $0x2, v8;
	v8 =	vld.idx.msk [tilespmem:v16+s22+$0x0], $0xffff;
	v11 =	vmovc v14  }
0x5da: {  	v18 =	vmul.f32 $2.880000000e+02, v18;
	v14 =	vor.u32 s1, v0;
	v16 =	vor.u32 s31, v0;
	s1 =	sadd.s32 $0x10, s30;
	p0 =	slt.u32 s29, $0x1E;
	v15 =	vld.idx.msk [tilespmem:v15+s22+$0x0], $0xffff  }
0x5db: {  	v27 =	vmul.u32 $0x3, v14;
	v6 =	vmul.u32 $0xC, v16;
	v28 =	vor.u32 s1, v0;
	[tilespmem:v13+s23+$0x0] =	vst.idx.msk $0xffff, v19  }
0x5dc: {  	v17 =	vtrunc.f32 v17;
	v13 =	vor.u32 s30, v0;
	v18 =	vtrunc.f32 v18;
	v19 =	vld.idx.msk [tilespmem:v20+s22+$0x0], $0xffff  }
0x5dd: {  	v29 =	vmul.u32 $0x3, v13;
	v22 =	vmul.f32 $2.880000000e+02, v22;
	v20 =	vadd.s32 $0x1, v27;
	v21 =	vld.idx.msk [tilespmem:v21+s22+$0x0], $0xffff  }
0x5de: {  	v17 =	vcvt.f32.s32 v17;
	v27 =	vadd.s32 $0x2, v27;
	v23 =	vtrunc.f32 v23  }
0x5df: {  	v30 =	vadd.s32 $0x1, v29;
	v29 =	vadd.s32 $0x2, v29;
	v22 =	vtrunc.f32 v22  }
0x5e0: {  	v14 =	vmul.u32 $0xC, v14;
	v18 =	vcvt.f32.s32 v18;
	v17 =	vcvt.s32.f32 v17  }
0x5e1: {  	v16 =	vmul.u32 $0x3, v16;
	v31 =	vmul.f32 $2.880000000e+02, v8;
	v22 =	vcvt.f32.s32 v22  }
0x5e2: {  	v13 =	vmul.u32 $0xC, v13;
	v8 =	vcvt.s32.f32 v18;
	v18 =	vmul.f32 $2.880000000e+02, v19  }
0x5e3: {  	s1 =	sadd.s32 $0xFFFFFFE0, s30;
	v22 =	vcvt.s32.f32 v22;
	v21 =	vtrunc.f32 v21;
	v19 =	vld.idx.msk [tilespmem:v20+s22+$0x0], $0xffff;
	v20 =	vmul.u32 $0x3, v28  }
0x5e4: {  	v32 =	vor.u32 s1, v0;
	v18 =	vtrunc.f32 v18;
	v21 =	vcvt.f32.s32 v21;
	v27 =	vld.idx.msk [tilespmem:v27+s22+$0x0], $0xffff;
	[tilespmem:v24+s2+$0x0] =	vst.idx.msk $0xffff, v8  }
0x5e5: {  	v8 =	vmul.u32 $0x3, v32;
	v18 =	vcvt.f32.s32 v18;
	v29 =	vld.idx.msk [tilespmem:v29+s22+$0x0], $0xffff;
	[tilespmem:v24+s23+$0x0] =	vst.idx.msk $0xffff, v17;
	v17 =	vtrunc.f32 v31  }
0x5e6: {  	s1 =	sadd.s32 $0x20, s30;
	v23 =	vcvt.f32.s32 v23;
	v28 =	vmul.u32 $0xC, v28;
	v21 =	vcvt.s32.f32 v21;
	v24 =	vld.idx.msk [tilespmem:v30+s22+$0x0], $0xffff  }
0x5e7: {  	v15 =	vtrunc.f32 v15;
	v30 =	vor.u32 s1, v0;
	v17 =	vcvt.f32.s32 v17;
	v25 =	vld.idx.msk [tilespmem:v25+s22+$0x0], $0xffff  }
0x5e8: {  	v15 =	vcvt.f32.s32 v15;
	v18 =	vcvt.s32.f32 v18;
	v31 =	vmul.u32 $0x3, v30  }
0x5e9: {  	v19 =	vmul.f32 $2.880000000e+02, v19;
	v17 =	vcvt.s32.f32 v17;
	v26 =	vld.idx.msk [tilespmem:v26+s22+$0x0], $0xffff;
	[tilespmem:v12+s2+$0x0] =	vst.idx.msk $0xffff, v22;
	v22 =	vadd.s32 $0x1, v5  }
0x5ea: {  	v33 =	vadd.s32 $0x2, v5;
	v15 =	vcvt.s32.f32 v15;
	v27 =	vtrunc.f32 v27;
	v5 =	vmovc v31;
	[tilespmem:v10+s2+$0x0] =	vst.idx.msk $0xffff, v18  }
0x5eb: {  	v23 =	vcvt.s32.f32 v23;
	s1 =	sadd.s32 $0xFFFFFFF0, s30;
	v18 =	vtrunc.f32 v19;
	v19 =	vmul.u32 $0xC, v32;
	[tilespmem:v9+s2+$0x0] =	vst.idx.msk $0xffff, v17  }
0x5ec: {  	v30 =	vmul.u32 $0xC, v30;
	v17 =	vor.u32 s1, v0;
	v24 =	vmul.f32 $2.880000000e+02, v24;
	[tilespmem:v10+s23+$0x0] =	vst.idx.msk $0xffff, v21  }
0x5ed: {  	v10 =	vadd.s32 $0xB, v14;
	v14 =	vtrunc.f32 v29;
	v21 =	vmul.f32 $2.880000000e+02, v25;
	[tilespmem:v12+s23+$0x0] =	vst.idx.msk $0xffff, v23  }
0x5ee: {  	v12 =	vcvt.f32.s32 v18;
	v23 =	vmul.u32 $0x3, v17;
	v14 =	vcvt.f32.s32 v14;
	v22 =	vld.idx.msk [tilespmem:v22+s22+$0x0], $0xffff;
	[tilespmem:v9+s23+$0x0] =	vst.idx.msk $0xffff, v15  }
0x5ef: {  	v9 =	vcvt.f32.s32 v27;
	v15 =	vadd.s32 $0x1, v16;
	v18 =	vtrunc.f32 v26;
	v25 =	vld.idx.msk [tilespmem:v33+s22+$0x0], $0xffff  }
0x5f0: {  	v16 =	vadd.s32 $0x2, v16;
	v12 =	vcvt.s32.f32 v12;
	v18 =	vcvt.f32.s32 v18  }
0x5f1: {  	v26 =	vmul.u32 $0xC, v17;
	v17 =	vtrunc.f32 v21;
	v9 =	vcvt.s32.f32 v9  }
0x5f2: {  	v21 =	vcvt.f32.s32 v17;
	[tilespmem:v10+s2+$0x0] =	vst.idx.msk $0xffff, v12;
	v12 =	vtrunc.f32 v24;
	v24 =	vadd.s32 $0xB, v3;
	v3 =	vmovc v19  }
0x5f3: {  	v27 =	vcvt.s32.f32 v18;
	[tilespmem:v10+s23+$0x0] =	vst.idx.msk $0xffff, v9;
	v9 =	vadd.s32 $0xB, v13;
	v10 =	vcvt.s32.f32 v14  }
0x5f4: {  	v12 =	vcvt.f32.s32 v12;
	v14 =	vmul.f32 $2.880000000e+02, v22;
	v13 =	vadd.s32 $0xB, v4;
	v4 =	vmovc v30;
	v18 =	vld.idx.msk [tilespmem:v15+s22+$0x0], $0xffff  }
0x5f5: {  	v22 =	vadd.s32 $0x1, v20;
	v15 =	vcvt.s32.f32 v21;
	v19 =	vtrunc.f32 v25;
	v17 =	vld.idx.msk [tilespmem:v16+s22+$0x0], $0xffff  }
0x5f6: {  	v21 =	vadd.s32 $0x2, v20;
	v12 =	vcvt.s32.f32 v12;
	v14 =	vtrunc.f32 v14  }
.Ltmp11:
0x5f7: {  	s1 =	sadd.s32 $0x30, s30;
	v16 =	vadd.s32 $0x1, v1;
	v19 =	vcvt.f32.s32 v19;
	v14 =	vcvt.f32.s32 v14;
	[tilespmem:v24+s2+$0x0] =	vst.idx.msk $0xffff, v15;
	(pc) =	sbr.rel @p0 .LBB2_24-.Ltmp11, $4  }
0x5f8: {  	v15 =	vadd.s32 $0x2, v1;
	v1 =	vmov v23;
	[tilespmem:v9+s2+$0x0] =	vst.idx.msk $0xffff, v12;
	v12 =	vor.u32 s1, v0  }
0x5f9: {  	v19 =	vcvt.s32.f32 v19;
	[tilespmem:v9+s23+$0x0] =	vst.idx.msk $0xffff, v10;
	v25 =	vmul.u32 $0x3, v12;
	v10 =	vcvt.s32.f32 v14  }
0x5fa: {  	v20 =	vadd.s32 $0x1, v7;
	v14 =	vmul.u32 $0xC, v12;
	v9 =	vadd.s32 $0xB, v2;
	v2 =	vmovc v26;
	v22 =	vld.idx.msk [tilespmem:v22+s22+$0x0], $0xffff;
	[tilespmem:v24+s23+$0x0] =	vst.idx.msk $0xffff, v27  }
0x5fb: {  	s30 =	sadd.s32 $0x80, s30;
	v12 =	vadd.s32 $0xB, v28;
	v23 =	vld.idx.msk [tilespmem:v21+s22+$0x0], $0xffff;
	[tilespmem:v13+s2+$0x0] =	vst.idx.msk $0xffff, v10;
	v21 =	vadd.s32 $0x2, v7;
	v10 =	vadd.s32 $0xB, v11;
	v7 =	vmovc v25  }
0x5fc: {  	_ = 	snop  }
0x5fd: {  	v11 =	vmul.f32 $2.880000000e+02, v18  }
0x5fe: {  	v17 =	vtrunc.f32 v17  }
0x5ff: {  	v6 =	vadd.s32 $0xB, v6;
	v11 =	vtrunc.f32 v11;
	v40 =	vmul.f32 $2.880000000e+02, v22  }
0x600: {  	v17 =	vcvt.f32.s32 v17;
	v11 =	vcvt.f32.s32 v11  }
0x601: {  	v42 =	vadd.s32 $0x1, v8;
	v41 =	vtrunc.f32 v23;
	v18 =	vtrunc.f32 v40  }
0x602: {  	v43 =	vadd.s32 $0x2, v8;
	v11 =	vcvt.s32.f32 v11;
	v18 =	vcvt.f32.s32 v18  }
0x603: {  	v24 =	vadd.s32 $0x1, v5;
	v17 =	vcvt.s32.f32 v17;
	v22 =	vcvt.f32.s32 v41  }
0x604: {  	[tilespmem:v6+s2+$0x0] =	vst.idx.msk $0xffff, v11;
	v44 =	vcvt.s32.f32 v18  }
0x605: {  	v46 =	vadd.s32 $0x2, v5;
	v45 =	vcvt.s32.f32 v22;
	[tilespmem:v6+s23+$0x0] =	vst.idx.msk $0xffff, v17  }
0x606: {  	v47 =	vld.idx.msk [tilespmem:v42+s22+$0x0], $0xffff;
	[tilespmem:v12+s2+$0x0] =	vst.idx.msk $0xffff, v44  }
0x607: {  	v8 =	vld.idx.msk [tilespmem:v43+s22+$0x0], $0xffff;
	[tilespmem:v12+s23+$0x0] =	vst.idx.msk $0xffff, v45  }
0x608: {  	v6 =	vld.idx.msk [tilespmem:v24+s22+$0x0], $0xffff;
	_ =	sdelay $0x1  }
0x609: {  	v5 =	vld.idx.msk [tilespmem:v46+s22+$0x0], $0xffff  }
0x60a: {  	v11 =	vmul.f32 $2.880000000e+02, v47  }
0x60b: {  	v48 =	vld.idx.msk [tilespmem:v16+s22+$0x0], $0xffff;
	[tilespmem:v13+s23+$0x0] =	vst.idx.msk $0xffff, v19;
	v8 =	vtrunc.f32 v8  }
0x60c: {  	v3 =	vadd.s32 $0xB, v3;
	v13 =	vld.idx.msk [tilespmem:v20+s22+$0x0], $0xffff;
	v11 =	vtrunc.f32 v11;
	v6 =	vmul.f32 $2.880000000e+02, v6  }
0x60d: {  	v4 =	vadd.s32 $0xB, v4;
	v49 =	vld.idx.msk [tilespmem:v21+s22+$0x0], $0xffff;
	v8 =	vcvt.f32.s32 v8;
	v11 =	vcvt.f32.s32 v11  }
0x60e: {  	v51 =	vadd.s32 $0x1, v1;
	v53 =	vld.idx.msk [tilespmem:v15+s22+$0x0], $0xffff;
	v5 =	vtrunc.f32 v5;
	v6 =	vtrunc.f32 v6  }
0x60f: {  	v1 =	vadd.s32 $0x2, v1;
	v11 =	vcvt.s32.f32 v11;
	v6 =	vcvt.f32.s32 v6  }
0x610: {  	v50 =	vadd.s32 $0x1, v7;
	v8 =	vcvt.s32.f32 v8;
	v5 =	vcvt.f32.s32 v5  }
0x611: {  	v54 =	vmul.f32 $2.880000000e+02, v13;
	[tilespmem:v3+s2+$0x0] =	vst.idx.msk $0xffff, v11;
	v6 =	vcvt.s32.f32 v6  }
0x612: {  	v52 =	vadd.s32 $0x2, v7;
	v55 =	vtrunc.f32 v49;
	v5 =	vcvt.s32.f32 v5;
	[tilespmem:v3+s23+$0x0] =	vst.idx.msk $0xffff, v8  }
0x613: {  	v12 =	vmul.f32 $2.880000000e+02, v48;
	v11 =	vtrunc.f32 v53;
	v8 =	vld.idx.msk [tilespmem:v51+s22+$0x0], $0xffff;
	[tilespmem:v4+s2+$0x0] =	vst.idx.msk $0xffff, v6  }
0x614: {  	v56 =	vcvt.f32.s32 v55;
	v11 =	vcvt.f32.s32 v11;
	v1 =	vld.idx.msk [tilespmem:v1+s22+$0x0], $0xffff;
	[tilespmem:v4+s23+$0x0] =	vst.idx.msk $0xffff, v5  }
0x615: {  	v57 =	vtrunc.f32 v54;
	v58 =	vtrunc.f32 v12;
	v3 =	vld.idx.msk [tilespmem:v50+s22+$0x0], $0xffff  }
0x616: {  	v6 =	vcvt.f32.s32 v58;
	v11 =	vcvt.s32.f32 v11  }
0x617: {  	v5 =	vcvt.f32.s32 v57;
	v4 =	vcvt.s32.f32 v56;
	v7 =	vld.idx.msk [tilespmem:v52+s22+$0x0], $0xffff  }
0x618: {  	v6 =	vcvt.s32.f32 v6;
	v8 =	vmul.f32 $2.880000000e+02, v8  }
0x619: {  	v5 =	vcvt.s32.f32 v5;
	v1 =	vtrunc.f32 v1  }
0x61a: {  	v2 =	vadd.s32 $0xB, v2;
	v60 =	vtrunc.f32 v8;
	v3 =	vmul.f32 $2.880000000e+02, v3  }
0x61b: {  	[tilespmem:v10+s2+$0x0] =	vst.idx.msk $0xffff, v5;
	v1 =	vcvt.f32.s32 v1;
	v5 =	vcvt.f32.s32 v60  }
0x61c: {  	v59 =	vadd.s32 $0xB, v14;
	[tilespmem:v9+s2+$0x0] =	vst.idx.msk $0xffff, v6;
	v7 =	vtrunc.f32 v7;
	v3 =	vtrunc.f32 v3  }
0x61d: {  	[tilespmem:v9+s23+$0x0] =	vst.idx.msk $0xffff, v11;
	v62 =	vcvt.s32.f32 v5;
	v3 =	vcvt.f32.s32 v3  }
0x61e: {  	[tilespmem:v10+s23+$0x0] =	vst.idx.msk $0xffff, v4;
	v1 =	vcvt.s32.f32 v1;
	v61 =	vcvt.f32.s32 v7  }
0x61f: {  	[tilespmem:v2+s2+$0x0] =	vst.idx.msk $0xffff, v62;
	v3 =	vcvt.s32.f32 v3  }
0x620: {  	v63 =	vcvt.s32.f32 v61;
	[tilespmem:v2+s23+$0x0] =	vst.idx.msk $0xffff, v1  }
0x621: {  	[tilespmem:v59+s2+$0x0] =	vst.idx.msk $0xffff, v3  }
0x622: {  	[tilespmem:v59+s23+$0x0] =	vst.idx.msk $0xffff, v63  }
0x623: {  	[hbm4b:s15+s2] =	stream.linear.scatter [tilespmem:s2], [sflag:$0x3], $0x6000, $0x38;
	[tilespmem:$0xF000] =	vst v63  }
0x624: {  	s28 =	sadd.s32 $0x1, s28  }
0x625: {  	[hbm4b:s16+s2] =	stream.linear.scatter [tilespmem:s23], [sflag:$0x4], $0x6000, $0x38;
	[tilespmem:$0xF000] =	vst v63  }
0x626: {  	p0 =	sne.s32 s28, s17;
	_ =	swait.ge [sflag:s25], $0x6000  }
.Ltmp12:
0x627: {  	[sflag:s25] =	ssyncset.done $0x0;
	(pc) =	sbr.rel @p0 .LBB2_1-.Ltmp12, $4  }
0x628: {  	[sflag:s25] =	ssyncadd.s32 $0xFFFFA000  }
0x629: {  	_ =	swait.ge [sflag:s26], $0x6000  }
0x62a: {  	[sflag:s26] =	ssyncset.done $0x0  }
0x62b: {  	[sflag:s26] =	ssyncadd.s32 $0xFFFFA000  }
0x62c: {  	_ =	sfence.sel $0x180000  }
0x62d: {  	[bflag:$0x0] =	sbarrier.arrive $0xFFFF  }
0x62e: {  	_ =	strace $0x90000047  }
0x62f: {  	[bflag:$0x2] =	sbarrier.arrive $0xFFFF  }
0x630: {  	p0 =	sne.s32 s0, $0x0;
	s0 =	rddreg [dreg:$0x3]  }
0x631: {  	s0 =	sadd.s32 @!p0 $0x100000, s0  }
0x632: {  	[sflag:s0] =	ssyncadd.tile.s32 @!p0 $0x1;
	_ =	shalt  }
.Lfunc_end2:
_tile_overlayer_lowered:
.L_overlay_start_2:
0x633: {  	(tag) =	ssettag $0x2  }
0x634: {  	s0 =	rddreg [dreg:$0x0];
	s2 =	stileid.u32  }
0x635: {  	s1 =	rddreg [dreg:$0x1];
	p0 =	sne.s32 s2, $0x0  }
0x636: {  	s3 =	rddreg [dreg:$0x2];
	[bflag:$0x3] =	sbarrier.arrive $0xFFFF;
	s2 =	simm.s32 @!p0 $0x1C05  }
0x637: {  	[timem:s3], [sflag:s2] =	dma.local @!p0 [hbm:s0], s1  }
0x638: {  	s0 =	simm.s32 @!p0 $0x5  }
0x639: {  	_ =	swait.ge @!p0 [sflag:s0], s1  }
0x63a: {  	s1 =	ssub.s32 @!p0 $0x0, s1;
	[sflag:s0] =	ssyncset.done @!p0 $0x0  }
0x63b: {  	[sflag:s0] =	ssyncadd.s32 @!p0 s1  }
0x63c: {  	[bflag:$0x3] =	sbarrier.arrive $0xFFFF  }
0x63d: {  	_ =	shalt  }

</sc_bundles>
